<compile_context>
chip_gen: v7x
topology: tpu7x:2x2x1
jax: 0.10.2.dev20260603
libtpu: 0.0.44.dev20260713+nightly
codegen_flags: <defaults>
</compile_context>

<pallas_src>
import jax
import jax.numpy as jnp
from jax import lax
from jax.experimental import pallas as pl
from jax.experimental.pallas import tpu as pltpu
from jax.experimental.pallas import tpu_sc as plsc

EMBED = 64
LANES = 16
NC, NS = 2, 16
NW = NC * NS

NI = 16384
NJ = 200
I_PER_TILE = NI // NW
HALF = 256
BLK_I = 128
NBUF = 4

_IN_BOUNDS = lax.GatherScatterMode.PROMISE_IN_BOUNDS


def _sc_body(xt_hbm, tt_hbm, out_hbm, xtv, ttv, blk, sem_out):
    wid = lax.axis_index("s") * NC + lax.axis_index("c")
    i_tile = wid * I_PER_TILE

    pltpu.sync_copy(tt_hbm, ttv)

    for h in range(I_PER_TILE // HALF):
        i_h = pl.multiple_of(i_tile + h * HALF, HALF)
        pltpu.sync_copy(xt_hbm.at[:, pl.ds(i_h, HALF)], xtv)

        for b in range(HALF // BLK_I):
            i_base = pl.multiple_of(i_tile + h * HALF + b * BLK_I, BLK_I)

            def out_copy(j, buf, i_base=i_base):
                return pltpu.make_async_copy(
                    blk.at[buf],
                    out_hbm.at[j, :, pl.ds(i_base, BLK_I)],
                    sem_out.at[buf],
                )

            def j_body(j, carry, b=b, out_copy=out_copy):
                buf = lax.rem(j * 2 + b, NBUF)

                @pl.when(j >= 2)
                def _free_buf():
                    out_copy(j - 2, buf).wait()

                rvs = [
                    lax.rem(xtv[j, pl.ds(b * BLK_I + s * LANES, LANES)], 7)
                    for s in range(BLK_I // LANES)
                ]

                @plsc.parallel_loop(0, EMBED, unroll=2)
                def _k_loop(k):
                    tk = ttv[k, pl.ds(0, LANES)]
                    for s in range(BLK_I // LANES):
                        blk[buf, k, pl.ds(s * LANES, LANES)] = (
                            jnp.take_along_axis(tk, rvs[s], axis=0,
                                                mode=_IN_BOUNDS)
                        )

                out_copy(j, buf).start()
                return carry

            lax.fori_loop(0, NJ, j_body, 0)

            for j in range(NJ - 2, NJ):
                out_copy(j, lax.rem(jnp.int32(j * 2 + b), NBUF)).wait()


def _transpose_body(x_ref, xt_ref):
    xt_ref[...] = x_ref[...].T


def kernel(x, table):
    x32 = x.astype(jnp.int32)
    xt = pl.pallas_call(
        _transpose_body,
        grid=(8,),
        in_specs=[pl.BlockSpec((NI // 8, NJ), lambda i: (i, 0))],
        out_specs=pl.BlockSpec((NJ, NI // 8), lambda i: (0, i)),
        out_shape=jax.ShapeDtypeStruct((NJ, NI), jnp.int32),
    )(x32)
    tt = jnp.zeros((EMBED, 128), jnp.float32).at[:, :7].set(table.T)

    mesh = plsc.VectorSubcoreMesh(core_axis_name="c", subcore_axis_name="s")
    out_t = pl.kernel(
        _sc_body,
        out_type=jax.ShapeDtypeStruct((NJ, EMBED, NI), jnp.float32),
        mesh=mesh,
        scratch_types=[
            pltpu.VMEM((NJ, HALF), jnp.int32),
            pltpu.VMEM((EMBED, 128), jnp.float32),
            pltpu.VMEM((NBUF, EMBED, BLK_I), jnp.float32),
            pltpu.SemaphoreType.DMA((NBUF,)),
        ],
    )(xt, tt)
    return out_t.transpose(2, 0, 1)

# --- scband reference (transcript-rebuilt; emitter-appended) ---
"""Pipeline reference for scband-day-of-week-embedding-71141838291063 (READ-ONLY COPY).

The authoritative reference and input builder live on the scoring server;
editing this copy changes nothing except your own understanding.
"""

import jax, jax.numpy as jnp
import numpy as np

EMBED_DIM = 64

def setup_inputs(seed: int = 0) -> dict:
    key = jax.random.key(seed)
    k1, k2 = jax.random.split(key)
    x = jax.random.randint(k1, (16384, 200), 0, 1000, dtype=jnp.int64 if jax.config.jax_enable_x64 else jnp.int32)
    table = jax.random.normal(k2, (7, EMBED_DIM), dtype=jnp.float32)
    return {"x": x, "table": table}

def reference(x, table):
    idx = x % 7
    return jnp.take(table, idx, axis=0)

if __name__ == "__main__":
    import jax
    _d = setup_inputs()
    print(jax.jit(kernel)(*tuple(_d.values())))

</pallas_src>

<mosaic_0001>
#map = affine_map<(d0, d1) -> (0, 0)>
#map1 = affine_map<(d0, d1) -> (0, 0, 0)>
module attributes {stable_mosaic.version = 14 : i64} {
  func.func @_sc_body(%arg0: i32, %arg1: i32, %arg2: memref<200x16384xi32, #tpu.memory_space<hbm>>, %arg3: memref<64x128xf32, #tpu.memory_space<hbm>>, %arg4: memref<200x64x16384xf32, #tpu.memory_space<hbm>>, %arg5: memref<200x256xi32, #tpu.memory_space<vmem>>, %arg6: memref<64x128xf32, #tpu.memory_space<vmem>>, %arg7: memref<4x64x128xf32, #tpu.memory_space<vmem>>, %arg8: memref<4x!tpu.dma_semaphore, #tpu.memory_space<semaphore_mem>>) attributes {dimension_semantics = [#tpu.dimension_semantics<core_parallel>, #tpu.dimension_semantics<subcore_parallel>], iteration_bounds = array<i64: 2, 16>, scalar_prefetch = 0 : i64, scratch_operands = 4 : i64, tpu.core_type = #tpu.core_type<sc_vector_subcore>, window_params = [{transform_indices = #map}, {transform_indices = #map}, {transform_indices = #map1}]} {
    %mul3A = arith.constant 2 : i32
    %mul3A_0 = arith.muli %arg1, %mul3A : i32
    %add3A = arith.addi %mul3A_0, %arg0 : i32
    %mul3A_1 = arith.constant 512 : i32
    %mul3A_2 = arith.muli %add3A, %mul3A_1 : i32
    "tpu.region"() ({
      %run_scoped3A = tpu.sem_alloc : memref<!tpu.dma_semaphore, #tpu.memory_space<semaphore_mem>>
      tpu.enqueue_dma source(%arg3 : memref<64x128xf32, #tpu.memory_space<hbm>>) target(%arg6 : memref<64x128xf32, #tpu.memory_space<vmem>>) target_semaphore(%run_scoped3A : memref<!tpu.dma_semaphore, #tpu.memory_space<semaphore_mem>>)
      tpu.wait_dma2 semaphore(%run_scoped3A : memref<!tpu.dma_semaphore, #tpu.memory_space<semaphore_mem>>) src(%arg3 : memref<64x128xf32, #tpu.memory_space<hbm>>) dst(%arg6 : memref<64x128xf32, #tpu.memory_space<vmem>>)
      tpu.yield
    }) : () -> ()
    %add3A_3 = arith.constant 0 : i32
    %add3A_4 = arith.addi %mul3A_2, %add3A_3 : i32
    %multiple_of3A = tpu.assume_multiple %add3A_4, 256 : i32
    "tpu.region"() ({
      %run_scoped3A = tpu.sem_alloc : memref<!tpu.dma_semaphore, #tpu.memory_space<semaphore_mem>>
      %dma_start3A = arith.constant 0 : i32
      %dma_start3A_209 = tpu.memref_slice %arg2[%dma_start3A, %multiple_of3A] : memref<200x16384xi32, #tpu.memory_space<hbm>> -> memref<200x256xi32, #tpu.memory_space<hbm>>
      %dma_start3A_210 = arith.constant 0 : i32
      %dma_start3A_211 = tpu.memref_slice %arg2[%dma_start3A_210, %multiple_of3A] : memref<200x16384xi32, #tpu.memory_space<hbm>> -> memref<200x256xi32, #tpu.memory_space<hbm>>
      tpu.enqueue_dma source(%dma_start3A_211 : memref<200x256xi32, #tpu.memory_space<hbm>>) target(%arg5 : memref<200x256xi32, #tpu.memory_space<vmem>>) target_semaphore(%run_scoped3A : memref<!tpu.dma_semaphore, #tpu.memory_space<semaphore_mem>>)
      %dma_wait3A_212 = arith.constant 0 : i32
      %dma_wait3A_213 = tpu.memref_slice %arg2[%dma_wait3A_212, %multiple_of3A] : memref<200x16384xi32, #tpu.memory_space<hbm>> -> memref<200x256xi32, #tpu.memory_space<hbm>>
      %dma_wait3A_214 = arith.constant 0 : i32
      %dma_wait3A_215 = tpu.memref_slice %arg2[%dma_wait3A_214, %multiple_of3A] : memref<200x16384xi32, #tpu.memory_space<hbm>> -> memref<200x256xi32, #tpu.memory_space<hbm>>
      tpu.wait_dma2 semaphore(%run_scoped3A : memref<!tpu.dma_semaphore, #tpu.memory_space<semaphore_mem>>) src(%dma_wait3A_215 : memref<200x256xi32, #tpu.memory_space<hbm>>) dst(%arg5 : memref<200x256xi32, #tpu.memory_space<vmem>>)
      tpu.yield
    }) : () -> ()
    %add3A_5 = arith.constant 0 : i32
    %add3A_6 = arith.addi %mul3A_2, %add3A_5 : i32
    %add3A_7 = arith.constant 0 : i32
    %add3A_8 = arith.addi %add3A_6, %add3A_7 : i32
    %multiple_of3A_9 = tpu.assume_multiple %add3A_8, 128 : i32
    %scan3A = arith.constant 0 : i32
    %scan3A_10 = arith.constant 0 : i32
    %scan3A_11 = arith.constant 200 : i32
    %scan3A_12 = arith.addi %scan3A_10, %scan3A_11 : i32
    %scan3A_13 = arith.constant 1 : i32
    scf.for %scan3A_209 = %scan3A_10 to %scan3A_12 step %scan3A_13  : i32 {
      %mul3A_210 = arith.constant 2 : i32
      %mul3A_211 = arith.muli %scan3A_209, %mul3A_210 : i32
      %add3A_212 = arith.constant 0 : i32
      %add3A_213 = arith.addi %mul3A_211, %add3A_212 : i32
      %rem3A_214 = arith.constant 4 : i32
      %rem3A_215 = arith.remsi %add3A_213, %rem3A_214 : i32
      %ge3A = arith.constant 2 : i32
      %ge3A_216 = arith.cmpi sge, %scan3A_209, %ge3A : i32
      %convert_element_type3A = arith.extui %ge3A_216 : i1 to i32
      %cond3A = arith.constant 0 : i32
      %cond3A_217 = arith.cmpi ne, %convert_element_type3A, %cond3A : i32
      scf.if %cond3A_217 {
        %sub3A = arith.constant 2 : i32
        %sub3A_290 = arith.subi %scan3A_209, %sub3A : i32
        %dma_wait3A_291 = arith.constant 0 : i32
        %dma_wait3A_292 = arith.constant 0 : i32
        %dma_wait3A_293 = tpu.memref_slice %arg7[%rem3A_215, %dma_wait3A_291, %dma_wait3A_292] : memref<4x64x128xf32, #tpu.memory_space<vmem>> -> memref<1x64x128xf32, #tpu.memory_space<vmem>>
        %dma_wait3A_294 = tpu.memref_squeeze %dma_wait3A_293 : memref<1x64x128xf32, #tpu.memory_space<vmem>> -> memref<64x128xf32, #tpu.memory_space<vmem>>
        %dma_wait3A_295 = arith.constant 0 : i32
        %dma_wait3A_296 = tpu.memref_slice %arg4[%sub3A_290, %dma_wait3A_295, %multiple_of3A_9] : memref<200x64x16384xf32, #tpu.memory_space<hbm>> -> memref<1x64x128xf32, #tpu.memory_space<hbm>>
        %dma_wait3A_297 = tpu.memref_squeeze %dma_wait3A_296 : memref<1x64x128xf32, #tpu.memory_space<hbm>> -> memref<64x128xf32, #tpu.memory_space<hbm>>
        %dma_wait3A_298 = tpu.memref_slice %arg8[%rem3A_215] : memref<4x!tpu.dma_semaphore, #tpu.memory_space<semaphore_mem>> -> memref<1x!tpu.dma_semaphore, #tpu.memory_space<semaphore_mem>>
        %dma_wait3A_299 = tpu.memref_squeeze %dma_wait3A_298 : memref<1x!tpu.dma_semaphore, #tpu.memory_space<semaphore_mem>> -> memref<!tpu.dma_semaphore, #tpu.memory_space<semaphore_mem>>
        %dma_wait3A_300 = arith.constant 0 : i32
        %dma_wait3A_301 = tpu.memref_slice %arg4[%sub3A_290, %dma_wait3A_300, %multiple_of3A_9] : memref<200x64x16384xf32, #tpu.memory_space<hbm>> -> memref<1x64x128xf32, #tpu.memory_space<hbm>>
        %dma_wait3A_302 = tpu.memref_squeeze %dma_wait3A_301 : memref<1x64x128xf32, #tpu.memory_space<hbm>> -> memref<64x128xf32, #tpu.memory_space<hbm>>
        %dma_wait3A_303 = arith.constant 0 : i32
        %dma_wait3A_304 = arith.constant 0 : i32
        %dma_wait3A_305 = tpu.memref_slice %arg7[%rem3A_215, %dma_wait3A_303, %dma_wait3A_304] : memref<4x64x128xf32, #tpu.memory_space<vmem>> -> memref<1x64x128xf32, #tpu.memory_space<vmem>>
        %dma_wait3A_306 = tpu.memref_squeeze %dma_wait3A_305 : memref<1x64x128xf32, #tpu.memory_space<vmem>> -> memref<64x128xf32, #tpu.memory_space<vmem>>
        tpu.wait_dma2 semaphore(%dma_wait3A_299 : memref<!tpu.dma_semaphore, #tpu.memory_space<semaphore_mem>>) src(%dma_wait3A_306 : memref<64x128xf32, #tpu.memory_space<vmem>>) dst(%dma_wait3A_302 : memref<64x128xf32, #tpu.memory_space<hbm>>)
      } else {
      }
      %get3A = arith.index_cast %scan3A_209 : i32 to index
      %get3A_218 = arith.constant 0 : index
      %get3A_219 = tpu.vector_load %arg5[%get3A, %get3A_218] {strides = array<i32>} : memref<200x256xi32, #tpu.memory_space<vmem>>, vector<1x16xi32>,
      %get3A_220 = vector.shape_cast %get3A_219 : vector<1x16xi32> to vector<16xi32>
      %rem3A_221 = arith.constant 7 : i32
      %rem3A_222 = vector.broadcast %rem3A_221 : i32 to vector<16xi32>
      %rem3A_223 = arith.remsi %get3A_220, %rem3A_222 : vector<16xi32>
      %get3A_224 = arith.index_cast %scan3A_209 : i32 to index
      %get3A_225 = arith.constant 16 : index
      %get3A_226 = tpu.vector_load %arg5[%get3A_224, %get3A_225] {strides = array<i32>} : memref<200x256xi32, #tpu.memory_space<vmem>>, vector<1x16xi32>,
      %get3A_227 = vector.shape_cast %get3A_226 : vector<1x16xi32> to vector<16xi32>
      %rem3A_228 = arith.constant 7 : i32
      %rem3A_229 = vector.broadcast %rem3A_228 : i32 to vector<16xi32>
      %rem3A_230 = arith.remsi %get3A_227, %rem3A_229 : vector<16xi32>
      %get3A_231 = arith.index_cast %scan3A_209 : i32 to index
      %get3A_232 = arith.constant 32 : index
      %get3A_233 = tpu.vector_load %arg5[%get3A_231, %get3A_232] {strides = array<i32>} : memref<200x256xi32, #tpu.memory_space<vmem>>, vector<1x16xi32>,
      %get3A_234 = vector.shape_cast %get3A_233 : vector<1x16xi32> to vector<16xi32>
      %rem3A_235 = arith.constant 7 : i32
      %rem3A_236 = vector.broadcast %rem3A_235 : i32 to vector<16xi32>
      %rem3A_237 = arith.remsi %get3A_234, %rem3A_236 : vector<16xi32>
      %get3A_238 = arith.index_cast %scan3A_209 : i32 to index
      %get3A_239 = arith.constant 48 : index
      %get3A_240 = tpu.vector_load %arg5[%get3A_238, %get3A_239] {strides = array<i32>} : memref<200x256xi32, #tpu.memory_space<vmem>>, vector<1x16xi32>,
      %get3A_241 = vector.shape_cast %get3A_240 : vector<1x16xi32> to vector<16xi32>
      %rem3A_242 = arith.constant 7 : i32
      %rem3A_243 = vector.broadcast %rem3A_242 : i32 to vector<16xi32>
      %rem3A_244 = arith.remsi %get3A_241, %rem3A_243 : vector<16xi32>
      %get3A_245 = arith.index_cast %scan3A_209 : i32 to index
      %get3A_246 = arith.constant 64 : index
      %get3A_247 = tpu.vector_load %arg5[%get3A_245, %get3A_246] {strides = array<i32>} : memref<200x256xi32, #tpu.memory_space<vmem>>, vector<1x16xi32>,
      %get3A_248 = vector.shape_cast %get3A_247 : vector<1x16xi32> to vector<16xi32>
      %rem3A_249 = arith.constant 7 : i32
      %rem3A_250 = vector.broadcast %rem3A_249 : i32 to vector<16xi32>
      %rem3A_251 = arith.remsi %get3A_248, %rem3A_250 : vector<16xi32>
      %get3A_252 = arith.index_cast %scan3A_209 : i32 to index
      %get3A_253 = arith.constant 80 : index
      %get3A_254 = tpu.vector_load %arg5[%get3A_252, %get3A_253] {strides = array<i32>} : memref<200x256xi32, #tpu.memory_space<vmem>>, vector<1x16xi32>,
      %get3A_255 = vector.shape_cast %get3A_254 : vector<1x16xi32> to vector<16xi32>
      %rem3A_256 = arith.constant 7 : i32
      %rem3A_257 = vector.broadcast %rem3A_256 : i32 to vector<16xi32>
      %rem3A_258 = arith.remsi %get3A_255, %rem3A_257 : vector<16xi32>
      %get3A_259 = arith.index_cast %scan3A_209 : i32 to index
      %get3A_260 = arith.constant 96 : index
      %get3A_261 = tpu.vector_load %arg5[%get3A_259, %get3A_260] {strides = array<i32>} : memref<200x256xi32, #tpu.memory_space<vmem>>, vector<1x16xi32>,
      %get3A_262 = vector.shape_cast %get3A_261 : vector<1x16xi32> to vector<16xi32>
      %rem3A_263 = arith.constant 7 : i32
      %rem3A_264 = vector.broadcast %rem3A_263 : i32 to vector<16xi32>
      %rem3A_265 = arith.remsi %get3A_262, %rem3A_264 : vector<16xi32>
      %get3A_266 = arith.index_cast %scan3A_209 : i32 to index
      %get3A_267 = arith.constant 112 : index
      %get3A_268 = tpu.vector_load %arg5[%get3A_266, %get3A_267] {strides = array<i32>} : memref<200x256xi32, #tpu.memory_space<vmem>>, vector<1x16xi32>,
      %get3A_269 = vector.shape_cast %get3A_268 : vector<1x16xi32> to vector<16xi32>
      %rem3A_270 = arith.constant 7 : i32
      %rem3A_271 = vector.broadcast %rem3A_270 : i32 to vector<16xi32>
      %rem3A_272 = arith.remsi %get3A_269, %rem3A_271 : vector<16xi32>
      %parallel_loop3A = arith.constant 0 : i32
      %parallel_loop3A_273 = arith.constant 64 : i32
      %parallel_loop3A_274 = arith.constant 1 : i32
      scf.for %parallel_loop3A_290 = %parallel_loop3A to %parallel_loop3A_273 step %parallel_loop3A_274  : i32 {
        %parallel_loop3A_291 = arith.index_cast %parallel_loop3A_290 : i32 to index
        %parallel_loop3A_292 = arith.constant 0 : index
        %parallel_loop3A_293 = tpu.vector_load %arg6[%parallel_loop3A_291, %parallel_loop3A_292] {strides = array<i32>} : memref<64x128xf32, #tpu.memory_space<vmem>>, vector<1x16xf32>,
        %parallel_loop3A_294 = vector.shape_cast %parallel_loop3A_293 : vector<1x16xf32> to vector<16xf32>
        %parallel_loop3A_295 = arith.constant 0 : i32
        %parallel_loop3A_296 = vector.broadcast %parallel_loop3A_295 : i32 to vector<16xi32>
        %parallel_loop3A_297 = arith.cmpi slt, %rem3A_223, %parallel_loop3A_296 : vector<16xi32>
        %parallel_loop3A_298 = arith.constant 16 : i32
        %parallel_loop3A_299 = vector.broadcast %parallel_loop3A_298 : i32 to vector<16xi32>
        %parallel_loop3A_300 = arith.addi %rem3A_223, %parallel_loop3A_299 : vector<16xi32>
        %parallel_loop3A_301 = arith.select %parallel_loop3A_297, %parallel_loop3A_300, %rem3A_223 : vector<16xi1>, vector<16xi32>
        %parallel_loop3A_302 = vector.shape_cast %parallel_loop3A_301 : vector<16xi32> to vector<16x1xi32>
        %parallel_loop3A_303 = vector.shape_cast %parallel_loop3A_302 : vector<16x1xi32> to vector<16xi32>
        %parallel_loop3A_304 = tpu.dynamic_gather %parallel_loop3A_294[%parallel_loop3A_303] in [0] : vector<16xf32>, vector<16xi32> -> vector<16xf32>
        %parallel_loop3A_305 = arith.index_cast %rem3A_215 : i32 to index
        %parallel_loop3A_306 = arith.index_cast %parallel_loop3A_290 : i32 to index
        %parallel_loop3A_307 = arith.constant 0 : index
        %parallel_loop3A_308 = tpu.vector_load %arg7[%parallel_loop3A_305, %parallel_loop3A_306, %parallel_loop3A_307] {strides = array<i32>} : memref<4x64x128xf32, #tpu.memory_space<vmem>>, vector<1x1x16xf32>,
        %parallel_loop3A_309 = vector.shape_cast %parallel_loop3A_308 : vector<1x1x16xf32> to vector<16xf32>
        %parallel_loop3A_310 = vector.shape_cast %parallel_loop3A_304 : vector<16xf32> to vector<1x1x16xf32>
        tpu.vector_store %arg7[%parallel_loop3A_305, %parallel_loop3A_306, %parallel_loop3A_307], %parallel_loop3A_310 {strides = array<i32>} : memref<4x64x128xf32, #tpu.memory_space<vmem>>, vector<1x1x16xf32>,
        %parallel_loop3A_311 = arith.constant 0 : i32
        %parallel_loop3A_312 = vector.broadcast %parallel_loop3A_311 : i32 to vector<16xi32>
        %parallel_loop3A_313 = arith.cmpi slt, %rem3A_230, %parallel_loop3A_312 : vector<16xi32>
        %parallel_loop3A_314 = arith.constant 16 : i32
        %parallel_loop3A_315 = vector.broadcast %parallel_loop3A_314 : i32 to vector<16xi32>
        %parallel_loop3A_316 = arith.addi %rem3A_230, %parallel_loop3A_315 : vector<16xi32>
        %parallel_loop3A_317 = arith.select %parallel_loop3A_313, %parallel_loop3A_316, %rem3A_230 : vector<16xi1>, vector<16xi32>
        %parallel_loop3A_318 = vector.shape_cast %parallel_loop3A_317 : vector<16xi32> to vector<16x1xi32>
        %parallel_loop3A_319 = vector.shape_cast %parallel_loop3A_318 : vector<16x1xi32> to vector<16xi32>
        %parallel_loop3A_320 = tpu.dynamic_gather %parallel_loop3A_294[%parallel_loop3A_319] in [0] : vector<16xf32>, vector<16xi32> -> vector<16xf32>
        %parallel_loop3A_321 = arith.index_cast %rem3A_215 : i32 to index
        %parallel_loop3A_322 = arith.index_cast %parallel_loop3A_290 : i32 to index
        %parallel_loop3A_323 = arith.constant 16 : index
        %parallel_loop3A_324 = tpu.vector_load %arg7[%parallel_loop3A_321, %parallel_loop3A_322, %parallel_loop3A_323] {strides = array<i32>} : memref<4x64x128xf32, #tpu.memory_space<vmem>>, vector<1x1x16xf32>,
        %parallel_loop3A_325 = vector.shape_cast %parallel_loop3A_324 : vector<1x1x16xf32> to vector<16xf32>
        %parallel_loop3A_326 = vector.shape_cast %parallel_loop3A_320 : vector<16xf32> to vector<1x1x16xf32>
        tpu.vector_store %arg7[%parallel_loop3A_321, %parallel_loop3A_322, %parallel_loop3A_323], %parallel_loop3A_326 {strides = array<i32>} : memref<4x64x128xf32, #tpu.memory_space<vmem>>, vector<1x1x16xf32>,
        %parallel_loop3A_327 = arith.constant 0 : i32
        %parallel_loop3A_328 = vector.broadcast %parallel_loop3A_327 : i32 to vector<16xi32>
        %parallel_loop3A_329 = arith.cmpi slt, %rem3A_237, %parallel_loop3A_328 : vector<16xi32>
        %parallel_loop3A_330 = arith.constant 16 : i32
        %parallel_loop3A_331 = vector.broadcast %parallel_loop3A_330 : i32 to vector<16xi32>
        %parallel_loop3A_332 = arith.addi %rem3A_237, %parallel_loop3A_331 : vector<16xi32>
        %parallel_loop3A_333 = arith.select %parallel_loop3A_329, %parallel_loop3A_332, %rem3A_237 : vector<16xi1>, vector<16xi32>
        %parallel_loop3A_334 = vector.shape_cast %parallel_loop3A_333 : vector<16xi32> to vector<16x1xi32>
        %parallel_loop3A_335 = vector.shape_cast %parallel_loop3A_334 : vector<16x1xi32> to vector<16xi32>
        %parallel_loop3A_336 = tpu.dynamic_gather %parallel_loop3A_294[%parallel_loop3A_335] in [0] : vector<16xf32>, vector<16xi32> -> vector<16xf32>
        %parallel_loop3A_337 = arith.index_cast %rem3A_215 : i32 to index
        %parallel_loop3A_338 = arith.index_cast %parallel_loop3A_290 : i32 to index
        %parallel_loop3A_339 = arith.constant 32 : index
        %parallel_loop3A_340 = tpu.vector_load %arg7[%parallel_loop3A_337, %parallel_loop3A_338, %parallel_loop3A_339] {strides = array<i32>} : memref<4x64x128xf32, #tpu.memory_space<vmem>>, vector<1x1x16xf32>,
        %parallel_loop3A_341 = vector.shape_cast %parallel_loop3A_340 : vector<1x1x16xf32> to vector<16xf32>
        %parallel_loop3A_342 = vector.shape_cast %parallel_loop3A_336 : vector<16xf32> to vector<1x1x16xf32>
        tpu.vector_store %arg7[%parallel_loop3A_337, %parallel_loop3A_338, %parallel_loop3A_339], %parallel_loop3A_342 {strides = array<i32>} : memref<4x64x128xf32, #tpu.memory_space<vmem>>, vector<1x1x16xf32>,
        %parallel_loop3A_343 = arith.constant 0 : i32
        %parallel_loop3A_344 = vector.broadcast %parallel_loop3A_343 : i32 to vector<16xi32>
        %parallel_loop3A_345 = arith.cmpi slt, %rem3A_244, %parallel_loop3A_344 : vector<16xi32>
        %parallel_loop3A_346 = arith.constant 16 : i32
        %parallel_loop3A_347 = vector.broadcast %parallel_loop3A_346 : i32 to vector<16xi32>
        %parallel_loop3A_348 = arith.addi %rem3A_244, %parallel_loop3A_347 : vector<16xi32>
        %parallel_loop3A_349 = arith.select %parallel_loop3A_345, %parallel_loop3A_348, %rem3A_244 : vector<16xi1>, vector<16xi32>
        %parallel_loop3A_350 = vector.shape_cast %parallel_loop3A_349 : vector<16xi32> to vector<16x1xi32>
        %parallel_loop3A_351 = vector.shape_cast %parallel_loop3A_350 : vector<16x1xi32> to vector<16xi32>
        %parallel_loop3A_352 = tpu.dynamic_gather %parallel_loop3A_294[%parallel_loop3A_351] in [0] : vector<16xf32>, vector<16xi32> -> vector<16xf32>
        %parallel_loop3A_353 = arith.index_cast %rem3A_215 : i32 to index
        %parallel_loop3A_354 = arith.index_cast %parallel_loop3A_290 : i32 to index
        %parallel_loop3A_355 = arith.constant 48 : index
        %parallel_loop3A_356 = tpu.vector_load %arg7[%parallel_loop3A_353, %parallel_loop3A_354, %parallel_loop3A_355] {strides = array<i32>} : memref<4x64x128xf32, #tpu.memory_space<vmem>>, vector<1x1x16xf32>,
        %parallel_loop3A_357 = vector.shape_cast %parallel_loop3A_356 : vector<1x1x16xf32> to vector<16xf32>
        %parallel_loop3A_358 = vector.shape_cast %parallel_loop3A_352 : vector<16xf32> to vector<1x1x16xf32>
        tpu.vector_store %arg7[%parallel_loop3A_353, %parallel_loop3A_354, %parallel_loop3A_355], %parallel_loop3A_358 {strides = array<i32>} : memref<4x64x128xf32, #tpu.memory_space<vmem>>, vector<1x1x16xf32>,
        %parallel_loop3A_359 = arith.constant 0 : i32
        %parallel_loop3A_360 = vector.broadcast %parallel_loop3A_359 : i32 to vector<16xi32>
        %parallel_loop3A_361 = arith.cmpi slt, %rem3A_251, %parallel_loop3A_360 : vector<16xi32>
        %parallel_loop3A_362 = arith.constant 16 : i32
        %parallel_loop3A_363 = vector.broadcast %parallel_loop3A_362 : i32 to vector<16xi32>
        %parallel_loop3A_364 = arith.addi %rem3A_251, %parallel_loop3A_363 : vector<16xi32>
        %parallel_loop3A_365 = arith.select %parallel_loop3A_361, %parallel_loop3A_364, %rem3A_251 : vector<16xi1>, vector<16xi32>
        %parallel_loop3A_366 = vector.shape_cast %parallel_loop3A_365 : vector<16xi32> to vector<16x1xi32>
        %parallel_loop3A_367 = vector.shape_cast %parallel_loop3A_366 : vector<16x1xi32> to vector<16xi32>
        %parallel_loop3A_368 = tpu.dynamic_gather %parallel_loop3A_294[%parallel_loop3A_367] in [0] : vector<16xf32>, vector<16xi32> -> vector<16xf32>
        %parallel_loop3A_369 = arith.index_cast %rem3A_215 : i32 to index
        %parallel_loop3A_370 = arith.index_cast %parallel_loop3A_290 : i32 to index
        %parallel_loop3A_371 = arith.constant 64 : index
        %parallel_loop3A_372 = tpu.vector_load %arg7[%parallel_loop3A_369, %parallel_loop3A_370, %parallel_loop3A_371] {strides = array<i32>} : memref<4x64x128xf32, #tpu.memory_space<vmem>>, vector<1x1x16xf32>,
        %parallel_loop3A_373 = vector.shape_cast %parallel_loop3A_372 : vector<1x1x16xf32> to vector<16xf32>
        %parallel_loop3A_374 = vector.shape_cast %parallel_loop3A_368 : vector<16xf32> to vector<1x1x16xf32>
        tpu.vector_store %arg7[%parallel_loop3A_369, %parallel_loop3A_370, %parallel_loop3A_371], %parallel_loop3A_374 {strides = array<i32>} : memref<4x64x128xf32, #tpu.memory_space<vmem>>, vector<1x1x16xf32>,
        %parallel_loop3A_375 = arith.constant 0 : i32
        %parallel_loop3A_376 = vector.broadcast %parallel_loop3A_375 : i32 to vector<16xi32>
        %parallel_loop3A_377 = arith.cmpi slt, %rem3A_258, %parallel_loop3A_376 : vector<16xi32>
        %parallel_loop3A_378 = arith.constant 16 : i32
        %parallel_loop3A_379 = vector.broadcast %parallel_loop3A_378 : i32 to vector<16xi32>
        %parallel_loop3A_380 = arith.addi %rem3A_258, %parallel_loop3A_379 : vector<16xi32>
        %parallel_loop3A_381 = arith.select %parallel_loop3A_377, %parallel_loop3A_380, %rem3A_258 : vector<16xi1>, vector<16xi32>
        %parallel_loop3A_382 = vector.shape_cast %parallel_loop3A_381 : vector<16xi32> to vector<16x1xi32>
        %parallel_loop3A_383 = vector.shape_cast %parallel_loop3A_382 : vector<16x1xi32> to vector<16xi32>
        %parallel_loop3A_384 = tpu.dynamic_gather %parallel_loop3A_294[%parallel_loop3A_383] in [0] : vector<16xf32>, vector<16xi32> -> vector<16xf32>
        %parallel_loop3A_385 = arith.index_cast %rem3A_215 : i32 to index
        %parallel_loop3A_386 = arith.index_cast %parallel_loop3A_290 : i32 to index
        %parallel_loop3A_387 = arith.constant 80 : index
        %parallel_loop3A_388 = tpu.vector_load %arg7[%parallel_loop3A_385, %parallel_loop3A_386, %parallel_loop3A_387] {strides = array<i32>} : memref<4x64x128xf32, #tpu.memory_space<vmem>>, vector<1x1x16xf32>,
        %parallel_loop3A_389 = vector.shape_cast %parallel_loop3A_388 : vector<1x1x16xf32> to vector<16xf32>
        %parallel_loop3A_390 = vector.shape_cast %parallel_loop3A_384 : vector<16xf32> to vector<1x1x16xf32>
        tpu.vector_store %arg7[%parallel_loop3A_385, %parallel_loop3A_386, %parallel_loop3A_387], %parallel_loop3A_390 {strides = array<i32>} : memref<4x64x128xf32, #tpu.memory_space<vmem>>, vector<1x1x16xf32>,
        %parallel_loop3A_391 = arith.constant 0 : i32
        %parallel_loop3A_392 = vector.broadcast %parallel_loop3A_391 : i32 to vector<16xi32>
        %parallel_loop3A_393 = arith.cmpi slt, %rem3A_265, %parallel_loop3A_392 : vector<16xi32>
        %parallel_loop3A_394 = arith.constant 16 : i32
        %parallel_loop3A_395 = vector.broadcast %parallel_loop3A_394 : i32 to vector<16xi32>
        %parallel_loop3A_396 = arith.addi %rem3A_265, %parallel_loop3A_395 : vector<16xi32>
        %parallel_loop3A_397 = arith.select %parallel_loop3A_393, %parallel_loop3A_396, %rem3A_265 : vector<16xi1>, vector<16xi32>
        %parallel_loop3A_398 = vector.shape_cast %parallel_loop3A_397 : vector<16xi32> to vector<16x1xi32>
        %parallel_loop3A_399 = vector.shape_cast %parallel_loop3A_398 : vector<16x1xi32> to vector<16xi32>
        %parallel_loop3A_400 = tpu.dynamic_gather %parallel_loop3A_294[%parallel_loop3A_399] in [0] : vector<16xf32>, vector<16xi32> -> vector<16xf32>
        %parallel_loop3A_401 = arith.index_cast %rem3A_215 : i32 to index
        %parallel_loop3A_402 = arith.index_cast %parallel_loop3A_290 : i32 to index
        %parallel_loop3A_403 = arith.constant 96 : index
        %parallel_loop3A_404 = tpu.vector_load %arg7[%parallel_loop3A_401, %parallel_loop3A_402, %parallel_loop3A_403] {strides = array<i32>} : memref<4x64x128xf32, #tpu.memory_space<vmem>>, vector<1x1x16xf32>,
        %parallel_loop3A_405 = vector.shape_cast %parallel_loop3A_404 : vector<1x1x16xf32> to vector<16xf32>
        %parallel_loop3A_406 = vector.shape_cast %parallel_loop3A_400 : vector<16xf32> to vector<1x1x16xf32>
        tpu.vector_store %arg7[%parallel_loop3A_401, %parallel_loop3A_402, %parallel_loop3A_403], %parallel_loop3A_406 {strides = array<i32>} : memref<4x64x128xf32, #tpu.memory_space<vmem>>, vector<1x1x16xf32>,
        %parallel_loop3A_407 = arith.constant 0 : i32
        %parallel_loop3A_408 = vector.broadcast %parallel_loop3A_407 : i32 to vector<16xi32>
        %parallel_loop3A_409 = arith.cmpi slt, %rem3A_272, %parallel_loop3A_408 : vector<16xi32>
        %parallel_loop3A_410 = arith.constant 16 : i32
        %parallel_loop3A_411 = vector.broadcast %parallel_loop3A_410 : i32 to vector<16xi32>
        %parallel_loop3A_412 = arith.addi %rem3A_272, %parallel_loop3A_411 : vector<16xi32>
        %parallel_loop3A_413 = arith.select %parallel_loop3A_409, %parallel_loop3A_412, %rem3A_272 : vector<16xi1>, vector<16xi32>
        %parallel_loop3A_414 = vector.shape_cast %parallel_loop3A_413 : vector<16xi32> to vector<16x1xi32>
        %parallel_loop3A_415 = vector.shape_cast %parallel_loop3A_414 : vector<16x1xi32> to vector<16xi32>
        %parallel_loop3A_416 = tpu.dynamic_gather %parallel_loop3A_294[%parallel_loop3A_415] in [0] : vector<16xf32>, vector<16xi32> -> vector<16xf32>
        %parallel_loop3A_417 = arith.index_cast %rem3A_215 : i32 to index
        %parallel_loop3A_418 = arith.index_cast %parallel_loop3A_290 : i32 to index
        %parallel_loop3A_419 = arith.constant 112 : index
        %parallel_loop3A_420 = tpu.vector_load %arg7[%parallel_loop3A_417, %parallel_loop3A_418, %parallel_loop3A_419] {strides = array<i32>} : memref<4x64x128xf32, #tpu.memory_space<vmem>>, vector<1x1x16xf32>,
        %parallel_loop3A_421 = vector.shape_cast %parallel_loop3A_420 : vector<1x1x16xf32> to vector<16xf32>
        %parallel_loop3A_422 = vector.shape_cast %parallel_loop3A_416 : vector<16xf32> to vector<1x1x16xf32>
        tpu.vector_store %arg7[%parallel_loop3A_417, %parallel_loop3A_418, %parallel_loop3A_419], %parallel_loop3A_422 {strides = array<i32>} : memref<4x64x128xf32, #tpu.memory_space<vmem>>, vector<1x1x16xf32>,
      } {sc.loop_unroll_factor = 2 : i64, sc.parallel_access}
      %dma_start3A = arith.constant 0 : i32
      %dma_start3A_275 = arith.constant 0 : i32
      %dma_start3A_276 = tpu.memref_slice %arg7[%rem3A_215, %dma_start3A, %dma_start3A_275] : memref<4x64x128xf32, #tpu.memory_space<vmem>> -> memref<1x64x128xf32, #tpu.memory_space<vmem>>
      %dma_start3A_277 = tpu.memref_squeeze %dma_start3A_276 : memref<1x64x128xf32, #tpu.memory_space<vmem>> -> memref<64x128xf32, #tpu.memory_space<vmem>>
      %dma_start3A_278 = arith.constant 0 : i32
      %dma_start3A_279 = tpu.memref_slice %arg4[%scan3A_209, %dma_start3A_278, %multiple_of3A_9] : memref<200x64x16384xf32, #tpu.memory_space<hbm>> -> memref<1x64x128xf32, #tpu.memory_space<hbm>>
      %dma_start3A_280 = tpu.memref_squeeze %dma_start3A_279 : memref<1x64x128xf32, #tpu.memory_space<hbm>> -> memref<64x128xf32, #tpu.memory_space<hbm>>
      %dma_start3A_281 = tpu.memref_slice %arg8[%rem3A_215] : memref<4x!tpu.dma_semaphore, #tpu.memory_space<semaphore_mem>> -> memref<1x!tpu.dma_semaphore, #tpu.memory_space<semaphore_mem>>
      %dma_start3A_282 = tpu.memref_squeeze %dma_start3A_281 : memref<1x!tpu.dma_semaphore, #tpu.memory_space<semaphore_mem>> -> memref<!tpu.dma_semaphore, #tpu.memory_space<semaphore_mem>>
      %dma_start3A_283 = arith.constant 0 : i32
      %dma_start3A_284 = tpu.memref_slice %arg4[%scan3A_209, %dma_start3A_283, %multiple_of3A_9] : memref<200x64x16384xf32, #tpu.memory_space<hbm>> -> memref<1x64x128xf32, #tpu.memory_space<hbm>>
      %dma_start3A_285 = tpu.memref_squeeze %dma_start3A_284 : memref<1x64x128xf32, #tpu.memory_space<hbm>> -> memref<64x128xf32, #tpu.memory_space<hbm>>
      %dma_start3A_286 = arith.constant 0 : i32
      %dma_start3A_287 = arith.constant 0 : i32
      %dma_start3A_288 = tpu.memref_slice %arg7[%rem3A_215, %dma_start3A_286, %dma_start3A_287] : memref<4x64x128xf32, #tpu.memory_space<vmem>> -> memref<1x64x128xf32, #tpu.memory_space<vmem>>
      %dma_start3A_289 = tpu.memref_squeeze %dma_start3A_288 : memref<1x64x128xf32, #tpu.memory_space<vmem>> -> memref<64x128xf32, #tpu.memory_space<vmem>>
      tpu.enqueue_dma source(%dma_start3A_289 : memref<64x128xf32, #tpu.memory_space<vmem>>) target(%dma_start3A_285 : memref<64x128xf32, #tpu.memory_space<hbm>>) target_semaphore(%dma_start3A_282 : memref<!tpu.dma_semaphore, #tpu.memory_space<semaphore_mem>>)
    }
    %scan3A_14 = arith.constant 200 : i32
    %rem3A = arith.constant 396 : i32
    %rem3A_15 = arith.constant 4 : i32
    %rem3A_16 = arith.remsi %rem3A, %rem3A_15 : i32
    %dma_wait3A = arith.constant 198 : i32
    %dma_wait3A_17 = arith.constant 0 : i32
    %dma_wait3A_18 = arith.constant 0 : i32
    %dma_wait3A_19 = tpu.memref_slice %arg7[%rem3A_16, %dma_wait3A_17, %dma_wait3A_18] : memref<4x64x128xf32, #tpu.memory_space<vmem>> -> memref<1x64x128xf32, #tpu.memory_space<vmem>>
    %dma_wait3A_20 = tpu.memref_squeeze %dma_wait3A_19 : memref<1x64x128xf32, #tpu.memory_space<vmem>> -> memref<64x128xf32, #tpu.memory_space<vmem>>
    %dma_wait3A_21 = arith.constant 0 : i32
    %dma_wait3A_22 = tpu.memref_slice %arg4[%dma_wait3A, %dma_wait3A_21, %multiple_of3A_9] : memref<200x64x16384xf32, #tpu.memory_space<hbm>> -> memref<1x64x128xf32, #tpu.memory_space<hbm>>
    %dma_wait3A_23 = tpu.memref_squeeze %dma_wait3A_22 : memref<1x64x128xf32, #tpu.memory_space<hbm>> -> memref<64x128xf32, #tpu.memory_space<hbm>>
    %dma_wait3A_24 = tpu.memref_slice %arg8[%rem3A_16] : memref<4x!tpu.dma_semaphore, #tpu.memory_space<semaphore_mem>> -> memref<1x!tpu.dma_semaphore, #tpu.memory_space<semaphore_mem>>
    %dma_wait3A_25 = tpu.memref_squeeze %dma_wait3A_24 : memref<1x!tpu.dma_semaphore, #tpu.memory_space<semaphore_mem>> -> memref<!tpu.dma_semaphore, #tpu.memory_space<semaphore_mem>>
    %dma_wait3A_26 = arith.constant 0 : i32
    %dma_wait3A_27 = tpu.memref_slice %arg4[%dma_wait3A, %dma_wait3A_26, %multiple_of3A_9] : memref<200x64x16384xf32, #tpu.memory_space<hbm>> -> memref<1x64x128xf32, #tpu.memory_space<hbm>>
    %dma_wait3A_28 = tpu.memref_squeeze %dma_wait3A_27 : memref<1x64x128xf32, #tpu.memory_space<hbm>> -> memref<64x128xf32, #tpu.memory_space<hbm>>
    %dma_wait3A_29 = arith.constant 0 : i32
    %dma_wait3A_30 = arith.constant 0 : i32
    %dma_wait3A_31 = tpu.memref_slice %arg7[%rem3A_16, %dma_wait3A_29, %dma_wait3A_30] : memref<4x64x128xf32, #tpu.memory_space<vmem>> -> memref<1x64x128xf32, #tpu.memory_space<vmem>>
    %dma_wait3A_32 = tpu.memref_squeeze %dma_wait3A_31 : memref<1x64x128xf32, #tpu.memory_space<vmem>> -> memref<64x128xf32, #tpu.memory_space<vmem>>
    tpu.wait_dma2 semaphore(%dma_wait3A_25 : memref<!tpu.dma_semaphore, #tpu.memory_space<semaphore_mem>>) src(%dma_wait3A_32 : memref<64x128xf32, #tpu.memory_space<vmem>>) dst(%dma_wait3A_28 : memref<64x128xf32, #tpu.memory_space<hbm>>)
    %rem3A_33 = arith.constant 398 : i32
    %rem3A_34 = arith.constant 4 : i32
    %rem3A_35 = arith.remsi %rem3A_33, %rem3A_34 : i32
    %dma_wait3A_36 = arith.constant 199 : i32
    %dma_wait3A_37 = arith.constant 0 : i32
    %dma_wait3A_38 = arith.constant 0 : i32
    %dma_wait3A_39 = tpu.memref_slice %arg7[%rem3A_35, %dma_wait3A_37, %dma_wait3A_38] : memref<4x64x128xf32, #tpu.memory_space<vmem>> -> memref<1x64x128xf32, #tpu.memory_space<vmem>>
    %dma_wait3A_40 = tpu.memref_squeeze %dma_wait3A_39 : memref<1x64x128xf32, #tpu.memory_space<vmem>> -> memref<64x128xf32, #tpu.memory_space<vmem>>
    %dma_wait3A_41 = arith.constant 0 : i32
    %dma_wait3A_42 = tpu.memref_slice %arg4[%dma_wait3A_36, %dma_wait3A_41, %multiple_of3A_9] : memref<200x64x16384xf32, #tpu.memory_space<hbm>> -> memref<1x64x128xf32, #tpu.memory_space<hbm>>
    %dma_wait3A_43 = tpu.memref_squeeze %dma_wait3A_42 : memref<1x64x128xf32, #tpu.memory_space<hbm>> -> memref<64x128xf32, #tpu.memory_space<hbm>>
    %dma_wait3A_44 = tpu.memref_slice %arg8[%rem3A_35] : memref<4x!tpu.dma_semaphore, #tpu.memory_space<semaphore_mem>> -> memref<1x!tpu.dma_semaphore, #tpu.memory_space<semaphore_mem>>
    %dma_wait3A_45 = tpu.memref_squeeze %dma_wait3A_44 : memref<1x!tpu.dma_semaphore, #tpu.memory_space<semaphore_mem>> -> memref<!tpu.dma_semaphore, #tpu.memory_space<semaphore_mem>>
    %dma_wait3A_46 = arith.constant 0 : i32
    %dma_wait3A_47 = tpu.memref_slice %arg4[%dma_wait3A_36, %dma_wait3A_46, %multiple_of3A_9] : memref<200x64x16384xf32, #tpu.memory_space<hbm>> -> memref<1x64x128xf32, #tpu.memory_space<hbm>>
    %dma_wait3A_48 = tpu.memref_squeeze %dma_wait3A_47 : memref<1x64x128xf32, #tpu.memory_space<hbm>> -> memref<64x128xf32, #tpu.memory_space<hbm>>
    %dma_wait3A_49 = arith.constant 0 : i32
    %dma_wait3A_50 = arith.constant 0 : i32
    %dma_wait3A_51 = tpu.memref_slice %arg7[%rem3A_35, %dma_wait3A_49, %dma_wait3A_50] : memref<4x64x128xf32, #tpu.memory_space<vmem>> -> memref<1x64x128xf32, #tpu.memory_space<vmem>>
    %dma_wait3A_52 = tpu.memref_squeeze %dma_wait3A_51 : memref<1x64x128xf32, #tpu.memory_space<vmem>> -> memref<64x128xf32, #tpu.memory_space<vmem>>
    tpu.wait_dma2 semaphore(%dma_wait3A_45 : memref<!tpu.dma_semaphore, #tpu.memory_space<semaphore_mem>>) src(%dma_wait3A_52 : memref<64x128xf32, #tpu.memory_space<vmem>>) dst(%dma_wait3A_48 : memref<64x128xf32, #tpu.memory_space<hbm>>)
    %add3A_53 = arith.constant 0 : i32
    %add3A_54 = arith.addi %mul3A_2, %add3A_53 : i32
    %add3A_55 = arith.constant 128 : i32
    %add3A_56 = arith.addi %add3A_54, %add3A_55 : i32
    %multiple_of3A_57 = tpu.assume_multiple %add3A_56, 128 : i32
    %scan3A_58 = arith.constant 0 : i32
    %scan3A_59 = arith.constant 0 : i32
    %scan3A_60 = arith.constant 200 : i32
    %scan3A_61 = arith.addi %scan3A_59, %scan3A_60 : i32
    %scan3A_62 = arith.constant 1 : i32
    scf.for %scan3A_209 = %scan3A_59 to %scan3A_61 step %scan3A_62  : i32 {
      %mul3A_210 = arith.constant 2 : i32
      %mul3A_211 = arith.muli %scan3A_209, %mul3A_210 : i32
      %add3A_212 = arith.constant 1 : i32
      %add3A_213 = arith.addi %mul3A_211, %add3A_212 : i32
      %rem3A_214 = arith.constant 4 : i32
      %rem3A_215 = arith.remsi %add3A_213, %rem3A_214 : i32
      %ge3A = arith.constant 2 : i32
      %ge3A_216 = arith.cmpi sge, %scan3A_209, %ge3A : i32
      %convert_element_type3A = arith.extui %ge3A_216 : i1 to i32
      %cond3A = arith.constant 0 : i32
      %cond3A_217 = arith.cmpi ne, %convert_element_type3A, %cond3A : i32
      scf.if %cond3A_217 {
        %sub3A = arith.constant 2 : i32
        %sub3A_290 = arith.subi %scan3A_209, %sub3A : i32
        %dma_wait3A_291 = arith.constant 0 : i32
        %dma_wait3A_292 = arith.constant 0 : i32
        %dma_wait3A_293 = tpu.memref_slice %arg7[%rem3A_215, %dma_wait3A_291, %dma_wait3A_292] : memref<4x64x128xf32, #tpu.memory_space<vmem>> -> memref<1x64x128xf32, #tpu.memory_space<vmem>>
        %dma_wait3A_294 = tpu.memref_squeeze %dma_wait3A_293 : memref<1x64x128xf32, #tpu.memory_space<vmem>> -> memref<64x128xf32, #tpu.memory_space<vmem>>
        %dma_wait3A_295 = arith.constant 0 : i32
        %dma_wait3A_296 = tpu.memref_slice %arg4[%sub3A_290, %dma_wait3A_295, %multiple_of3A_57] : memref<200x64x16384xf32, #tpu.memory_space<hbm>> -> memref<1x64x128xf32, #tpu.memory_space<hbm>>
        %dma_wait3A_297 = tpu.memref_squeeze %dma_wait3A_296 : memref<1x64x128xf32, #tpu.memory_space<hbm>> -> memref<64x128xf32, #tpu.memory_space<hbm>>
        %dma_wait3A_298 = tpu.memref_slice %arg8[%rem3A_215] : memref<4x!tpu.dma_semaphore, #tpu.memory_space<semaphore_mem>> -> memref<1x!tpu.dma_semaphore, #tpu.memory_space<semaphore_mem>>
        %dma_wait3A_299 = tpu.memref_squeeze %dma_wait3A_298 : memref<1x!tpu.dma_semaphore, #tpu.memory_space<semaphore_mem>> -> memref<!tpu.dma_semaphore, #tpu.memory_space<semaphore_mem>>
        %dma_wait3A_300 = arith.constant 0 : i32
        %dma_wait3A_301 = tpu.memref_slice %arg4[%sub3A_290, %dma_wait3A_300, %multiple_of3A_57] : memref<200x64x16384xf32, #tpu.memory_space<hbm>> -> memref<1x64x128xf32, #tpu.memory_space<hbm>>
        %dma_wait3A_302 = tpu.memref_squeeze %dma_wait3A_301 : memref<1x64x128xf32, #tpu.memory_space<hbm>> -> memref<64x128xf32, #tpu.memory_space<hbm>>
        %dma_wait3A_303 = arith.constant 0 : i32
        %dma_wait3A_304 = arith.constant 0 : i32
        %dma_wait3A_305 = tpu.memref_slice %arg7[%rem3A_215, %dma_wait3A_303, %dma_wait3A_304] : memref<4x64x128xf32, #tpu.memory_space<vmem>> -> memref<1x64x128xf32, #tpu.memory_space<vmem>>
        %dma_wait3A_306 = tpu.memref_squeeze %dma_wait3A_305 : memref<1x64x128xf32, #tpu.memory_space<vmem>> -> memref<64x128xf32, #tpu.memory_space<vmem>>
        tpu.wait_dma2 semaphore(%dma_wait3A_299 : memref<!tpu.dma_semaphore, #tpu.memory_space<semaphore_mem>>) src(%dma_wait3A_306 : memref<64x128xf32, #tpu.memory_space<vmem>>) dst(%dma_wait3A_302 : memref<64x128xf32, #tpu.memory_space<hbm>>)
      } else {
      }
      %get3A = arith.index_cast %scan3A_209 : i32 to index
      %get3A_218 = arith.constant 128 : index
      %get3A_219 = tpu.vector_load %arg5[%get3A, %get3A_218] {strides = array<i32>} : memref<200x256xi32, #tpu.memory_space<vmem>>, vector<1x16xi32>,
      %get3A_220 = vector.shape_cast %get3A_219 : vector<1x16xi32> to vector<16xi32>
      %rem3A_221 = arith.constant 7 : i32
      %rem3A_222 = vector.broadcast %rem3A_221 : i32 to vector<16xi32>
      %rem3A_223 = arith.remsi %get3A_220, %rem3A_222 : vector<16xi32>
      %get3A_224 = arith.index_cast %scan3A_209 : i32 to index
      %get3A_225 = arith.constant 144 : index
      %get3A_226 = tpu.vector_load %arg5[%get3A_224, %get3A_225] {strides = array<i32>} : memref<200x256xi32, #tpu.memory_space<vmem>>, vector<1x16xi32>,
      %get3A_227 = vector.shape_cast %get3A_226 : vector<1x16xi32> to vector<16xi32>
      %rem3A_228 = arith.constant 7 : i32
      %rem3A_229 = vector.broadcast %rem3A_228 : i32 to vector<16xi32>
      %rem3A_230 = arith.remsi %get3A_227, %rem3A_229 : vector<16xi32>
      %get3A_231 = arith.index_cast %scan3A_209 : i32 to index
      %get3A_232 = arith.constant 160 : index
      %get3A_233 = tpu.vector_load %arg5[%get3A_231, %get3A_232] {strides = array<i32>} : memref<200x256xi32, #tpu.memory_space<vmem>>, vector<1x16xi32>,
      %get3A_234 = vector.shape_cast %get3A_233 : vector<1x16xi32> to vector<16xi32>
      %rem3A_235 = arith.constant 7 : i32
      %rem3A_236 = vector.broadcast %rem3A_235 : i32 to vector<16xi32>
      %rem3A_237 = arith.remsi %get3A_234, %rem3A_236 : vector<16xi32>
      %get3A_238 = arith.index_cast %scan3A_209 : i32 to index
      %get3A_239 = arith.constant 176 : index
      %get3A_240 = tpu.vector_load %arg5[%get3A_238, %get3A_239] {strides = array<i32>} : memref<200x256xi32, #tpu.memory_space<vmem>>, vector<1x16xi32>,
      %get3A_241 = vector.shape_cast %get3A_240 : vector<1x16xi32> to vector<16xi32>
      %rem3A_242 = arith.constant 7 : i32
      %rem3A_243 = vector.broadcast %rem3A_242 : i32 to vector<16xi32>
      %rem3A_244 = arith.remsi %get3A_241, %rem3A_243 : vector<16xi32>
      %get3A_245 = arith.index_cast %scan3A_209 : i32 to index
      %get3A_246 = arith.constant 192 : index
      %get3A_247 = tpu.vector_load %arg5[%get3A_245, %get3A_246] {strides = array<i32>} : memref<200x256xi32, #tpu.memory_space<vmem>>, vector<1x16xi32>,
      %get3A_248 = vector.shape_cast %get3A_247 : vector<1x16xi32> to vector<16xi32>
      %rem3A_249 = arith.constant 7 : i32
      %rem3A_250 = vector.broadcast %rem3A_249 : i32 to vector<16xi32>
      %rem3A_251 = arith.remsi %get3A_248, %rem3A_250 : vector<16xi32>
      %get3A_252 = arith.index_cast %scan3A_209 : i32 to index
      %get3A_253 = arith.constant 208 : index
      %get3A_254 = tpu.vector_load %arg5[%get3A_252, %get3A_253] {strides = array<i32>} : memref<200x256xi32, #tpu.memory_space<vmem>>, vector<1x16xi32>,
      %get3A_255 = vector.shape_cast %get3A_254 : vector<1x16xi32> to vector<16xi32>
      %rem3A_256 = arith.constant 7 : i32
      %rem3A_257 = vector.broadcast %rem3A_256 : i32 to vector<16xi32>
      %rem3A_258 = arith.remsi %get3A_255, %rem3A_257 : vector<16xi32>
      %get3A_259 = arith.index_cast %scan3A_209 : i32 to index
      %get3A_260 = arith.constant 224 : index
      %get3A_261 = tpu.vector_load %arg5[%get3A_259, %get3A_260] {strides = array<i32>} : memref<200x256xi32, #tpu.memory_space<vmem>>, vector<1x16xi32>,
      %get3A_262 = vector.shape_cast %get3A_261 : vector<1x16xi32> to vector<16xi32>
      %rem3A_263 = arith.constant 7 : i32
      %rem3A_264 = vector.broadcast %rem3A_263 : i32 to vector<16xi32>
      %rem3A_265 = arith.remsi %get3A_262, %rem3A_264 : vector<16xi32>
      %get3A_266 = arith.index_cast %scan3A_209 : i32 to index
      %get3A_267 = arith.constant 240 : index
      %get3A_268 = tpu.vector_load %arg5[%get3A_266, %get3A_267] {strides = array<i32>} : memref<200x256xi32, #tpu.memory_space<vmem>>, vector<1x16xi32>,
      %get3A_269 = vector.shape_cast %get3A_268 : vector<1x16xi32> to vector<16xi32>
      %rem3A_270 = arith.constant 7 : i32
      %rem3A_271 = vector.broadcast %rem3A_270 : i32 to vector<16xi32>
      %rem3A_272 = arith.remsi %get3A_269, %rem3A_271 : vector<16xi32>
      %parallel_loop3A = arith.constant 0 : i32
      %parallel_loop3A_273 = arith.constant 64 : i32
      %parallel_loop3A_274 = arith.constant 1 : i32
      scf.for %parallel_loop3A_290 = %parallel_loop3A to %parallel_loop3A_273 step %parallel_loop3A_274  : i32 {
        %parallel_loop3A_291 = arith.index_cast %parallel_loop3A_290 : i32 to index
        %parallel_loop3A_292 = arith.constant 0 : index
        %parallel_loop3A_293 = tpu.vector_load %arg6[%parallel_loop3A_291, %parallel_loop3A_292] {strides = array<i32>} : memref<64x128xf32, #tpu.memory_space<vmem>>, vector<1x16xf32>,
        %parallel_loop3A_294 = vector.shape_cast %parallel_loop3A_293 : vector<1x16xf32> to vector<16xf32>
        %parallel_loop3A_295 = arith.constant 0 : i32
        %parallel_loop3A_296 = vector.broadcast %parallel_loop3A_295 : i32 to vector<16xi32>
        %parallel_loop3A_297 = arith.cmpi slt, %rem3A_223, %parallel_loop3A_296 : vector<16xi32>
        %parallel_loop3A_298 = arith.constant 16 : i32
        %parallel_loop3A_299 = vector.broadcast %parallel_loop3A_298 : i32 to vector<16xi32>
        %parallel_loop3A_300 = arith.addi %rem3A_223, %parallel_loop3A_299 : vector<16xi32>
        %parallel_loop3A_301 = arith.select %parallel_loop3A_297, %parallel_loop3A_300, %rem3A_223 : vector<16xi1>, vector<16xi32>
        %parallel_loop3A_302 = vector.shape_cast %parallel_loop3A_301 : vector<16xi32> to vector<16x1xi32>
        %parallel_loop3A_303 = vector.shape_cast %parallel_loop3A_302 : vector<16x1xi32> to vector<16xi32>
        %parallel_loop3A_304 = tpu.dynamic_gather %parallel_loop3A_294[%parallel_loop3A_303] in [0] : vector<16xf32>, vector<16xi32> -> vector<16xf32>
        %parallel_loop3A_305 = arith.index_cast %rem3A_215 : i32 to index
        %parallel_loop3A_306 = arith.index_cast %parallel_loop3A_290 : i32 to index
        %parallel_loop3A_307 = arith.constant 0 : index
        %parallel_loop3A_308 = tpu.vector_load %arg7[%parallel_loop3A_305, %parallel_loop3A_306, %parallel_loop3A_307] {strides = array<i32>} : memref<4x64x128xf32, #tpu.memory_space<vmem>>, vector<1x1x16xf32>,
        %parallel_loop3A_309 = vector.shape_cast %parallel_loop3A_308 : vector<1x1x16xf32> to vector<16xf32>
        %parallel_loop3A_310 = vector.shape_cast %parallel_loop3A_304 : vector<16xf32> to vector<1x1x16xf32>
        tpu.vector_store %arg7[%parallel_loop3A_305, %parallel_loop3A_306, %parallel_loop3A_307], %parallel_loop3A_310 {strides = array<i32>} : memref<4x64x128xf32, #tpu.memory_space<vmem>>, vector<1x1x16xf32>,
        %parallel_loop3A_311 = arith.constant 0 : i32
        %parallel_loop3A_312 = vector.broadcast %parallel_loop3A_311 : i32 to vector<16xi32>
        %parallel_loop3A_313 = arith.cmpi slt, %rem3A_230, %parallel_loop3A_312 : vector<16xi32>
        %parallel_loop3A_314 = arith.constant 16 : i32
        %parallel_loop3A_315 = vector.broadcast %parallel_loop3A_314 : i32 to vector<16xi32>
        %parallel_loop3A_316 = arith.addi %rem3A_230, %parallel_loop3A_315 : vector<16xi32>
        %parallel_loop3A_317 = arith.select %parallel_loop3A_313, %parallel_loop3A_316, %rem3A_230 : vector<16xi1>, vector<16xi32>
        %parallel_loop3A_318 = vector.shape_cast %parallel_loop3A_317 : vector<16xi32> to vector<16x1xi32>
        %parallel_loop3A_319 = vector.shape_cast %parallel_loop3A_318 : vector<16x1xi32> to vector<16xi32>
        %parallel_loop3A_320 = tpu.dynamic_gather %parallel_loop3A_294[%parallel_loop3A_319] in [0] : vector<16xf32>, vector<16xi32> -> vector<16xf32>
        %parallel_loop3A_321 = arith.index_cast %rem3A_215 : i32 to index
        %parallel_loop3A_322 = arith.index_cast %parallel_loop3A_290 : i32 to index
        %parallel_loop3A_323 = arith.constant 16 : index
        %parallel_loop3A_324 = tpu.vector_load %arg7[%parallel_loop3A_321, %parallel_loop3A_322, %parallel_loop3A_323] {strides = array<i32>} : memref<4x64x128xf32, #tpu.memory_space<vmem>>, vector<1x1x16xf32>,
        %parallel_loop3A_325 = vector.shape_cast %parallel_loop3A_324 : vector<1x1x16xf32> to vector<16xf32>
        %parallel_loop3A_326 = vector.shape_cast %parallel_loop3A_320 : vector<16xf32> to vector<1x1x16xf32>
        tpu.vector_store %arg7[%parallel_loop3A_321, %parallel_loop3A_322, %parallel_loop3A_323], %parallel_loop3A_326 {strides = array<i32>} : memref<4x64x128xf32, #tpu.memory_space<vmem>>, vector<1x1x16xf32>,
        %parallel_loop3A_327 = arith.constant 0 : i32
        %parallel_loop3A_328 = vector.broadcast %parallel_loop3A_327 : i32 to vector<16xi32>
        %parallel_loop3A_329 = arith.cmpi slt, %rem3A_237, %parallel_loop3A_328 : vector<16xi32>
        %parallel_loop3A_330 = arith.constant 16 : i32
        %parallel_loop3A_331 = vector.broadcast %parallel_loop3A_330 : i32 to vector<16xi32>
        %parallel_loop3A_332 = arith.addi %rem3A_237, %parallel_loop3A_331 : vector<16xi32>
        %parallel_loop3A_333 = arith.select %parallel_loop3A_329, %parallel_loop3A_332, %rem3A_237 : vector<16xi1>, vector<16xi32>
        %parallel_loop3A_334 = vector.shape_cast %parallel_loop3A_333 : vector<16xi32> to vector<16x1xi32>
        %parallel_loop3A_335 = vector.shape_cast %parallel_loop3A_334 : vector<16x1xi32> to vector<16xi32>
        %parallel_loop3A_336 = tpu.dynamic_gather %parallel_loop3A_294[%parallel_loop3A_335] in [0] : vector<16xf32>, vector<16xi32> -> vector<16xf32>
        %parallel_loop3A_337 = arith.index_cast %rem3A_215 : i32 to index
        %parallel_loop3A_338 = arith.index_cast %parallel_loop3A_290 : i32 to index
        %parallel_loop3A_339 = arith.constant 32 : index
        %parallel_loop3A_340 = tpu.vector_load %arg7[%parallel_loop3A_337, %parallel_loop3A_338, %parallel_loop3A_339] {strides = array<i32>} : memref<4x64x128xf32, #tpu.memory_space<vmem>>, vector<1x1x16xf32>,
        %parallel_loop3A_341 = vector.shape_cast %parallel_loop3A_340 : vector<1x1x16xf32> to vector<16xf32>
        %parallel_loop3A_342 = vector.shape_cast %parallel_loop3A_336 : vector<16xf32> to vector<1x1x16xf32>
        tpu.vector_store %arg7[%parallel_loop3A_337, %parallel_loop3A_338, %parallel_loop3A_339], %parallel_loop3A_342 {strides = array<i32>} : memref<4x64x128xf32, #tpu.memory_space<vmem>>, vector<1x1x16xf32>,
        %parallel_loop3A_343 = arith.constant 0 : i32
        %parallel_loop3A_344 = vector.broadcast %parallel_loop3A_343 : i32 to vector<16xi32>
        %parallel_loop3A_345 = arith.cmpi slt, %rem3A_244, %parallel_loop3A_344 : vector<16xi32>
        %parallel_loop3A_346 = arith.constant 16 : i32
        %parallel_loop3A_347 = vector.broadcast %parallel_loop3A_346 : i32 to vector<16xi32>
        %parallel_loop3A_348 = arith.addi %rem3A_244, %parallel_loop3A_347 : vector<16xi32>
        %parallel_loop3A_349 = arith.select %parallel_loop3A_345, %parallel_loop3A_348, %rem3A_244 : vector<16xi1>, vector<16xi32>
        %parallel_loop3A_350 = vector.shape_cast %parallel_loop3A_349 : vector<16xi32> to vector<16x1xi32>
        %parallel_loop3A_351 = vector.shape_cast %parallel_loop3A_350 : vector<16x1xi32> to vector<16xi32>
        %parallel_loop3A_352 = tpu.dynamic_gather %parallel_loop3A_294[%parallel_loop3A_351] in [0] : vector<16xf32>, vector<16xi32> -> vector<16xf32>
        %parallel_loop3A_353 = arith.index_cast %rem3A_215 : i32 to index
        %parallel_loop3A_354 = arith.index_cast %parallel_loop3A_290 : i32 to index
        %parallel_loop3A_355 = arith.constant 48 : index
        %parallel_loop3A_356 = tpu.vector_load %arg7[%parallel_loop3A_353, %parallel_loop3A_354, %parallel_loop3A_355] {strides = array<i32>} : memref<4x64x128xf32, #tpu.memory_space<vmem>>, vector<1x1x16xf32>,
        %parallel_loop3A_357 = vector.shape_cast %parallel_loop3A_356 : vector<1x1x16xf32> to vector<16xf32>
        %parallel_loop3A_358 = vector.shape_cast %parallel_loop3A_352 : vector<16xf32> to vector<1x1x16xf32>
        tpu.vector_store %arg7[%parallel_loop3A_353, %parallel_loop3A_354, %parallel_loop3A_355], %parallel_loop3A_358 {strides = array<i32>} : memref<4x64x128xf32, #tpu.memory_space<vmem>>, vector<1x1x16xf32>,
        %parallel_loop3A_359 = arith.constant 0 : i32
        %parallel_loop3A_360 = vector.broadcast %parallel_loop3A_359 : i32 to vector<16xi32>
        %parallel_loop3A_361 = arith.cmpi slt, %rem3A_251, %parallel_loop3A_360 : vector<16xi32>
        %parallel_loop3A_362 = arith.constant 16 : i32
        %parallel_loop3A_363 = vector.broadcast %parallel_loop3A_362 : i32 to vector<16xi32>
        %parallel_loop3A_364 = arith.addi %rem3A_251, %parallel_loop3A_363 : vector<16xi32>
        %parallel_loop3A_365 = arith.select %parallel_loop3A_361, %parallel_loop3A_364, %rem3A_251 : vector<16xi1>, vector<16xi32>
        %parallel_loop3A_366 = vector.shape_cast %parallel_loop3A_365 : vector<16xi32> to vector<16x1xi32>
        %parallel_loop3A_367 = vector.shape_cast %parallel_loop3A_366 : vector<16x1xi32> to vector<16xi32>
        %parallel_loop3A_368 = tpu.dynamic_gather %parallel_loop3A_294[%parallel_loop3A_367] in [0] : vector<16xf32>, vector<16xi32> -> vector<16xf32>
        %parallel_loop3A_369 = arith.index_cast %rem3A_215 : i32 to index
        %parallel_loop3A_370 = arith.index_cast %parallel_loop3A_290 : i32 to index
        %parallel_loop3A_371 = arith.constant 64 : index
        %parallel_loop3A_372 = tpu.vector_load %arg7[%parallel_loop3A_369, %parallel_loop3A_370, %parallel_loop3A_371] {strides = array<i32>} : memref<4x64x128xf32, #tpu.memory_space<vmem>>, vector<1x1x16xf32>,
        %parallel_loop3A_373 = vector.shape_cast %parallel_loop3A_372 : vector<1x1x16xf32> to vector<16xf32>
        %parallel_loop3A_374 = vector.shape_cast %parallel_loop3A_368 : vector<16xf32> to vector<1x1x16xf32>
        tpu.vector_store %arg7[%parallel_loop3A_369, %parallel_loop3A_370, %parallel_loop3A_371], %parallel_loop3A_374 {strides = array<i32>} : memref<4x64x128xf32, #tpu.memory_space<vmem>>, vector<1x1x16xf32>,
        %parallel_loop3A_375 = arith.constant 0 : i32
        %parallel_loop3A_376 = vector.broadcast %parallel_loop3A_375 : i32 to vector<16xi32>
        %parallel_loop3A_377 = arith.cmpi slt, %rem3A_258, %parallel_loop3A_376 : vector<16xi32>
        %parallel_loop3A_378 = arith.constant 16 : i32
        %parallel_loop3A_379 = vector.broadcast %parallel_loop3A_378 : i32 to vector<16xi32>
        %parallel_loop3A_380 = arith.addi %rem3A_258, %parallel_loop3A_379 : vector<16xi32>
        %parallel_loop3A_381 = arith.select %parallel_loop3A_377, %parallel_loop3A_380, %rem3A_258 : vector<16xi1>, vector<16xi32>
        %parallel_loop3A_382 = vector.shape_cast %parallel_loop3A_381 : vector<16xi32> to vector<16x1xi32>
        %parallel_loop3A_383 = vector.shape_cast %parallel_loop3A_382 : vector<16x1xi32> to vector<16xi32>
        %parallel_loop3A_384 = tpu.dynamic_gather %parallel_loop3A_294[%parallel_loop3A_383] in [0] : vector<16xf32>, vector<16xi32> -> vector<16xf32>
        %parallel_loop3A_385 = arith.index_cast %rem3A_215 : i32 to index
        %parallel_loop3A_386 = arith.index_cast %parallel_loop3A_290 : i32 to index
        %parallel_loop3A_387 = arith.constant 80 : index
        %parallel_loop3A_388 = tpu.vector_load %arg7[%parallel_loop3A_385, %parallel_loop3A_386, %parallel_loop3A_387] {strides = array<i32>} : memref<4x64x128xf32, #tpu.memory_space<vmem>>, vector<1x1x16xf32>,
        %parallel_loop3A_389 = vector.shape_cast %parallel_loop3A_388 : vector<1x1x16xf32> to vector<16xf32>
        %parallel_loop3A_390 = vector.shape_cast %parallel_loop3A_384 : vector<16xf32> to vector<1x1x16xf32>
        tpu.vector_store %arg7[%parallel_loop3A_385, %parallel_loop3A_386, %parallel_loop3A_387], %parallel_loop3A_390 {strides = array<i32>} : memref<4x64x128xf32, #tpu.memory_space<vmem>>, vector<1x1x16xf32>,
        %parallel_loop3A_391 = arith.constant 0 : i32
        %parallel_loop3A_392 = vector.broadcast %parallel_loop3A_391 : i32 to vector<16xi32>
        %parallel_loop3A_393 = arith.cmpi slt, %rem3A_265, %parallel_loop3A_392 : vector<16xi32>
        %parallel_loop3A_394 = arith.constant 16 : i32
        %parallel_loop3A_395 = vector.broadcast %parallel_loop3A_394 : i32 to vector<16xi32>
        %parallel_loop3A_396 = arith.addi %rem3A_265, %parallel_loop3A_395 : vector<16xi32>
        %parallel_loop3A_397 = arith.select %parallel_loop3A_393, %parallel_loop3A_396, %rem3A_265 : vector<16xi1>, vector<16xi32>
        %parallel_loop3A_398 = vector.shape_cast %parallel_loop3A_397 : vector<16xi32> to vector<16x1xi32>
        %parallel_loop3A_399 = vector.shape_cast %parallel_loop3A_398 : vector<16x1xi32> to vector<16xi32>
        %parallel_loop3A_400 = tpu.dynamic_gather %parallel_loop3A_294[%parallel_loop3A_399] in [0] : vector<16xf32>, vector<16xi32> -> vector<16xf32>
        %parallel_loop3A_401 = arith.index_cast %rem3A_215 : i32 to index
        %parallel_loop3A_402 = arith.index_cast %parallel_loop3A_290 : i32 to index
        %parallel_loop3A_403 = arith.constant 96 : index
        %parallel_loop3A_404 = tpu.vector_load %arg7[%parallel_loop3A_401, %parallel_loop3A_402, %parallel_loop3A_403] {strides = array<i32>} : memref<4x64x128xf32, #tpu.memory_space<vmem>>, vector<1x1x16xf32>,
        %parallel_loop3A_405 = vector.shape_cast %parallel_loop3A_404 : vector<1x1x16xf32> to vector<16xf32>
        %parallel_loop3A_406 = vector.shape_cast %parallel_loop3A_400 : vector<16xf32> to vector<1x1x16xf32>
        tpu.vector_store %arg7[%parallel_loop3A_401, %parallel_loop3A_402, %parallel_loop3A_403], %parallel_loop3A_406 {strides = array<i32>} : memref<4x64x128xf32, #tpu.memory_space<vmem>>, vector<1x1x16xf32>,
        %parallel_loop3A_407 = arith.constant 0 : i32
        %parallel_loop3A_408 = vector.broadcast %parallel_loop3A_407 : i32 to vector<16xi32>
        %parallel_loop3A_409 = arith.cmpi slt, %rem3A_272, %parallel_loop3A_408 : vector<16xi32>
        %parallel_loop3A_410 = arith.constant 16 : i32
        %parallel_loop3A_411 = vector.broadcast %parallel_loop3A_410 : i32 to vector<16xi32>
        %parallel_loop3A_412 = arith.addi %rem3A_272, %parallel_loop3A_411 : vector<16xi32>
        %parallel_loop3A_413 = arith.select %parallel_loop3A_409, %parallel_loop3A_412, %rem3A_272 : vector<16xi1>, vector<16xi32>
        %parallel_loop3A_414 = vector.shape_cast %parallel_loop3A_413 : vector<16xi32> to vector<16x1xi32>
        %parallel_loop3A_415 = vector.shape_cast %parallel_loop3A_414 : vector<16x1xi32> to vector<16xi32>
        %parallel_loop3A_416 = tpu.dynamic_gather %parallel_loop3A_294[%parallel_loop3A_415] in [0] : vector<16xf32>, vector<16xi32> -> vector<16xf32>
        %parallel_loop3A_417 = arith.index_cast %rem3A_215 : i32 to index
        %parallel_loop3A_418 = arith.index_cast %parallel_loop3A_290 : i32 to index
        %parallel_loop3A_419 = arith.constant 112 : index
        %parallel_loop3A_420 = tpu.vector_load %arg7[%parallel_loop3A_417, %parallel_loop3A_418, %parallel_loop3A_419] {strides = array<i32>} : memref<4x64x128xf32, #tpu.memory_space<vmem>>, vector<1x1x16xf32>,
        %parallel_loop3A_421 = vector.shape_cast %parallel_loop3A_420 : vector<1x1x16xf32> to vector<16xf32>
        %parallel_loop3A_422 = vector.shape_cast %parallel_loop3A_416 : vector<16xf32> to vector<1x1x16xf32>
        tpu.vector_store %arg7[%parallel_loop3A_417, %parallel_loop3A_418, %parallel_loop3A_419], %parallel_loop3A_422 {strides = array<i32>} : memref<4x64x128xf32, #tpu.memory_space<vmem>>, vector<1x1x16xf32>,
      } {sc.loop_unroll_factor = 2 : i64, sc.parallel_access}
      %dma_start3A = arith.constant 0 : i32
      %dma_start3A_275 = arith.constant 0 : i32
      %dma_start3A_276 = tpu.memref_slice %arg7[%rem3A_215, %dma_start3A, %dma_start3A_275] : memref<4x64x128xf32, #tpu.memory_space<vmem>> -> memref<1x64x128xf32, #tpu.memory_space<vmem>>
      %dma_start3A_277 = tpu.memref_squeeze %dma_start3A_276 : memref<1x64x128xf32, #tpu.memory_space<vmem>> -> memref<64x128xf32, #tpu.memory_space<vmem>>
      %dma_start3A_278 = arith.constant 0 : i32
      %dma_start3A_279 = tpu.memref_slice %arg4[%scan3A_209, %dma_start3A_278, %multiple_of3A_57] : memref<200x64x16384xf32, #tpu.memory_space<hbm>> -> memref<1x64x128xf32, #tpu.memory_space<hbm>>
      %dma_start3A_280 = tpu.memref_squeeze %dma_start3A_279 : memref<1x64x128xf32, #tpu.memory_space<hbm>> -> memref<64x128xf32, #tpu.memory_space<hbm>>
      %dma_start3A_281 = tpu.memref_slice %arg8[%rem3A_215] : memref<4x!tpu.dma_semaphore, #tpu.memory_space<semaphore_mem>> -> memref<1x!tpu.dma_semaphore, #tpu.memory_space<semaphore_mem>>
      %dma_start3A_282 = tpu.memref_squeeze %dma_start3A_281 : memref<1x!tpu.dma_semaphore, #tpu.memory_space<semaphore_mem>> -> memref<!tpu.dma_semaphore, #tpu.memory_space<semaphore_mem>>
      %dma_start3A_283 = arith.constant 0 : i32
      %dma_start3A_284 = tpu.memref_slice %arg4[%scan3A_209, %dma_start3A_283, %multiple_of3A_57] : memref<200x64x16384xf32, #tpu.memory_space<hbm>> -> memref<1x64x128xf32, #tpu.memory_space<hbm>>
      %dma_start3A_285 = tpu.memref_squeeze %dma_start3A_284 : memref<1x64x128xf32, #tpu.memory_space<hbm>> -> memref<64x128xf32, #tpu.memory_space<hbm>>
      %dma_start3A_286 = arith.constant 0 : i32
      %dma_start3A_287 = arith.constant 0 : i32
      %dma_start3A_288 = tpu.memref_slice %arg7[%rem3A_215, %dma_start3A_286, %dma_start3A_287] : memref<4x64x128xf32, #tpu.memory_space<vmem>> -> memref<1x64x128xf32, #tpu.memory_space<vmem>>
      %dma_start3A_289 = tpu.memref_squeeze %dma_start3A_288 : memref<1x64x128xf32, #tpu.memory_space<vmem>> -> memref<64x128xf32, #tpu.memory_space<vmem>>
      tpu.enqueue_dma source(%dma_start3A_289 : memref<64x128xf32, #tpu.memory_space<vmem>>) target(%dma_start3A_285 : memref<64x128xf32, #tpu.memory_space<hbm>>) target_semaphore(%dma_start3A_282 : memref<!tpu.dma_semaphore, #tpu.memory_space<semaphore_mem>>)
    }
    %scan3A_63 = arith.constant 200 : i32
    %rem3A_64 = arith.constant 397 : i32
    %rem3A_65 = arith.constant 4 : i32
    %rem3A_66 = arith.remsi %rem3A_64, %rem3A_65 : i32
    %dma_wait3A_67 = arith.constant 198 : i32
    %dma_wait3A_68 = arith.constant 0 : i32
    %dma_wait3A_69 = arith.constant 0 : i32
    %dma_wait3A_70 = tpu.memref_slice %arg7[%rem3A_66, %dma_wait3A_68, %dma_wait3A_69] : memref<4x64x128xf32, #tpu.memory_space<vmem>> -> memref<1x64x128xf32, #tpu.memory_space<vmem>>
    %dma_wait3A_71 = tpu.memref_squeeze %dma_wait3A_70 : memref<1x64x128xf32, #tpu.memory_space<vmem>> -> memref<64x128xf32, #tpu.memory_space<vmem>>
    %dma_wait3A_72 = arith.constant 0 : i32
    %dma_wait3A_73 = tpu.memref_slice %arg4[%dma_wait3A_67, %dma_wait3A_72, %multiple_of3A_57] : memref<200x64x16384xf32, #tpu.memory_space<hbm>> -> memref<1x64x128xf32, #tpu.memory_space<hbm>>
    %dma_wait3A_74 = tpu.memref_squeeze %dma_wait3A_73 : memref<1x64x128xf32, #tpu.memory_space<hbm>> -> memref<64x128xf32, #tpu.memory_space<hbm>>
    %dma_wait3A_75 = tpu.memref_slice %arg8[%rem3A_66] : memref<4x!tpu.dma_semaphore, #tpu.memory_space<semaphore_mem>> -> memref<1x!tpu.dma_semaphore, #tpu.memory_space<semaphore_mem>>
    %dma_wait3A_76 = tpu.memref_squeeze %dma_wait3A_75 : memref<1x!tpu.dma_semaphore, #tpu.memory_space<semaphore_mem>> -> memref<!tpu.dma_semaphore, #tpu.memory_space<semaphore_mem>>
    %dma_wait3A_77 = arith.constant 0 : i32
    %dma_wait3A_78 = tpu.memref_slice %arg4[%dma_wait3A_67, %dma_wait3A_77, %multiple_of3A_57] : memref<200x64x16384xf32, #tpu.memory_space<hbm>> -> memref<1x64x128xf32, #tpu.memory_space<hbm>>
    %dma_wait3A_79 = tpu.memref_squeeze %dma_wait3A_78 : memref<1x64x128xf32, #tpu.memory_space<hbm>> -> memref<64x128xf32, #tpu.memory_space<hbm>>
    %dma_wait3A_80 = arith.constant 0 : i32
    %dma_wait3A_81 = arith.constant 0 : i32
    %dma_wait3A_82 = tpu.memref_slice %arg7[%rem3A_66, %dma_wait3A_80, %dma_wait3A_81] : memref<4x64x128xf32, #tpu.memory_space<vmem>> -> memref<1x64x128xf32, #tpu.memory_space<vmem>>
    %dma_wait3A_83 = tpu.memref_squeeze %dma_wait3A_82 : memref<1x64x128xf32, #tpu.memory_space<vmem>> -> memref<64x128xf32, #tpu.memory_space<vmem>>
    tpu.wait_dma2 semaphore(%dma_wait3A_76 : memref<!tpu.dma_semaphore, #tpu.memory_space<semaphore_mem>>) src(%dma_wait3A_83 : memref<64x128xf32, #tpu.memory_space<vmem>>) dst(%dma_wait3A_79 : memref<64x128xf32, #tpu.memory_space<hbm>>)
    %rem3A_84 = arith.constant 399 : i32
    %rem3A_85 = arith.constant 4 : i32
    %rem3A_86 = arith.remsi %rem3A_84, %rem3A_85 : i32
    %dma_wait3A_87 = arith.constant 199 : i32
    %dma_wait3A_88 = arith.constant 0 : i32
    %dma_wait3A_89 = arith.constant 0 : i32
    %dma_wait3A_90 = tpu.memref_slice %arg7[%rem3A_86, %dma_wait3A_88, %dma_wait3A_89] : memref<4x64x128xf32, #tpu.memory_space<vmem>> -> memref<1x64x128xf32, #tpu.memory_space<vmem>>
    %dma_wait3A_91 = tpu.memref_squeeze %dma_wait3A_90 : memref<1x64x128xf32, #tpu.memory_space<vmem>> -> memref<64x128xf32, #tpu.memory_space<vmem>>
    %dma_wait3A_92 = arith.constant 0 : i32
    %dma_wait3A_93 = tpu.memref_slice %arg4[%dma_wait3A_87, %dma_wait3A_92, %multiple_of3A_57] : memref<200x64x16384xf32, #tpu.memory_space<hbm>> -> memref<1x64x128xf32, #tpu.memory_space<hbm>>
    %dma_wait3A_94 = tpu.memref_squeeze %dma_wait3A_93 : memref<1x64x128xf32, #tpu.memory_space<hbm>> -> memref<64x128xf32, #tpu.memory_space<hbm>>
    %dma_wait3A_95 = tpu.memref_slice %arg8[%rem3A_86] : memref<4x!tpu.dma_semaphore, #tpu.memory_space<semaphore_mem>> -> memref<1x!tpu.dma_semaphore, #tpu.memory_space<semaphore_mem>>
    %dma_wait3A_96 = tpu.memref_squeeze %dma_wait3A_95 : memref<1x!tpu.dma_semaphore, #tpu.memory_space<semaphore_mem>> -> memref<!tpu.dma_semaphore, #tpu.memory_space<semaphore_mem>>
    %dma_wait3A_97 = arith.constant 0 : i32
    %dma_wait3A_98 = tpu.memref_slice %arg4[%dma_wait3A_87, %dma_wait3A_97, %multiple_of3A_57] : memref<200x64x16384xf32, #tpu.memory_space<hbm>> -> memref<1x64x128xf32, #tpu.memory_space<hbm>>
    %dma_wait3A_99 = tpu.memref_squeeze %dma_wait3A_98 : memref<1x64x128xf32, #tpu.memory_space<hbm>> -> memref<64x128xf32, #tpu.memory_space<hbm>>
    %dma_wait3A_100 = arith.constant 0 : i32
    %dma_wait3A_101 = arith.constant 0 : i32
    %dma_wait3A_102 = tpu.memref_slice %arg7[%rem3A_86, %dma_wait3A_100, %dma_wait3A_101] : memref<4x64x128xf32, #tpu.memory_space<vmem>> -> memref<1x64x128xf32, #tpu.memory_space<vmem>>
    %dma_wait3A_103 = tpu.memref_squeeze %dma_wait3A_102 : memref<1x64x128xf32, #tpu.memory_space<vmem>> -> memref<64x128xf32, #tpu.memory_space<vmem>>
    tpu.wait_dma2 semaphore(%dma_wait3A_96 : memref<!tpu.dma_semaphore, #tpu.memory_space<semaphore_mem>>) src(%dma_wait3A_103 : memref<64x128xf32, #tpu.memory_space<vmem>>) dst(%dma_wait3A_99 : memref<64x128xf32, #tpu.memory_space<hbm>>)
    %add3A_104 = arith.constant 256 : i32
    %add3A_105 = arith.addi %mul3A_2, %add3A_104 : i32
    %multiple_of3A_106 = tpu.assume_multiple %add3A_105, 256 : i32
    "tpu.region"() ({
      %run_scoped3A = tpu.sem_alloc : memref<!tpu.dma_semaphore, #tpu.memory_space<semaphore_mem>>
      %dma_start3A = arith.constant 0 : i32
      %dma_start3A_209 = tpu.memref_slice %arg2[%dma_start3A, %multiple_of3A_106] : memref<200x16384xi32, #tpu.memory_space<hbm>> -> memref<200x256xi32, #tpu.memory_space<hbm>>
      %dma_start3A_210 = arith.constant 0 : i32
      %dma_start3A_211 = tpu.memref_slice %arg2[%dma_start3A_210, %multiple_of3A_106] : memref<200x16384xi32, #tpu.memory_space<hbm>> -> memref<200x256xi32, #tpu.memory_space<hbm>>
      tpu.enqueue_dma source(%dma_start3A_211 : memref<200x256xi32, #tpu.memory_space<hbm>>) target(%arg5 : memref<200x256xi32, #tpu.memory_space<vmem>>) target_semaphore(%run_scoped3A : memref<!tpu.dma_semaphore, #tpu.memory_space<semaphore_mem>>)
      %dma_wait3A_212 = arith.constant 0 : i32
      %dma_wait3A_213 = tpu.memref_slice %arg2[%dma_wait3A_212, %multiple_of3A_106] : memref<200x16384xi32, #tpu.memory_space<hbm>> -> memref<200x256xi32, #tpu.memory_space<hbm>>
      %dma_wait3A_214 = arith.constant 0 : i32
      %dma_wait3A_215 = tpu.memref_slice %arg2[%dma_wait3A_214, %multiple_of3A_106] : memref<200x16384xi32, #tpu.memory_space<hbm>> -> memref<200x256xi32, #tpu.memory_space<hbm>>
      tpu.wait_dma2 semaphore(%run_scoped3A : memref<!tpu.dma_semaphore, #tpu.memory_space<semaphore_mem>>) src(%dma_wait3A_215 : memref<200x256xi32, #tpu.memory_space<hbm>>) dst(%arg5 : memref<200x256xi32, #tpu.memory_space<vmem>>)
      tpu.yield
    }) : () -> ()
    %add3A_107 = arith.constant 256 : i32
    %add3A_108 = arith.addi %mul3A_2, %add3A_107 : i32
    %add3A_109 = arith.constant 0 : i32
    %add3A_110 = arith.addi %add3A_108, %add3A_109 : i32
    %multiple_of3A_111 = tpu.assume_multiple %add3A_110, 128 : i32
    %scan3A_112 = arith.constant 0 : i32
    %scan3A_113 = arith.constant 0 : i32
    %scan3A_114 = arith.constant 200 : i32
    %scan3A_115 = arith.addi %scan3A_113, %scan3A_114 : i32
    %scan3A_116 = arith.constant 1 : i32
    scf.for %scan3A_209 = %scan3A_113 to %scan3A_115 step %scan3A_116  : i32 {
      %mul3A_210 = arith.constant 2 : i32
      %mul3A_211 = arith.muli %scan3A_209, %mul3A_210 : i32
      %add3A_212 = arith.constant 0 : i32
      %add3A_213 = arith.addi %mul3A_211, %add3A_212 : i32
      %rem3A_214 = arith.constant 4 : i32
      %rem3A_215 = arith.remsi %add3A_213, %rem3A_214 : i32
      %ge3A = arith.constant 2 : i32
      %ge3A_216 = arith.cmpi sge, %scan3A_209, %ge3A : i32
      %convert_element_type3A = arith.extui %ge3A_216 : i1 to i32
      %cond3A = arith.constant 0 : i32
      %cond3A_217 = arith.cmpi ne, %convert_element_type3A, %cond3A : i32
      scf.if %cond3A_217 {
        %sub3A = arith.constant 2 : i32
        %sub3A_290 = arith.subi %scan3A_209, %sub3A : i32
        %dma_wait3A_291 = arith.constant 0 : i32
        %dma_wait3A_292 = arith.constant 0 : i32
        %dma_wait3A_293 = tpu.memref_slice %arg7[%rem3A_215, %dma_wait3A_291, %dma_wait3A_292] : memref<4x64x128xf32, #tpu.memory_space<vmem>> -> memref<1x64x128xf32, #tpu.memory_space<vmem>>
        %dma_wait3A_294 = tpu.memref_squeeze %dma_wait3A_293 : memref<1x64x128xf32, #tpu.memory_space<vmem>> -> memref<64x128xf32, #tpu.memory_space<vmem>>
        %dma_wait3A_295 = arith.constant 0 : i32
        %dma_wait3A_296 = tpu.memref_slice %arg4[%sub3A_290, %dma_wait3A_295, %multiple_of3A_111] : memref<200x64x16384xf32, #tpu.memory_space<hbm>> -> memref<1x64x128xf32, #tpu.memory_space<hbm>>
        %dma_wait3A_297 = tpu.memref_squeeze %dma_wait3A_296 : memref<1x64x128xf32, #tpu.memory_space<hbm>> -> memref<64x128xf32, #tpu.memory_space<hbm>>
        %dma_wait3A_298 = tpu.memref_slice %arg8[%rem3A_215] : memref<4x!tpu.dma_semaphore, #tpu.memory_space<semaphore_mem>> -> memref<1x!tpu.dma_semaphore, #tpu.memory_space<semaphore_mem>>
        %dma_wait3A_299 = tpu.memref_squeeze %dma_wait3A_298 : memref<1x!tpu.dma_semaphore, #tpu.memory_space<semaphore_mem>> -> memref<!tpu.dma_semaphore, #tpu.memory_space<semaphore_mem>>
        %dma_wait3A_300 = arith.constant 0 : i32
        %dma_wait3A_301 = tpu.memref_slice %arg4[%sub3A_290, %dma_wait3A_300, %multiple_of3A_111] : memref<200x64x16384xf32, #tpu.memory_space<hbm>> -> memref<1x64x128xf32, #tpu.memory_space<hbm>>
        %dma_wait3A_302 = tpu.memref_squeeze %dma_wait3A_301 : memref<1x64x128xf32, #tpu.memory_space<hbm>> -> memref<64x128xf32, #tpu.memory_space<hbm>>
        %dma_wait3A_303 = arith.constant 0 : i32
        %dma_wait3A_304 = arith.constant 0 : i32
        %dma_wait3A_305 = tpu.memref_slice %arg7[%rem3A_215, %dma_wait3A_303, %dma_wait3A_304] : memref<4x64x128xf32, #tpu.memory_space<vmem>> -> memref<1x64x128xf32, #tpu.memory_space<vmem>>
        %dma_wait3A_306 = tpu.memref_squeeze %dma_wait3A_305 : memref<1x64x128xf32, #tpu.memory_space<vmem>> -> memref<64x128xf32, #tpu.memory_space<vmem>>
        tpu.wait_dma2 semaphore(%dma_wait3A_299 : memref<!tpu.dma_semaphore, #tpu.memory_space<semaphore_mem>>) src(%dma_wait3A_306 : memref<64x128xf32, #tpu.memory_space<vmem>>) dst(%dma_wait3A_302 : memref<64x128xf32, #tpu.memory_space<hbm>>)
      } else {
      }
      %get3A = arith.index_cast %scan3A_209 : i32 to index
      %get3A_218 = arith.constant 0 : index
      %get3A_219 = tpu.vector_load %arg5[%get3A, %get3A_218] {strides = array<i32>} : memref<200x256xi32, #tpu.memory_space<vmem>>, vector<1x16xi32>,
      %get3A_220 = vector.shape_cast %get3A_219 : vector<1x16xi32> to vector<16xi32>
      %rem3A_221 = arith.constant 7 : i32
      %rem3A_222 = vector.broadcast %rem3A_221 : i32 to vector<16xi32>
      %rem3A_223 = arith.remsi %get3A_220, %rem3A_222 : vector<16xi32>
      %get3A_224 = arith.index_cast %scan3A_209 : i32 to index
      %get3A_225 = arith.constant 16 : index
      %get3A_226 = tpu.vector_load %arg5[%get3A_224, %get3A_225] {strides = array<i32>} : memref<200x256xi32, #tpu.memory_space<vmem>>, vector<1x16xi32>,
      %get3A_227 = vector.shape_cast %get3A_226 : vector<1x16xi32> to vector<16xi32>
      %rem3A_228 = arith.constant 7 : i32
      %rem3A_229 = vector.broadcast %rem3A_228 : i32 to vector<16xi32>
      %rem3A_230 = arith.remsi %get3A_227, %rem3A_229 : vector<16xi32>
      %get3A_231 = arith.index_cast %scan3A_209 : i32 to index
      %get3A_232 = arith.constant 32 : index
      %get3A_233 = tpu.vector_load %arg5[%get3A_231, %get3A_232] {strides = array<i32>} : memref<200x256xi32, #tpu.memory_space<vmem>>, vector<1x16xi32>,
      %get3A_234 = vector.shape_cast %get3A_233 : vector<1x16xi32> to vector<16xi32>
      %rem3A_235 = arith.constant 7 : i32
      %rem3A_236 = vector.broadcast %rem3A_235 : i32 to vector<16xi32>
      %rem3A_237 = arith.remsi %get3A_234, %rem3A_236 : vector<16xi32>
      %get3A_238 = arith.index_cast %scan3A_209 : i32 to index
      %get3A_239 = arith.constant 48 : index
      %get3A_240 = tpu.vector_load %arg5[%get3A_238, %get3A_239] {strides = array<i32>} : memref<200x256xi32, #tpu.memory_space<vmem>>, vector<1x16xi32>,
      %get3A_241 = vector.shape_cast %get3A_240 : vector<1x16xi32> to vector<16xi32>
      %rem3A_242 = arith.constant 7 : i32
      %rem3A_243 = vector.broadcast %rem3A_242 : i32 to vector<16xi32>
      %rem3A_244 = arith.remsi %get3A_241, %rem3A_243 : vector<16xi32>
      %get3A_245 = arith.index_cast %scan3A_209 : i32 to index
      %get3A_246 = arith.constant 64 : index
      %get3A_247 = tpu.vector_load %arg5[%get3A_245, %get3A_246] {strides = array<i32>} : memref<200x256xi32, #tpu.memory_space<vmem>>, vector<1x16xi32>,
      %get3A_248 = vector.shape_cast %get3A_247 : vector<1x16xi32> to vector<16xi32>
      %rem3A_249 = arith.constant 7 : i32
      %rem3A_250 = vector.broadcast %rem3A_249 : i32 to vector<16xi32>
      %rem3A_251 = arith.remsi %get3A_248, %rem3A_250 : vector<16xi32>
      %get3A_252 = arith.index_cast %scan3A_209 : i32 to index
      %get3A_253 = arith.constant 80 : index
      %get3A_254 = tpu.vector_load %arg5[%get3A_252, %get3A_253] {strides = array<i32>} : memref<200x256xi32, #tpu.memory_space<vmem>>, vector<1x16xi32>,
      %get3A_255 = vector.shape_cast %get3A_254 : vector<1x16xi32> to vector<16xi32>
      %rem3A_256 = arith.constant 7 : i32
      %rem3A_257 = vector.broadcast %rem3A_256 : i32 to vector<16xi32>
      %rem3A_258 = arith.remsi %get3A_255, %rem3A_257 : vector<16xi32>
      %get3A_259 = arith.index_cast %scan3A_209 : i32 to index
      %get3A_260 = arith.constant 96 : index
      %get3A_261 = tpu.vector_load %arg5[%get3A_259, %get3A_260] {strides = array<i32>} : memref<200x256xi32, #tpu.memory_space<vmem>>, vector<1x16xi32>,
      %get3A_262 = vector.shape_cast %get3A_261 : vector<1x16xi32> to vector<16xi32>
      %rem3A_263 = arith.constant 7 : i32
      %rem3A_264 = vector.broadcast %rem3A_263 : i32 to vector<16xi32>
      %rem3A_265 = arith.remsi %get3A_262, %rem3A_264 : vector<16xi32>
      %get3A_266 = arith.index_cast %scan3A_209 : i32 to index
      %get3A_267 = arith.constant 112 : index
      %get3A_268 = tpu.vector_load %arg5[%get3A_266, %get3A_267] {strides = array<i32>} : memref<200x256xi32, #tpu.memory_space<vmem>>, vector<1x16xi32>,
      %get3A_269 = vector.shape_cast %get3A_268 : vector<1x16xi32> to vector<16xi32>
      %rem3A_270 = arith.constant 7 : i32
      %rem3A_271 = vector.broadcast %rem3A_270 : i32 to vector<16xi32>
      %rem3A_272 = arith.remsi %get3A_269, %rem3A_271 : vector<16xi32>
      %parallel_loop3A = arith.constant 0 : i32
      %parallel_loop3A_273 = arith.constant 64 : i32
      %parallel_loop3A_274 = arith.constant 1 : i32
      scf.for %parallel_loop3A_290 = %parallel_loop3A to %parallel_loop3A_273 step %parallel_loop3A_274  : i32 {
        %parallel_loop3A_291 = arith.index_cast %parallel_loop3A_290 : i32 to index
        %parallel_loop3A_292 = arith.constant 0 : index
        %parallel_loop3A_293 = tpu.vector_load %arg6[%parallel_loop3A_291, %parallel_loop3A_292] {strides = array<i32>} : memref<64x128xf32, #tpu.memory_space<vmem>>, vector<1x16xf32>,
        %parallel_loop3A_294 = vector.shape_cast %parallel_loop3A_293 : vector<1x16xf32> to vector<16xf32>
        %parallel_loop3A_295 = arith.constant 0 : i32
        %parallel_loop3A_296 = vector.broadcast %parallel_loop3A_295 : i32 to vector<16xi32>
        %parallel_loop3A_297 = arith.cmpi slt, %rem3A_223, %parallel_loop3A_296 : vector<16xi32>
        %parallel_loop3A_298 = arith.constant 16 : i32
        %parallel_loop3A_299 = vector.broadcast %parallel_loop3A_298 : i32 to vector<16xi32>
        %parallel_loop3A_300 = arith.addi %rem3A_223, %parallel_loop3A_299 : vector<16xi32>
        %parallel_loop3A_301 = arith.select %parallel_loop3A_297, %parallel_loop3A_300, %rem3A_223 : vector<16xi1>, vector<16xi32>
        %parallel_loop3A_302 = vector.shape_cast %parallel_loop3A_301 : vector<16xi32> to vector<16x1xi32>
        %parallel_loop3A_303 = vector.shape_cast %parallel_loop3A_302 : vector<16x1xi32> to vector<16xi32>
        %parallel_loop3A_304 = tpu.dynamic_gather %parallel_loop3A_294[%parallel_loop3A_303] in [0] : vector<16xf32>, vector<16xi32> -> vector<16xf32>
        %parallel_loop3A_305 = arith.index_cast %rem3A_215 : i32 to index
        %parallel_loop3A_306 = arith.index_cast %parallel_loop3A_290 : i32 to index
        %parallel_loop3A_307 = arith.constant 0 : index
        %parallel_loop3A_308 = tpu.vector_load %arg7[%parallel_loop3A_305, %parallel_loop3A_306, %parallel_loop3A_307] {strides = array<i32>} : memref<4x64x128xf32, #tpu.memory_space<vmem>>, vector<1x1x16xf32>,
        %parallel_loop3A_309 = vector.shape_cast %parallel_loop3A_308 : vector<1x1x16xf32> to vector<16xf32>
        %parallel_loop3A_310 = vector.shape_cast %parallel_loop3A_304 : vector<16xf32> to vector<1x1x16xf32>
        tpu.vector_store %arg7[%parallel_loop3A_305, %parallel_loop3A_306, %parallel_loop3A_307], %parallel_loop3A_310 {strides = array<i32>} : memref<4x64x128xf32, #tpu.memory_space<vmem>>, vector<1x1x16xf32>,
        %parallel_loop3A_311 = arith.constant 0 : i32
        %parallel_loop3A_312 = vector.broadcast %parallel_loop3A_311 : i32 to vector<16xi32>
        %parallel_loop3A_313 = arith.cmpi slt, %rem3A_230, %parallel_loop3A_312 : vector<16xi32>
        %parallel_loop3A_314 = arith.constant 16 : i32
        %parallel_loop3A_315 = vector.broadcast %parallel_loop3A_314 : i32 to vector<16xi32>
        %parallel_loop3A_316 = arith.addi %rem3A_230, %parallel_loop3A_315 : vector<16xi32>
        %parallel_loop3A_317 = arith.select %parallel_loop3A_313, %parallel_loop3A_316, %rem3A_230 : vector<16xi1>, vector<16xi32>
        %parallel_loop3A_318 = vector.shape_cast %parallel_loop3A_317 : vector<16xi32> to vector<16x1xi32>
        %parallel_loop3A_319 = vector.shape_cast %parallel_loop3A_318 : vector<16x1xi32> to vector<16xi32>
        %parallel_loop3A_320 = tpu.dynamic_gather %parallel_loop3A_294[%parallel_loop3A_319] in [0] : vector<16xf32>, vector<16xi32> -> vector<16xf32>
        %parallel_loop3A_321 = arith.index_cast %rem3A_215 : i32 to index
        %parallel_loop3A_322 = arith.index_cast %parallel_loop3A_290 : i32 to index
        %parallel_loop3A_323 = arith.constant 16 : index
        %parallel_loop3A_324 = tpu.vector_load %arg7[%parallel_loop3A_321, %parallel_loop3A_322, %parallel_loop3A_323] {strides = array<i32>} : memref<4x64x128xf32, #tpu.memory_space<vmem>>, vector<1x1x16xf32>,
        %parallel_loop3A_325 = vector.shape_cast %parallel_loop3A_324 : vector<1x1x16xf32> to vector<16xf32>
        %parallel_loop3A_326 = vector.shape_cast %parallel_loop3A_320 : vector<16xf32> to vector<1x1x16xf32>
        tpu.vector_store %arg7[%parallel_loop3A_321, %parallel_loop3A_322, %parallel_loop3A_323], %parallel_loop3A_326 {strides = array<i32>} : memref<4x64x128xf32, #tpu.memory_space<vmem>>, vector<1x1x16xf32>,
        %parallel_loop3A_327 = arith.constant 0 : i32
        %parallel_loop3A_328 = vector.broadcast %parallel_loop3A_327 : i32 to vector<16xi32>
        %parallel_loop3A_329 = arith.cmpi slt, %rem3A_237, %parallel_loop3A_328 : vector<16xi32>
        %parallel_loop3A_330 = arith.constant 16 : i32
        %parallel_loop3A_331 = vector.broadcast %parallel_loop3A_330 : i32 to vector<16xi32>
        %parallel_loop3A_332 = arith.addi %rem3A_237, %parallel_loop3A_331 : vector<16xi32>
        %parallel_loop3A_333 = arith.select %parallel_loop3A_329, %parallel_loop3A_332, %rem3A_237 : vector<16xi1>, vector<16xi32>
        %parallel_loop3A_334 = vector.shape_cast %parallel_loop3A_333 : vector<16xi32> to vector<16x1xi32>
        %parallel_loop3A_335 = vector.shape_cast %parallel_loop3A_334 : vector<16x1xi32> to vector<16xi32>
        %parallel_loop3A_336 = tpu.dynamic_gather %parallel_loop3A_294[%parallel_loop3A_335] in [0] : vector<16xf32>, vector<16xi32> -> vector<16xf32>
        %parallel_loop3A_337 = arith.index_cast %rem3A_215 : i32 to index
        %parallel_loop3A_338 = arith.index_cast %parallel_loop3A_290 : i32 to index
        %parallel_loop3A_339 = arith.constant 32 : index
        %parallel_loop3A_340 = tpu.vector_load %arg7[%parallel_loop3A_337, %parallel_loop3A_338, %parallel_loop3A_339] {strides = array<i32>} : memref<4x64x128xf32, #tpu.memory_space<vmem>>, vector<1x1x16xf32>,
        %parallel_loop3A_341 = vector.shape_cast %parallel_loop3A_340 : vector<1x1x16xf32> to vector<16xf32>
        %parallel_loop3A_342 = vector.shape_cast %parallel_loop3A_336 : vector<16xf32> to vector<1x1x16xf32>
        tpu.vector_store %arg7[%parallel_loop3A_337, %parallel_loop3A_338, %parallel_loop3A_339], %parallel_loop3A_342 {strides = array<i32>} : memref<4x64x128xf32, #tpu.memory_space<vmem>>, vector<1x1x16xf32>,
        %parallel_loop3A_343 = arith.constant 0 : i32
        %parallel_loop3A_344 = vector.broadcast %parallel_loop3A_343 : i32 to vector<16xi32>
        %parallel_loop3A_345 = arith.cmpi slt, %rem3A_244, %parallel_loop3A_344 : vector<16xi32>
        %parallel_loop3A_346 = arith.constant 16 : i32
        %parallel_loop3A_347 = vector.broadcast %parallel_loop3A_346 : i32 to vector<16xi32>
        %parallel_loop3A_348 = arith.addi %rem3A_244, %parallel_loop3A_347 : vector<16xi32>
        %parallel_loop3A_349 = arith.select %parallel_loop3A_345, %parallel_loop3A_348, %rem3A_244 : vector<16xi1>, vector<16xi32>
        %parallel_loop3A_350 = vector.shape_cast %parallel_loop3A_349 : vector<16xi32> to vector<16x1xi32>
        %parallel_loop3A_351 = vector.shape_cast %parallel_loop3A_350 : vector<16x1xi32> to vector<16xi32>
        %parallel_loop3A_352 = tpu.dynamic_gather %parallel_loop3A_294[%parallel_loop3A_351] in [0] : vector<16xf32>, vector<16xi32> -> vector<16xf32>
        %parallel_loop3A_353 = arith.index_cast %rem3A_215 : i32 to index
        %parallel_loop3A_354 = arith.index_cast %parallel_loop3A_290 : i32 to index
        %parallel_loop3A_355 = arith.constant 48 : index
        %parallel_loop3A_356 = tpu.vector_load %arg7[%parallel_loop3A_353, %parallel_loop3A_354, %parallel_loop3A_355] {strides = array<i32>} : memref<4x64x128xf32, #tpu.memory_space<vmem>>, vector<1x1x16xf32>,
        %parallel_loop3A_357 = vector.shape_cast %parallel_loop3A_356 : vector<1x1x16xf32> to vector<16xf32>
        %parallel_loop3A_358 = vector.shape_cast %parallel_loop3A_352 : vector<16xf32> to vector<1x1x16xf32>
        tpu.vector_store %arg7[%parallel_loop3A_353, %parallel_loop3A_354, %parallel_loop3A_355], %parallel_loop3A_358 {strides = array<i32>} : memref<4x64x128xf32, #tpu.memory_space<vmem>>, vector<1x1x16xf32>,
        %parallel_loop3A_359 = arith.constant 0 : i32
        %parallel_loop3A_360 = vector.broadcast %parallel_loop3A_359 : i32 to vector<16xi32>
        %parallel_loop3A_361 = arith.cmpi slt, %rem3A_251, %parallel_loop3A_360 : vector<16xi32>
        %parallel_loop3A_362 = arith.constant 16 : i32
        %parallel_loop3A_363 = vector.broadcast %parallel_loop3A_362 : i32 to vector<16xi32>
        %parallel_loop3A_364 = arith.addi %rem3A_251, %parallel_loop3A_363 : vector<16xi32>
        %parallel_loop3A_365 = arith.select %parallel_loop3A_361, %parallel_loop3A_364, %rem3A_251 : vector<16xi1>, vector<16xi32>
        %parallel_loop3A_366 = vector.shape_cast %parallel_loop3A_365 : vector<16xi32> to vector<16x1xi32>
        %parallel_loop3A_367 = vector.shape_cast %parallel_loop3A_366 : vector<16x1xi32> to vector<16xi32>
        %parallel_loop3A_368 = tpu.dynamic_gather %parallel_loop3A_294[%parallel_loop3A_367] in [0] : vector<16xf32>, vector<16xi32> -> vector<16xf32>
        %parallel_loop3A_369 = arith.index_cast %rem3A_215 : i32 to index
        %parallel_loop3A_370 = arith.index_cast %parallel_loop3A_290 : i32 to index
        %parallel_loop3A_371 = arith.constant 64 : index
        %parallel_loop3A_372 = tpu.vector_load %arg7[%parallel_loop3A_369, %parallel_loop3A_370, %parallel_loop3A_371] {strides = array<i32>} : memref<4x64x128xf32, #tpu.memory_space<vmem>>, vector<1x1x16xf32>,
        %parallel_loop3A_373 = vector.shape_cast %parallel_loop3A_372 : vector<1x1x16xf32> to vector<16xf32>
        %parallel_loop3A_374 = vector.shape_cast %parallel_loop3A_368 : vector<16xf32> to vector<1x1x16xf32>
        tpu.vector_store %arg7[%parallel_loop3A_369, %parallel_loop3A_370, %parallel_loop3A_371], %parallel_loop3A_374 {strides = array<i32>} : memref<4x64x128xf32, #tpu.memory_space<vmem>>, vector<1x1x16xf32>,
        %parallel_loop3A_375 = arith.constant 0 : i32
        %parallel_loop3A_376 = vector.broadcast %parallel_loop3A_375 : i32 to vector<16xi32>
        %parallel_loop3A_377 = arith.cmpi slt, %rem3A_258, %parallel_loop3A_376 : vector<16xi32>
        %parallel_loop3A_378 = arith.constant 16 : i32
        %parallel_loop3A_379 = vector.broadcast %parallel_loop3A_378 : i32 to vector<16xi32>
        %parallel_loop3A_380 = arith.addi %rem3A_258, %parallel_loop3A_379 : vector<16xi32>
        %parallel_loop3A_381 = arith.select %parallel_loop3A_377, %parallel_loop3A_380, %rem3A_258 : vector<16xi1>, vector<16xi32>
        %parallel_loop3A_382 = vector.shape_cast %parallel_loop3A_381 : vector<16xi32> to vector<16x1xi32>
        %parallel_loop3A_383 = vector.shape_cast %parallel_loop3A_382 : vector<16x1xi32> to vector<16xi32>
        %parallel_loop3A_384 = tpu.dynamic_gather %parallel_loop3A_294[%parallel_loop3A_383] in [0] : vector<16xf32>, vector<16xi32> -> vector<16xf32>
        %parallel_loop3A_385 = arith.index_cast %rem3A_215 : i32 to index
        %parallel_loop3A_386 = arith.index_cast %parallel_loop3A_290 : i32 to index
        %parallel_loop3A_387 = arith.constant 80 : index
        %parallel_loop3A_388 = tpu.vector_load %arg7[%parallel_loop3A_385, %parallel_loop3A_386, %parallel_loop3A_387] {strides = array<i32>} : memref<4x64x128xf32, #tpu.memory_space<vmem>>, vector<1x1x16xf32>,
        %parallel_loop3A_389 = vector.shape_cast %parallel_loop3A_388 : vector<1x1x16xf32> to vector<16xf32>
        %parallel_loop3A_390 = vector.shape_cast %parallel_loop3A_384 : vector<16xf32> to vector<1x1x16xf32>
        tpu.vector_store %arg7[%parallel_loop3A_385, %parallel_loop3A_386, %parallel_loop3A_387], %parallel_loop3A_390 {strides = array<i32>} : memref<4x64x128xf32, #tpu.memory_space<vmem>>, vector<1x1x16xf32>,
        %parallel_loop3A_391 = arith.constant 0 : i32
        %parallel_loop3A_392 = vector.broadcast %parallel_loop3A_391 : i32 to vector<16xi32>
        %parallel_loop3A_393 = arith.cmpi slt, %rem3A_265, %parallel_loop3A_392 : vector<16xi32>
        %parallel_loop3A_394 = arith.constant 16 : i32
        %parallel_loop3A_395 = vector.broadcast %parallel_loop3A_394 : i32 to vector<16xi32>
        %parallel_loop3A_396 = arith.addi %rem3A_265, %parallel_loop3A_395 : vector<16xi32>
        %parallel_loop3A_397 = arith.select %parallel_loop3A_393, %parallel_loop3A_396, %rem3A_265 : vector<16xi1>, vector<16xi32>
        %parallel_loop3A_398 = vector.shape_cast %parallel_loop3A_397 : vector<16xi32> to vector<16x1xi32>
        %parallel_loop3A_399 = vector.shape_cast %parallel_loop3A_398 : vector<16x1xi32> to vector<16xi32>
        %parallel_loop3A_400 = tpu.dynamic_gather %parallel_loop3A_294[%parallel_loop3A_399] in [0] : vector<16xf32>, vector<16xi32> -> vector<16xf32>
        %parallel_loop3A_401 = arith.index_cast %rem3A_215 : i32 to index
        %parallel_loop3A_402 = arith.index_cast %parallel_loop3A_290 : i32 to index
        %parallel_loop3A_403 = arith.constant 96 : index
        %parallel_loop3A_404 = tpu.vector_load %arg7[%parallel_loop3A_401, %parallel_loop3A_402, %parallel_loop3A_403] {strides = array<i32>} : memref<4x64x128xf32, #tpu.memory_space<vmem>>, vector<1x1x16xf32>,
        %parallel_loop3A_405 = vector.shape_cast %parallel_loop3A_404 : vector<1x1x16xf32> to vector<16xf32>
        %parallel_loop3A_406 = vector.shape_cast %parallel_loop3A_400 : vector<16xf32> to vector<1x1x16xf32>
        tpu.vector_store %arg7[%parallel_loop3A_401, %parallel_loop3A_402, %parallel_loop3A_403], %parallel_loop3A_406 {strides = array<i32>} : memref<4x64x128xf32, #tpu.memory_space<vmem>>, vector<1x1x16xf32>,
        %parallel_loop3A_407 = arith.constant 0 : i32
        %parallel_loop3A_408 = vector.broadcast %parallel_loop3A_407 : i32 to vector<16xi32>
        %parallel_loop3A_409 = arith.cmpi slt, %rem3A_272, %parallel_loop3A_408 : vector<16xi32>
        %parallel_loop3A_410 = arith.constant 16 : i32
        %parallel_loop3A_411 = vector.broadcast %parallel_loop3A_410 : i32 to vector<16xi32>
        %parallel_loop3A_412 = arith.addi %rem3A_272, %parallel_loop3A_411 : vector<16xi32>
        %parallel_loop3A_413 = arith.select %parallel_loop3A_409, %parallel_loop3A_412, %rem3A_272 : vector<16xi1>, vector<16xi32>
        %parallel_loop3A_414 = vector.shape_cast %parallel_loop3A_413 : vector<16xi32> to vector<16x1xi32>
        %parallel_loop3A_415 = vector.shape_cast %parallel_loop3A_414 : vector<16x1xi32> to vector<16xi32>
        %parallel_loop3A_416 = tpu.dynamic_gather %parallel_loop3A_294[%parallel_loop3A_415] in [0] : vector<16xf32>, vector<16xi32> -> vector<16xf32>
        %parallel_loop3A_417 = arith.index_cast %rem3A_215 : i32 to index
        %parallel_loop3A_418 = arith.index_cast %parallel_loop3A_290 : i32 to index
        %parallel_loop3A_419 = arith.constant 112 : index
        %parallel_loop3A_420 = tpu.vector_load %arg7[%parallel_loop3A_417, %parallel_loop3A_418, %parallel_loop3A_419] {strides = array<i32>} : memref<4x64x128xf32, #tpu.memory_space<vmem>>, vector<1x1x16xf32>,
        %parallel_loop3A_421 = vector.shape_cast %parallel_loop3A_420 : vector<1x1x16xf32> to vector<16xf32>
        %parallel_loop3A_422 = vector.shape_cast %parallel_loop3A_416 : vector<16xf32> to vector<1x1x16xf32>
        tpu.vector_store %arg7[%parallel_loop3A_417, %parallel_loop3A_418, %parallel_loop3A_419], %parallel_loop3A_422 {strides = array<i32>} : memref<4x64x128xf32, #tpu.memory_space<vmem>>, vector<1x1x16xf32>,
      } {sc.loop_unroll_factor = 2 : i64, sc.parallel_access}
      %dma_start3A = arith.constant 0 : i32
      %dma_start3A_275 = arith.constant 0 : i32
      %dma_start3A_276 = tpu.memref_slice %arg7[%rem3A_215, %dma_start3A, %dma_start3A_275] : memref<4x64x128xf32, #tpu.memory_space<vmem>> -> memref<1x64x128xf32, #tpu.memory_space<vmem>>
      %dma_start3A_277 = tpu.memref_squeeze %dma_start3A_276 : memref<1x64x128xf32, #tpu.memory_space<vmem>> -> memref<64x128xf32, #tpu.memory_space<vmem>>
      %dma_start3A_278 = arith.constant 0 : i32
      %dma_start3A_279 = tpu.memref_slice %arg4[%scan3A_209, %dma_start3A_278, %multiple_of3A_111] : memref<200x64x16384xf32, #tpu.memory_space<hbm>> -> memref<1x64x128xf32, #tpu.memory_space<hbm>>
      %dma_start3A_280 = tpu.memref_squeeze %dma_start3A_279 : memref<1x64x128xf32, #tpu.memory_space<hbm>> -> memref<64x128xf32, #tpu.memory_space<hbm>>
      %dma_start3A_281 = tpu.memref_slice %arg8[%rem3A_215] : memref<4x!tpu.dma_semaphore, #tpu.memory_space<semaphore_mem>> -> memref<1x!tpu.dma_semaphore, #tpu.memory_space<semaphore_mem>>
      %dma_start3A_282 = tpu.memref_squeeze %dma_start3A_281 : memref<1x!tpu.dma_semaphore, #tpu.memory_space<semaphore_mem>> -> memref<!tpu.dma_semaphore, #tpu.memory_space<semaphore_mem>>
      %dma_start3A_283 = arith.constant 0 : i32
      %dma_start3A_284 = tpu.memref_slice %arg4[%scan3A_209, %dma_start3A_283, %multiple_of3A_111] : memref<200x64x16384xf32, #tpu.memory_space<hbm>> -> memref<1x64x128xf32, #tpu.memory_space<hbm>>
      %dma_start3A_285 = tpu.memref_squeeze %dma_start3A_284 : memref<1x64x128xf32, #tpu.memory_space<hbm>> -> memref<64x128xf32, #tpu.memory_space<hbm>>
      %dma_start3A_286 = arith.constant 0 : i32
      %dma_start3A_287 = arith.constant 0 : i32
      %dma_start3A_288 = tpu.memref_slice %arg7[%rem3A_215, %dma_start3A_286, %dma_start3A_287] : memref<4x64x128xf32, #tpu.memory_space<vmem>> -> memref<1x64x128xf32, #tpu.memory_space<vmem>>
      %dma_start3A_289 = tpu.memref_squeeze %dma_start3A_288 : memref<1x64x128xf32, #tpu.memory_space<vmem>> -> memref<64x128xf32, #tpu.memory_space<vmem>>
      tpu.enqueue_dma source(%dma_start3A_289 : memref<64x128xf32, #tpu.memory_space<vmem>>) target(%dma_start3A_285 : memref<64x128xf32, #tpu.memory_space<hbm>>) target_semaphore(%dma_start3A_282 : memref<!tpu.dma_semaphore, #tpu.memory_space<semaphore_mem>>)
    }
    %scan3A_117 = arith.constant 200 : i32
    %rem3A_118 = arith.constant 396 : i32
    %rem3A_119 = arith.constant 4 : i32
    %rem3A_120 = arith.remsi %rem3A_118, %rem3A_119 : i32
    %dma_wait3A_121 = arith.constant 198 : i32
    %dma_wait3A_122 = arith.constant 0 : i32
    %dma_wait3A_123 = arith.constant 0 : i32
    %dma_wait3A_124 = tpu.memref_slice %arg7[%rem3A_120, %dma_wait3A_122, %dma_wait3A_123] : memref<4x64x128xf32, #tpu.memory_space<vmem>> -> memref<1x64x128xf32, #tpu.memory_space<vmem>>
    %dma_wait3A_125 = tpu.memref_squeeze %dma_wait3A_124 : memref<1x64x128xf32, #tpu.memory_space<vmem>> -> memref<64x128xf32, #tpu.memory_space<vmem>>
    %dma_wait3A_126 = arith.constant 0 : i32
    %dma_wait3A_127 = tpu.memref_slice %arg4[%dma_wait3A_121, %dma_wait3A_126, %multiple_of3A_111] : memref<200x64x16384xf32, #tpu.memory_space<hbm>> -> memref<1x64x128xf32, #tpu.memory_space<hbm>>
    %dma_wait3A_128 = tpu.memref_squeeze %dma_wait3A_127 : memref<1x64x128xf32, #tpu.memory_space<hbm>> -> memref<64x128xf32, #tpu.memory_space<hbm>>
    %dma_wait3A_129 = tpu.memref_slice %arg8[%rem3A_120] : memref<4x!tpu.dma_semaphore, #tpu.memory_space<semaphore_mem>> -> memref<1x!tpu.dma_semaphore, #tpu.memory_space<semaphore_mem>>
    %dma_wait3A_130 = tpu.memref_squeeze %dma_wait3A_129 : memref<1x!tpu.dma_semaphore, #tpu.memory_space<semaphore_mem>> -> memref<!tpu.dma_semaphore, #tpu.memory_space<semaphore_mem>>
    %dma_wait3A_131 = arith.constant 0 : i32
    %dma_wait3A_132 = tpu.memref_slice %arg4[%dma_wait3A_121, %dma_wait3A_131, %multiple_of3A_111] : memref<200x64x16384xf32, #tpu.memory_space<hbm>> -> memref<1x64x128xf32, #tpu.memory_space<hbm>>
    %dma_wait3A_133 = tpu.memref_squeeze %dma_wait3A_132 : memref<1x64x128xf32, #tpu.memory_space<hbm>> -> memref<64x128xf32, #tpu.memory_space<hbm>>
    %dma_wait3A_134 = arith.constant 0 : i32
    %dma_wait3A_135 = arith.constant 0 : i32
    %dma_wait3A_136 = tpu.memref_slice %arg7[%rem3A_120, %dma_wait3A_134, %dma_wait3A_135] : memref<4x64x128xf32, #tpu.memory_space<vmem>> -> memref<1x64x128xf32, #tpu.memory_space<vmem>>
    %dma_wait3A_137 = tpu.memref_squeeze %dma_wait3A_136 : memref<1x64x128xf32, #tpu.memory_space<vmem>> -> memref<64x128xf32, #tpu.memory_space<vmem>>
    tpu.wait_dma2 semaphore(%dma_wait3A_130 : memref<!tpu.dma_semaphore, #tpu.memory_space<semaphore_mem>>) src(%dma_wait3A_137 : memref<64x128xf32, #tpu.memory_space<vmem>>) dst(%dma_wait3A_133 : memref<64x128xf32, #tpu.memory_space<hbm>>)
    %rem3A_138 = arith.constant 398 : i32
    %rem3A_139 = arith.constant 4 : i32
    %rem3A_140 = arith.remsi %rem3A_138, %rem3A_139 : i32
    %dma_wait3A_141 = arith.constant 199 : i32
    %dma_wait3A_142 = arith.constant 0 : i32
    %dma_wait3A_143 = arith.constant 0 : i32
    %dma_wait3A_144 = tpu.memref_slice %arg7[%rem3A_140, %dma_wait3A_142, %dma_wait3A_143] : memref<4x64x128xf32, #tpu.memory_space<vmem>> -> memref<1x64x128xf32, #tpu.memory_space<vmem>>
    %dma_wait3A_145 = tpu.memref_squeeze %dma_wait3A_144 : memref<1x64x128xf32, #tpu.memory_space<vmem>> -> memref<64x128xf32, #tpu.memory_space<vmem>>
    %dma_wait3A_146 = arith.constant 0 : i32
    %dma_wait3A_147 = tpu.memref_slice %arg4[%dma_wait3A_141, %dma_wait3A_146, %multiple_of3A_111] : memref<200x64x16384xf32, #tpu.memory_space<hbm>> -> memref<1x64x128xf32, #tpu.memory_space<hbm>>
    %dma_wait3A_148 = tpu.memref_squeeze %dma_wait3A_147 : memref<1x64x128xf32, #tpu.memory_space<hbm>> -> memref<64x128xf32, #tpu.memory_space<hbm>>
    %dma_wait3A_149 = tpu.memref_slice %arg8[%rem3A_140] : memref<4x!tpu.dma_semaphore, #tpu.memory_space<semaphore_mem>> -> memref<1x!tpu.dma_semaphore, #tpu.memory_space<semaphore_mem>>
    %dma_wait3A_150 = tpu.memref_squeeze %dma_wait3A_149 : memref<1x!tpu.dma_semaphore, #tpu.memory_space<semaphore_mem>> -> memref<!tpu.dma_semaphore, #tpu.memory_space<semaphore_mem>>
    %dma_wait3A_151 = arith.constant 0 : i32
    %dma_wait3A_152 = tpu.memref_slice %arg4[%dma_wait3A_141, %dma_wait3A_151, %multiple_of3A_111] : memref<200x64x16384xf32, #tpu.memory_space<hbm>> -> memref<1x64x128xf32, #tpu.memory_space<hbm>>
    %dma_wait3A_153 = tpu.memref_squeeze %dma_wait3A_152 : memref<1x64x128xf32, #tpu.memory_space<hbm>> -> memref<64x128xf32, #tpu.memory_space<hbm>>
    %dma_wait3A_154 = arith.constant 0 : i32
    %dma_wait3A_155 = arith.constant 0 : i32
    %dma_wait3A_156 = tpu.memref_slice %arg7[%rem3A_140, %dma_wait3A_154, %dma_wait3A_155] : memref<4x64x128xf32, #tpu.memory_space<vmem>> -> memref<1x64x128xf32, #tpu.memory_space<vmem>>
    %dma_wait3A_157 = tpu.memref_squeeze %dma_wait3A_156 : memref<1x64x128xf32, #tpu.memory_space<vmem>> -> memref<64x128xf32, #tpu.memory_space<vmem>>
    tpu.wait_dma2 semaphore(%dma_wait3A_150 : memref<!tpu.dma_semaphore, #tpu.memory_space<semaphore_mem>>) src(%dma_wait3A_157 : memref<64x128xf32, #tpu.memory_space<vmem>>) dst(%dma_wait3A_153 : memref<64x128xf32, #tpu.memory_space<hbm>>)
    %add3A_158 = arith.constant 256 : i32
    %add3A_159 = arith.addi %mul3A_2, %add3A_158 : i32
    %add3A_160 = arith.constant 128 : i32
    %add3A_161 = arith.addi %add3A_159, %add3A_160 : i32
    %multiple_of3A_162 = tpu.assume_multiple %add3A_161, 128 : i32
    %scan3A_163 = arith.constant 0 : i32
    %scan3A_164 = arith.constant 0 : i32
    %scan3A_165 = arith.constant 200 : i32
    %scan3A_166 = arith.addi %scan3A_164, %scan3A_165 : i32
    %scan3A_167 = arith.constant 1 : i32
    scf.for %scan3A_209 = %scan3A_164 to %scan3A_166 step %scan3A_167  : i32 {
      %mul3A_210 = arith.constant 2 : i32
      %mul3A_211 = arith.muli %scan3A_209, %mul3A_210 : i32
      %add3A_212 = arith.constant 1 : i32
      %add3A_213 = arith.addi %mul3A_211, %add3A_212 : i32
      %rem3A_214 = arith.constant 4 : i32
      %rem3A_215 = arith.remsi %add3A_213, %rem3A_214 : i32
      %ge3A = arith.constant 2 : i32
      %ge3A_216 = arith.cmpi sge, %scan3A_209, %ge3A : i32
      %convert_element_type3A = arith.extui %ge3A_216 : i1 to i32
      %cond3A = arith.constant 0 : i32
      %cond3A_217 = arith.cmpi ne, %convert_element_type3A, %cond3A : i32
      scf.if %cond3A_217 {
        %sub3A = arith.constant 2 : i32
        %sub3A_290 = arith.subi %scan3A_209, %sub3A : i32
        %dma_wait3A_291 = arith.constant 0 : i32
        %dma_wait3A_292 = arith.constant 0 : i32
        %dma_wait3A_293 = tpu.memref_slice %arg7[%rem3A_215, %dma_wait3A_291, %dma_wait3A_292] : memref<4x64x128xf32, #tpu.memory_space<vmem>> -> memref<1x64x128xf32, #tpu.memory_space<vmem>>
        %dma_wait3A_294 = tpu.memref_squeeze %dma_wait3A_293 : memref<1x64x128xf32, #tpu.memory_space<vmem>> -> memref<64x128xf32, #tpu.memory_space<vmem>>
        %dma_wait3A_295 = arith.constant 0 : i32
        %dma_wait3A_296 = tpu.memref_slice %arg4[%sub3A_290, %dma_wait3A_295, %multiple_of3A_162] : memref<200x64x16384xf32, #tpu.memory_space<hbm>> -> memref<1x64x128xf32, #tpu.memory_space<hbm>>
        %dma_wait3A_297 = tpu.memref_squeeze %dma_wait3A_296 : memref<1x64x128xf32, #tpu.memory_space<hbm>> -> memref<64x128xf32, #tpu.memory_space<hbm>>
        %dma_wait3A_298 = tpu.memref_slice %arg8[%rem3A_215] : memref<4x!tpu.dma_semaphore, #tpu.memory_space<semaphore_mem>> -> memref<1x!tpu.dma_semaphore, #tpu.memory_space<semaphore_mem>>
        %dma_wait3A_299 = tpu.memref_squeeze %dma_wait3A_298 : memref<1x!tpu.dma_semaphore, #tpu.memory_space<semaphore_mem>> -> memref<!tpu.dma_semaphore, #tpu.memory_space<semaphore_mem>>
        %dma_wait3A_300 = arith.constant 0 : i32
        %dma_wait3A_301 = tpu.memref_slice %arg4[%sub3A_290, %dma_wait3A_300, %multiple_of3A_162] : memref<200x64x16384xf32, #tpu.memory_space<hbm>> -> memref<1x64x128xf32, #tpu.memory_space<hbm>>
        %dma_wait3A_302 = tpu.memref_squeeze %dma_wait3A_301 : memref<1x64x128xf32, #tpu.memory_space<hbm>> -> memref<64x128xf32, #tpu.memory_space<hbm>>
        %dma_wait3A_303 = arith.constant 0 : i32
        %dma_wait3A_304 = arith.constant 0 : i32
        %dma_wait3A_305 = tpu.memref_slice %arg7[%rem3A_215, %dma_wait3A_303, %dma_wait3A_304] : memref<4x64x128xf32, #tpu.memory_space<vmem>> -> memref<1x64x128xf32, #tpu.memory_space<vmem>>
        %dma_wait3A_306 = tpu.memref_squeeze %dma_wait3A_305 : memref<1x64x128xf32, #tpu.memory_space<vmem>> -> memref<64x128xf32, #tpu.memory_space<vmem>>
        tpu.wait_dma2 semaphore(%dma_wait3A_299 : memref<!tpu.dma_semaphore, #tpu.memory_space<semaphore_mem>>) src(%dma_wait3A_306 : memref<64x128xf32, #tpu.memory_space<vmem>>) dst(%dma_wait3A_302 : memref<64x128xf32, #tpu.memory_space<hbm>>)
      } else {
      }
      %get3A = arith.index_cast %scan3A_209 : i32 to index
      %get3A_218 = arith.constant 128 : index
      %get3A_219 = tpu.vector_load %arg5[%get3A, %get3A_218] {strides = array<i32>} : memref<200x256xi32, #tpu.memory_space<vmem>>, vector<1x16xi32>,
      %get3A_220 = vector.shape_cast %get3A_219 : vector<1x16xi32> to vector<16xi32>
      %rem3A_221 = arith.constant 7 : i32
      %rem3A_222 = vector.broadcast %rem3A_221 : i32 to vector<16xi32>
      %rem3A_223 = arith.remsi %get3A_220, %rem3A_222 : vector<16xi32>
      %get3A_224 = arith.index_cast %scan3A_209 : i32 to index
      %get3A_225 = arith.constant 144 : index
      %get3A_226 = tpu.vector_load %arg5[%get3A_224, %get3A_225] {strides = array<i32>} : memref<200x256xi32, #tpu.memory_space<vmem>>, vector<1x16xi32>,
      %get3A_227 = vector.shape_cast %get3A_226 : vector<1x16xi32> to vector<16xi32>
      %rem3A_228 = arith.constant 7 : i32
      %rem3A_229 = vector.broadcast %rem3A_228 : i32 to vector<16xi32>
      %rem3A_230 = arith.remsi %get3A_227, %rem3A_229 : vector<16xi32>
      %get3A_231 = arith.index_cast %scan3A_209 : i32 to index
      %get3A_232 = arith.constant 160 : index
      %get3A_233 = tpu.vector_load %arg5[%get3A_231, %get3A_232] {strides = array<i32>} : memref<200x256xi32, #tpu.memory_space<vmem>>, vector<1x16xi32>,
      %get3A_234 = vector.shape_cast %get3A_233 : vector<1x16xi32> to vector<16xi32>
      %rem3A_235 = arith.constant 7 : i32
      %rem3A_236 = vector.broadcast %rem3A_235 : i32 to vector<16xi32>
      %rem3A_237 = arith.remsi %get3A_234, %rem3A_236 : vector<16xi32>
      %get3A_238 = arith.index_cast %scan3A_209 : i32 to index
      %get3A_239 = arith.constant 176 : index
      %get3A_240 = tpu.vector_load %arg5[%get3A_238, %get3A_239] {strides = array<i32>} : memref<200x256xi32, #tpu.memory_space<vmem>>, vector<1x16xi32>,
      %get3A_241 = vector.shape_cast %get3A_240 : vector<1x16xi32> to vector<16xi32>
      %rem3A_242 = arith.constant 7 : i32
      %rem3A_243 = vector.broadcast %rem3A_242 : i32 to vector<16xi32>
      %rem3A_244 = arith.remsi %get3A_241, %rem3A_243 : vector<16xi32>
      %get3A_245 = arith.index_cast %scan3A_209 : i32 to index
      %get3A_246 = arith.constant 192 : index
      %get3A_247 = tpu.vector_load %arg5[%get3A_245, %get3A_246] {strides = array<i32>} : memref<200x256xi32, #tpu.memory_space<vmem>>, vector<1x16xi32>,
      %get3A_248 = vector.shape_cast %get3A_247 : vector<1x16xi32> to vector<16xi32>
      %rem3A_249 = arith.constant 7 : i32
      %rem3A_250 = vector.broadcast %rem3A_249 : i32 to vector<16xi32>
      %rem3A_251 = arith.remsi %get3A_248, %rem3A_250 : vector<16xi32>
      %get3A_252 = arith.index_cast %scan3A_209 : i32 to index
      %get3A_253 = arith.constant 208 : index
      %get3A_254 = tpu.vector_load %arg5[%get3A_252, %get3A_253] {strides = array<i32>} : memref<200x256xi32, #tpu.memory_space<vmem>>, vector<1x16xi32>,
      %get3A_255 = vector.shape_cast %get3A_254 : vector<1x16xi32> to vector<16xi32>
      %rem3A_256 = arith.constant 7 : i32
      %rem3A_257 = vector.broadcast %rem3A_256 : i32 to vector<16xi32>
      %rem3A_258 = arith.remsi %get3A_255, %rem3A_257 : vector<16xi32>
      %get3A_259 = arith.index_cast %scan3A_209 : i32 to index
      %get3A_260 = arith.constant 224 : index
      %get3A_261 = tpu.vector_load %arg5[%get3A_259, %get3A_260] {strides = array<i32>} : memref<200x256xi32, #tpu.memory_space<vmem>>, vector<1x16xi32>,
      %get3A_262 = vector.shape_cast %get3A_261 : vector<1x16xi32> to vector<16xi32>
      %rem3A_263 = arith.constant 7 : i32
      %rem3A_264 = vector.broadcast %rem3A_263 : i32 to vector<16xi32>
      %rem3A_265 = arith.remsi %get3A_262, %rem3A_264 : vector<16xi32>
      %get3A_266 = arith.index_cast %scan3A_209 : i32 to index
      %get3A_267 = arith.constant 240 : index
      %get3A_268 = tpu.vector_load %arg5[%get3A_266, %get3A_267] {strides = array<i32>} : memref<200x256xi32, #tpu.memory_space<vmem>>, vector<1x16xi32>,
      %get3A_269 = vector.shape_cast %get3A_268 : vector<1x16xi32> to vector<16xi32>
      %rem3A_270 = arith.constant 7 : i32
      %rem3A_271 = vector.broadcast %rem3A_270 : i32 to vector<16xi32>
      %rem3A_272 = arith.remsi %get3A_269, %rem3A_271 : vector<16xi32>
      %parallel_loop3A = arith.constant 0 : i32
      %parallel_loop3A_273 = arith.constant 64 : i32
      %parallel_loop3A_274 = arith.constant 1 : i32
      scf.for %parallel_loop3A_290 = %parallel_loop3A to %parallel_loop3A_273 step %parallel_loop3A_274  : i32 {
        %parallel_loop3A_291 = arith.index_cast %parallel_loop3A_290 : i32 to index
        %parallel_loop3A_292 = arith.constant 0 : index
        %parallel_loop3A_293 = tpu.vector_load %arg6[%parallel_loop3A_291, %parallel_loop3A_292] {strides = array<i32>} : memref<64x128xf32, #tpu.memory_space<vmem>>, vector<1x16xf32>,
        %parallel_loop3A_294 = vector.shape_cast %parallel_loop3A_293 : vector<1x16xf32> to vector<16xf32>
        %parallel_loop3A_295 = arith.constant 0 : i32
        %parallel_loop3A_296 = vector.broadcast %parallel_loop3A_295 : i32 to vector<16xi32>
        %parallel_loop3A_297 = arith.cmpi slt, %rem3A_223, %parallel_loop3A_296 : vector<16xi32>
        %parallel_loop3A_298 = arith.constant 16 : i32
        %parallel_loop3A_299 = vector.broadcast %parallel_loop3A_298 : i32 to vector<16xi32>
        %parallel_loop3A_300 = arith.addi %rem3A_223, %parallel_loop3A_299 : vector<16xi32>
        %parallel_loop3A_301 = arith.select %parallel_loop3A_297, %parallel_loop3A_300, %rem3A_223 : vector<16xi1>, vector<16xi32>
        %parallel_loop3A_302 = vector.shape_cast %parallel_loop3A_301 : vector<16xi32> to vector<16x1xi32>
        %parallel_loop3A_303 = vector.shape_cast %parallel_loop3A_302 : vector<16x1xi32> to vector<16xi32>
        %parallel_loop3A_304 = tpu.dynamic_gather %parallel_loop3A_294[%parallel_loop3A_303] in [0] : vector<16xf32>, vector<16xi32> -> vector<16xf32>
        %parallel_loop3A_305 = arith.index_cast %rem3A_215 : i32 to index
        %parallel_loop3A_306 = arith.index_cast %parallel_loop3A_290 : i32 to index
        %parallel_loop3A_307 = arith.constant 0 : index
        %parallel_loop3A_308 = tpu.vector_load %arg7[%parallel_loop3A_305, %parallel_loop3A_306, %parallel_loop3A_307] {strides = array<i32>} : memref<4x64x128xf32, #tpu.memory_space<vmem>>, vector<1x1x16xf32>,
        %parallel_loop3A_309 = vector.shape_cast %parallel_loop3A_308 : vector<1x1x16xf32> to vector<16xf32>
        %parallel_loop3A_310 = vector.shape_cast %parallel_loop3A_304 : vector<16xf32> to vector<1x1x16xf32>
        tpu.vector_store %arg7[%parallel_loop3A_305, %parallel_loop3A_306, %parallel_loop3A_307], %parallel_loop3A_310 {strides = array<i32>} : memref<4x64x128xf32, #tpu.memory_space<vmem>>, vector<1x1x16xf32>,
        %parallel_loop3A_311 = arith.constant 0 : i32
        %parallel_loop3A_312 = vector.broadcast %parallel_loop3A_311 : i32 to vector<16xi32>
        %parallel_loop3A_313 = arith.cmpi slt, %rem3A_230, %parallel_loop3A_312 : vector<16xi32>
        %parallel_loop3A_314 = arith.constant 16 : i32
        %parallel_loop3A_315 = vector.broadcast %parallel_loop3A_314 : i32 to vector<16xi32>
        %parallel_loop3A_316 = arith.addi %rem3A_230, %parallel_loop3A_315 : vector<16xi32>
        %parallel_loop3A_317 = arith.select %parallel_loop3A_313, %parallel_loop3A_316, %rem3A_230 : vector<16xi1>, vector<16xi32>
        %parallel_loop3A_318 = vector.shape_cast %parallel_loop3A_317 : vector<16xi32> to vector<16x1xi32>
        %parallel_loop3A_319 = vector.shape_cast %parallel_loop3A_318 : vector<16x1xi32> to vector<16xi32>
        %parallel_loop3A_320 = tpu.dynamic_gather %parallel_loop3A_294[%parallel_loop3A_319] in [0] : vector<16xf32>, vector<16xi32> -> vector<16xf32>
        %parallel_loop3A_321 = arith.index_cast %rem3A_215 : i32 to index
        %parallel_loop3A_322 = arith.index_cast %parallel_loop3A_290 : i32 to index
        %parallel_loop3A_323 = arith.constant 16 : index
        %parallel_loop3A_324 = tpu.vector_load %arg7[%parallel_loop3A_321, %parallel_loop3A_322, %parallel_loop3A_323] {strides = array<i32>} : memref<4x64x128xf32, #tpu.memory_space<vmem>>, vector<1x1x16xf32>,
        %parallel_loop3A_325 = vector.shape_cast %parallel_loop3A_324 : vector<1x1x16xf32> to vector<16xf32>
        %parallel_loop3A_326 = vector.shape_cast %parallel_loop3A_320 : vector<16xf32> to vector<1x1x16xf32>
        tpu.vector_store %arg7[%parallel_loop3A_321, %parallel_loop3A_322, %parallel_loop3A_323], %parallel_loop3A_326 {strides = array<i32>} : memref<4x64x128xf32, #tpu.memory_space<vmem>>, vector<1x1x16xf32>,
        %parallel_loop3A_327 = arith.constant 0 : i32
        %parallel_loop3A_328 = vector.broadcast %parallel_loop3A_327 : i32 to vector<16xi32>
        %parallel_loop3A_329 = arith.cmpi slt, %rem3A_237, %parallel_loop3A_328 : vector<16xi32>
        %parallel_loop3A_330 = arith.constant 16 : i32
        %parallel_loop3A_331 = vector.broadcast %parallel_loop3A_330 : i32 to vector<16xi32>
        %parallel_loop3A_332 = arith.addi %rem3A_237, %parallel_loop3A_331 : vector<16xi32>
        %parallel_loop3A_333 = arith.select %parallel_loop3A_329, %parallel_loop3A_332, %rem3A_237 : vector<16xi1>, vector<16xi32>
        %parallel_loop3A_334 = vector.shape_cast %parallel_loop3A_333 : vector<16xi32> to vector<16x1xi32>
        %parallel_loop3A_335 = vector.shape_cast %parallel_loop3A_334 : vector<16x1xi32> to vector<16xi32>
        %parallel_loop3A_336 = tpu.dynamic_gather %parallel_loop3A_294[%parallel_loop3A_335] in [0] : vector<16xf32>, vector<16xi32> -> vector<16xf32>
        %parallel_loop3A_337 = arith.index_cast %rem3A_215 : i32 to index
        %parallel_loop3A_338 = arith.index_cast %parallel_loop3A_290 : i32 to index
        %parallel_loop3A_339 = arith.constant 32 : index
        %parallel_loop3A_340 = tpu.vector_load %arg7[%parallel_loop3A_337, %parallel_loop3A_338, %parallel_loop3A_339] {strides = array<i32>} : memref<4x64x128xf32, #tpu.memory_space<vmem>>, vector<1x1x16xf32>,
        %parallel_loop3A_341 = vector.shape_cast %parallel_loop3A_340 : vector<1x1x16xf32> to vector<16xf32>
        %parallel_loop3A_342 = vector.shape_cast %parallel_loop3A_336 : vector<16xf32> to vector<1x1x16xf32>
        tpu.vector_store %arg7[%parallel_loop3A_337, %parallel_loop3A_338, %parallel_loop3A_339], %parallel_loop3A_342 {strides = array<i32>} : memref<4x64x128xf32, #tpu.memory_space<vmem>>, vector<1x1x16xf32>,
        %parallel_loop3A_343 = arith.constant 0 : i32
        %parallel_loop3A_344 = vector.broadcast %parallel_loop3A_343 : i32 to vector<16xi32>
        %parallel_loop3A_345 = arith.cmpi slt, %rem3A_244, %parallel_loop3A_344 : vector<16xi32>
        %parallel_loop3A_346 = arith.constant 16 : i32
        %parallel_loop3A_347 = vector.broadcast %parallel_loop3A_346 : i32 to vector<16xi32>
        %parallel_loop3A_348 = arith.addi %rem3A_244, %parallel_loop3A_347 : vector<16xi32>
        %parallel_loop3A_349 = arith.select %parallel_loop3A_345, %parallel_loop3A_348, %rem3A_244 : vector<16xi1>, vector<16xi32>
        %parallel_loop3A_350 = vector.shape_cast %parallel_loop3A_349 : vector<16xi32> to vector<16x1xi32>
        %parallel_loop3A_351 = vector.shape_cast %parallel_loop3A_350 : vector<16x1xi32> to vector<16xi32>
        %parallel_loop3A_352 = tpu.dynamic_gather %parallel_loop3A_294[%parallel_loop3A_351] in [0] : vector<16xf32>, vector<16xi32> -> vector<16xf32>
        %parallel_loop3A_353 = arith.index_cast %rem3A_215 : i32 to index
        %parallel_loop3A_354 = arith.index_cast %parallel_loop3A_290 : i32 to index
        %parallel_loop3A_355 = arith.constant 48 : index
        %parallel_loop3A_356 = tpu.vector_load %arg7[%parallel_loop3A_353, %parallel_loop3A_354, %parallel_loop3A_355] {strides = array<i32>} : memref<4x64x128xf32, #tpu.memory_space<vmem>>, vector<1x1x16xf32>,
        %parallel_loop3A_357 = vector.shape_cast %parallel_loop3A_356 : vector<1x1x16xf32> to vector<16xf32>
        %parallel_loop3A_358 = vector.shape_cast %parallel_loop3A_352 : vector<16xf32> to vector<1x1x16xf32>
        tpu.vector_store %arg7[%parallel_loop3A_353, %parallel_loop3A_354, %parallel_loop3A_355], %parallel_loop3A_358 {strides = array<i32>} : memref<4x64x128xf32, #tpu.memory_space<vmem>>, vector<1x1x16xf32>,
        %parallel_loop3A_359 = arith.constant 0 : i32
        %parallel_loop3A_360 = vector.broadcast %parallel_loop3A_359 : i32 to vector<16xi32>
        %parallel_loop3A_361 = arith.cmpi slt, %rem3A_251, %parallel_loop3A_360 : vector<16xi32>
        %parallel_loop3A_362 = arith.constant 16 : i32
        %parallel_loop3A_363 = vector.broadcast %parallel_loop3A_362 : i32 to vector<16xi32>
        %parallel_loop3A_364 = arith.addi %rem3A_251, %parallel_loop3A_363 : vector<16xi32>
        %parallel_loop3A_365 = arith.select %parallel_loop3A_361, %parallel_loop3A_364, %rem3A_251 : vector<16xi1>, vector<16xi32>
        %parallel_loop3A_366 = vector.shape_cast %parallel_loop3A_365 : vector<16xi32> to vector<16x1xi32>
        %parallel_loop3A_367 = vector.shape_cast %parallel_loop3A_366 : vector<16x1xi32> to vector<16xi32>
        %parallel_loop3A_368 = tpu.dynamic_gather %parallel_loop3A_294[%parallel_loop3A_367] in [0] : vector<16xf32>, vector<16xi32> -> vector<16xf32>
        %parallel_loop3A_369 = arith.index_cast %rem3A_215 : i32 to index
        %parallel_loop3A_370 = arith.index_cast %parallel_loop3A_290 : i32 to index
        %parallel_loop3A_371 = arith.constant 64 : index
        %parallel_loop3A_372 = tpu.vector_load %arg7[%parallel_loop3A_369, %parallel_loop3A_370, %parallel_loop3A_371] {strides = array<i32>} : memref<4x64x128xf32, #tpu.memory_space<vmem>>, vector<1x1x16xf32>,
        %parallel_loop3A_373 = vector.shape_cast %parallel_loop3A_372 : vector<1x1x16xf32> to vector<16xf32>
        %parallel_loop3A_374 = vector.shape_cast %parallel_loop3A_368 : vector<16xf32> to vector<1x1x16xf32>
        tpu.vector_store %arg7[%parallel_loop3A_369, %parallel_loop3A_370, %parallel_loop3A_371], %parallel_loop3A_374 {strides = array<i32>} : memref<4x64x128xf32, #tpu.memory_space<vmem>>, vector<1x1x16xf32>,
        %parallel_loop3A_375 = arith.constant 0 : i32
        %parallel_loop3A_376 = vector.broadcast %parallel_loop3A_375 : i32 to vector<16xi32>
        %parallel_loop3A_377 = arith.cmpi slt, %rem3A_258, %parallel_loop3A_376 : vector<16xi32>
        %parallel_loop3A_378 = arith.constant 16 : i32
        %parallel_loop3A_379 = vector.broadcast %parallel_loop3A_378 : i32 to vector<16xi32>
        %parallel_loop3A_380 = arith.addi %rem3A_258, %parallel_loop3A_379 : vector<16xi32>
        %parallel_loop3A_381 = arith.select %parallel_loop3A_377, %parallel_loop3A_380, %rem3A_258 : vector<16xi1>, vector<16xi32>
        %parallel_loop3A_382 = vector.shape_cast %parallel_loop3A_381 : vector<16xi32> to vector<16x1xi32>
        %parallel_loop3A_383 = vector.shape_cast %parallel_loop3A_382 : vector<16x1xi32> to vector<16xi32>
        %parallel_loop3A_384 = tpu.dynamic_gather %parallel_loop3A_294[%parallel_loop3A_383] in [0] : vector<16xf32>, vector<16xi32> -> vector<16xf32>
        %parallel_loop3A_385 = arith.index_cast %rem3A_215 : i32 to index
        %parallel_loop3A_386 = arith.index_cast %parallel_loop3A_290 : i32 to index
        %parallel_loop3A_387 = arith.constant 80 : index
        %parallel_loop3A_388 = tpu.vector_load %arg7[%parallel_loop3A_385, %parallel_loop3A_386, %parallel_loop3A_387] {strides = array<i32>} : memref<4x64x128xf32, #tpu.memory_space<vmem>>, vector<1x1x16xf32>,
        %parallel_loop3A_389 = vector.shape_cast %parallel_loop3A_388 : vector<1x1x16xf32> to vector<16xf32>
        %parallel_loop3A_390 = vector.shape_cast %parallel_loop3A_384 : vector<16xf32> to vector<1x1x16xf32>
        tpu.vector_store %arg7[%parallel_loop3A_385, %parallel_loop3A_386, %parallel_loop3A_387], %parallel_loop3A_390 {strides = array<i32>} : memref<4x64x128xf32, #tpu.memory_space<vmem>>, vector<1x1x16xf32>,
        %parallel_loop3A_391 = arith.constant 0 : i32
        %parallel_loop3A_392 = vector.broadcast %parallel_loop3A_391 : i32 to vector<16xi32>
        %parallel_loop3A_393 = arith.cmpi slt, %rem3A_265, %parallel_loop3A_392 : vector<16xi32>
        %parallel_loop3A_394 = arith.constant 16 : i32
        %parallel_loop3A_395 = vector.broadcast %parallel_loop3A_394 : i32 to vector<16xi32>
        %parallel_loop3A_396 = arith.addi %rem3A_265, %parallel_loop3A_395 : vector<16xi32>
        %parallel_loop3A_397 = arith.select %parallel_loop3A_393, %parallel_loop3A_396, %rem3A_265 : vector<16xi1>, vector<16xi32>
        %parallel_loop3A_398 = vector.shape_cast %parallel_loop3A_397 : vector<16xi32> to vector<16x1xi32>
        %parallel_loop3A_399 = vector.shape_cast %parallel_loop3A_398 : vector<16x1xi32> to vector<16xi32>
        %parallel_loop3A_400 = tpu.dynamic_gather %parallel_loop3A_294[%parallel_loop3A_399] in [0] : vector<16xf32>, vector<16xi32> -> vector<16xf32>
        %parallel_loop3A_401 = arith.index_cast %rem3A_215 : i32 to index
        %parallel_loop3A_402 = arith.index_cast %parallel_loop3A_290 : i32 to index
        %parallel_loop3A_403 = arith.constant 96 : index
        %parallel_loop3A_404 = tpu.vector_load %arg7[%parallel_loop3A_401, %parallel_loop3A_402, %parallel_loop3A_403] {strides = array<i32>} : memref<4x64x128xf32, #tpu.memory_space<vmem>>, vector<1x1x16xf32>,
        %parallel_loop3A_405 = vector.shape_cast %parallel_loop3A_404 : vector<1x1x16xf32> to vector<16xf32>
        %parallel_loop3A_406 = vector.shape_cast %parallel_loop3A_400 : vector<16xf32> to vector<1x1x16xf32>
        tpu.vector_store %arg7[%parallel_loop3A_401, %parallel_loop3A_402, %parallel_loop3A_403], %parallel_loop3A_406 {strides = array<i32>} : memref<4x64x128xf32, #tpu.memory_space<vmem>>, vector<1x1x16xf32>,
        %parallel_loop3A_407 = arith.constant 0 : i32
        %parallel_loop3A_408 = vector.broadcast %parallel_loop3A_407 : i32 to vector<16xi32>
        %parallel_loop3A_409 = arith.cmpi slt, %rem3A_272, %parallel_loop3A_408 : vector<16xi32>
        %parallel_loop3A_410 = arith.constant 16 : i32
        %parallel_loop3A_411 = vector.broadcast %parallel_loop3A_410 : i32 to vector<16xi32>
        %parallel_loop3A_412 = arith.addi %rem3A_272, %parallel_loop3A_411 : vector<16xi32>
        %parallel_loop3A_413 = arith.select %parallel_loop3A_409, %parallel_loop3A_412, %rem3A_272 : vector<16xi1>, vector<16xi32>
        %parallel_loop3A_414 = vector.shape_cast %parallel_loop3A_413 : vector<16xi32> to vector<16x1xi32>
        %parallel_loop3A_415 = vector.shape_cast %parallel_loop3A_414 : vector<16x1xi32> to vector<16xi32>
        %parallel_loop3A_416 = tpu.dynamic_gather %parallel_loop3A_294[%parallel_loop3A_415] in [0] : vector<16xf32>, vector<16xi32> -> vector<16xf32>
        %parallel_loop3A_417 = arith.index_cast %rem3A_215 : i32 to index
        %parallel_loop3A_418 = arith.index_cast %parallel_loop3A_290 : i32 to index
        %parallel_loop3A_419 = arith.constant 112 : index
        %parallel_loop3A_420 = tpu.vector_load %arg7[%parallel_loop3A_417, %parallel_loop3A_418, %parallel_loop3A_419] {strides = array<i32>} : memref<4x64x128xf32, #tpu.memory_space<vmem>>, vector<1x1x16xf32>,
        %parallel_loop3A_421 = vector.shape_cast %parallel_loop3A_420 : vector<1x1x16xf32> to vector<16xf32>
        %parallel_loop3A_422 = vector.shape_cast %parallel_loop3A_416 : vector<16xf32> to vector<1x1x16xf32>
        tpu.vector_store %arg7[%parallel_loop3A_417, %parallel_loop3A_418, %parallel_loop3A_419], %parallel_loop3A_422 {strides = array<i32>} : memref<4x64x128xf32, #tpu.memory_space<vmem>>, vector<1x1x16xf32>,
      } {sc.loop_unroll_factor = 2 : i64, sc.parallel_access}
      %dma_start3A = arith.constant 0 : i32
      %dma_start3A_275 = arith.constant 0 : i32
      %dma_start3A_276 = tpu.memref_slice %arg7[%rem3A_215, %dma_start3A, %dma_start3A_275] : memref<4x64x128xf32, #tpu.memory_space<vmem>> -> memref<1x64x128xf32, #tpu.memory_space<vmem>>
      %dma_start3A_277 = tpu.memref_squeeze %dma_start3A_276 : memref<1x64x128xf32, #tpu.memory_space<vmem>> -> memref<64x128xf32, #tpu.memory_space<vmem>>
      %dma_start3A_278 = arith.constant 0 : i32
      %dma_start3A_279 = tpu.memref_slice %arg4[%scan3A_209, %dma_start3A_278, %multiple_of3A_162] : memref<200x64x16384xf32, #tpu.memory_space<hbm>> -> memref<1x64x128xf32, #tpu.memory_space<hbm>>
      %dma_start3A_280 = tpu.memref_squeeze %dma_start3A_279 : memref<1x64x128xf32, #tpu.memory_space<hbm>> -> memref<64x128xf32, #tpu.memory_space<hbm>>
      %dma_start3A_281 = tpu.memref_slice %arg8[%rem3A_215] : memref<4x!tpu.dma_semaphore, #tpu.memory_space<semaphore_mem>> -> memref<1x!tpu.dma_semaphore, #tpu.memory_space<semaphore_mem>>
      %dma_start3A_282 = tpu.memref_squeeze %dma_start3A_281 : memref<1x!tpu.dma_semaphore, #tpu.memory_space<semaphore_mem>> -> memref<!tpu.dma_semaphore, #tpu.memory_space<semaphore_mem>>
      %dma_start3A_283 = arith.constant 0 : i32
      %dma_start3A_284 = tpu.memref_slice %arg4[%scan3A_209, %dma_start3A_283, %multiple_of3A_162] : memref<200x64x16384xf32, #tpu.memory_space<hbm>> -> memref<1x64x128xf32, #tpu.memory_space<hbm>>
      %dma_start3A_285 = tpu.memref_squeeze %dma_start3A_284 : memref<1x64x128xf32, #tpu.memory_space<hbm>> -> memref<64x128xf32, #tpu.memory_space<hbm>>
      %dma_start3A_286 = arith.constant 0 : i32
      %dma_start3A_287 = arith.constant 0 : i32
      %dma_start3A_288 = tpu.memref_slice %arg7[%rem3A_215, %dma_start3A_286, %dma_start3A_287] : memref<4x64x128xf32, #tpu.memory_space<vmem>> -> memref<1x64x128xf32, #tpu.memory_space<vmem>>
      %dma_start3A_289 = tpu.memref_squeeze %dma_start3A_288 : memref<1x64x128xf32, #tpu.memory_space<vmem>> -> memref<64x128xf32, #tpu.memory_space<vmem>>
      tpu.enqueue_dma source(%dma_start3A_289 : memref<64x128xf32, #tpu.memory_space<vmem>>) target(%dma_start3A_285 : memref<64x128xf32, #tpu.memory_space<hbm>>) target_semaphore(%dma_start3A_282 : memref<!tpu.dma_semaphore, #tpu.memory_space<semaphore_mem>>)
    }
    %scan3A_168 = arith.constant 200 : i32
    %rem3A_169 = arith.constant 397 : i32
    %rem3A_170 = arith.constant 4 : i32
    %rem3A_171 = arith.remsi %rem3A_169, %rem3A_170 : i32
    %dma_wait3A_172 = arith.constant 198 : i32
    %dma_wait3A_173 = arith.constant 0 : i32
    %dma_wait3A_174 = arith.constant 0 : i32
    %dma_wait3A_175 = tpu.memref_slice %arg7[%rem3A_171, %dma_wait3A_173, %dma_wait3A_174] : memref<4x64x128xf32, #tpu.memory_space<vmem>> -> memref<1x64x128xf32, #tpu.memory_space<vmem>>
    %dma_wait3A_176 = tpu.memref_squeeze %dma_wait3A_175 : memref<1x64x128xf32, #tpu.memory_space<vmem>> -> memref<64x128xf32, #tpu.memory_space<vmem>>
    %dma_wait3A_177 = arith.constant 0 : i32
    %dma_wait3A_178 = tpu.memref_slice %arg4[%dma_wait3A_172, %dma_wait3A_177, %multiple_of3A_162] : memref<200x64x16384xf32, #tpu.memory_space<hbm>> -> memref<1x64x128xf32, #tpu.memory_space<hbm>>
    %dma_wait3A_179 = tpu.memref_squeeze %dma_wait3A_178 : memref<1x64x128xf32, #tpu.memory_space<hbm>> -> memref<64x128xf32, #tpu.memory_space<hbm>>
    %dma_wait3A_180 = tpu.memref_slice %arg8[%rem3A_171] : memref<4x!tpu.dma_semaphore, #tpu.memory_space<semaphore_mem>> -> memref<1x!tpu.dma_semaphore, #tpu.memory_space<semaphore_mem>>
    %dma_wait3A_181 = tpu.memref_squeeze %dma_wait3A_180 : memref<1x!tpu.dma_semaphore, #tpu.memory_space<semaphore_mem>> -> memref<!tpu.dma_semaphore, #tpu.memory_space<semaphore_mem>>
    %dma_wait3A_182 = arith.constant 0 : i32
    %dma_wait3A_183 = tpu.memref_slice %arg4[%dma_wait3A_172, %dma_wait3A_182, %multiple_of3A_162] : memref<200x64x16384xf32, #tpu.memory_space<hbm>> -> memref<1x64x128xf32, #tpu.memory_space<hbm>>
    %dma_wait3A_184 = tpu.memref_squeeze %dma_wait3A_183 : memref<1x64x128xf32, #tpu.memory_space<hbm>> -> memref<64x128xf32, #tpu.memory_space<hbm>>
    %dma_wait3A_185 = arith.constant 0 : i32
    %dma_wait3A_186 = arith.constant 0 : i32
    %dma_wait3A_187 = tpu.memref_slice %arg7[%rem3A_171, %dma_wait3A_185, %dma_wait3A_186] : memref<4x64x128xf32, #tpu.memory_space<vmem>> -> memref<1x64x128xf32, #tpu.memory_space<vmem>>
    %dma_wait3A_188 = tpu.memref_squeeze %dma_wait3A_187 : memref<1x64x128xf32, #tpu.memory_space<vmem>> -> memref<64x128xf32, #tpu.memory_space<vmem>>
    tpu.wait_dma2 semaphore(%dma_wait3A_181 : memref<!tpu.dma_semaphore, #tpu.memory_space<semaphore_mem>>) src(%dma_wait3A_188 : memref<64x128xf32, #tpu.memory_space<vmem>>) dst(%dma_wait3A_184 : memref<64x128xf32, #tpu.memory_space<hbm>>)
    %rem3A_189 = arith.constant 399 : i32
    %rem3A_190 = arith.constant 4 : i32
    %rem3A_191 = arith.remsi %rem3A_189, %rem3A_190 : i32
    %dma_wait3A_192 = arith.constant 199 : i32
    %dma_wait3A_193 = arith.constant 0 : i32
    %dma_wait3A_194 = arith.constant 0 : i32
    %dma_wait3A_195 = tpu.memref_slice %arg7[%rem3A_191, %dma_wait3A_193, %dma_wait3A_194] : memref<4x64x128xf32, #tpu.memory_space<vmem>> -> memref<1x64x128xf32, #tpu.memory_space<vmem>>
    %dma_wait3A_196 = tpu.memref_squeeze %dma_wait3A_195 : memref<1x64x128xf32, #tpu.memory_space<vmem>> -> memref<64x128xf32, #tpu.memory_space<vmem>>
    %dma_wait3A_197 = arith.constant 0 : i32
    %dma_wait3A_198 = tpu.memref_slice %arg4[%dma_wait3A_192, %dma_wait3A_197, %multiple_of3A_162] : memref<200x64x16384xf32, #tpu.memory_space<hbm>> -> memref<1x64x128xf32, #tpu.memory_space<hbm>>
    %dma_wait3A_199 = tpu.memref_squeeze %dma_wait3A_198 : memref<1x64x128xf32, #tpu.memory_space<hbm>> -> memref<64x128xf32, #tpu.memory_space<hbm>>
    %dma_wait3A_200 = tpu.memref_slice %arg8[%rem3A_191] : memref<4x!tpu.dma_semaphore, #tpu.memory_space<semaphore_mem>> -> memref<1x!tpu.dma_semaphore, #tpu.memory_space<semaphore_mem>>
    %dma_wait3A_201 = tpu.memref_squeeze %dma_wait3A_200 : memref<1x!tpu.dma_semaphore, #tpu.memory_space<semaphore_mem>> -> memref<!tpu.dma_semaphore, #tpu.memory_space<semaphore_mem>>
    %dma_wait3A_202 = arith.constant 0 : i32
    %dma_wait3A_203 = tpu.memref_slice %arg4[%dma_wait3A_192, %dma_wait3A_202, %multiple_of3A_162] : memref<200x64x16384xf32, #tpu.memory_space<hbm>> -> memref<1x64x128xf32, #tpu.memory_space<hbm>>
    %dma_wait3A_204 = tpu.memref_squeeze %dma_wait3A_203 : memref<1x64x128xf32, #tpu.memory_space<hbm>> -> memref<64x128xf32, #tpu.memory_space<hbm>>
    %dma_wait3A_205 = arith.constant 0 : i32
    %dma_wait3A_206 = arith.constant 0 : i32
    %dma_wait3A_207 = tpu.memref_slice %arg7[%rem3A_191, %dma_wait3A_205, %dma_wait3A_206] : memref<4x64x128xf32, #tpu.memory_space<vmem>> -> memref<1x64x128xf32, #tpu.memory_space<vmem>>
    %dma_wait3A_208 = tpu.memref_squeeze %dma_wait3A_207 : memref<1x64x128xf32, #tpu.memory_space<vmem>> -> memref<64x128xf32, #tpu.memory_space<vmem>>
    tpu.wait_dma2 semaphore(%dma_wait3A_201 : memref<!tpu.dma_semaphore, #tpu.memory_space<semaphore_mem>>) src(%dma_wait3A_208 : memref<64x128xf32, #tpu.memory_space<vmem>>) dst(%dma_wait3A_204 : memref<64x128xf32, #tpu.memory_space<hbm>>)
    return
  }
}

module attributes {stable_mosaic.version = 14 : i64} {
  func.func @_transpose_body(%arg0: i32, %arg1: memref<2048x200xi32, #tpu.memory_space<vmem>>, %arg2: memref<200x2048xi32, #tpu.memory_space<vmem>>) attributes {dimension_semantics = [#tpu.dimension_semantics<arbitrary>], iteration_bounds = array<i64: 8>, scalar_prefetch = 0 : i64, scratch_operands = 0 : i64, tpu.core_type = #tpu.core_type<tc>, window_params = [{transform_indices = @transform_0, window_bounds = array<i64: 2048, 200>}, {transform_indices = @transform_1, window_bounds = array<i64: 200, 2048>}]} {
    %get3A = arith.constant 0 : index
    %get3A_0 = arith.constant 0 : index
    %get3A_1 = vector.load %arg1[%get3A, %get3A_0] : memref<2048x200xi32, #tpu.memory_space<vmem>>, vector<2048x200xi32>
    %transpose3A = tpu.transpose %get3A_1, [1, 0] : vector<2048x200xi32> -> vector<200x2048xi32>
    %swap3A = arith.constant 0 : index
    %swap3A_2 = arith.constant 0 : index
    %swap3A_3 = vector.load %arg2[%swap3A, %swap3A_2] : memref<200x2048xi32, #tpu.memory_space<vmem>>, vector<200x2048xi32>
    tpu.vector_store %arg2[%swap3A, %swap3A_2], %transpose3A {strides = array<i32>} : memref<200x2048xi32, #tpu.memory_space<vmem>>, vector<200x2048xi32>,
    return
  }
  func.func @transform_0(%arg0: i32) -> (i32, i32) {
    %c0_i32 = arith.constant 0 : i32
    %c0_i32_0 = arith.constant 0 : i32
    return %arg0, %c0_i32 : i32, i32
  }
  func.func @transform_1(%arg0: i32) -> (i32, i32) {
    %c0_i32 = arith.constant 0 : i32
    %c0_i32_0 = arith.constant 0 : i32
    return %c0_i32, %arg0 : i32, i32
  }
}

</mosaic_0001>

<sc_bundles>
// kernel: kernel.4.cloned.1.call-start
scs
__scs_entry_jumppad:
0x0: {  	(pc) =	sbr.rel $0x88, $3  }
0x1: {  	(tag) =	ssettag $0x0;
	lr =	simm.s32 $0x1  }
0x2: {  	[smem:$0x3F9F] =	sst lr;
	_ =	strace $0xD0000000  }
0x3: {  	_ = 	snop  }
0x4: {  	_ = 	snop  }
0x5: {  	_ = 	snop  }
0x6: {  	_ = 	snop  }
0x7: {  	_ = 	snop  }
__scs_overlays_trampoline_lowered:
0x8: {  	[smem:$0x3FAE] =	sst s0  }
0x9: {  	[smem:$0x3FAF] =	sst s1  }
0xa: {  	[smem:$0x3FB0] =	sst s2  }
0xb: {  	[smem:$0x3FB1] =	sst s3  }
0xc: {  	[smem:$0x3FB2] =	sst s4  }
0xd: {  	[smem:$0x3FB3] =	sst s5  }
0xe: {  	[smem:$0x3FB4] =	sst s6  }
0xf: {  	[smem:$0x3FB5] =	sst s7  }
0x10: {  	[smem:$0x3FB6] =	sst s8  }
0x11: {  	[smem:$0x3FB7] =	sst s9;
	s0 =	simm.s32 @!p0 $0x0  }
0x12: {  	s1 =	sld [smem:$0x3F9D];
	s0 =	simm.s32 @p0 $0x1  }
0x13: {  	[smem:$0x3FB8] =	sst s0;
	s0 =	simm.s32 @!p1 $0x0  }
0x14: {  	s2 =	sld [smem:$0x3F9C];
	s0 =	simm.s32 @p1 $0x1  }
0x15: {  	[smem:$0x3FB9] =	sst s0;
	s0 =	simm.s32 @!p2 $0x0  }
0x16: {  	s3 =	sld [smem:$0x3FDB];
	s0 =	simm.s32 @p2 $0x1  }
0x17: {  	s4 =	simm.s32 $0x1BF5;
	[smem:$0x3FBB] =	sst s0  }
0x18: {  	s0 =	sld [smem:$0x3F9E];
	_ =	swait.ge [sflag:s4], $0x0  }
0x19: {  	s7 =	sld [smem:$0x3F9F]  }
0x1a: {  	s8 =	sadd.s32 $0xFFFFE003, lr  }
0x1b: {  	s9 =	sadd.s32 $0xFFFFFEF7, lr;
	s5 =	simm.s32 $0xFFFFFFFF;
	p2 =	slt.u32 s8, $0xFFFFF086  }
0x1c: {  	p1 =	slt.u32 s9, $0xF7A;
	s5 =	simm.s32 @!p2 $0x0  }
0x1d: {  	s5 =	simm.s32 @p1 $0x1;
	p0 =	seq.s32 s7, s2  }
0x1e: {  	s7 =	smul.u32 @!p0 $0xF7A, s2;
	p2 =	seq.s32 @!p0 s5, $0x0  }
0x1f: {  	s9 =	smul.u32 $0xF7A, s1;
	s8 =	simm.s32 @!p0 $0x1BF5;
	p2 =	por !p2, p0  }
0x20: {  	[sflag:s8] =	ssyncset.s32 @!p0 $0xFFFFF086;
	s6 =	sadd.s32 @!p0 s3, s7;
	s7 =	simm.s32 @!p0 $0x108  }
0x21: {  	s3 =	sadd.s32 s3, s9;
	s6 =	sadd.s32 @!p0 $0x88, s6;
	s7 =	simm.s32 @p2 $0x1082  }
0x22: {  	[simem:s7], [sflag:s8] =	dma.local @!p0 [hbm:s6], $0xF7A  }
0x23: {  	s9 =	sor.u32 $0xD0000000, s2;
	s6 =	simm.s32 $0x108;
	_ =	swait.ge @!p0 [sflag:s8], $0x0  }
0x24: {  	s3 =	sadd.s32 $0x88, s3;
	s6 =	simm.s32 @!p1 $0x1082;
	[sflag:s4] =	ssyncset.s32 $0xFFFFF086  }
0x25: {  	[simem:s6], [sflag:s4] =	dma.local [hbm:s3], $0xF7A  }
0x26: {  	[smem:$0x3F9F] =	sst s1;
	(tag) =	ssettag s2;
	_ =	strace s9  }
0x27: {  	s1 =	sld [smem:$0x3FAF]  }
0x28: {  	s2 =	sld [smem:$0x3FB0]  }
0x29: {  	s4 =	sld [smem:$0x3FB2]  }
0x2a: {  	p0 =	seq.s32 s5, $0x0;
	s5 =	sld [smem:$0x3FB3]  }
0x2b: {  	s6 =	sld [smem:$0x3FB4]  }
0x2c: {  	s7 =	sld [smem:$0x3FB5]  }
0x2d: {  	s3 =	simm.s32 $0x108;
	s8 =	sld [smem:$0x3FB6]  }
0x2e: {  	s3 =	simm.s32 @!p0 $0x1082;
	s9 =	sld [smem:$0x3FB7]  }
0x2f: {  	lr =	sadd.s32 s0, s3;
	s0 =	sld [smem:$0x3FAE]  }
0x30: {  	s3 =	sld [smem:$0x3FB1]  }
0x31: {  	[smem:$0x3FBA] =	sst s10  }
0x32: {  	s10 =	sld [smem:$0x3FB8];
	_ =	sdelay $0x3  }
0x33: {  	p0 =	seq.s32 s10, $0x1;
	s10 =	sld [smem:$0x3FBA];
	_ =	sdelay $0x3  }
0x34: {  	[smem:$0x3FBA] =	sst s10  }
0x35: {  	s10 =	sld [smem:$0x3FB9];
	_ =	sdelay $0x3  }
0x36: {  	p1 =	seq.s32 s10, $0x1;
	s10 =	sld [smem:$0x3FBA];
	_ =	sdelay $0x3  }
0x37: {  	[smem:$0x3FBA] =	sst s10  }
0x38: {  	s10 =	sld [smem:$0x3FBB]  }
0x39: {  	_ = 	snop;
	(pc) =	sbr.ind lr, $3  }
0x3a: {  	_ = 	snop  }
0x3b: {  	_ = 	snop  }
0x3c: {  	p2 =	seq.s32 s10, $0x1;
	s10 =	sld [smem:$0x3FBA]  }
0x3d: {  	_ =	shalt  }
0x3e: {  	_ =	shalt  }
0x3f: {  	_ =	shalt  }
0x40: {  	_ =	shalt  }
0x41: {  	_ =	shalt  }
0x42: {  	_ =	shalt  }
0x43: {  	_ =	shalt  }
0x44: {  	_ =	shalt  }
0x45: {  	_ =	shalt  }
0x46: {  	_ =	shalt  }
0x47: {  	_ =	shalt  }
0x48: {  	_ =	shalt  }
0x49: {  	_ =	shalt  }
0x4a: {  	_ =	shalt  }
0x4b: {  	_ =	shalt  }
0x4c: {  	_ =	shalt  }
0x4d: {  	_ =	shalt  }
0x4e: {  	_ =	shalt  }
0x4f: {  	_ =	shalt  }
0x50: {  	_ =	shalt  }
0x51: {  	_ =	shalt  }
0x52: {  	_ =	shalt  }
0x53: {  	_ =	shalt  }
0x54: {  	_ =	shalt  }
0x55: {  	_ =	shalt  }
0x56: {  	_ =	shalt  }
0x57: {  	_ =	shalt  }
0x58: {  	_ =	shalt  }
0x59: {  	_ =	shalt  }
0x5a: {  	_ =	shalt  }
0x5b: {  	_ =	shalt  }
0x5c: {  	_ =	shalt  }
0x5d: {  	_ =	shalt  }
0x5e: {  	_ =	shalt  }
0x5f: {  	_ =	shalt  }
0x60: {  	_ =	shalt  }
0x61: {  	_ =	shalt  }
0x62: {  	_ =	shalt  }
0x63: {  	_ =	shalt  }
0x64: {  	_ =	shalt  }
0x65: {  	_ =	shalt  }
0x66: {  	_ =	shalt  }
0x67: {  	_ =	shalt  }
0x68: {  	_ =	shalt  }
0x69: {  	_ =	shalt  }
0x6a: {  	_ =	shalt  }
0x6b: {  	_ =	shalt  }
0x6c: {  	_ =	shalt  }
0x6d: {  	_ =	shalt  }
0x6e: {  	_ =	shalt  }
0x6f: {  	_ =	shalt  }
0x70: {  	_ =	shalt  }
0x71: {  	_ =	shalt  }
0x72: {  	_ =	shalt  }
0x73: {  	_ =	shalt  }
0x74: {  	_ =	shalt  }
0x75: {  	_ =	shalt  }
0x76: {  	_ =	shalt  }
0x77: {  	_ =	shalt  }
0x78: {  	_ =	shalt  }
0x79: {  	_ =	shalt  }
0x7a: {  	_ =	shalt  }
0x7b: {  	_ =	shalt  }
0x7c: {  	_ =	shalt  }
0x7d: {  	_ =	shalt  }
0x7e: {  	_ =	shalt  }
0x7f: {  	_ =	shalt  }
0x80: {  	_ =	shalt  }
0x81: {  	_ =	shalt  }
0x82: {  	_ =	shalt  }
0x83: {  	_ =	shalt  }
0x84: {  	_ =	shalt  }
0x85: {  	_ =	shalt  }
0x86: {  	_ =	shalt  }
0x87: {  	_ =	shalt  }
.Lfunc_end0:
.L_simem_size_0:
called_computation_lowered:
.L_overlay_start_0:
0x88: {  	s2 =	sld [smem:$0x3FD9]  }
0x89: {  	s3 =	sld [smem:$0x3FFE];
	_ =	sdelay $0x1  }
0x8a: {  	s1 =	srdreg.scid  }
0x8b: {  	s0 =	sand.u32 $0x1, s1  }
0x8c: {  	s17 =	sshll.u32 s0, $0xA;
	s2 =	sadd.s32 s3, s2  }
0x8d: {  	s2 =	sadd.s32 s2, s17  }
0x8e: {  	[smem:$0x3FC6] =	sst s2  }
0x8f: {  	_ = 	snop  }
0x90: {  	s2 =	sld [smem:$0x3FD0];
	(tm) =	ssettm $0x1  }
0x91: {  	s18 =	sld [smem:$0x3FFB];
	_ =	sdelay $0x3  }
0x92: {  	_ =	strace s18  }
0x93: {  	s3 =	sld [smem:$0x3FFC];
	_ =	sdelay $0x3  }
0x94: {  	_ =	strace s3  }
0x95: {  	s3 =	sld [smem:$0x3FFD];
	_ =	sdelay $0x3  }
0x96: {  	_ =	strace s3  }
0x97: {  	_ =	strace $0x8FFFFFFF  }
0x98: {  	s19 =	sld [smem:$0x3FDB];
	_ =	sdelay $0x1  }
0x99: {  	s4 =	simm.s32 $_scs_section_size  }
0x9a: {  	s5 =	simm.s32 $_size__tile_overlayer_lowered;
	s6 =	simm.s32 $_tile_overlayer_lowered  }
0x9b: {  	s22 =	simm.s32 $0x1BFF;
	s21 =	sshll.u32 s6, $0x1;
	s3 =	sadd.s32 s4, s19  }
0x9c: {  	s7 =	simm.s32 $0x0;
	s20 =	sshll.u32 s5, $0x1;
	s5 =	sadd.s32 s21, s3  }
0x9d: {  	[timem:s7], [sflag:s22] =	dma.local [hbm:s5], s20  }
0x9e: {  	_ =	swait.ge [sflag:s22], s20  }
0x9f: {  	s4 =	ssub.s32 $0x0, s20;
	[sflag:s22] =	ssyncset.done $0x0  }
0xa0: {  	[sflag:s22] =	ssyncadd.s32 s4;
	_ =	sdelay $0x1  }
0xa1: {  	s23 =	simm.s32 $0x1B8B  }
0xa2: {  	_ =	swait.ge [sflag:s23], $0x1  }
0xa3: {  	[sflag:s23] =	ssyncset.done $0x0  }
0xa4: {  	s25 =	simm.s32 $0x1B8E;
	s24 =	sld [smem:$0x3FFE];
	[sflag:s23] =	ssyncadd.s32 $0xFFFFFFFF  }
0xa5: {  	s26 =	simm.s32 $execute0_lowered;
	[smem:$0x3FD2] =	sst s25  }
0xa6: {  	s5 =	sshll.u32 s26, $0x1;
	_ =	strace $0x80000046;
	[dreg:$0x1] =	wrdreg $0xFFFFFFFF  }
0xa7: {  	s28 =	simm.s32 $_size_execute0_lowered;
	s3 =	sadd.s32 s3, s5;
	[dreg:$0x0] =	wrdreg $0x0  }
0xa8: {  	s5 =	sshll.u32 s28, $0x1;
	[dreg:$0x2] =	wrdreg s3  }
0xa9: {  	[dreg:$0x3] =	wrdreg s5  }
0xaa: {  	[dreg:$0x4] =	wrdreg $0xC0  }
0xab: {  	_ =	task [dreg:s7], $0x5FFFF  }
0xac: {  	[dreg:$0x1] =	wrdreg $0xFFFFFFFF  }
0xad: {  	[dreg:$0x0] =	wrdreg $0x60  }
0xae: {  	[dreg:$0x2] =	wrdreg s24  }
0xaf: {  	[dreg:$0x3] =	wrdreg s2  }
0xb0: {  	[dreg:$0x4] =	wrdreg $0x9  }
0xb1: {  	_ =	task.clear_ibuf [dreg:s7], $0x5FFFF;
	_ =	strace $0x90000046  }
0xb2: {  	s29 =	simm.s32 $0x9;
	_ =	strace $0x80000048  }
0xb3: {  	_ =	swait.ge [sflag:s29], $0x1  }
0xb4: {  	[sflag:s29] =	ssyncadd.s32 $0xFFFFFFFF  }
0xb5: {  	_ =	strace $0x90000048  }
0xb6: {  	_ =	sfence  }
0xb7: {  	s30 =	sld [smem:$0x0];
	_ =	sdelay $0x2  }
0xb8: {  	s31 =	sshll.u32 s1, $0xD;
	s1 =	sshrl.u32 s1, $0x2  }
0xb9: {  	s3 =	sand.u32 $0x4000, s31;
	s1 =	sadd.s32 s1, s30  }
0xba: {  	s0 =	sor.u32 s3, s0;
	s1 =	sshll.u32 s1, $0x11  }
0xbb: {  	s0 =	sor.u32 s1, s0  }
0xbc: {  	s0 =	sadd.s32 $0x8F2B, s0  }
0xbd: {  	[sflag:s0] =	ssyncadd.remote.s32 $0x1  }
0xbe: {  	_ =	sfence.sel $0xFFFF  }
0xbf: {  	[dreg:$0x0] =	wrdreg $0xFFFFFFFF;
	(pc) =	sbr.abs _section_cstart, $3  }
0xc0: {  	[dreg:$0x1] =	wrdreg $0xFFFFFFFF  }
0xc1: {  	_ =	task.clear_ibuf [dreg:s7], $0x2FFFF;
	_ =	strace $0x9FFFFFFF  }
0xc2: {  	(tm) =	ssettm $0x7FFFFFFF  }
0xc3: {  	_ =	shalt  }
tec
execute0_lowered:
.L_overlay_start_1:
0x0: {  	(tag) =	ssettag $0x1  }
0x1: {  	s0 =	rddreg [dreg:$0x0]  }
0x2: {  	s5 =	rddreg [dreg:$0x1]  }
0x3: {  	s1 =	srdreg.scid;
	s3 =	simm.s32 $0x0;
	s2 =	stileid.u32  }
0x4: {  	s1 =	sand.u32 $0x1, s1;
	[smem:$0x7FF] =	sst s3;
	s2 =	sshll.u32 s2, $0xA  }
0x5: {  	s26 =	sadd.s32 $0x200, s0;
	s0 =	sadd.s32 $0x64200, s0;
	s25 =	sshll.u32 s1, $0x9  }
0x6: {  	_ =	strace $0x80000047;
	[dreg:$0x3] =	wrdreg s0;
	s2 =	sor.u32 s25, s2  }
0x7: {  	s4 =	sshll.u32 s2, $0x3;
	s5 =	sadd.s32 s5, s2;
	s2 =	sadd.s32 s26, s2  }
0x8: {  	[dreg:$0x6] =	wrdreg s2  }
0x9: {  	s1 =	ssub.s32 $0x2, s1;
	s4 =	sor.u32 $0x800, s4;
	[dreg:$0x5] =	wrdreg s5  }
0xa: {  	v0 =	vimm.s32 $0xECA86420;
	vm0 =	vcmask $0xB08;
	s28 =	sshrl.u32 s1, $0x1;
	s30 =	sadd.s32 $0x80, s5;
	[dreg:$0x4] =	wrdreg s4  }
0xb: {  	vm1 =	vcmask $0x1310;
	vm2 =	vcmask $0x1B18;
	vm3 =	vcmask $0x300;
	s0 =	ssub.s32 s1, s28;
	s31 =	sadd.s32 $0x180, s5;
	[dreg:$0x7] =	wrdreg s30  }
0xc: {  	vm4 =	vcmask $0x2320;
	vm5 =	vcmask $0x2B28;
	v0 =	vunpack.c.l.s4.s8 v0;
	s0 =	smax.u32 s0, $0x1;
	s29 =	sshrl.u32 s4, $0x3;
	[dreg:$0x9] =	wrdreg s31  }
0xd: {  	vm6 =	vcmask $0x3330;
	v1 =	vlaneseq.u32;
	vm7 =	vcmask $0x3B38;
	[dreg:$0xa] =	wrdreg s0;
	s1 =	sadd.s32 s26, s29  }
0xe: {  	vm8 =	vmmov $0xff;
	v1 =	vmul.u32 $0x2, v1;
	v0 =	vunpack.c.0.s8.s32 v0;
	s2 =	simm.s32 $0x0;
	[dreg:$0x8] =	wrdreg s1  }
.LBB2_1:
0xf: {  	[dreg:$0xb] =	wrdreg s2;
	s0 =	simm.s32 $0x0  }
0x10: {  	s1 =	rddreg [dreg:$0x3];
	s29 =	simm.s32 $0xC800;
	s30 =	simm.s32 $0x5  }
0x11: {  	[tilespmem:s29], [sflag:$0x5] =	stream.linear.gather [hbm4b:s1+s0], $0x2000, $0x38;
	[tilespmem:$0x16800] =	vst v63  }
0x12: {  	_ =	swait.ge [sflag:s30], $0x2000  }
0x13: {  	s3 =	simm.s32 $0x800;
	[sflag:s30] =	ssyncset.done $0x0  }
0x14: {  	s4 =	simm.s32 $0x20000;
	s31 =	rddreg [dreg:$0x6];
	[sflag:s30] =	ssyncadd.s32 $0xFFFFE000  }
0x15: {  	[tilespmem:s0], [sflag:$0x5] =	stream.strided.gather [hbm4b:s31+s3], $0xC800, s4, s3, $0x38;
	[tilespmem:$0x16800] =	vst v63  }
0x16: {  	_ =	swait.ge [sflag:s30], $0xC800  }
0x17: {  	[sflag:s30] =	ssyncset.done $0x0  }
0x18: {  	p0 =	por $0x0, $0x0;
	s5 =	simm.s32 $0x0;
	[sflag:s30] =	ssyncadd.s32 $0xFFFF3800  }
.LBB2_2:
0x19: {  	s0 =	sshll.u32 s5, $0x1  }
0x1a: {  	p1 =	slt.u32 s5, $0x2;
	s0 =	sand.u32 $0x2, s0  }
0x1b: {  	[dreg:$0x11] =	wrdreg s0;
	s0 =	sadd.s32 @!p1 $0x1, s0  }
0x1c: {  	s1 =	sshll.u32 s5, $0x8;
	s2 =	sshll.u32 s5, $0x7;
	_ =	swait.ge @!p1 [sflag:s0], $0x2000  }
0x1d: {  	s1 =	sand.u32 $0xF800, s1;
	s2 =	sand.u32 $0x380, s2;
	[sflag:s0] =	ssyncset.done @!p1 $0x0  }
0x1e: {  	s2 =	sor.u32 s2, s1;
	[sflag:s0] =	ssyncadd.s32 @!p1 $0xFFFFE000  }
0x1f: {  	v3 =	vld [tilespmem:s2+$0x0];
	_ =	sdelay $0x4  }
0x20: {  	(v2sf) =	vpush v3, $0xD;
	_ =	sdelay $0x1  }
0x21: {  	(v2sf) =	vpush v3, $0xC  }
0x22: {  	(v2sf) =	vpush v3, $0xE;
	_ =	sdelay $0x1  }
0x23: {  	(v2sf) =	vpush v3, $0xF;
	_ =	sdelay $0x1  }
0x24: {  	(v2sf) =	vpush v3, $0x9;
	_ =	sdelay $0x1  }
0x25: {  	(v2sf) =	vpush v3, $0x8;
	_ =	sdelay $0x1  }
0x26: {  	(v2sf) =	vpush v3, $0xA;
	_ =	sdelay $0x1  }
0x27: {  	(v2sf) =	vpush v3, $0xB;
	_ =	sdelay $0x1  }
0x28: {  	(v2sf) =	vpush v3, $0x1;
	s23 =	spop (v2sf)  }
0x29: {  	[dreg:$0xf] =	wrdreg s5;
	s0 =	sshra.s32 s23, $0x1F  }
0x2a: {  	(v2sf) =	vpush v3, $0x0;
	s24 =	spop (v2sf);
	s0 =	smul.u32 $0x92492493, s0  }
0x2b: {  	[smem:$0x78B] =	sst s2;
	s25 =	sshra.s32 s24, $0x1F;
	s31 =	spop (v2sf)  }
0x2c: {  	(v2sf) =	vpush v3, $0x2;
	[dreg:$0x14] =	wrdreg s0;
	s0 =	smul.u32 $0x92492493, s25  }
0x2d: {  	[smem:$0x701] =	sst s23;
	s26 =	sshra.s32 s31, $0x1F;
	s28 =	spop (v2sf)  }
0x2e: {  	(v2sf) =	vpush v3, $0x3;
	[dreg:$0x18] =	wrdreg s0;
	s0 =	smul.u32 $0x92492493, s26  }
0x2f: {  	[smem:$0x702] =	sst s24;
	s29 =	sshra.s32 s28, $0x1F;
	s30 =	spop (v2sf)  }
0x30: {  	(v2sf) =	vpush v3, $0x4;
	[dreg:$0x1c] =	wrdreg s0;
	s0 =	smul.u32 $0x92492493, s29  }
0x31: {  	[smem:$0x703] =	sst s28;
	s1 =	sshra.s32 s30, $0x1F;
	s3 =	spop (v2sf)  }
0x32: {  	(v2sf) =	vpush v3, $0x5;
	[smem:$0x706] =	sst s0;
	s0 =	smul.u32 $0x92492493, s1  }
0x33: {  	v2 =	vld [tilespmem:s2+$0x10];
	[smem:$0x704] =	sst s30;
	s4 =	sshra.s32 s3, $0x1F;
	s5 =	spop (v2sf)  }
0x34: {  	(v2sf) =	vpush v3, $0x6;
	[smem:$0x708] =	sst s0;
	s0 =	smul.u32 $0x92492493, s4  }
0x35: {  	[smem:$0x705] =	sst s3;
	s6 =	sshra.s32 s5, $0x1F;
	s7 =	spop (v2sf)  }
0x36: {  	(v2sf) =	vpush v3, $0x7;
	[smem:$0x70A] =	sst s0;
	s0 =	smul.u32 $0x92492493, s6  }
0x37: {  	[smem:$0x707] =	sst s5;
	s8 =	sshra.s32 s7, $0x1F;
	s9 =	spop (v2sf)  }
0x38: {  	(v2sf) =	vpush v2, $0xD;
	[smem:$0x70C] =	sst s0;
	s0 =	smul.u32 $0x92492493, s8  }
0x39: {  	[smem:$0x709] =	sst s7;
	s10 =	sshra.s32 s9, $0x1F;
	s11 =	spop (v2sf)  }
0x3a: {  	(v2sf) =	vpush v2, $0xC;
	[smem:$0x70E] =	sst s0;
	s0 =	smul.u32 $0x92492493, s10  }
0x3b: {  	[smem:$0x70B] =	sst s9;
	s12 =	sshra.s32 s11, $0x1F;
	s13 =	spop (v2sf)  }
0x3c: {  	(v2sf) =	vpush v2, $0xE;
	[smem:$0x710] =	sst s0;
	s0 =	smul.u32 $0x92492493, s12  }
0x3d: {  	[smem:$0x70D] =	sst s11;
	s14 =	sshra.s32 s13, $0x1F;
	s15 =	spop (v2sf)  }
0x3e: {  	(v2sf) =	vpush v2, $0xF;
	[smem:$0x712] =	sst s0;
	s0 =	smul.u32 $0x92492493, s14  }
0x3f: {  	[smem:$0x70F] =	sst s13;
	s16 =	sshra.s32 s15, $0x1F;
	s17 =	spop (v2sf)  }
0x40: {  	(v2sf) =	vpush v2, $0x9;
	[smem:$0x714] =	sst s0;
	s0 =	smul.u32 $0x92492493, s16  }
0x41: {  	[smem:$0x711] =	sst s15;
	s18 =	sshra.s32 s17, $0x1F;
	s19 =	spop (v2sf)  }
0x42: {  	(v2sf) =	vpush v2, $0x8;
	[smem:$0x716] =	sst s0;
	s0 =	smul.u32 $0x92492493, s18  }
0x43: {  	[smem:$0x713] =	sst s17;
	s20 =	sshra.s32 s19, $0x1F;
	s21 =	spop (v2sf)  }
0x44: {  	(v2sf) =	vpush v2, $0xA;
	[smem:$0x718] =	sst s0;
	s0 =	smul.u32 $0x92492493, s20  }
0x45: {  	[smem:$0x715] =	sst s19;
	s22 =	sshra.s32 s21, $0x1F;
	s23 =	spop (v2sf)  }
0x46: {  	(v2sf) =	vpush v2, $0xB;
	[smem:$0x71A] =	sst s0;
	s0 =	smul.u32 $0x92492493, s22  }
0x47: {  	[smem:$0x717] =	sst s21;
	s24 =	sshra.s32 s23, $0x1F;
	s25 =	spop (v2sf)  }
0x48: {  	(v2sf) =	vpush v2, $0x1;
	[smem:$0x71C] =	sst s0;
	s0 =	smul.u32 $0x92492493, s24  }
0x49: {  	[smem:$0x719] =	sst s23;
	s26 =	sshra.s32 s25, $0x1F;
	s28 =	spop (v2sf)  }
0x4a: {  	(v2sf) =	vpush v2, $0x0;
	[smem:$0x71E] =	sst s0;
	s0 =	smul.u32 $0x92492493, s26  }
0x4b: {  	[smem:$0x71B] =	sst s25;
	s29 =	sshra.s32 s28, $0x1F;
	s30 =	spop (v2sf)  }
0x4c: {  	(v2sf) =	vpush v2, $0x2;
	[smem:$0x720] =	sst s0;
	s0 =	smul.u32 $0x92492493, s29  }
0x4d: {  	[smem:$0x71D] =	sst s28;
	s1 =	sshra.s32 s30, $0x1F;
	s3 =	spop (v2sf)  }
0x4e: {  	(v2sf) =	vpush v2, $0x3;
	[smem:$0x722] =	sst s0;
	s0 =	smul.u32 $0x92492493, s1  }
0x4f: {  	[smem:$0x71F] =	sst s30;
	s4 =	sshra.s32 s3, $0x1F;
	s5 =	spop (v2sf)  }
0x50: {  	(v2sf) =	vpush v2, $0x4;
	[smem:$0x724] =	sst s0;
	s0 =	smul.u32 $0x92492493, s4  }
0x51: {  	[smem:$0x721] =	sst s3;
	s6 =	sshra.s32 s5, $0x1F;
	s7 =	spop (v2sf)  }
0x52: {  	(v2sf) =	vpush v2, $0x5;
	[smem:$0x726] =	sst s0;
	s0 =	smul.u32 $0x92492493, s6  }
0x53: {  	v4 =	vld [tilespmem:s2+$0x20];
	[smem:$0x723] =	sst s5;
	s8 =	sshra.s32 s7, $0x1F;
	s9 =	spop (v2sf)  }
0x54: {  	(v2sf) =	vpush v2, $0x6;
	[smem:$0x728] =	sst s0;
	s0 =	smul.u32 $0x92492493, s8  }
0x55: {  	[smem:$0x725] =	sst s7;
	s10 =	sshra.s32 s9, $0x1F;
	s11 =	spop (v2sf)  }
0x56: {  	(v2sf) =	vpush v2, $0x7;
	[smem:$0x72A] =	sst s0;
	s0 =	smul.u32 $0x92492493, s10  }
0x57: {  	[smem:$0x727] =	sst s9;
	s12 =	sshra.s32 s11, $0x1F;
	s13 =	spop (v2sf)  }
0x58: {  	(v2sf) =	vpush v4, $0xD;
	[smem:$0x72C] =	sst s0;
	s0 =	smul.u32 $0x92492493, s12  }
0x59: {  	[smem:$0x729] =	sst s11;
	s14 =	sshra.s32 s13, $0x1F;
	s15 =	spop (v2sf)  }
0x5a: {  	(v2sf) =	vpush v4, $0xC;
	[smem:$0x72E] =	sst s0;
	s0 =	smul.u32 $0x92492493, s14  }
0x5b: {  	[smem:$0x72B] =	sst s13;
	s16 =	sshra.s32 s15, $0x1F;
	s17 =	spop (v2sf)  }
0x5c: {  	(v2sf) =	vpush v4, $0xE;
	[smem:$0x730] =	sst s0;
	s0 =	smul.u32 $0x92492493, s16  }
0x5d: {  	[smem:$0x72D] =	sst s15;
	s18 =	sshra.s32 s17, $0x1F;
	s19 =	spop (v2sf)  }
0x5e: {  	(v2sf) =	vpush v4, $0xF;
	[smem:$0x732] =	sst s0;
	s0 =	smul.u32 $0x92492493, s18  }
0x5f: {  	[smem:$0x72F] =	sst s17;
	s20 =	sshra.s32 s19, $0x1F;
	s21 =	spop (v2sf)  }
0x60: {  	(v2sf) =	vpush v4, $0x9;
	[smem:$0x734] =	sst s0;
	s0 =	smul.u32 $0x92492493, s20  }
0x61: {  	[smem:$0x731] =	sst s19;
	s23 =	spop (v2sf);
	s22 =	sshra.s32 s21, $0x1F  }
0x62: {  	(v2sf) =	vpush v4, $0x8;
	[smem:$0x736] =	sst s0;
	s0 =	smul.u32 $0x92492493, s22  }
0x63: {  	[smem:$0x733] =	sst s21;
	s25 =	spop (v2sf);
	s24 =	sshra.s32 s23, $0x1F  }
0x64: {  	(v2sf) =	vpush v4, $0xA;
	[smem:$0x738] =	sst s0;
	s0 =	smul.u32 $0x92492493, s24  }
0x65: {  	[smem:$0x735] =	sst s23;
	s28 =	spop (v2sf);
	s26 =	sshra.s32 s25, $0x1F  }
0x66: {  	(v2sf) =	vpush v4, $0xB;
	[smem:$0x73A] =	sst s0;
	s0 =	smul.u32 $0x92492493, s26  }
0x67: {  	[smem:$0x737] =	sst s25;
	s30 =	spop (v2sf);
	s29 =	sshra.s32 s28, $0x1F  }
0x68: {  	(v2sf) =	vpush v4, $0x1;
	[smem:$0x73C] =	sst s0;
	s0 =	smul.u32 $0x92492493, s29  }
0x69: {  	[smem:$0x739] =	sst s28;
	s3 =	spop (v2sf);
	s1 =	sshra.s32 s30, $0x1F  }
0x6a: {  	(v2sf) =	vpush v4, $0x0;
	[smem:$0x73E] =	sst s0;
	s0 =	smul.u32 $0x92492493, s1  }
0x6b: {  	[smem:$0x73B] =	sst s30;
	s5 =	spop (v2sf);
	s4 =	sshra.s32 s3, $0x1F  }
0x6c: {  	(v2sf) =	vpush v4, $0x2;
	[smem:$0x740] =	sst s0;
	s0 =	smul.u32 $0x92492493, s4  }
0x6d: {  	[smem:$0x73D] =	sst s3;
	s7 =	spop (v2sf);
	s6 =	sshra.s32 s5, $0x1F  }
0x6e: {  	(v2sf) =	vpush v4, $0x3;
	[smem:$0x742] =	sst s0;
	s0 =	smul.u32 $0x92492493, s6  }
0x6f: {  	[smem:$0x73F] =	sst s5;
	s9 =	spop (v2sf);
	s8 =	sshra.s32 s7, $0x1F  }
0x70: {  	(v2sf) =	vpush v4, $0x4;
	[smem:$0x744] =	sst s0;
	s0 =	smul.u32 $0x92492493, s8  }
0x71: {  	[smem:$0x741] =	sst s7;
	s11 =	spop (v2sf);
	s10 =	sshra.s32 s9, $0x1F  }
0x72: {  	(v2sf) =	vpush v4, $0x5;
	[smem:$0x746] =	sst s0;
	s0 =	smul.u32 $0x92492493, s10  }
0x73: {  	v5 =	vld [tilespmem:s2+$0x30];
	[smem:$0x743] =	sst s9;
	s13 =	spop (v2sf);
	s12 =	sshra.s32 s11, $0x1F  }
0x74: {  	(v2sf) =	vpush v4, $0x6;
	[smem:$0x748] =	sst s0;
	s0 =	smul.u32 $0x92492493, s12  }
0x75: {  	[smem:$0x745] =	sst s11;
	s15 =	spop (v2sf);
	s14 =	sshra.s32 s13, $0x1F  }
0x76: {  	(v2sf) =	vpush v4, $0x7;
	[smem:$0x74A] =	sst s0;
	s0 =	smul.u32 $0x92492493, s14  }
0x77: {  	[smem:$0x747] =	sst s13;
	s17 =	spop (v2sf);
	s16 =	sshra.s32 s15, $0x1F  }
0x78: {  	(v2sf) =	vpush v5, $0xD;
	[smem:$0x74C] =	sst s0;
	s0 =	smul.u32 $0x92492493, s16  }
0x79: {  	[smem:$0x749] =	sst s15;
	s19 =	spop (v2sf);
	s18 =	sshra.s32 s17, $0x1F  }
0x7a: {  	(v2sf) =	vpush v5, $0xC;
	[smem:$0x74E] =	sst s0;
	s0 =	smul.u32 $0x92492493, s18  }
0x7b: {  	[smem:$0x74B] =	sst s17;
	s21 =	spop (v2sf);
	s20 =	sshra.s32 s19, $0x1F  }
0x7c: {  	(v2sf) =	vpush v5, $0xE;
	[smem:$0x750] =	sst s0;
	s0 =	smul.u32 $0x92492493, s20  }
0x7d: {  	[smem:$0x74D] =	sst s19;
	s23 =	spop (v2sf);
	s22 =	sshra.s32 s21, $0x1F  }
0x7e: {  	(v2sf) =	vpush v5, $0xF;
	[smem:$0x752] =	sst s0;
	s0 =	smul.u32 $0x92492493, s22  }
0x7f: {  	[smem:$0x74F] =	sst s21;
	s25 =	spop (v2sf);
	s24 =	sshra.s32 s23, $0x1F  }
0x80: {  	(v2sf) =	vpush v5, $0x9;
	[smem:$0x754] =	sst s0;
	s0 =	smul.u32 $0x92492493, s24  }
0x81: {  	[smem:$0x751] =	sst s23;
	s28 =	spop (v2sf);
	s26 =	sshra.s32 s25, $0x1F  }
0x82: {  	(v2sf) =	vpush v5, $0x8;
	[smem:$0x756] =	sst s0;
	s0 =	smul.u32 $0x92492493, s26  }
0x83: {  	[smem:$0x753] =	sst s25;
	s30 =	spop (v2sf);
	s29 =	sshra.s32 s28, $0x1F  }
0x84: {  	(v2sf) =	vpush v5, $0xA;
	[smem:$0x758] =	sst s0;
	s0 =	smul.u32 $0x92492493, s29  }
0x85: {  	[smem:$0x755] =	sst s28;
	s3 =	spop (v2sf);
	s1 =	sshra.s32 s30, $0x1F  }
0x86: {  	(v2sf) =	vpush v5, $0xB;
	[smem:$0x75A] =	sst s0;
	s0 =	smul.u32 $0x92492493, s1  }
0x87: {  	[smem:$0x757] =	sst s30;
	s5 =	spop (v2sf);
	s4 =	sshra.s32 s3, $0x1F  }
0x88: {  	(v2sf) =	vpush v5, $0x1;
	[smem:$0x75C] =	sst s0;
	s0 =	smul.u32 $0x92492493, s4  }
0x89: {  	[smem:$0x759] =	sst s3;
	s7 =	spop (v2sf);
	s6 =	sshra.s32 s5, $0x1F  }
0x8a: {  	(v2sf) =	vpush v5, $0x0;
	[smem:$0x75E] =	sst s0;
	s0 =	smul.u32 $0x92492493, s6  }
0x8b: {  	[smem:$0x75B] =	sst s5;
	s9 =	spop (v2sf);
	s8 =	sshra.s32 s7, $0x1F  }
0x8c: {  	(v2sf) =	vpush v5, $0x2;
	[smem:$0x760] =	sst s0;
	s0 =	smul.u32 $0x92492493, s8  }
0x8d: {  	[smem:$0x75D] =	sst s7;
	s11 =	spop (v2sf);
	s10 =	sshra.s32 s9, $0x1F  }
0x8e: {  	(v2sf) =	vpush v5, $0x3;
	[smem:$0x762] =	sst s0;
	s0 =	smul.u32 $0x92492493, s10  }
0x8f: {  	[smem:$0x75F] =	sst s9;
	s13 =	spop (v2sf);
	s12 =	sshra.s32 s11, $0x1F  }
0x90: {  	(v2sf) =	vpush v5, $0x4;
	[smem:$0x764] =	sst s0;
	s0 =	smul.u32 $0x92492493, s12  }
0x91: {  	[smem:$0x761] =	sst s11;
	s15 =	spop (v2sf);
	s14 =	sshra.s32 s13, $0x1F  }
0x92: {  	(v2sf) =	vpush v5, $0x5;
	[smem:$0x766] =	sst s0;
	s0 =	smul.u32 $0x92492493, s14  }
0x93: {  	v6 =	vld [tilespmem:s2+$0x40];
	[smem:$0x763] =	sst s13;
	s17 =	spop (v2sf);
	s16 =	sshra.s32 s15, $0x1F  }
0x94: {  	(v2sf) =	vpush v5, $0x6;
	[smem:$0x768] =	sst s0;
	s0 =	smul.u32 $0x92492493, s16  }
0x95: {  	[smem:$0x765] =	sst s15;
	s19 =	spop (v2sf);
	s18 =	sshra.s32 s17, $0x1F  }
0x96: {  	(v2sf) =	vpush v5, $0x7;
	[smem:$0x76A] =	sst s0;
	s0 =	smul.u32 $0x92492493, s18  }
0x97: {  	[smem:$0x767] =	sst s17;
	s21 =	spop (v2sf);
	s20 =	sshra.s32 s19, $0x1F  }
0x98: {  	(v2sf) =	vpush v6, $0xD;
	[smem:$0x76C] =	sst s0;
	s0 =	smul.u32 $0x92492493, s20  }
0x99: {  	[smem:$0x769] =	sst s19;
	s23 =	spop (v2sf);
	s22 =	sshra.s32 s21, $0x1F  }
0x9a: {  	(v2sf) =	vpush v6, $0xC;
	[smem:$0x76E] =	sst s0;
	s0 =	smul.u32 $0x92492493, s22  }
0x9b: {  	[smem:$0x76B] =	sst s21;
	s25 =	spop (v2sf);
	s24 =	sshra.s32 s23, $0x1F  }
0x9c: {  	(v2sf) =	vpush v6, $0xE;
	[smem:$0x770] =	sst s0;
	s0 =	smul.u32 $0x92492493, s24  }
0x9d: {  	[smem:$0x76D] =	sst s23;
	s28 =	spop (v2sf);
	s26 =	sshra.s32 s25, $0x1F  }
0x9e: {  	[smem:$0x772] =	sst s0;
	s0 =	smul.u32 $0x92492493, s26  }
0x9f: {  	(v2sf) =	vpush v6, $0xF;
	[smem:$0x76F] =	sst s25;
	s30 =	spop (v2sf);
	s29 =	sshra.s32 s28, $0x1F  }
0xa0: {  	(v2sf) =	vpush v6, $0x9;
	[smem:$0x774] =	sst s0;
	s0 =	smul.u32 $0x92492493, s29  }
0xa1: {  	v7 =	vld [tilespmem:s2+$0x50];
	(v2sf) =	vpush v6, $0x8;
	[smem:$0x771] =	sst s28;
	s2 =	spop (v2sf);
	s1 =	sshra.s32 s30, $0x1F  }
0xa2: {  	(v2sf) =	vpush v6, $0xA;
	[smem:$0x776] =	sst s0;
	s0 =	smul.u32 $0x92492493, s1  }
0xa3: {  	(v2sf) =	vpush v6, $0xB;
	[smem:$0x773] =	sst s30;
	s3 =	sshra.s32 s2, $0x1F;
	s4 =	spop (v2sf)  }
0xa4: {  	(v2sf) =	vpush v6, $0x1;
	[smem:$0x778] =	sst s0;
	s0 =	smul.u32 $0x92492493, s3  }
0xa5: {  	(v2sf) =	vpush v6, $0x0;
	[smem:$0x775] =	sst s2;
	s5 =	sshra.s32 s4, $0x1F;
	s6 =	spop (v2sf)  }
0xa6: {  	(v2sf) =	vpush v6, $0x2;
	[smem:$0x77A] =	sst s0;
	s0 =	smul.u32 $0x92492493, s5  }
0xa7: {  	(v2sf) =	vpush v6, $0x3;
	[smem:$0x777] =	sst s4;
	s7 =	sshra.s32 s6, $0x1F;
	s8 =	spop (v2sf)  }
0xa8: {  	(v2sf) =	vpush v6, $0x4;
	[smem:$0x77C] =	sst s0;
	s0 =	smul.u32 $0x92492493, s7  }
0xa9: {  	(v2sf) =	vpush v6, $0x5;
	[smem:$0x779] =	sst s6;
	s9 =	sshra.s32 s8, $0x1F;
	s10 =	spop (v2sf)  }
0xaa: {  	(v2sf) =	vpush v6, $0x6;
	[smem:$0x77E] =	sst s0;
	s0 =	smul.u32 $0x92492493, s9  }
0xab: {  	(v2sf) =	vpush v6, $0x7;
	[smem:$0x77B] =	sst s8;
	s11 =	sshra.s32 s10, $0x1F;
	s30 =	spop (v2sf)  }
0xac: {  	(v2sf) =	vpush v7, $0xD;
	[smem:$0x77F] =	sst s0;
	s0 =	smul.u32 $0x92492493, s11  }
0xad: {  	(v2sf) =	vpush v7, $0xC;
	[smem:$0x77D] =	sst s10;
	s12 =	sshra.s32 s30, $0x1F  }
0xae: {  	(v2sf) =	vpush v7, $0xE;
	[smem:$0x780] =	sst s0;
	s0 =	smul.u32 $0x92492493, s12  }
0xaf: {  	s29 =	spop (v2sf)  }
0xb0: {  	[smem:$0x781] =	sst s0;
	s13 =	sshra.s32 s29, $0x1F;
	s28 =	spop (v2sf)  }
0xb1: {  	s0 =	smul.u32 $0x92492493, s13;
	s26 =	spop (v2sf)  }
0xb2: {  	s14 =	sshra.s32 s28, $0x1F;
	s25 =	spop (v2sf)  }
0xb3: {  	[smem:$0x782] =	sst s0;
	s0 =	smul.u32 $0x92492493, s14  }
0xb4: {  	s24 =	spop (v2sf)  }
0xb5: {  	s15 =	sshra.s32 s26, $0x1F;
	s22 =	spop (v2sf);
	[smem:$0x783] =	sst s0  }
0xb6: {  	s0 =	smul.u32 $0x92492493, s15;
	s21 =	spop (v2sf)  }
0xb7: {  	s16 =	sshra.s32 s25, $0x1F;
	s20 =	spop (v2sf)  }
0xb8: {  	(v2sf) =	vpush v7, $0xF;
	[smem:$0x784] =	sst s0;
	s0 =	smul.u32 $0x92492493, s16  }
0xb9: {  	s8 =	spop (v2sf)  }
0xba: {  	(v2sf) =	vpush v7, $0x9;
	s17 =	sshra.s32 s24, $0x1F;
	s6 =	spop (v2sf);
	[smem:$0x785] =	sst s0  }
0xbb: {  	s0 =	smul.u32 $0x92492493, s17;
	s3 =	sshra.s32 s6, $0x1F;
	s9 =	spop (v2sf)  }
0xbc: {  	(v2sf) =	vpush v7, $0x8;
	s18 =	sshra.s32 s22, $0x1F;
	s4 =	smul.u32 $0x92492493, s3;
	s12 =	spop (v2sf)  }
0xbd: {  	(v2sf) =	vpush v7, $0xA;
	s3 =	sshra.s32 s9, $0x1F;
	[smem:$0x786] =	sst s0;
	s0 =	smul.u32 $0x92492493, s18  }
0xbe: {  	s5 =	smul.u32 $0x92492493, s3;
	s14 =	spop (v2sf)  }
0xbf: {  	(v2sf) =	vpush v7, $0xB;
	s19 =	sshra.s32 s21, $0x1F;
	[smem:$0x78C] =	sst s4;
	s18 =	spop (v2sf)  }
0xc0: {  	(v2sf) =	vpush v7, $0x1;
	s4 =	sshra.s32 s12, $0x1F;
	[smem:$0x787] =	sst s0;
	s0 =	smul.u32 $0x92492493, s19  }
0xc1: {  	s10 =	sshra.s32 s14, $0x1F;
	[smem:$0x78D] =	sst s5;
	s7 =	smul.u32 $0x92492493, s4  }
0xc2: {  	(v2sf) =	vpush v7, $0x0;
	s23 =	sshra.s32 s20, $0x1F;
	s11 =	smul.u32 $0x92492493, s10;
	s5 =	spop (v2sf)  }
0xc3: {  	(v2sf) =	vpush v7, $0x2;
	s10 =	sshra.s32 s5, $0x1F;
	[smem:$0x788] =	sst s0;
	s0 =	smul.u32 $0x92492493, s23  }
0xc4: {  	[smem:$0x78E] =	sst s7;
	s7 =	sshra.s32 s18, $0x1F;
	s15 =	smul.u32 $0x92492493, s10  }
0xc5: {  	(v2sf) =	vpush v7, $0x3;
	[smem:$0x78F] =	sst s11;
	s13 =	smul.u32 $0x92492493, s7  }
0xc6: {  	s7 =	spop (v2sf);
	[smem:$0x789] =	sst s0  }
0xc7: {  	(v2sf) =	vpush v7, $0x4;
	s0 =	sshra.s32 s8, $0x1F;
	[smem:$0x791] =	sst s15;
	s10 =	spop (v2sf)  }
0xc8: {  	s11 =	sshra.s32 s7, $0x1F;
	s2 =	smul.u32 $0x92492493, s0;
	[smem:$0x790] =	sst s13  }
0xc9: {  	(v2sf) =	vpush v7, $0x5;
	s16 =	smul.u32 $0x92492493, s11;
	s13 =	sshra.s32 s10, $0x1F;
	s11 =	spop (v2sf)  }
0xca: {  	s17 =	smul.u32 $0x92492493, s13;
	[smem:$0x78A] =	sst s2  }
0xcb: {  	s15 =	sshra.s32 s11, $0x1F;
	s13 =	spop (v2sf);
	[smem:$0x792] =	sst s16  }
0xcc: {  	s19 =	smul.u32 $0x92492493, s15;
	s16 =	sshra.s32 s13, $0x1F;
	s15 =	spop (v2sf)  }
0xcd: {  	[smem:$0x793] =	sst s17;
	s23 =	smul.u32 $0x92492493, s16  }
0xce: {  	s17 =	sshra.s32 s15, $0x1F;
	s16 =	spop (v2sf);
	[smem:$0x794] =	sst s19  }
0xcf: {  	s1 =	smul.u32 $0x92492493, s17;
	s19 =	sshra.s32 s16, $0x1F;
	s17 =	spop (v2sf)  }
0xd0: {  	[smem:$0x795] =	sst s23;
	s2 =	smul.u32 $0x92492493, s19  }
0xd1: {  	s23 =	sshra.s32 s17, $0x1F;
	s19 =	spop (v2sf);
	[smem:$0x796] =	sst s1  }
0xd2: {  	s3 =	smul.u32 $0x92492493, s23;
	s4 =	sshra.s32 s19, $0x1F;
	s23 =	spop (v2sf)  }
0xd3: {  	[smem:$0x797] =	sst s2;
	s0 =	smul.u32 $0x92492493, s4  }
0xd4: {  	s1 =	sshra.s32 s23, $0x1F;
	s2 =	spop (v2sf);
	[smem:$0x798] =	sst s3  }
0xd5: {  	[smem:$0x79B] =	sst s0;
	s0 =	smul.u32 $0x92492493, s1  }
0xd6: {  	[smem:$0x799] =	sst s2;
	s3 =	sshra.s32 s2, $0x1F;
	s4 =	spop (v2sf)  }
0xd7: {  	[smem:$0x79E] =	sst s0;
	s0 =	smul.u32 $0x92492493, s3  }
0xd8: {  	[smem:$0x79C] =	sst s4;
	s2 =	sshra.s32 s4, $0x1F;
	s3 =	spop (v2sf)  }
0xd9: {  	[smem:$0x7A5] =	sst s0;
	s0 =	smul.u32 $0x92492493, s2  }
0xda: {  	s1 =	sld [smem:$0x701];
	s4 =	sshra.s32 s3, $0x1F  }
0xdb: {  	[smem:$0x7A8] =	sst s0;
	s0 =	smul.u32 $0x92492493, s4  }
0xdc: {  	_ = 	snop  }
0xdd: {  	s4 =	smulhi.u32 $0x92492493, s1;
	[smem:$0x7AB] =	sst s0  }
0xde: {  	s0 =	sld [smem:$0x702]  }
0xdf: {  	s2 =	ssub.s32 s4, s1  }
0xe0: {  	s1 =	smov.u32 s31;
	s4 =	smulhi.u32 $0x92492493, s31;
	s31 =	rddreg [dreg:$0x14]  }
0xe1: {  	[smem:$0x79F] =	sst s3;
	s2 =	sadd.s32 s31, s2;
	s3 =	smulhi.u32 $0x92492493, s0  }
0xe2: {  	[smem:$0x7A0] =	sst s2  }
0xe3: {  	s0 =	ssub.s32 s3, s0;
	s3 =	rddreg [dreg:$0x18]  }
0xe4: {  	s2 =	sld [smem:$0x703];
	s0 =	sadd.s32 s3, s0  }
0xe5: {  	[smem:$0x79D] =	sst s0  }
0xe6: {  	s0 =	ssub.s32 s4, s1;
	s1 =	rddreg [dreg:$0x1c]  }
0xe7: {  	s31 =	smulhi.u32 $0x92492493, s2;
	s4 =	sld [smem:$0x704];
	s0 =	sadd.s32 s1, s0  }
0xe8: {  	[smem:$0x7A2] =	sst s0  }
0xe9: {  	s0 =	ssub.s32 s31, s2;
	s2 =	sld [smem:$0x706];
	_ =	sdelay $0x2  }
0xea: {  	s31 =	sld [smem:$0x705];
	s3 =	smulhi.u32 $0x92492493, s4;
	s0 =	sadd.s32 s2, s0  }
0xeb: {  	[smem:$0x7AC] =	sst s0  }
0xec: {  	s0 =	ssub.s32 s3, s4;
	s3 =	sld [smem:$0x708];
	_ =	sdelay $0x1  }
0xed: {  	s4 =	sld [smem:$0x707]  }
0xee: {  	s1 =	smulhi.u32 $0x92492493, s31;
	s0 =	sadd.s32 s3, s0;
	s3 =	sld [smem:$0x70A]  }
0xef: {  	[smem:$0x7A6] =	sst s0  }
0xf0: {  	s0 =	ssub.s32 s1, s31;
	s31 =	sld [smem:$0x709]  }
0xf1: {  	s2 =	smulhi.u32 $0x92492493, s4;
	s0 =	sadd.s32 s3, s0;
	s3 =	sld [smem:$0x70C]  }
0xf2: {  	[smem:$0x7A3] =	sst s0  }
0xf3: {  	s0 =	ssub.s32 s2, s4;
	s4 =	sld [smem:$0x70B]  }
0xf4: {  	s1 =	smulhi.u32 $0x92492493, s31;
	s0 =	sadd.s32 s3, s0;
	s3 =	sld [smem:$0x70E]  }
0xf5: {  	[smem:$0x7A9] =	sst s0  }
0xf6: {  	s0 =	ssub.s32 s1, s31;
	s31 =	sld [smem:$0x70D]  }
0xf7: {  	s2 =	smulhi.u32 $0x92492493, s4;
	s0 =	sadd.s32 s3, s0;
	s3 =	sld [smem:$0x710]  }
0xf8: {  	[smem:$0x7AD] =	sst s0  }
0xf9: {  	s0 =	ssub.s32 s2, s4;
	s4 =	sld [smem:$0x70F]  }
0xfa: {  	s1 =	smulhi.u32 $0x92492493, s31;
	s0 =	sadd.s32 s3, s0;
	s3 =	sld [smem:$0x712]  }
0xfb: {  	[smem:$0x7A1] =	sst s0  }
0xfc: {  	s0 =	ssub.s32 s1, s31;
	s31 =	sld [smem:$0x711]  }
0xfd: {  	s2 =	smulhi.u32 $0x92492493, s4;
	s0 =	sadd.s32 s3, s0;
	s3 =	sld [smem:$0x714]  }
0xfe: {  	[smem:$0x79A] =	sst s0  }
0xff: {  	s0 =	ssub.s32 s2, s4;
	s4 =	sld [smem:$0x713]  }
0x100: {  	s1 =	smulhi.u32 $0x92492493, s31;
	s0 =	sadd.s32 s3, s0;
	s3 =	sld [smem:$0x716]  }
0x101: {  	[smem:$0x7A4] =	sst s0  }
0x102: {  	s0 =	ssub.s32 s1, s31;
	s31 =	sld [smem:$0x715]  }
0x103: {  	s2 =	smulhi.u32 $0x92492493, s4;
	s0 =	sadd.s32 s3, s0;
	s3 =	sld [smem:$0x718]  }
0x104: {  	[smem:$0x7A7] =	sst s0  }
0x105: {  	s0 =	ssub.s32 s2, s4;
	s4 =	sld [smem:$0x717]  }
0x106: {  	s1 =	smulhi.u32 $0x92492493, s31;
	s0 =	sadd.s32 s3, s0;
	s3 =	sld [smem:$0x71A]  }
0x107: {  	[smem:$0x7AA] =	sst s0  }
0x108: {  	s0 =	ssub.s32 s1, s31;
	s31 =	sld [smem:$0x719]  }
0x109: {  	s2 =	smulhi.u32 $0x92492493, s4;
	s0 =	sadd.s32 s3, s0;
	s3 =	sld [smem:$0x71C]  }
0x10a: {  	[smem:$0x7AE] =	sst s0  }
0x10b: {  	s0 =	ssub.s32 s2, s4;
	s4 =	sld [smem:$0x71B]  }
0x10c: {  	s1 =	smulhi.u32 $0x92492493, s31;
	s0 =	sadd.s32 s3, s0;
	s3 =	sld [smem:$0x71E]  }
0x10d: {  	[smem:$0x7AF] =	sst s0  }
0x10e: {  	s0 =	ssub.s32 s1, s31;
	s31 =	sld [smem:$0x71D]  }
0x10f: {  	s2 =	smulhi.u32 $0x92492493, s4;
	s0 =	sadd.s32 s3, s0;
	s3 =	sld [smem:$0x720]  }
0x110: {  	[smem:$0x7B1] =	sst s0  }
0x111: {  	s0 =	ssub.s32 s2, s4;
	s4 =	sld [smem:$0x71F]  }
0x112: {  	s1 =	smulhi.u32 $0x92492493, s31;
	s0 =	sadd.s32 s3, s0;
	s3 =	sld [smem:$0x722]  }
0x113: {  	[smem:$0x7B4] =	sst s0  }
0x114: {  	s0 =	ssub.s32 s1, s31;
	s31 =	sld [smem:$0x721]  }
0x115: {  	s2 =	smulhi.u32 $0x92492493, s4;
	s0 =	sadd.s32 s3, s0;
	s3 =	sld [smem:$0x724]  }
0x116: {  	[smem:$0x7B2] =	sst s0  }
0x117: {  	s0 =	ssub.s32 s2, s4;
	s4 =	sld [smem:$0x723]  }
0x118: {  	s1 =	smulhi.u32 $0x92492493, s31;
	s0 =	sadd.s32 s3, s0;
	s3 =	sld [smem:$0x726]  }
0x119: {  	[smem:$0x7B8] =	sst s0  }
0x11a: {  	s0 =	ssub.s32 s1, s31;
	s31 =	sld [smem:$0x725]  }
0x11b: {  	s2 =	smulhi.u32 $0x92492493, s4;
	s0 =	sadd.s32 s3, s0;
	s3 =	sld [smem:$0x728]  }
0x11c: {  	[smem:$0x7BB] =	sst s0  }
0x11d: {  	s0 =	ssub.s32 s2, s4;
	s4 =	sld [smem:$0x727]  }
0x11e: {  	s1 =	smulhi.u32 $0x92492493, s31;
	s0 =	sadd.s32 s3, s0;
	s3 =	sld [smem:$0x72A]  }
0x11f: {  	[smem:$0x7B9] =	sst s0  }
0x120: {  	s0 =	ssub.s32 s1, s31;
	s31 =	sld [smem:$0x729]  }
0x121: {  	s2 =	smulhi.u32 $0x92492493, s4;
	s0 =	sadd.s32 s3, s0;
	s3 =	sld [smem:$0x72C]  }
0x122: {  	[smem:$0x7B6] =	sst s0  }
0x123: {  	s0 =	ssub.s32 s2, s4;
	s4 =	sld [smem:$0x72B]  }
0x124: {  	s1 =	smulhi.u32 $0x92492493, s31;
	s0 =	sadd.s32 s3, s0;
	s3 =	sld [smem:$0x72E]  }
0x125: {  	[smem:$0x7BC] =	sst s0  }
0x126: {  	s0 =	ssub.s32 s1, s31;
	s31 =	sld [smem:$0x72D]  }
0x127: {  	s2 =	smulhi.u32 $0x92492493, s4;
	s0 =	sadd.s32 s3, s0;
	s3 =	sld [smem:$0x730]  }
0x128: {  	[smem:$0x7BE] =	sst s0  }
0x129: {  	s0 =	ssub.s32 s2, s4;
	s4 =	sld [smem:$0x72F]  }
0x12a: {  	s1 =	smulhi.u32 $0x92492493, s31;
	s0 =	sadd.s32 s3, s0;
	s3 =	sld [smem:$0x732]  }
0x12b: {  	[smem:$0x7B3] =	sst s0  }
0x12c: {  	s0 =	ssub.s32 s1, s31;
	s31 =	sld [smem:$0x731]  }
0x12d: {  	s2 =	smulhi.u32 $0x92492493, s4;
	s0 =	sadd.s32 s3, s0;
	s3 =	sld [smem:$0x734]  }
0x12e: {  	[smem:$0x7B0] =	sst s0  }
0x12f: {  	s0 =	ssub.s32 s2, s4;
	s4 =	sld [smem:$0x733]  }
0x130: {  	s1 =	smulhi.u32 $0x92492493, s31;
	s0 =	sadd.s32 s3, s0;
	s3 =	sld [smem:$0x736]  }
0x131: {  	[smem:$0x7B5] =	sst s0  }
0x132: {  	s0 =	ssub.s32 s1, s31;
	s31 =	sld [smem:$0x735]  }
0x133: {  	s2 =	smulhi.u32 $0x92492493, s4;
	s0 =	sadd.s32 s3, s0;
	s3 =	sld [smem:$0x738]  }
0x134: {  	[smem:$0x7B7] =	sst s0  }
0x135: {  	s0 =	ssub.s32 s2, s4;
	s4 =	sld [smem:$0x737]  }
0x136: {  	s1 =	smulhi.u32 $0x92492493, s31;
	s0 =	sadd.s32 s3, s0;
	s3 =	sld [smem:$0x73A]  }
0x137: {  	[smem:$0x7BA] =	sst s0  }
0x138: {  	s0 =	ssub.s32 s1, s31;
	s31 =	sld [smem:$0x739]  }
0x139: {  	s2 =	smulhi.u32 $0x92492493, s4;
	s0 =	sadd.s32 s3, s0;
	s3 =	sld [smem:$0x73C]  }
0x13a: {  	[smem:$0x7BD] =	sst s0  }
0x13b: {  	s0 =	ssub.s32 s2, s4;
	s4 =	sld [smem:$0x73B]  }
0x13c: {  	s1 =	smulhi.u32 $0x92492493, s31;
	s0 =	sadd.s32 s3, s0;
	s3 =	sld [smem:$0x73E]  }
0x13d: {  	[smem:$0x7BF] =	sst s0  }
0x13e: {  	s0 =	ssub.s32 s1, s31;
	s31 =	sld [smem:$0x73D]  }
0x13f: {  	s2 =	smulhi.u32 $0x92492493, s4;
	s0 =	sadd.s32 s3, s0;
	s3 =	sld [smem:$0x740]  }
0x140: {  	[smem:$0x7C2] =	sst s0  }
0x141: {  	s0 =	ssub.s32 s2, s4;
	s4 =	sld [smem:$0x73F]  }
0x142: {  	s1 =	smulhi.u32 $0x92492493, s31;
	s0 =	sadd.s32 s3, s0;
	s3 =	sld [smem:$0x742]  }
0x143: {  	[smem:$0x7C3] =	sst s0  }
0x144: {  	s0 =	ssub.s32 s1, s31;
	s31 =	sld [smem:$0x741]  }
0x145: {  	s2 =	smulhi.u32 $0x92492493, s4;
	s0 =	sadd.s32 s3, s0;
	s3 =	sld [smem:$0x744]  }
0x146: {  	[smem:$0x7C1] =	sst s0  }
0x147: {  	s0 =	ssub.s32 s2, s4;
	s4 =	sld [smem:$0x743]  }
0x148: {  	s1 =	smulhi.u32 $0x92492493, s31;
	s0 =	sadd.s32 s3, s0;
	s3 =	sld [smem:$0x746]  }
0x149: {  	[smem:$0x7C5] =	sst s0  }
0x14a: {  	s0 =	ssub.s32 s1, s31;
	s31 =	sld [smem:$0x745]  }
0x14b: {  	s2 =	smulhi.u32 $0x92492493, s4;
	s0 =	sadd.s32 s3, s0;
	s3 =	sld [smem:$0x748]  }
0x14c: {  	[smem:$0x7C8] =	sst s0  }
0x14d: {  	s0 =	ssub.s32 s2, s4;
	s4 =	sld [smem:$0x747]  }
0x14e: {  	s1 =	smulhi.u32 $0x92492493, s31;
	s0 =	sadd.s32 s3, s0;
	s3 =	sld [smem:$0x74A]  }
0x14f: {  	[smem:$0x7C9] =	sst s0  }
0x150: {  	s0 =	ssub.s32 s1, s31;
	s31 =	sld [smem:$0x749]  }
0x151: {  	s2 =	smulhi.u32 $0x92492493, s4;
	s0 =	sadd.s32 s3, s0;
	s3 =	sld [smem:$0x74C]  }
0x152: {  	[smem:$0x7C6] =	sst s0  }
0x153: {  	s0 =	ssub.s32 s2, s4;
	s4 =	sld [smem:$0x74B]  }
0x154: {  	s1 =	smulhi.u32 $0x92492493, s31;
	s0 =	sadd.s32 s3, s0;
	s3 =	sld [smem:$0x74E]  }
0x155: {  	[smem:$0x7CB] =	sst s0  }
0x156: {  	s0 =	ssub.s32 s1, s31;
	s31 =	sld [smem:$0x74D]  }
0x157: {  	s2 =	smulhi.u32 $0x92492493, s4;
	s0 =	sadd.s32 s3, s0;
	s3 =	sld [smem:$0x750]  }
0x158: {  	[smem:$0x7CD] =	sst s0  }
0x159: {  	s0 =	ssub.s32 s2, s4;
	s4 =	sld [smem:$0x74F]  }
0x15a: {  	s1 =	smulhi.u32 $0x92492493, s31;
	s0 =	sadd.s32 s3, s0;
	s3 =	sld [smem:$0x752]  }
0x15b: {  	[smem:$0x7C4] =	sst s0  }
0x15c: {  	s0 =	ssub.s32 s1, s31;
	s31 =	sld [smem:$0x751]  }
0x15d: {  	s2 =	smulhi.u32 $0x92492493, s4;
	s0 =	sadd.s32 s3, s0;
	s3 =	sld [smem:$0x754]  }
0x15e: {  	[smem:$0x7C0] =	sst s0  }
0x15f: {  	s0 =	ssub.s32 s2, s4;
	s4 =	sld [smem:$0x753]  }
0x160: {  	s1 =	smulhi.u32 $0x92492493, s31;
	s0 =	sadd.s32 s3, s0;
	s3 =	sld [smem:$0x756]  }
0x161: {  	[smem:$0x7C7] =	sst s0  }
0x162: {  	s0 =	ssub.s32 s1, s31;
	s31 =	sld [smem:$0x755]  }
0x163: {  	s2 =	smulhi.u32 $0x92492493, s4;
	s0 =	sadd.s32 s3, s0;
	s3 =	sld [smem:$0x758]  }
0x164: {  	[smem:$0x7CA] =	sst s0  }
0x165: {  	s0 =	ssub.s32 s2, s4;
	s4 =	sld [smem:$0x757]  }
0x166: {  	s1 =	smulhi.u32 $0x92492493, s31;
	s0 =	sadd.s32 s3, s0;
	s3 =	sld [smem:$0x75A]  }
0x167: {  	[smem:$0x7CC] =	sst s0  }
0x168: {  	s0 =	ssub.s32 s1, s31;
	s31 =	sld [smem:$0x759]  }
0x169: {  	s2 =	smulhi.u32 $0x92492493, s4;
	s0 =	sadd.s32 s3, s0;
	s3 =	sld [smem:$0x75C]  }
0x16a: {  	[smem:$0x7CE] =	sst s0  }
0x16b: {  	s0 =	ssub.s32 s2, s4;
	s4 =	sld [smem:$0x75B]  }
0x16c: {  	s1 =	smulhi.u32 $0x92492493, s31;
	s0 =	sadd.s32 s3, s0;
	s3 =	sld [smem:$0x75E]  }
0x16d: {  	[smem:$0x7D0] =	sst s0  }
0x16e: {  	s0 =	ssub.s32 s1, s31;
	s31 =	sld [smem:$0x75D]  }
0x16f: {  	s2 =	smulhi.u32 $0x92492493, s4;
	s0 =	sadd.s32 s3, s0;
	s3 =	sld [smem:$0x760]  }
0x170: {  	[smem:$0x7D2] =	sst s0  }
0x171: {  	s0 =	ssub.s32 s2, s4;
	s4 =	sld [smem:$0x75F]  }
0x172: {  	s1 =	smulhi.u32 $0x92492493, s31;
	s0 =	sadd.s32 s3, s0;
	s3 =	sld [smem:$0x762]  }
0x173: {  	[smem:$0x7D3] =	sst s0  }
0x174: {  	s0 =	ssub.s32 s1, s31;
	s31 =	sld [smem:$0x761]  }
0x175: {  	s2 =	smulhi.u32 $0x92492493, s4;
	s0 =	sadd.s32 s3, s0;
	s3 =	sld [smem:$0x764]  }
0x176: {  	[smem:$0x7D1] =	sst s0  }
0x177: {  	s0 =	ssub.s32 s2, s4;
	s4 =	sld [smem:$0x763]  }
0x178: {  	s1 =	smulhi.u32 $0x92492493, s31;
	s0 =	sadd.s32 s3, s0;
	s3 =	sld [smem:$0x766]  }
0x179: {  	[smem:$0x7D7] =	sst s0  }
0x17a: {  	s0 =	ssub.s32 s1, s31;
	s31 =	sld [smem:$0x765]  }
0x17b: {  	s2 =	smulhi.u32 $0x92492493, s4;
	s0 =	sadd.s32 s3, s0;
	s3 =	sld [smem:$0x768]  }
0x17c: {  	[smem:$0x7DC] =	sst s0  }
0x17d: {  	s0 =	ssub.s32 s2, s4;
	s4 =	sld [smem:$0x767]  }
0x17e: {  	s1 =	smulhi.u32 $0x92492493, s31;
	s0 =	sadd.s32 s3, s0;
	s3 =	sld [smem:$0x76A]  }
0x17f: {  	[smem:$0x7D8] =	sst s0  }
0x180: {  	s0 =	ssub.s32 s1, s31;
	s31 =	sld [smem:$0x769]  }
0x181: {  	s2 =	smulhi.u32 $0x92492493, s4;
	s0 =	sadd.s32 s3, s0;
	s3 =	sld [smem:$0x76C]  }
0x182: {  	[smem:$0x7D5] =	sst s0  }
0x183: {  	s0 =	ssub.s32 s2, s4;
	s4 =	sld [smem:$0x76B]  }
0x184: {  	s1 =	smulhi.u32 $0x92492493, s31;
	s0 =	sadd.s32 s3, s0;
	s3 =	sld [smem:$0x76E]  }
0x185: {  	[smem:$0x7DA] =	sst s0  }
0x186: {  	s0 =	ssub.s32 s1, s31;
	s31 =	sld [smem:$0x76D]  }
0x187: {  	s2 =	smulhi.u32 $0x92492493, s4;
	s0 =	sadd.s32 s3, s0;
	s3 =	sld [smem:$0x770]  }
0x188: {  	[smem:$0x7DD] =	sst s0  }
0x189: {  	s0 =	ssub.s32 s2, s4;
	s4 =	sld [smem:$0x76F]  }
0x18a: {  	s1 =	smulhi.u32 $0x92492493, s31;
	s0 =	sadd.s32 s3, s0;
	s3 =	sld [smem:$0x772]  }
0x18b: {  	[smem:$0x7D4] =	sst s0  }
0x18c: {  	s0 =	ssub.s32 s1, s31;
	s31 =	sld [smem:$0x771]  }
0x18d: {  	s2 =	smulhi.u32 $0x92492493, s4;
	s0 =	sadd.s32 s3, s0;
	s3 =	sld [smem:$0x774]  }
0x18e: {  	[smem:$0x7CF] =	sst s0  }
0x18f: {  	s0 =	ssub.s32 s2, s4;
	s4 =	sld [smem:$0x773]  }
0x190: {  	s1 =	smulhi.u32 $0x92492493, s31;
	s0 =	sadd.s32 s3, s0;
	s3 =	sld [smem:$0x776]  }
0x191: {  	[smem:$0x7D6] =	sst s0  }
0x192: {  	s0 =	ssub.s32 s1, s31;
	s31 =	sld [smem:$0x775]  }
0x193: {  	s2 =	smulhi.u32 $0x92492493, s4;
	s0 =	sadd.s32 s3, s0;
	s3 =	sld [smem:$0x778]  }
0x194: {  	[smem:$0x7D9] =	sst s0  }
0x195: {  	s0 =	ssub.s32 s2, s4;
	s4 =	sld [smem:$0x777]  }
0x196: {  	s1 =	smulhi.u32 $0x92492493, s31;
	s0 =	sadd.s32 s3, s0;
	s3 =	sld [smem:$0x77A]  }
0x197: {  	[smem:$0x7DB] =	sst s0  }
0x198: {  	s0 =	ssub.s32 s1, s31;
	s31 =	sld [smem:$0x779]  }
0x199: {  	s2 =	smulhi.u32 $0x92492493, s4;
	s0 =	sadd.s32 s3, s0;
	s3 =	sld [smem:$0x77C]  }
0x19a: {  	[smem:$0x7DE] =	sst s0  }
0x19b: {  	s0 =	ssub.s32 s2, s4;
	s4 =	sld [smem:$0x77B]  }
0x19c: {  	s1 =	smulhi.u32 $0x92492493, s31;
	s0 =	sadd.s32 s3, s0;
	s3 =	sld [smem:$0x77E]  }
0x19d: {  	[smem:$0x7DF] =	sst s0  }
0x19e: {  	s2 =	smulhi.u32 $0x92492493, s4;
	s0 =	ssub.s32 s1, s31;
	s31 =	sld [smem:$0x77D]  }
0x19f: {  	_ = 	snop  }
0x1a0: {  	s0 =	sadd.s32 s3, s0;
	s3 =	ssub.s32 s2, s4;
	s4 =	sld [smem:$0x77F]  }
0x1a1: {  	s1 =	smulhi.u32 $0x92492493, s31  }
0x1a2: {  	[smem:$0x7E1] =	sst s0  }
0x1a3: {  	s0 =	sadd.s32 s4, s3;
	s4 =	ssub.s32 s1, s31;
	s31 =	sld [smem:$0x780]  }
0x1a4: {  	_ = 	snop  }
0x1a5: {  	[smem:$0x7E3] =	sst s0  }
0x1a6: {  	s2 =	smulhi.u32 $0x92492493, s30;
	s0 =	sadd.s32 s31, s4;
	s31 =	sld [smem:$0x781]  }
0x1a7: {  	s1 =	smulhi.u32 $0x92492493, s29  }
0x1a8: {  	s4 =	ssub.s32 s2, s30;
	s30 =	smulhi.u32 $0x92492493, s28;
	[smem:$0x7E2] =	sst s0  }
0x1a9: {  	s0 =	sadd.s32 s31, s4;
	s4 =	sld [smem:$0x782]  }
0x1aa: {  	s3 =	ssub.s32 s1, s29;
	s29 =	ssub.s32 s30, s28;
	s28 =	sld [smem:$0x784]  }
0x1ab: {  	s1 =	smulhi.u32 $0x92492493, s26;
	s31 =	sld [smem:$0x783]  }
0x1ac: {  	[smem:$0x7E5] =	sst s0;
	s0 =	sadd.s32 s4, s3  }
0x1ad: {  	s4 =	ssub.s32 s1, s26;
	[smem:$0x7E8] =	sst s0  }
0x1ae: {  	s26 =	smulhi.u32 $0x92492493, s24;
	s0 =	sadd.s32 s31, s29;
	s31 =	sld [smem:$0x785]  }
0x1af: {  	[smem:$0x7E9] =	sst s0  }
0x1b0: {  	s30 =	smulhi.u32 $0x92492493, s25;
	s3 =	ssub.s32 s26, s24;
	s24 =	sld [smem:$0x786]  }
0x1b1: {  	s0 =	sadd.s32 s28, s4;
	s28 =	sld [smem:$0x787]  }
0x1b2: {  	s29 =	ssub.s32 s30, s25;
	s4 =	smulhi.u32 $0x92492493, s21;
	[smem:$0x7E6] =	sst s0  }
0x1b3: {  	s30 =	smulhi.u32 $0x92492493, s22;
	s0 =	sadd.s32 s31, s29;
	s31 =	sld [smem:$0x788]  }
0x1b4: {  	s26 =	smulhi.u32 $0x92492493, s20;
	s29 =	ssub.s32 s4, s21;
	s21 =	sld [smem:$0x789]  }
0x1b5: {  	s25 =	ssub.s32 s30, s22;
	[smem:$0x7EB] =	sst s0;
	s0 =	sadd.s32 s24, s3  }
0x1b6: {  	s4 =	ssub.s32 s26, s20;
	s20 =	smulhi.u32 $0x92492493, s6;
	[smem:$0x7ED] =	sst s0  }
0x1b7: {  	s0 =	sadd.s32 s28, s25;
	s25 =	sld [smem:$0x78A]  }
0x1b8: {  	s26 =	ssub.s32 s20, s6;
	s6 =	sld [smem:$0x78B]  }
0x1b9: {  	[smem:$0x7E4] =	sst s0  }
0x1ba: {  	s30 =	smulhi.u32 $0x92492493, s8;
	s0 =	sadd.s32 s31, s29;
	s29 =	sld [smem:$0x78C]  }
0x1bb: {  	s28 =	smulhi.u32 $0x92492493, s12;
	[smem:$0x7E0] =	sst s0  }
0x1bc: {  	s0 =	sadd.s32 s21, s4;
	s4 =	sld [smem:$0x78D]  }
0x1bd: {  	s22 =	ssub.s32 s30, s8;
	s8 =	ssub.s32 s28, s12;
	s12 =	sld [smem:$0x78E]  }
0x1be: {  	s21 =	sld [smem:$0x78F]  }
0x1bf: {  	s24 =	smulhi.u32 $0x92492493, s9;
	[smem:$0x7E7] =	sst s0  }
0x1c0: {  	s0 =	sadd.s32 s25, s22;
	s25 =	sld [smem:$0x790]  }
0x1c1: {  	s20 =	smulhi.u32 $0x92492493, s5;
	s30 =	ssub.s32 s24, s9;
	[smem:$0x7EA] =	sst s0  }
0x1c2: {  	s28 =	smulhi.u32 $0x92492493, s10;
	s0 =	sadd.s32 s29, s26;
	s29 =	sld [smem:$0x791]  }
0x1c3: {  	s31 =	smulhi.u32 $0x92492493, s14;
	s26 =	ssub.s32 s20, s5;
	s20 =	sld [smem:$0x796]  }
0x1c4: {  	s9 =	smulhi.u32 $0x92492493, s18;
	s5 =	ssub.s32 s28, s10;
	s28 =	sld [smem:$0x798]  }
0x1c5: {  	s14 =	ssub.s32 s31, s14;
	s31 =	smulhi.u32 $0x92492493, s11;
	[smem:$0x7EC] =	sst s0  }
0x1c6: {  	s24 =	smulhi.u32 $0x92492493, s7;
	s0 =	sadd.s32 s4, s30;
	s4 =	sld [smem:$0x792]  }
0x1c7: {  	s22 =	ssub.s32 s9, s18;
	s9 =	ssub.s32 s31, s11;
	s11 =	sld [smem:$0x794]  }
0x1c8: {  	s30 =	ssub.s32 s24, s7;
	s24 =	sld [smem:$0x797]  }
0x1c9: {  	s10 =	smulhi.u32 $0x92492493, s15;
	[smem:$0x7EE] =	sst s0  }
0x1ca: {  	s0 =	sadd.s32 s12, s8;
	s8 =	sld [smem:$0x793]  }
0x1cb: {  	(v2sf) =	vpush v7, $0x6;
	s15 =	ssub.s32 s10, s15;
	s10 =	sld [smem:$0x79C]  }
0x1cc: {  	s7 =	smulhi.u32 $0x92492493, s13;
	[smem:$0x7EF] =	sst s0  }
0x1cd: {  	s0 =	sadd.s32 s21, s14;
	s14 =	sld [smem:$0x795]  }
0x1ce: {  	s18 =	smulhi.u32 $0x92492493, s17;
	s12 =	ssub.s32 s7, s13;
	s7 =	sld [smem:$0x79A]  }
0x1cf: {  	[smem:$0x7F0] =	sst s0  }
0x1d0: {  	s0 =	sadd.s32 s25, s22;
	s25 =	ssub.s32 s18, s17;
	s17 =	sld [smem:$0x7A0]  }
0x1d1: {  	s13 =	smulhi.u32 $0x92492493, s16;
	s18 =	sld [smem:$0x7A1]  }
0x1d2: {  	[smem:$0x7F2] =	sst s0  }
0x1d3: {  	s0 =	sadd.s32 s29, s26;
	s21 =	ssub.s32 s13, s16;
	s13 =	sld [smem:$0x79E]  }
0x1d4: {  	s22 =	smulhi.u32 $0x92492493, s19;
	[smem:$0x7F1] =	sst s0  }
0x1d5: {  	s0 =	sadd.s32 s4, s30;
	s30 =	sld [smem:$0x799]  }
0x1d6: {  	s29 =	ssub.s32 s22, s19;
	s22 =	sld [smem:$0x7A3]  }
0x1d7: {  	v9 =	vmov s7;
	s7 =	sld [smem:$0x7AA]  }
0x1d8: {  	[smem:$0x7F5] =	sst s0  }
0x1d9: {  	s26 =	smulhi.u32 $0x92492493, s23;
	s0 =	sadd.s32 s8, s5;
	s8 =	sld [smem:$0x79B]  }
0x1da: {  	s16 =	spop (v2sf);
	s5 =	sld [smem:$0x7A9]  }
0x1db: {  	s19 =	smulhi.u32 $0x92492493, s16;
	[smem:$0x7FA] =	sst s0  }
0x1dc: {  	s0 =	sadd.s32 s11, s9;
	s9 =	ssub.s32 s26, s23;
	s23 =	sld [smem:$0x7A4]  }
0x1dd: {  	s4 =	ssub.s32 s19, s16;
	s19 =	sld [smem:$0x7B1]  }
0x1de: {  	[smem:$0x7F6] =	sst s0  }
0x1df: {  	s0 =	sadd.s32 s14, s12;
	s12 =	sld [smem:$0x79D]  }
0x1e0: {  	s14 =	sld [smem:$0x79F]  }
0x1e1: {  	v11 =	vmov s22;
	s22 =	sld [smem:$0x7B2]  }
0x1e2: {  	[smem:$0x7F3] =	sst s0  }
0x1e3: {  	s0 =	sadd.s32 s20, s15;
	s20 =	sshra.s32 s16, $0x1F;
	s16 =	sld [smem:$0x7AF]  }
0x1e4: {  	[smem:$0x7F8] =	sst s0  }
0x1e5: {  	s31 =	smulhi.u32 $0x92492493, s30;
	s0 =	sadd.s32 s24, s21;
	s21 =	sld [smem:$0x7A2]  }
0x1e6: {  	s24 =	sld [smem:$0x7A5]  }
0x1e7: {  	v9 =	vnsel vm3, $0x0, v9;
	s1 =	ssub.s32 s31, s30;
	s30 =	sld [smem:$0x7A7]  }
0x1e8: {  	(v2sf) =	vpush v7, $0x7;
	v9 =	vsel vm0, s18, v9;
	s31 =	sld [smem:$0x7A8]  }
0x1e9: {  	v9 =	vsel vm1, s23, v9;
	s23 =	sld [smem:$0x7B3]  }
0x1ea: {  	s11 =	smulhi.u32 $0x92492493, s10;
	[smem:$0x7FB] =	sst s0  }
0x1eb: {  	s0 =	sadd.s32 s28, s25;
	s28 =	sadd.s32 s8, s29;
	s29 =	sld [smem:$0x7A6]  }
0x1ec: {  	s8 =	sld [smem:$0x7AB]  }
0x1ed: {  	v8 =	vld [tilespmem:s6+$0x60];
	s25 =	ssub.s32 s11, s10;
	s11 =	sld [smem:$0x7AC]  }
0x1ee: {  	v10 =	vmov s12;
	s12 =	sld [smem:$0x7AD]  }
0x1ef: {  	v14 =	vmov s22;
	s22 =	sld [smem:$0x7C0]  }
0x1f0: {  	[smem:$0x7F4] =	sst s0  }
0x1f1: {  	s26 =	smul.u32 $0x92492493, s20;
	s0 =	sadd.s32 s13, s9;
	s13 =	sld [smem:$0x7AE]  }
0x1f2: {  	(v2sf) =	vpush v8, $0xD;
	v10 =	vsel vm0, s17, v10;
	s17 =	sld [smem:$0x7B0]  }
0x1f3: {  	(v2sf) =	vpush v8, $0xC;
	s9 =	sadd.s32 s26, s4;
	[smem:$0x7F7] =	sst s0  }
0x1f4: {  	[smem:$0x7FC] =	sst s9  }
0x1f5: {  	(v2sf) =	vpush v8, $0xE;
	s15 =	smulhi.u32 $0x92492493, s14;
	s1 =	sadd.s32 s24, s1;
	s24 =	sld [smem:$0x7B4]  }
0x1f6: {  	s31 =	sadd.s32 s31, s25;
	s25 =	sld [smem:$0x7B5]  }
0x1f7: {  	s10 =	spop (v2sf);
	s0 =	ssub.s32 s15, s14;
	s9 =	sld [smem:$0x7B6]  }
0x1f8: {  	s14 =	smulhi.u32 $0x92492493, s10;
	s15 =	sshra.s32 s10, $0x1F;
	[smem:$0x7F9] =	sst s1  }
0x1f9: {  	(v2sf) =	vpush v8, $0xF;
	s2 =	smul.u32 $0x92492493, s15;
	s15 =	sld [smem:$0x7BA]  }
0x1fa: {  	(v2sf) =	vpush v8, $0x9;
	v11 =	vsel vm0, s29, v11;
	s29 =	sadd.s32 s8, s0;
	s0 =	ssub.s32 s14, s10;
	s10 =	sld [smem:$0x7B7]  }
0x1fb: {  	(v2sf) =	vpush v8, $0x8;
	s14 =	sld [smem:$0x7B9]  }
0x1fc: {  	v9 =	vsel vm2, s30, v9;
	v12 =	vsel vm1, s5, v11;
	v13 =	vmov s17;
	s17 =	sld [smem:$0x7BB]  }
0x1fd: {  	v10 =	vsel vm1, s21, v10;
	v9 =	vsel vm4, s7, v9;
	v12 =	vsel vm2, s12, v12;
	s12 =	sld [smem:$0x7B8]  }
0x1fe: {  	v11 =	vsel vm2, s11, v10;
	v10 =	vsel vm5, s13, v9;
	s0 =	sadd.s32 s2, s0;
	v15 =	vmov s9;
	s9 =	sld [smem:$0x7C1]  }
0x1ff: {  	(v2sf) =	vpush v8, $0xA;
	v10 =	vsel vm6, s16, v10;
	[smem:$0x7FD] =	sst s0  }
0x200: {  	v13 =	vnsel vm3, $0x0, v13;
	v10 =	vsel vm7, s19, v10;
	s19 =	sld [smem:$0x7BD]  }
0x201: {  	(v2sf) =	vpush v8, $0xB;
	v13 =	vsel vm0, s23, v13;
	s3 =	spop (v2sf);
	v15 =	vsel vm0, s14, v15;
	s14 =	sld [smem:$0x7C2]  }
0x202: {  	(v2sf) =	vpush v8, $0x1;
	v13 =	vsel vm1, s25, v13;
	s18 =	sshra.s32 s3, $0x1F;
	s5 =	spop (v2sf);
	s26 =	smulhi.u32 $0x92492493, s3  }
0x203: {  	v14 =	vsel vm0, s24, v14;
	v13 =	vsel vm2, s10, v13;
	s20 =	smul.u32 $0x92492493, s18;
	s18 =	sld [smem:$0x7BC]  }
0x204: {  	v14 =	vsel vm1, s12, v14;
	s7 =	spop (v2sf);
	v16 =	vsel vm4, s15, v13;
	s15 =	sld [smem:$0x7C3]  }
0x205: {  	(v2sf) =	vpush v8, $0x0;
	s21 =	sshra.s32 s5, $0x1F;
	v13 =	vsel vm2, s17, v14;
	s23 =	smulhi.u32 $0x92492493, s5;
	s17 =	sld [smem:$0x7C5]  }
0x206: {  	(v2sf) =	vpush v8, $0x2;
	s2 =	smul.u32 $0x92492493, s21;
	s3 =	ssub.s32 s26, s3;
	s21 =	sld [smem:$0x7BF]  }
0x207: {  	s30 =	sshra.s32 s7, $0x1F;
	s25 =	sadd.s32 s20, s3;
	s20 =	sld [smem:$0x7BE]  }
0x208: {  	(v2sf) =	vpush v8, $0x3;
	s0 =	spop (v2sf);
	s1 =	ssub.s32 s23, s5;
	s23 =	sld [smem:$0x7C9]  }
0x209: {  	s8 =	smul.u32 $0x92492493, s30;
	s5 =	sld [smem:$0x7CA]  }
0x20a: {  	s13 =	spop (v2sf);
	s11 =	sshra.s32 s0, $0x1F;
	v14 =	vsel vm1, s18, v15;
	s18 =	sld [smem:$0x7C6]  }
0x20b: {  	v17 =	vmov s9;
	s30 =	smul.u32 $0x92492493, s11;
	s16 =	sshra.s32 s13, $0x1F;
	v15 =	vsel vm5, s19, v16;
	s19 =	sld [smem:$0x7C7]  }
0x20c: {  	v17 =	vsel vm0, s15, v17;
	s12 =	smul.u32 $0x92492493, s16;
	s16 =	sld [smem:$0x7C4]  }
0x20d: {  	v9 =	vld [tilespmem:s6+$0x70];
	s6 =	spop (v2sf);
	v17 =	vsel vm1, s17, v17;
	s17 =	sld [smem:$0x7CB]  }
0x20e: {  	s10 =	spop (v2sf);
	v16 =	vsel vm2, s20, v14;
	v14 =	vsel vm6, s21, v15;
	v15 =	vmov s22;
	s22 =	sld [smem:$0x7C8]  }
0x20f: {  	s20 =	smulhi.u32 $0x92492493, s7;
	v18 =	vmov s18;
	s18 =	sld [smem:$0x7CC]  }
0x210: {  	s24 =	spop (v2sf);
	s11 =	sshra.s32 s10, $0x1F;
	v15 =	vnsel vm3, $0x0, v15;
	v14 =	vsel vm7, s14, v14;
	s14 =	sld [smem:$0x7D1]  }
0x211: {  	s3 =	spop (v2sf);
	v15 =	vsel vm0, s16, v15;
	s7 =	ssub.s32 s20, s7;
	s20 =	sld [smem:$0x7CE]  }
0x212: {  	s15 =	smul.u32 $0x92492493, s11;
	s21 =	sshra.s32 s3, $0x1F;
	v19 =	vsel vm1, s19, v15;
	s19 =	sld [smem:$0x7CD]  }
0x213: {  	s9 =	smul.u32 $0x92492493, s21;
	s21 =	sld [smem:$0x7CF]  }
0x214: {  	s11 =	spop (v2sf);
	v15 =	vsel vm2, s22, v17;
	s22 =	sadd.s32 s2, s1;
	s2 =	sld [smem:$0x7D0]  }
0x215: {  	v17 =	vsel vm0, s23, v18;
	s16 =	sshra.s32 s11, $0x1F;
	s1 =	sld [smem:$0x7D5];
	v18 =	vsel vm2, s5, v19;
	s5 =	spop (v2sf)  }
0x216: {  	v20 =	vmov s14;
	s14 =	sld [smem:$0x7D6];
	v18 =	vsel vm4, s18, v18;
	s18 =	smul.u32 $0x92492493, s16  }
0x217: {  	s23 =	sshra.s32 s5, $0x1F;
	s4 =	spop (v2sf);
	v18 =	vsel vm5, s20, v18;
	s20 =	sld [smem:$0x7D3]  }
0x218: {  	v19 =	vmov s21;
	s21 =	sadd.s32 s8, s7;
	s7 =	smul.u32 $0x92492493, s23;
	s23 =	sld [smem:$0x7D4]  }
0x219: {  	(v2sf) =	vpush v8, $0x4;
	v17 =	vsel vm1, s17, v17;
	s16 =	smulhi.u32 $0x92492493, s0;
	s17 =	sshra.s32 s4, $0x1F;
	v21 =	vmov s1;
	s1 =	sld [smem:$0x7D8]  }
0x21a: {  	(v2sf) =	vpush v8, $0x5;
	s8 =	smul.u32 $0x92492493, s17;
	s17 =	sld [smem:$0x7D7]  }
0x21b: {  	(v2sf) =	vpush v8, $0x6;
	v17 =	vsel vm2, s19, v17;
	s19 =	sld [smem:$0x7D2]  }
0x21c: {  	v19 =	vnsel vm3, $0x0, v19;
	s16 =	ssub.s32 s16, s0;
	v20 =	vsel vm0, s20, v20;
	v21 =	vsel vm0, s1, v21;
	s1 =	sld [smem:$0x7DC]  }
0x21d: {  	(v2sf) =	vpush v8, $0x7;
	v19 =	vsel vm0, s23, v19;
	v20 =	vsel vm1, s17, v20;
	s17 =	sadd.s32 s30, s16;
	s16 =	sld [smem:$0x7DA]  }
0x21e: {  	(v2sf) =	vpush v9, $0xD;
	v19 =	vsel vm1, s14, v19;
	s14 =	sld [smem:$0x7D9]  }
0x21f: {  	v18 =	vsel vm6, s2, v18;
	s30 =	sld [smem:$0x7DB]  }
0x220: {  	v18 =	vsel vm7, s19, v18;
	s19 =	smulhi.u32 $0x92492493, s13;
	v21 =	vsel vm1, s16, v21;
	s16 =	sld [smem:$0x7DD]  }
0x221: {  	v19 =	vsel vm2, s14, v19  }
0x222: {  	s13 =	ssub.s32 s19, s13;
	v22 =	vsel vm4, s30, v19;
	v19 =	vsel vm2, s1, v20;
	s1 =	sld [smem:$0x7DE]  }
0x223: {  	v21 =	vsel vm2, s16, v21;
	s16 =	sadd.s32 s12, s13;
	s13 =	sld [smem:$0x7DF];
	_ =	sdelay $0x1  }
0x224: {  	v43 =	vsel vm5, s1, v22  }
0x225: {  	v20 =	vsel vm6, s13, v43;
	s13 =	sld [smem:$0x7E0];
	_ =	sdelay $0x1  }
0x226: {  	s26 =	sshra.s32 s6, $0x1F;
	s2 =	spop (v2sf)  }
0x227: {  	s26 =	smul.u32 $0x92492493, s26;
	s23 =	sshra.s32 s2, $0x1F;
	v44 =	vmov s13;
	s13 =	sld [smem:$0x7E1]  }
0x228: {  	s20 =	spop (v2sf);
	s14 =	smul.u32 $0x92492493, s23  }
0x229: {  	s23 =	spop (v2sf);
	s30 =	smulhi.u32 $0x92492493, s6  }
0x22a: {  	s19 =	spop (v2sf);
	v20 =	vsel vm7, s13, v20;
	s13 =	sld [smem:$0x7E2]  }
0x22b: {  	s12 =	smulhi.u32 $0x92492493, s10;
	s1 =	spop (v2sf)  }
0x22c: {  	s6 =	ssub.s32 s30, s6;
	s30 =	smulhi.u32 $0x92492493, s3;
	s0 =	sshra.s32 s1, $0x1F  }
0x22d: {  	v23 =	vmov s13;
	s13 =	sadd.s32 s26, s6;
	s6 =	ssub.s32 s12, s10;
	s26 =	sld [smem:$0x7E3]  }
0x22e: {  	(v2sf) =	vpush v9, $0xC;
	s10 =	smul.u32 $0x92492493, s0;
	s0 =	ssub.s32 s30, s3;
	s30 =	sld [smem:$0x7E6]  }
0x22f: {  	v26 =	vmov s28;
	s28 =	sld [smem:$0x7F2]  }
0x230: {  	v23 =	vsel vm0, s26, v23;
	s26 =	sld [smem:$0x7E5]  }
0x231: {  	v24 =	vmov s30;
	s30 =	sld [smem:$0x7E9]  }
0x232: {  	s12 =	sld [smem:$0x7E4]  }
0x233: {  	(v2sf) =	vpush v9, $0xE;
	v23 =	vsel vm1, s26, v23;
	s26 =	sld [smem:$0x7E8]  }
0x234: {  	v22 =	vnsel vm3, $0x0, v44;
	v46 =	vsel vm0, s30, v24;
	s30 =	sld [smem:$0x7EB]  }
0x235: {  	s3 =	smulhi.u32 $0x92492493, s11;
	v22 =	vsel vm0, s12, v22;
	s12 =	sadd.s32 s15, s6;
	s15 =	sld [smem:$0x7E7]  }
0x236: {  	(v2sf) =	vpush v9, $0xF;
	s6 =	sadd.s32 s9, s0;
	s0 =	smulhi.u32 $0x92492493, s5;
	v45 =	vsel vm2, s26, v23;
	s26 =	sld [smem:$0x7EA]  }
0x237: {  	s3 =	ssub.s32 s3, s11;
	v23 =	vsel vm1, s30, v46;
	s30 =	sld [smem:$0x7EC]  }
0x238: {  	s11 =	smulhi.u32 $0x92492493, s4;
	s0 =	ssub.s32 s0, s5;
	s5 =	sld [smem:$0x7EE];
	v25 =	vsel vm1, s15, v22  }
0x239: {  	s18 =	sadd.s32 s18, s3;
	s3 =	sadd.s32 s7, s0;
	s7 =	sld [smem:$0x7EF];
	v47 =	vsel vm2, s26, v25  }
0x23a: {  	(v2sf) =	vpush v9, $0x9;
	s26 =	ssub.s32 s11, s4;
	v25 =	vsel vm4, s30, v47;
	s30 =	sld [smem:$0x7ED]  }
0x23b: {  	s0 =	sadd.s32 s8, s26;
	s26 =	sld [smem:$0x7F1]  }
0x23c: {  	(v2sf) =	vpush v9, $0x8;
	s11 =	sld [smem:$0x7F0]  }
0x23d: {  	(v2sf) =	vpush v9, $0xA;
	s9 =	spop (v2sf);
	v49 =	vsel vm5, s5, v25  }
0x23e: {  	s15 =	sshra.s32 s9, $0x1F;
	v48 =	vsel vm2, s30, v23;
	s30 =	smulhi.u32 $0x92492493, s2;
	v23 =	vsel vm6, s7, v49;
	v51 =	vmov s26;
	s26 =	sld [smem:$0x7F4]  }
0x23f: {  	v31 =	vcombine.low v12, v11;
	s15 =	smul.u32 $0x92492493, s15;
	v50 =	vsel vm7, s11, v23;
	v23 =	vsel vm0, s28, v51;
	s28 =	sld [smem:$0x7F5]  }
0x240: {  	s5 =	smulhi.u32 $0x92492493, s1;
	s2 =	ssub.s32 s30, s2;
	s30 =	sld [smem:$0x7F3]  }
0x241: {  	v10 =	vperm.xlane v10, v1;
	v60 =	vperm.xlane v31, v0;
	(v2sf) =	vpush v9, $0xB;
	s4 =	smulhi.u32 $0x92492493, s9;
	s11 =	sld [smem:$0x7F7]  }
0x242: {  	v26 =	vnsel vm3, $0x0, v26;
	s7 =	spop (v2sf);
	s1 =	ssub.s32 s5, s1;
	v23 =	vsel vm1, s28, v23;
	s28 =	sld [smem:$0x7F9]  }
0x243: {  	v10 =	vsel vm8, v10, v60;
	(v2sf) =	vpush v9, $0x1;
	s5 =	sadd.s32 s10, s1;
	s1 =	smulhi.u32 $0x92492493, s24;
	v27 =	vmov s30;
	s30 =	sld [smem:$0x7F6]  }
0x244: {  	v10 =	vadd.s32 v3, v10;
	v26 =	vsel vm0, s26, v26;
	s2 =	sadd.s32 s14, s2;
	s14 =	ssub.s32 s4, s9;
	s26 =	sld [smem:$0x7F8]  }
0x245: {  	v54 =	vmov s22;
	(v2sf) =	vpush v9, $0x0;
	s10 =	spop (v2sf);
	v26 =	vsel vm1, s11, v26;
	s9 =	sadd.s32 s15, s14;
	s14 =	sld [smem:$0x7FB]  }
0x246: {  	v55 =	vmov s18;
	s4 =	smulhi.u32 $0x92492493, s7;
	v29 =	vsel vm2, s28, v26;
	v27 =	vsel vm0, s30, v27;
	s30 =	sld [smem:$0x7FA]  }
0x247: {  	(v2sf) =	vpush v9, $0x2;
	s8 =	sshra.s32 s7, $0x1F;
	s15 =	smulhi.u32 $0x92492493, s10;
	v53 =	vsel vm4, s31, v29;
	v27 =	vsel vm1, s26, v27  }
0x248: {  	s8 =	smul.u32 $0x92492493, s8;
	s4 =	ssub.s32 s4, s7;
	v29 =	vnsel vm3, $0x0, v55;
	s26 =	sshra.s32 s10, $0x1F;
	v28 =	vsel vm2, s14, v27;
	v27 =	vsel vm0, s25, v54  }
0x249: {  	s7 =	ssub.s32 s15, s10;
	s28 =	smul.u32 $0x92492493, s26;
	v52 =	vsel vm2, s30, v23;
	v23 =	vsel vm5, s29, v53;
	s29 =	spop (v2sf);
	(v2sf) =	vpush v9, $0x3  }
0x24a: {  	v13 =	vcombine.low v16, v13;
	v29 =	vsel vm0, s6, v29;
	s30 =	sld [smem:$0x7FC];
	v30 =	vsel vm1, s21, v27;
	s31 =	smulhi.u32 $0x92492493, s29;
	s18 =	sshra.s32 s29, $0x1F  }
0x24b: {  	v29 =	vsel vm1, s3, v29;
	s25 =	spop (v2sf);
	(v2sf) =	vpush v9, $0x4;
	v57 =	vsel vm2, s17, v30;
	s17 =	sshra.s32 s24, $0x1F;
	s22 =	smul.u32 $0x92492493, s18  }
0x24c: {  	v63 =	vshrl.u32 v10, $0x1F;
	v10 =	vshrl.u32 v10, $0x2;
	v12 =	vsel vm2, s0, v29;
	s7 =	sadd.s32 s28, s7;
	s0 =	smul.u32 $0x92492493, s17  }
0x24d: {  	v14 =	vperm.xlane v14, v1;
	v13 =	vperm.xlane v13, v0;
	s15 =	spop (v2sf);
	(v2sf) =	vpush v9, $0x5;
	s28 =	ssub.s32 s31, s29;
	s29 =	smulhi.u32 $0x92492493, s25  }
0x24e: {  	v10 =	vadd.s32 v63, v10;
	s26 =	sld [smem:$0x7FD];
	v23 =	vsel vm6, s30, v23;
	s30 =	sshra.s32 s25, $0x1F;
	s18 =	smulhi.u32 $0x92492493, s15  }
0x24f: {  	v13 =	vsel vm8, v14, v13;
	v58 =	vmov s13;
	(v2sf) =	vpush v9, $0x6;
	s31 =	sadd.s32 s22, s28;
	s13 =	smul.u32 $0x92492493, s30;
	s22 =	sshra.s32 s15, $0x1F  }
0x250: {  	v10 =	vmul.u32 $0x7, v10;
	v13 =	vadd.s32 v2, v13;
	v14 =	vcombine.low v17, v15;
	s10 =	ssub.s32 s29, s25;
	s25 =	spop (v2sf);
	s6 =	smul.u32 $0x92492493, s22  }
0x251: {  	v59 =	vmov s9;
	s4 =	sadd.s32 s8, s4;
	v56 =	vsel vm7, s26, v23;
	(v2sf) =	vpush v9, $0x7;
	s26 =	smulhi.u32 $0x92492493, s25;
	s28 =	sshra.s32 s25, $0x1F  }
0x252: {  	v14 =	vperm.xlane v14, v0;
	v29 =	vsel vm0, s5, v59;
	v30 =	vsel vm0, s16, v58;
	s21 =	sadd.s32 s13, s10;
	s29 =	spop (v2sf);
	s5 =	smul.u32 $0x92492493, s28  }
0x253: {  	v17 =	vperm.xlane v18, v1;
	v11 =	vsel vm1, s12, v30;
	s8 =	ssub.s32 s18, s15;
	v61 =	vmov s21;
	s11 =	smulhi.u32 $0x92492493, s29;
	s12 =	sshra.s32 s29, $0x1F  }
0x254: {  	v18 =	vshrl.u32 v13, $0x1F;
	v29 =	vsel vm1, s4, v29;
	s30 =	sadd.s32 s6, s8;
	v31 =	vsel vm0, s31, v61;
	s31 =	spop (v2sf);
	s4 =	smul.u32 $0x92492493, s12  }
0x255: {  	v13 =	vshrl.u32 v13, $0x2;
	v12 =	vsel vm4, s2, v12;
	v16 =	vsel vm2, s7, v29;
	s2 =	ssub.s32 s26, s25;
	s7 =	smulhi.u32 $0x92492493, s31;
	s8 =	sshra.s32 s31, $0x1F  }
0x256: {  	v3 =	vsub.s32 v3, v10;
	v10 =	vadd.s32 v18, v13;
	v62 =	vsel vm1, s30, v31;
	s2 =	sadd.s32 s5, s2;
	s13 =	spop (v2sf);
	s9 =	smul.u32 $0x92492493, s8  }
0x257: {  	v13 =	vsel vm8, v17, v14;
	v14 =	vcombine.low v21, v19;
	v29 =	vsel vm2, s2, v62;
	s2 =	ssub.s32 s11, s29;
	s14 =	smulhi.u32 $0x92492493, s13;
	s15 =	sshra.s32 s13, $0x1F  }
0x258: {  	v10 =	vmul.u32 $0x7, v10;
	s3 =	ssub.s32 s7, s31;
	s6 =	smul.u32 $0x92492493, s15;
	s16 =	spop (v2sf)  }
0x259: {  	v13 =	vadd.s32 v4, v13;
	v14 =	vperm.xlane v14, v0;
	v18 =	vperm.xlane v20, v1;
	s3 =	sadd.s32 s9, s3;
	s18 =	smulhi.u32 $0x92492493, s16;
	s21 =	sshra.s32 s16, $0x1F  }
0x25a: {  	v17 =	vshrl.u32 v13, $0x1F;
	v13 =	vshrl.u32 v13, $0x2;
	s2 =	sadd.s32 s4, s2;
	v15 =	vmov s3;
	s22 =	spop (v2sf);
	s5 =	smul.u32 $0x92492493, s21  }
0x25b: {  	v10 =	vsub.s32 v2, v10;
	v14 =	vsel vm8, v18, v14;
	s17 =	ssub.s32 s14, s13;
	v15 =	vnsel vm3, $0x0, v15;
	s26 =	smulhi.u32 $0x92492493, s22;
	s28 =	sshra.s32 s22, $0x1F  }
0x25c: {  	v2 =	vadd.s32 v17, v13;
	v14 =	vadd.s32 v5, v14;
	v15 =	vsel vm0, s2, v15;
	s2 =	sadd.s32 s6, s17;
	s29 =	spop (v2sf);
	s4 =	smul.u32 $0x92492493, s28  }
0x25d: {  	v2 =	vmul.u32 $0x7, v2;
	v18 =	vshrl.u32 v14, $0x1F;
	s25 =	ssub.s32 s18, s16;
	s31 =	smulhi.u32 $0x92492493, s29;
	s7 =	sshra.s32 s29, $0x1F  }
0x25e: {  	v14 =	vshrl.u32 v14, $0x2;
	v13 =	vcombine.low v48, v45;
	v15 =	vsel vm1, s2, v15;
	s8 =	spop (v2sf);
	s2 =	sadd.s32 s5, s25;
	s6 =	smul.u32 $0x92492493, s7  }
0x25f: {  	v19 =	vsub.s32 v4, v2;
	v2 =	vadd.s32 v18, v14;
	s30 =	ssub.s32 s26, s22;
	s10 =	smulhi.u32 $0x92492493, s8;
	s11 =	sshra.s32 s8, $0x1F  }
0x260: {  	v17 =	vperm.xlane v50, v1;
	v13 =	vperm.xlane v13, v0;
	s12 =	spop (v2sf);
	v15 =	vsel vm2, s2, v15;
	s2 =	sadd.s32 s4, s30;
	s5 =	smul.u32 $0x92492493, s11  }
0x261: {  	v2 =	vmul.u32 $0x7, v2;
	s9 =	ssub.s32 s31, s29;
	s14 =	smulhi.u32 $0x92492493, s12;
	s15 =	sshra.s32 s12, $0x1F  }
0x262: {  	v4 =	vsel vm8, v17, v13;
	v15 =	vsel vm4, s2, v15;
	s2 =	sadd.s32 s6, s9;
	s13 =	ssub.s32 s10, s8;
	s4 =	smul.u32 $0x92492493, s15  }
0x263: {  	v17 =	vsub.s32 v5, v2;
	v13 =	vcombine.low v28, v52;
	s21 =	smulhi.u32 $0x92492493, s23;
	v15 =	vsel vm5, s2, v15;
	s2 =	sadd.s32 s5, s13;
	s3 =	ssub.s32 s14, s12  }
0x264: {  	v4 =	vadd.s32 v6, v4;
	s17 =	sshra.s32 s20, $0x1F;
	s16 =	smulhi.u32 $0x92492493, s20;
	v14 =	vsel vm6, s2, v15;
	s3 =	sadd.s32 s4, s3;
	v15 =	vcombine.low v29, v16  }
0x265: {  	s1 =	ssub.s32 s1, s24;
	v13 =	vperm.xlane v13, v0;
	s18 =	smul.u32 $0x92492493, s17;
	v16 =	vshrl.u32 v4, $0x1F;
	v14 =	vsel vm7, s3, v14  }
0x266: {  	s0 =	sadd.s32 s0, s1;
	s22 =	sshra.s32 s23, $0x1F;
	s26 =	smulhi.u32 $0x92492493, s19;
	v4 =	vshrl.u32 v4, $0x2;
	v15 =	vperm.xlane v15, v0;
	v14 =	vperm.xlane v14, v1  }
0x267: {  	v11 =	vsel vm2, s0, v11;
	s28 =	sshra.s32 s19, $0x1F;
	s25 =	smul.u32 $0x92492493, s22;
	s2 =	ssub.s32 s16, s20;
	v4 =	vadd.s32 v16, v4;
	v16 =	vperm.xlane v56, v1  }
0x268: {  	v11 =	vcombine.low v11, v57;
	s1 =	smul.u32 $0x92492493, s28;
	s29 =	ssub.s32 s21, s23;
	s24 =	sadd.s32 s18, s2;
	v2 =	vmul.u32 $0x7, v4;
	v4 =	vsel vm8, v14, v15  }
0x269: {  	s0 =	ssub.s32 s26, s19;
	s2 =	sadd.s32 s25, s29;
	v12 =	vsel vm5, s24, v12;
	v5 =	vsel vm8, v16, v13;
	v4 =	vadd.s32 v9, v4  }
0x26a: {  	s30 =	simm.s32 $0xC880;
	s0 =	sadd.s32 s1, s0;
	v12 =	vsel vm6, s2, v12;
	v13 =	vshrl.u32 v4, $0x1F;
	v4 =	vshrl.u32 v4, $0x2  }
0x26b: {  	v11 =	vperm.xlane v11, v0;
	v18 =	vld [tilespmem:s30+$0x0];
	v12 =	vsel vm7, s0, v12;
	v4 =	vadd.s32 v13, v4  }
0x26c: {  	v5 =	vadd.s32 v7, v5;
	v12 =	vperm.xlane v12, v1;
	v13 =	vld [tilespmem:s30+$0xFFFFFF80];
	v4 =	vmul.u32 $0x7, v4  }
0x26d: {  	v14 =	vsub.s32 v6, v2;
	v2 =	vshrl.u32 v5, $0x1F;
	v5 =	vshrl.u32 v5, $0x2  }
0x26e: {  	s0 =	simm.s32 $0x1;
	v2 =	vadd.s32 v2, v5;
	v5 =	vsel vm8, v12, v11;
	v4 =	vsub.s32 v9, v4  }
0x26f: {  	s0 =	simm.s32 @!p0 $0x0;
	v5 =	vadd.s32 v8, v5;
	v9 =	vmul.u32 $0x7, v2;
	v2 =	vand.u32 $0xF, v4  }
0x270: {  	v3 =	vand.u32 $0xF, v3;
	s0 =	sshll.u32 s0, $0xE;
	v6 =	vshrl.u32 v5, $0x1F;
	v11 =	vperm.xlane v18, v2  }
0x271: {  	s0 =	sadd.s32 $0xE880, s0;
	v5 =	vshrl.u32 v5, $0x2;
	v4 =	vand.u32 $0xF, v10;
	v10 =	vperm.xlane v13, v3  }
0x272: {  	s4 =	rddreg [dreg:$0x11];
	v6 =	vadd.s32 v6, v5;
	v5 =	vand.u32 $0xF, v19;
	v12 =	vperm.xlane v13, v4;
	[tilespmem:s0+$0x70] =	vst v11  }
0x273: {  	v15 =	vperm.xlane v13, v5;
	v9 =	vsub.s32 v7, v9;
	[tilespmem:s0+$0xFFFFFF80] =	vst v10  }
0x274: {  	v11 =	vmul.u32 $0x7, v6;
	v6 =	vand.u32 $0xF, v17;
	[tilespmem:s0+$0xFFFFFF90] =	vst v12;
	v17 =	vperm.xlane v13, v2  }
0x275: {  	v7 =	vand.u32 $0xF, v14;
	[tilespmem:s0+$0xFFFFFFA0] =	vst v15;
	v14 =	vperm.xlane v13, v6;
	v15 =	vperm.xlane v18, v6  }
0x276: {  	v10 =	vsub.s32 v8, v11;
	v8 =	vand.u32 $0xF, v9;
	v11 =	vperm.xlane v13, v7;
	[tilespmem:s0+$0xFFFFFFF0] =	vst v17  }
0x277: {  	v9 =	vand.u32 $0xF, v10;
	v10 =	vperm.xlane v18, v3;
	v12 =	vperm.xlane v13, v8;
	[tilespmem:s0+$0xFFFFFFB0] =	vst v14  }
0x278: {  	v14 =	vperm.xlane v18, v7;
	v16 =	vperm.xlane v13, v9;
	[tilespmem:s0+$0xFFFFFFC0] =	vst v11  }
0x279: {  	s31 =	sshll.u32 s4, $0xD;
	v13 =	vperm.xlane v18, v4;
	v11 =	vperm.xlane v18, v5;
	[tilespmem:s0+$0xFFFFFFD0] =	vst v12  }
0x27a: {  	s3 =	simm.s32 $0xC980;
	s1 =	sadd.s32 $0xE800, s31;
	s2 =	simm.s32 $0x0;
	v12 =	vperm.xlane v18, v9;
	[tilespmem:s0+$0xFFFFFFE0] =	vst v16;
	v16 =	vperm.xlane v18, v8  }
.LBB2_3:
0x27b: {  	v17 =	vld [tilespmem:s3+$0x0];
	s2 =	sadd.s32 $0x2, s2;
	[tilespmem:s0+$0x0] =	vst v10  }
0x27c: {  	v18 =	vld [tilespmem:s3+$0xFFFFFF80];
	p1 =	slt.u32 s2, $0x3E;
	[tilespmem:s0+$0x10] =	vst v13  }
0x27d: {  	[tilespmem:s0+$0x20] =	vst v11  }
0x27e: {  	[tilespmem:s0+$0x30] =	vst v15  }
0x27f: {  	[tilespmem:s0+$0x40] =	vst v14  }
0x280: {  	v10 =	vperm.xlane v17, v3;
	v11 =	vperm.xlane v17, v2;
	[tilespmem:s0+$0x50] =	vst v16  }
0x281: {  	v13 =	vperm.xlane v18, v3;
	v14 =	vperm.xlane v18, v4;
	[tilespmem:s0+$0x60] =	vst v12;
	s0 =	sadd.s32 $0x100, s0  }
0x282: {  	v12 =	vperm.xlane v18, v5;
	v15 =	vperm.xlane v18, v6;
	[tilespmem:s0+$0x70] =	vst v11  }
0x283: {  	v16 =	vperm.xlane v18, v7;
	v19 =	vperm.xlane v18, v8;
	[tilespmem:s0+$0xFFFFFF80] =	vst v13  }
0x284: {  	v20 =	vperm.xlane v18, v9;
	v18 =	vperm.xlane v18, v2;
	[tilespmem:s0+$0xFFFFFF90] =	vst v14  }
0x285: {  	v11 =	vperm.xlane v17, v5;
	v13 =	vperm.xlane v17, v4;
	[tilespmem:s0+$0xFFFFFFA0] =	vst v12  }
.Ltmp0:
0x286: {  	v14 =	vperm.xlane v17, v7;
	[tilespmem:s0+$0xFFFFFFB0] =	vst v15;
	v15 =	vperm.xlane v17, v6;
	(pc) =	sbr.rel @p1 .LBB2_3-.Ltmp0, $4  }
0x287: {  	v12 =	vperm.xlane v17, v9;
	[tilespmem:s0+$0xFFFFFFC0] =	vst v16;
	v16 =	vperm.xlane v17, v8  }
0x288: {  	[tilespmem:s0+$0xFFFFFFD0] =	vst v19  }
0x289: {  	[tilespmem:s0+$0xFFFFFFE0] =	vst v20  }
0x28a: {  	s3 =	sadd.s32 $0x100, s3;
	[tilespmem:s0+$0xFFFFFFF0] =	vst v18  }
0x28b: {  	[tilespmem:s0+$0x0] =	vst v10  }
0x28c: {  	[tilespmem:s0+$0x10] =	vst v13  }
0x28d: {  	[tilespmem:s0+$0x20] =	vst v11  }
0x28e: {  	[tilespmem:s0+$0x30] =	vst v15  }
0x28f: {  	[tilespmem:s0+$0x40] =	vst v14  }
0x290: {  	[tilespmem:s0+$0x50] =	vst v16  }
0x291: {  	s5 =	rddreg [dreg:$0xf]  }
0x292: {  	s2 =	sshll.u32 s5, $0x11;
	s5 =	sadd.s32 $0x1, s5  }
0x293: {  	p1 =	sne.s32 s5, $0xC8  }
.Ltmp1:
0x294: {  	_ = 	snop;
	(pc) =	sbr.rel @p1 .LBB2_2-.Ltmp1, $4  }
0x295: {  	[tilespmem:s0+$0x60] =	vst v12  }
0x296: {  	s29 =	sadd.s32 $0x1, s4;
	s30 =	simm.s32 $0x20000;
	s3 =	rddreg [dreg:$0x5]  }
0x297: {  	s31 =	simm.s32 $0x400;
	p0 =	por !p0, !p0;
	s2 =	sadd.s32 s2, s3  }
0x298: {  	[hbm4b:s2+s31] =	stream.strided.scatter [tilespmem:s1], [sflag:s29], $0x2000, s30, s31, $0x38;
	[tilespmem:$0x16800] =	vst v63  }
0x299: {  	s0 =	simm.s32 $0x1  }
0x29a: {  	_ =	swait.ge [sflag:s0], $0x2000  }
0x29b: {  	[sflag:s0] =	ssyncset.done $0x0  }
0x29c: {  	s31 =	simm.s32 $0x3;
	[sflag:s0] =	ssyncadd.s32 $0xFFFFE000  }
0x29d: {  	_ =	swait.ge [sflag:s31], $0x2000  }
0x29e: {  	[sflag:s31] =	ssyncset.done $0x0  }
0x29f: {  	s5 =	simm.s32 $0x0;
	p0 =	por $0x0, $0x0;
	[sflag:s31] =	ssyncadd.s32 $0xFFFFE000  }
.LBB2_6:
0x2a0: {  	s0 =	sshll.u32 s5, $0x1  }
0x2a1: {  	s0 =	sand.u32 $0x2, s0  }
0x2a2: {  	p1 =	slt.u32 s5, $0x2;
	s0 =	sor.u32 $0x1, s0  }
0x2a3: {  	[dreg:$0x12] =	wrdreg s0;
	s0 =	sadd.s32 @!p1 $0x1, s0  }
0x2a4: {  	s1 =	sshll.u32 s5, $0x8;
	s2 =	sshll.u32 s5, $0x7;
	_ =	swait.ge @!p1 [sflag:s0], $0x2000  }
0x2a5: {  	s1 =	sand.u32 $0xF800, s1;
	s2 =	sand.u32 $0x380, s2;
	[sflag:s0] =	ssyncset.done @!p1 $0x0  }
0x2a6: {  	s2 =	sor.u32 s2, s1;
	[sflag:s0] =	ssyncadd.s32 @!p1 $0xFFFFE000  }
0x2a7: {  	v3 =	vld [tilespmem:s2+$0x400];
	_ =	sdelay $0x4  }
0x2a8: {  	(v2sf) =	vpush v3, $0xD;
	_ =	sdelay $0x1  }
0x2a9: {  	(v2sf) =	vpush v3, $0xC  }
0x2aa: {  	(v2sf) =	vpush v3, $0xE;
	_ =	sdelay $0x1  }
0x2ab: {  	(v2sf) =	vpush v3, $0xF;
	_ =	sdelay $0x1  }
0x2ac: {  	(v2sf) =	vpush v3, $0x9;
	_ =	sdelay $0x1  }
0x2ad: {  	(v2sf) =	vpush v3, $0x8;
	_ =	sdelay $0x1  }
0x2ae: {  	(v2sf) =	vpush v3, $0xA;
	_ =	sdelay $0x1  }
0x2af: {  	(v2sf) =	vpush v3, $0xB;
	_ =	sdelay $0x1  }
0x2b0: {  	(v2sf) =	vpush v3, $0x1;
	s23 =	spop (v2sf)  }
0x2b1: {  	[dreg:$0xd] =	wrdreg s5;
	s0 =	sshra.s32 s23, $0x1F  }
0x2b2: {  	(v2sf) =	vpush v3, $0x0;
	s24 =	spop (v2sf);
	s0 =	smul.u32 $0x92492493, s0  }
0x2b3: {  	[smem:$0x68E] =	sst s2;
	s25 =	sshra.s32 s24, $0x1F;
	s31 =	spop (v2sf)  }
0x2b4: {  	(v2sf) =	vpush v3, $0x2;
	[dreg:$0x15] =	wrdreg s0;
	s0 =	smul.u32 $0x92492493, s25  }
0x2b5: {  	[smem:$0x604] =	sst s23;
	s26 =	sshra.s32 s31, $0x1F;
	s28 =	spop (v2sf)  }
0x2b6: {  	(v2sf) =	vpush v3, $0x3;
	[dreg:$0x19] =	wrdreg s0;
	s0 =	smul.u32 $0x92492493, s26  }
0x2b7: {  	[smem:$0x605] =	sst s24;
	s29 =	sshra.s32 s28, $0x1F;
	s30 =	spop (v2sf)  }
0x2b8: {  	(v2sf) =	vpush v3, $0x4;
	[dreg:$0x1d] =	wrdreg s0;
	s0 =	smul.u32 $0x92492493, s29  }
0x2b9: {  	[smem:$0x606] =	sst s28;
	s1 =	sshra.s32 s30, $0x1F;
	s3 =	spop (v2sf)  }
0x2ba: {  	(v2sf) =	vpush v3, $0x5;
	[smem:$0x609] =	sst s0;
	s0 =	smul.u32 $0x92492493, s1  }
0x2bb: {  	v2 =	vld [tilespmem:s2+$0x410];
	[smem:$0x607] =	sst s30;
	s4 =	sshra.s32 s3, $0x1F;
	s5 =	spop (v2sf)  }
0x2bc: {  	(v2sf) =	vpush v3, $0x6;
	[smem:$0x60B] =	sst s0;
	s0 =	smul.u32 $0x92492493, s4  }
0x2bd: {  	[smem:$0x608] =	sst s3;
	s6 =	sshra.s32 s5, $0x1F;
	s7 =	spop (v2sf)  }
0x2be: {  	(v2sf) =	vpush v3, $0x7;
	[smem:$0x60D] =	sst s0;
	s0 =	smul.u32 $0x92492493, s6  }
0x2bf: {  	[smem:$0x60A] =	sst s5;
	s8 =	sshra.s32 s7, $0x1F;
	s9 =	spop (v2sf)  }
0x2c0: {  	(v2sf) =	vpush v2, $0xD;
	[smem:$0x60F] =	sst s0;
	s0 =	smul.u32 $0x92492493, s8  }
0x2c1: {  	[smem:$0x60C] =	sst s7;
	s10 =	sshra.s32 s9, $0x1F;
	s11 =	spop (v2sf)  }
0x2c2: {  	(v2sf) =	vpush v2, $0xC;
	[smem:$0x611] =	sst s0;
	s0 =	smul.u32 $0x92492493, s10  }
0x2c3: {  	[smem:$0x60E] =	sst s9;
	s12 =	sshra.s32 s11, $0x1F;
	s13 =	spop (v2sf)  }
0x2c4: {  	(v2sf) =	vpush v2, $0xE;
	[smem:$0x613] =	sst s0;
	s0 =	smul.u32 $0x92492493, s12  }
0x2c5: {  	[smem:$0x610] =	sst s11;
	s14 =	sshra.s32 s13, $0x1F;
	s15 =	spop (v2sf)  }
0x2c6: {  	(v2sf) =	vpush v2, $0xF;
	[smem:$0x615] =	sst s0;
	s0 =	smul.u32 $0x92492493, s14  }
0x2c7: {  	[smem:$0x612] =	sst s13;
	s16 =	sshra.s32 s15, $0x1F;
	s17 =	spop (v2sf)  }
0x2c8: {  	(v2sf) =	vpush v2, $0x9;
	[smem:$0x617] =	sst s0;
	s0 =	smul.u32 $0x92492493, s16  }
0x2c9: {  	[smem:$0x614] =	sst s15;
	s18 =	sshra.s32 s17, $0x1F;
	s19 =	spop (v2sf)  }
0x2ca: {  	(v2sf) =	vpush v2, $0x8;
	[smem:$0x619] =	sst s0;
	s0 =	smul.u32 $0x92492493, s18  }
0x2cb: {  	[smem:$0x616] =	sst s17;
	s20 =	sshra.s32 s19, $0x1F;
	s21 =	spop (v2sf)  }
0x2cc: {  	(v2sf) =	vpush v2, $0xA;
	[smem:$0x61B] =	sst s0;
	s0 =	smul.u32 $0x92492493, s20  }
0x2cd: {  	[smem:$0x618] =	sst s19;
	s22 =	sshra.s32 s21, $0x1F;
	s23 =	spop (v2sf)  }
0x2ce: {  	(v2sf) =	vpush v2, $0xB;
	[smem:$0x61D] =	sst s0;
	s0 =	smul.u32 $0x92492493, s22  }
0x2cf: {  	[smem:$0x61A] =	sst s21;
	s24 =	sshra.s32 s23, $0x1F;
	s25 =	spop (v2sf)  }
0x2d0: {  	(v2sf) =	vpush v2, $0x1;
	[smem:$0x61F] =	sst s0;
	s0 =	smul.u32 $0x92492493, s24  }
0x2d1: {  	[smem:$0x61C] =	sst s23;
	s26 =	sshra.s32 s25, $0x1F;
	s28 =	spop (v2sf)  }
0x2d2: {  	(v2sf) =	vpush v2, $0x0;
	[smem:$0x621] =	sst s0;
	s0 =	smul.u32 $0x92492493, s26  }
0x2d3: {  	[smem:$0x61E] =	sst s25;
	s29 =	sshra.s32 s28, $0x1F;
	s30 =	spop (v2sf)  }
0x2d4: {  	(v2sf) =	vpush v2, $0x2;
	[smem:$0x623] =	sst s0;
	s0 =	smul.u32 $0x92492493, s29  }
0x2d5: {  	[smem:$0x620] =	sst s28;
	s1 =	sshra.s32 s30, $0x1F;
	s3 =	spop (v2sf)  }
0x2d6: {  	(v2sf) =	vpush v2, $0x3;
	[smem:$0x625] =	sst s0;
	s0 =	smul.u32 $0x92492493, s1  }
0x2d7: {  	[smem:$0x622] =	sst s30;
	s4 =	sshra.s32 s3, $0x1F;
	s5 =	spop (v2sf)  }
0x2d8: {  	(v2sf) =	vpush v2, $0x4;
	[smem:$0x627] =	sst s0;
	s0 =	smul.u32 $0x92492493, s4  }
0x2d9: {  	[smem:$0x624] =	sst s3;
	s6 =	sshra.s32 s5, $0x1F;
	s7 =	spop (v2sf)  }
0x2da: {  	(v2sf) =	vpush v2, $0x5;
	[smem:$0x629] =	sst s0;
	s0 =	smul.u32 $0x92492493, s6  }
0x2db: {  	v4 =	vld [tilespmem:s2+$0x420];
	[smem:$0x626] =	sst s5;
	s8 =	sshra.s32 s7, $0x1F;
	s9 =	spop (v2sf)  }
0x2dc: {  	(v2sf) =	vpush v2, $0x6;
	[smem:$0x62B] =	sst s0;
	s0 =	smul.u32 $0x92492493, s8  }
0x2dd: {  	[smem:$0x628] =	sst s7;
	s10 =	sshra.s32 s9, $0x1F;
	s11 =	spop (v2sf)  }
0x2de: {  	(v2sf) =	vpush v2, $0x7;
	[smem:$0x62D] =	sst s0;
	s0 =	smul.u32 $0x92492493, s10  }
0x2df: {  	[smem:$0x62A] =	sst s9;
	s12 =	sshra.s32 s11, $0x1F;
	s13 =	spop (v2sf)  }
0x2e0: {  	(v2sf) =	vpush v4, $0xD;
	[smem:$0x62F] =	sst s0;
	s0 =	smul.u32 $0x92492493, s12  }
0x2e1: {  	[smem:$0x62C] =	sst s11;
	s14 =	sshra.s32 s13, $0x1F;
	s15 =	spop (v2sf)  }
0x2e2: {  	(v2sf) =	vpush v4, $0xC;
	[smem:$0x631] =	sst s0;
	s0 =	smul.u32 $0x92492493, s14  }
0x2e3: {  	[smem:$0x62E] =	sst s13;
	s16 =	sshra.s32 s15, $0x1F;
	s17 =	spop (v2sf)  }
0x2e4: {  	(v2sf) =	vpush v4, $0xE;
	[smem:$0x633] =	sst s0;
	s0 =	smul.u32 $0x92492493, s16  }
0x2e5: {  	[smem:$0x630] =	sst s15;
	s18 =	sshra.s32 s17, $0x1F;
	s19 =	spop (v2sf)  }
0x2e6: {  	(v2sf) =	vpush v4, $0xF;
	[smem:$0x635] =	sst s0;
	s0 =	smul.u32 $0x92492493, s18  }
0x2e7: {  	[smem:$0x632] =	sst s17;
	s20 =	sshra.s32 s19, $0x1F;
	s21 =	spop (v2sf)  }
0x2e8: {  	(v2sf) =	vpush v4, $0x9;
	[smem:$0x637] =	sst s0;
	s0 =	smul.u32 $0x92492493, s20  }
0x2e9: {  	[smem:$0x634] =	sst s19;
	s23 =	spop (v2sf);
	s22 =	sshra.s32 s21, $0x1F  }
0x2ea: {  	(v2sf) =	vpush v4, $0x8;
	[smem:$0x639] =	sst s0;
	s0 =	smul.u32 $0x92492493, s22  }
0x2eb: {  	[smem:$0x636] =	sst s21;
	s25 =	spop (v2sf);
	s24 =	sshra.s32 s23, $0x1F  }
0x2ec: {  	(v2sf) =	vpush v4, $0xA;
	[smem:$0x63B] =	sst s0;
	s0 =	smul.u32 $0x92492493, s24  }
0x2ed: {  	[smem:$0x638] =	sst s23;
	s28 =	spop (v2sf);
	s26 =	sshra.s32 s25, $0x1F  }
0x2ee: {  	(v2sf) =	vpush v4, $0xB;
	[smem:$0x63D] =	sst s0;
	s0 =	smul.u32 $0x92492493, s26  }
0x2ef: {  	[smem:$0x63A] =	sst s25;
	s30 =	spop (v2sf);
	s29 =	sshra.s32 s28, $0x1F  }
0x2f0: {  	(v2sf) =	vpush v4, $0x1;
	[smem:$0x63F] =	sst s0;
	s0 =	smul.u32 $0x92492493, s29  }
0x2f1: {  	[smem:$0x63C] =	sst s28;
	s3 =	spop (v2sf);
	s1 =	sshra.s32 s30, $0x1F  }
0x2f2: {  	(v2sf) =	vpush v4, $0x0;
	[smem:$0x641] =	sst s0;
	s0 =	smul.u32 $0x92492493, s1  }
0x2f3: {  	[smem:$0x63E] =	sst s30;
	s5 =	spop (v2sf);
	s4 =	sshra.s32 s3, $0x1F  }
0x2f4: {  	(v2sf) =	vpush v4, $0x2;
	[smem:$0x643] =	sst s0;
	s0 =	smul.u32 $0x92492493, s4  }
0x2f5: {  	[smem:$0x640] =	sst s3;
	s7 =	spop (v2sf);
	s6 =	sshra.s32 s5, $0x1F  }
0x2f6: {  	(v2sf) =	vpush v4, $0x3;
	[smem:$0x645] =	sst s0;
	s0 =	smul.u32 $0x92492493, s6  }
0x2f7: {  	[smem:$0x642] =	sst s5;
	s9 =	spop (v2sf);
	s8 =	sshra.s32 s7, $0x1F  }
0x2f8: {  	(v2sf) =	vpush v4, $0x4;
	[smem:$0x647] =	sst s0;
	s0 =	smul.u32 $0x92492493, s8  }
0x2f9: {  	[smem:$0x644] =	sst s7;
	s11 =	spop (v2sf);
	s10 =	sshra.s32 s9, $0x1F  }
0x2fa: {  	(v2sf) =	vpush v4, $0x5;
	[smem:$0x649] =	sst s0;
	s0 =	smul.u32 $0x92492493, s10  }
0x2fb: {  	v5 =	vld [tilespmem:s2+$0x430];
	[smem:$0x646] =	sst s9;
	s13 =	spop (v2sf);
	s12 =	sshra.s32 s11, $0x1F  }
0x2fc: {  	(v2sf) =	vpush v4, $0x6;
	[smem:$0x64B] =	sst s0;
	s0 =	smul.u32 $0x92492493, s12  }
0x2fd: {  	[smem:$0x648] =	sst s11;
	s15 =	spop (v2sf);
	s14 =	sshra.s32 s13, $0x1F  }
0x2fe: {  	(v2sf) =	vpush v4, $0x7;
	[smem:$0x64D] =	sst s0;
	s0 =	smul.u32 $0x92492493, s14  }
0x2ff: {  	[smem:$0x64A] =	sst s13;
	s17 =	spop (v2sf);
	s16 =	sshra.s32 s15, $0x1F  }
0x300: {  	(v2sf) =	vpush v5, $0xD;
	[smem:$0x64F] =	sst s0;
	s0 =	smul.u32 $0x92492493, s16  }
0x301: {  	[smem:$0x64C] =	sst s15;
	s19 =	spop (v2sf);
	s18 =	sshra.s32 s17, $0x1F  }
0x302: {  	(v2sf) =	vpush v5, $0xC;
	[smem:$0x651] =	sst s0;
	s0 =	smul.u32 $0x92492493, s18  }
0x303: {  	[smem:$0x64E] =	sst s17;
	s21 =	spop (v2sf);
	s20 =	sshra.s32 s19, $0x1F  }
0x304: {  	(v2sf) =	vpush v5, $0xE;
	[smem:$0x653] =	sst s0;
	s0 =	smul.u32 $0x92492493, s20  }
0x305: {  	[smem:$0x650] =	sst s19;
	s23 =	spop (v2sf);
	s22 =	sshra.s32 s21, $0x1F  }
0x306: {  	(v2sf) =	vpush v5, $0xF;
	[smem:$0x655] =	sst s0;
	s0 =	smul.u32 $0x92492493, s22  }
0x307: {  	[smem:$0x652] =	sst s21;
	s25 =	spop (v2sf);
	s24 =	sshra.s32 s23, $0x1F  }
0x308: {  	(v2sf) =	vpush v5, $0x9;
	[smem:$0x657] =	sst s0;
	s0 =	smul.u32 $0x92492493, s24  }
0x309: {  	[smem:$0x654] =	sst s23;
	s28 =	spop (v2sf);
	s26 =	sshra.s32 s25, $0x1F  }
0x30a: {  	(v2sf) =	vpush v5, $0x8;
	[smem:$0x659] =	sst s0;
	s0 =	smul.u32 $0x92492493, s26  }
0x30b: {  	[smem:$0x656] =	sst s25;
	s30 =	spop (v2sf);
	s29 =	sshra.s32 s28, $0x1F  }
0x30c: {  	(v2sf) =	vpush v5, $0xA;
	[smem:$0x65B] =	sst s0;
	s0 =	smul.u32 $0x92492493, s29  }
0x30d: {  	[smem:$0x658] =	sst s28;
	s3 =	spop (v2sf);
	s1 =	sshra.s32 s30, $0x1F  }
0x30e: {  	(v2sf) =	vpush v5, $0xB;
	[smem:$0x65D] =	sst s0;
	s0 =	smul.u32 $0x92492493, s1  }
0x30f: {  	[smem:$0x65A] =	sst s30;
	s5 =	spop (v2sf);
	s4 =	sshra.s32 s3, $0x1F  }
0x310: {  	(v2sf) =	vpush v5, $0x1;
	[smem:$0x65F] =	sst s0;
	s0 =	smul.u32 $0x92492493, s4  }
0x311: {  	[smem:$0x65C] =	sst s3;
	s7 =	spop (v2sf);
	s6 =	sshra.s32 s5, $0x1F  }
0x312: {  	(v2sf) =	vpush v5, $0x0;
	[smem:$0x661] =	sst s0;
	s0 =	smul.u32 $0x92492493, s6  }
0x313: {  	[smem:$0x65E] =	sst s5;
	s9 =	spop (v2sf);
	s8 =	sshra.s32 s7, $0x1F  }
0x314: {  	(v2sf) =	vpush v5, $0x2;
	[smem:$0x663] =	sst s0;
	s0 =	smul.u32 $0x92492493, s8  }
0x315: {  	[smem:$0x660] =	sst s7;
	s11 =	spop (v2sf);
	s10 =	sshra.s32 s9, $0x1F  }
0x316: {  	(v2sf) =	vpush v5, $0x3;
	[smem:$0x665] =	sst s0;
	s0 =	smul.u32 $0x92492493, s10  }
0x317: {  	[smem:$0x662] =	sst s9;
	s13 =	spop (v2sf);
	s12 =	sshra.s32 s11, $0x1F  }
0x318: {  	(v2sf) =	vpush v5, $0x4;
	[smem:$0x667] =	sst s0;
	s0 =	smul.u32 $0x92492493, s12  }
0x319: {  	[smem:$0x664] =	sst s11;
	s15 =	spop (v2sf);
	s14 =	sshra.s32 s13, $0x1F  }
0x31a: {  	(v2sf) =	vpush v5, $0x5;
	[smem:$0x669] =	sst s0;
	s0 =	smul.u32 $0x92492493, s14  }
0x31b: {  	v6 =	vld [tilespmem:s2+$0x440];
	[smem:$0x666] =	sst s13;
	s17 =	spop (v2sf);
	s16 =	sshra.s32 s15, $0x1F  }
0x31c: {  	(v2sf) =	vpush v5, $0x6;
	[smem:$0x66B] =	sst s0;
	s0 =	smul.u32 $0x92492493, s16  }
0x31d: {  	[smem:$0x668] =	sst s15;
	s19 =	spop (v2sf);
	s18 =	sshra.s32 s17, $0x1F  }
0x31e: {  	(v2sf) =	vpush v5, $0x7;
	[smem:$0x66D] =	sst s0;
	s0 =	smul.u32 $0x92492493, s18  }
0x31f: {  	[smem:$0x66A] =	sst s17;
	s21 =	spop (v2sf);
	s20 =	sshra.s32 s19, $0x1F  }
0x320: {  	(v2sf) =	vpush v6, $0xD;
	[smem:$0x66F] =	sst s0;
	s0 =	smul.u32 $0x92492493, s20  }
0x321: {  	[smem:$0x66C] =	sst s19;
	s23 =	spop (v2sf);
	s22 =	sshra.s32 s21, $0x1F  }
0x322: {  	(v2sf) =	vpush v6, $0xC;
	[smem:$0x671] =	sst s0;
	s0 =	smul.u32 $0x92492493, s22  }
0x323: {  	[smem:$0x66E] =	sst s21;
	s25 =	spop (v2sf);
	s24 =	sshra.s32 s23, $0x1F  }
0x324: {  	(v2sf) =	vpush v6, $0xE;
	[smem:$0x673] =	sst s0;
	s0 =	smul.u32 $0x92492493, s24  }
0x325: {  	[smem:$0x670] =	sst s23;
	s28 =	spop (v2sf);
	s26 =	sshra.s32 s25, $0x1F  }
0x326: {  	[smem:$0x675] =	sst s0;
	s0 =	smul.u32 $0x92492493, s26  }
0x327: {  	(v2sf) =	vpush v6, $0xF;
	[smem:$0x672] =	sst s25;
	s30 =	spop (v2sf);
	s29 =	sshra.s32 s28, $0x1F  }
0x328: {  	(v2sf) =	vpush v6, $0x9;
	[smem:$0x677] =	sst s0;
	s0 =	smul.u32 $0x92492493, s29  }
0x329: {  	v7 =	vld [tilespmem:s2+$0x450];
	(v2sf) =	vpush v6, $0x8;
	[smem:$0x674] =	sst s28;
	s2 =	spop (v2sf);
	s1 =	sshra.s32 s30, $0x1F  }
0x32a: {  	(v2sf) =	vpush v6, $0xA;
	[smem:$0x679] =	sst s0;
	s0 =	smul.u32 $0x92492493, s1  }
0x32b: {  	(v2sf) =	vpush v6, $0xB;
	[smem:$0x676] =	sst s30;
	s3 =	sshra.s32 s2, $0x1F;
	s4 =	spop (v2sf)  }
0x32c: {  	(v2sf) =	vpush v6, $0x1;
	[smem:$0x67B] =	sst s0;
	s0 =	smul.u32 $0x92492493, s3  }
0x32d: {  	(v2sf) =	vpush v6, $0x0;
	[smem:$0x678] =	sst s2;
	s5 =	sshra.s32 s4, $0x1F;
	s6 =	spop (v2sf)  }
0x32e: {  	(v2sf) =	vpush v6, $0x2;
	[smem:$0x67D] =	sst s0;
	s0 =	smul.u32 $0x92492493, s5  }
0x32f: {  	(v2sf) =	vpush v6, $0x3;
	[smem:$0x67A] =	sst s4;
	s7 =	sshra.s32 s6, $0x1F;
	s8 =	spop (v2sf)  }
0x330: {  	(v2sf) =	vpush v6, $0x4;
	[smem:$0x67F] =	sst s0;
	s0 =	smul.u32 $0x92492493, s7  }
0x331: {  	(v2sf) =	vpush v6, $0x5;
	[smem:$0x67C] =	sst s6;
	s9 =	sshra.s32 s8, $0x1F;
	s10 =	spop (v2sf)  }
0x332: {  	(v2sf) =	vpush v6, $0x6;
	[smem:$0x681] =	sst s0;
	s0 =	smul.u32 $0x92492493, s9  }
0x333: {  	(v2sf) =	vpush v6, $0x7;
	[smem:$0x67E] =	sst s8;
	s11 =	sshra.s32 s10, $0x1F;
	s30 =	spop (v2sf)  }
0x334: {  	(v2sf) =	vpush v7, $0xD;
	[smem:$0x682] =	sst s0;
	s0 =	smul.u32 $0x92492493, s11  }
0x335: {  	(v2sf) =	vpush v7, $0xC;
	[smem:$0x680] =	sst s10;
	s12 =	sshra.s32 s30, $0x1F  }
0x336: {  	(v2sf) =	vpush v7, $0xE;
	[smem:$0x683] =	sst s0;
	s0 =	smul.u32 $0x92492493, s12  }
0x337: {  	s29 =	spop (v2sf)  }
0x338: {  	[smem:$0x684] =	sst s0;
	s13 =	sshra.s32 s29, $0x1F;
	s28 =	spop (v2sf)  }
0x339: {  	s0 =	smul.u32 $0x92492493, s13;
	s26 =	spop (v2sf)  }
0x33a: {  	s14 =	sshra.s32 s28, $0x1F;
	s25 =	spop (v2sf)  }
0x33b: {  	[smem:$0x685] =	sst s0;
	s0 =	smul.u32 $0x92492493, s14  }
0x33c: {  	s24 =	spop (v2sf)  }
0x33d: {  	s15 =	sshra.s32 s26, $0x1F;
	s22 =	spop (v2sf);
	[smem:$0x686] =	sst s0  }
0x33e: {  	s0 =	smul.u32 $0x92492493, s15;
	s21 =	spop (v2sf)  }
0x33f: {  	s16 =	sshra.s32 s25, $0x1F;
	s20 =	spop (v2sf)  }
0x340: {  	(v2sf) =	vpush v7, $0xF;
	[smem:$0x687] =	sst s0;
	s0 =	smul.u32 $0x92492493, s16  }
0x341: {  	s8 =	spop (v2sf)  }
0x342: {  	(v2sf) =	vpush v7, $0x9;
	s17 =	sshra.s32 s24, $0x1F;
	s6 =	spop (v2sf);
	[smem:$0x688] =	sst s0  }
0x343: {  	s0 =	smul.u32 $0x92492493, s17;
	s3 =	sshra.s32 s6, $0x1F;
	s9 =	spop (v2sf)  }
0x344: {  	(v2sf) =	vpush v7, $0x8;
	s18 =	sshra.s32 s22, $0x1F;
	s4 =	smul.u32 $0x92492493, s3;
	s12 =	spop (v2sf)  }
0x345: {  	(v2sf) =	vpush v7, $0xA;
	s3 =	sshra.s32 s9, $0x1F;
	[smem:$0x689] =	sst s0;
	s0 =	smul.u32 $0x92492493, s18  }
0x346: {  	s5 =	smul.u32 $0x92492493, s3;
	s14 =	spop (v2sf)  }
0x347: {  	(v2sf) =	vpush v7, $0xB;
	s19 =	sshra.s32 s21, $0x1F;
	[smem:$0x68F] =	sst s4;
	s18 =	spop (v2sf)  }
0x348: {  	(v2sf) =	vpush v7, $0x1;
	s4 =	sshra.s32 s12, $0x1F;
	[smem:$0x68A] =	sst s0;
	s0 =	smul.u32 $0x92492493, s19  }
0x349: {  	s10 =	sshra.s32 s14, $0x1F;
	[smem:$0x690] =	sst s5;
	s7 =	smul.u32 $0x92492493, s4  }
0x34a: {  	(v2sf) =	vpush v7, $0x0;
	s23 =	sshra.s32 s20, $0x1F;
	s11 =	smul.u32 $0x92492493, s10;
	s5 =	spop (v2sf)  }
0x34b: {  	(v2sf) =	vpush v7, $0x2;
	s10 =	sshra.s32 s5, $0x1F;
	[smem:$0x68B] =	sst s0;
	s0 =	smul.u32 $0x92492493, s23  }
0x34c: {  	[smem:$0x691] =	sst s7;
	s7 =	sshra.s32 s18, $0x1F;
	s15 =	smul.u32 $0x92492493, s10  }
0x34d: {  	(v2sf) =	vpush v7, $0x3;
	[smem:$0x692] =	sst s11;
	s13 =	smul.u32 $0x92492493, s7  }
0x34e: {  	s7 =	spop (v2sf);
	[smem:$0x68C] =	sst s0  }
0x34f: {  	(v2sf) =	vpush v7, $0x4;
	s0 =	sshra.s32 s8, $0x1F;
	[smem:$0x694] =	sst s15;
	s10 =	spop (v2sf)  }
0x350: {  	s11 =	sshra.s32 s7, $0x1F;
	s2 =	smul.u32 $0x92492493, s0;
	[smem:$0x693] =	sst s13  }
0x351: {  	(v2sf) =	vpush v7, $0x5;
	s16 =	smul.u32 $0x92492493, s11;
	s13 =	sshra.s32 s10, $0x1F;
	s11 =	spop (v2sf)  }
0x352: {  	s17 =	smul.u32 $0x92492493, s13;
	[smem:$0x68D] =	sst s2  }
0x353: {  	s15 =	sshra.s32 s11, $0x1F;
	s13 =	spop (v2sf);
	[smem:$0x695] =	sst s16  }
0x354: {  	s19 =	smul.u32 $0x92492493, s15;
	s16 =	sshra.s32 s13, $0x1F;
	s15 =	spop (v2sf)  }
0x355: {  	[smem:$0x696] =	sst s17;
	s23 =	smul.u32 $0x92492493, s16  }
0x356: {  	s17 =	sshra.s32 s15, $0x1F;
	s16 =	spop (v2sf);
	[smem:$0x697] =	sst s19  }
0x357: {  	s1 =	smul.u32 $0x92492493, s17;
	s19 =	sshra.s32 s16, $0x1F;
	s17 =	spop (v2sf)  }
0x358: {  	[smem:$0x698] =	sst s23;
	s2 =	smul.u32 $0x92492493, s19  }
0x359: {  	s23 =	sshra.s32 s17, $0x1F;
	s19 =	spop (v2sf);
	[smem:$0x699] =	sst s1  }
0x35a: {  	s3 =	smul.u32 $0x92492493, s23;
	s4 =	sshra.s32 s19, $0x1F;
	s23 =	spop (v2sf)  }
0x35b: {  	[smem:$0x69A] =	sst s2;
	s0 =	smul.u32 $0x92492493, s4  }
0x35c: {  	s1 =	sshra.s32 s23, $0x1F;
	s2 =	spop (v2sf);
	[smem:$0x69B] =	sst s3  }
0x35d: {  	[smem:$0x69E] =	sst s0;
	s0 =	smul.u32 $0x92492493, s1  }
0x35e: {  	[smem:$0x69C] =	sst s2;
	s3 =	sshra.s32 s2, $0x1F;
	s4 =	spop (v2sf)  }
0x35f: {  	[smem:$0x6A1] =	sst s0;
	s0 =	smul.u32 $0x92492493, s3  }
0x360: {  	[smem:$0x69F] =	sst s4;
	s2 =	sshra.s32 s4, $0x1F;
	s3 =	spop (v2sf)  }
0x361: {  	[smem:$0x6A8] =	sst s0;
	s0 =	smul.u32 $0x92492493, s2  }
0x362: {  	s1 =	sld [smem:$0x604];
	s4 =	sshra.s32 s3, $0x1F  }
0x363: {  	[smem:$0x6AB] =	sst s0;
	s0 =	smul.u32 $0x92492493, s4  }
0x364: {  	_ = 	snop  }
0x365: {  	s4 =	smulhi.u32 $0x92492493, s1;
	[smem:$0x6AE] =	sst s0  }
0x366: {  	s0 =	sld [smem:$0x605]  }
0x367: {  	s2 =	ssub.s32 s4, s1  }
0x368: {  	s1 =	smov.u32 s31;
	s4 =	smulhi.u32 $0x92492493, s31;
	s31 =	rddreg [dreg:$0x15]  }
0x369: {  	[smem:$0x6A2] =	sst s3;
	s2 =	sadd.s32 s31, s2;
	s3 =	smulhi.u32 $0x92492493, s0  }
0x36a: {  	[smem:$0x6A3] =	sst s2  }
0x36b: {  	s0 =	ssub.s32 s3, s0;
	s3 =	rddreg [dreg:$0x19]  }
0x36c: {  	s2 =	sld [smem:$0x606];
	s0 =	sadd.s32 s3, s0  }
0x36d: {  	[smem:$0x6A0] =	sst s0  }
0x36e: {  	s0 =	ssub.s32 s4, s1;
	s1 =	rddreg [dreg:$0x1d]  }
0x36f: {  	s31 =	smulhi.u32 $0x92492493, s2;
	s4 =	sld [smem:$0x607];
	s0 =	sadd.s32 s1, s0  }
0x370: {  	[smem:$0x6A5] =	sst s0  }
0x371: {  	s0 =	ssub.s32 s31, s2;
	s2 =	sld [smem:$0x609];
	_ =	sdelay $0x2  }
0x372: {  	s31 =	sld [smem:$0x608];
	s3 =	smulhi.u32 $0x92492493, s4;
	s0 =	sadd.s32 s2, s0  }
0x373: {  	[smem:$0x6AF] =	sst s0  }
0x374: {  	s0 =	ssub.s32 s3, s4;
	s3 =	sld [smem:$0x60B];
	_ =	sdelay $0x1  }
0x375: {  	s4 =	sld [smem:$0x60A]  }
0x376: {  	s1 =	smulhi.u32 $0x92492493, s31;
	s0 =	sadd.s32 s3, s0;
	s3 =	sld [smem:$0x60D]  }
0x377: {  	[smem:$0x6A9] =	sst s0  }
0x378: {  	s0 =	ssub.s32 s1, s31;
	s31 =	sld [smem:$0x60C]  }
0x379: {  	s2 =	smulhi.u32 $0x92492493, s4;
	s0 =	sadd.s32 s3, s0;
	s3 =	sld [smem:$0x60F]  }
0x37a: {  	[smem:$0x6A6] =	sst s0  }
0x37b: {  	s0 =	ssub.s32 s2, s4;
	s4 =	sld [smem:$0x60E]  }
0x37c: {  	s1 =	smulhi.u32 $0x92492493, s31;
	s0 =	sadd.s32 s3, s0;
	s3 =	sld [smem:$0x611]  }
0x37d: {  	[smem:$0x6AC] =	sst s0  }
0x37e: {  	s0 =	ssub.s32 s1, s31;
	s31 =	sld [smem:$0x610]  }
0x37f: {  	s2 =	smulhi.u32 $0x92492493, s4;
	s0 =	sadd.s32 s3, s0;
	s3 =	sld [smem:$0x613]  }
0x380: {  	[smem:$0x6B0] =	sst s0  }
0x381: {  	s0 =	ssub.s32 s2, s4;
	s4 =	sld [smem:$0x612]  }
0x382: {  	s1 =	smulhi.u32 $0x92492493, s31;
	s0 =	sadd.s32 s3, s0;
	s3 =	sld [smem:$0x615]  }
0x383: {  	[smem:$0x6A4] =	sst s0  }
0x384: {  	s0 =	ssub.s32 s1, s31;
	s31 =	sld [smem:$0x614]  }
0x385: {  	s2 =	smulhi.u32 $0x92492493, s4;
	s0 =	sadd.s32 s3, s0;
	s3 =	sld [smem:$0x617]  }
0x386: {  	[smem:$0x69D] =	sst s0  }
0x387: {  	s0 =	ssub.s32 s2, s4;
	s4 =	sld [smem:$0x616]  }
0x388: {  	s1 =	smulhi.u32 $0x92492493, s31;
	s0 =	sadd.s32 s3, s0;
	s3 =	sld [smem:$0x619]  }
0x389: {  	[smem:$0x6A7] =	sst s0  }
0x38a: {  	s0 =	ssub.s32 s1, s31;
	s31 =	sld [smem:$0x618]  }
0x38b: {  	s2 =	smulhi.u32 $0x92492493, s4;
	s0 =	sadd.s32 s3, s0;
	s3 =	sld [smem:$0x61B]  }
0x38c: {  	[smem:$0x6AA] =	sst s0  }
0x38d: {  	s0 =	ssub.s32 s2, s4;
	s4 =	sld [smem:$0x61A]  }
0x38e: {  	s1 =	smulhi.u32 $0x92492493, s31;
	s0 =	sadd.s32 s3, s0;
	s3 =	sld [smem:$0x61D]  }
0x38f: {  	[smem:$0x6AD] =	sst s0  }
0x390: {  	s0 =	ssub.s32 s1, s31;
	s31 =	sld [smem:$0x61C]  }
0x391: {  	s2 =	smulhi.u32 $0x92492493, s4;
	s0 =	sadd.s32 s3, s0;
	s3 =	sld [smem:$0x61F]  }
0x392: {  	[smem:$0x6B1] =	sst s0  }
0x393: {  	s0 =	ssub.s32 s2, s4;
	s4 =	sld [smem:$0x61E]  }
0x394: {  	s1 =	smulhi.u32 $0x92492493, s31;
	s0 =	sadd.s32 s3, s0;
	s3 =	sld [smem:$0x621]  }
0x395: {  	[smem:$0x6B2] =	sst s0  }
0x396: {  	s0 =	ssub.s32 s1, s31;
	s31 =	sld [smem:$0x620]  }
0x397: {  	s2 =	smulhi.u32 $0x92492493, s4;
	s0 =	sadd.s32 s3, s0;
	s3 =	sld [smem:$0x623]  }
0x398: {  	[smem:$0x6B4] =	sst s0  }
0x399: {  	s0 =	ssub.s32 s2, s4;
	s4 =	sld [smem:$0x622]  }
0x39a: {  	s1 =	smulhi.u32 $0x92492493, s31;
	s0 =	sadd.s32 s3, s0;
	s3 =	sld [smem:$0x625]  }
0x39b: {  	[smem:$0x6B7] =	sst s0  }
0x39c: {  	s0 =	ssub.s32 s1, s31;
	s31 =	sld [smem:$0x624]  }
0x39d: {  	s2 =	smulhi.u32 $0x92492493, s4;
	s0 =	sadd.s32 s3, s0;
	s3 =	sld [smem:$0x627]  }
0x39e: {  	[smem:$0x6B5] =	sst s0  }
0x39f: {  	s0 =	ssub.s32 s2, s4;
	s4 =	sld [smem:$0x626]  }
0x3a0: {  	s1 =	smulhi.u32 $0x92492493, s31;
	s0 =	sadd.s32 s3, s0;
	s3 =	sld [smem:$0x629]  }
0x3a1: {  	[smem:$0x6BB] =	sst s0  }
0x3a2: {  	s0 =	ssub.s32 s1, s31;
	s31 =	sld [smem:$0x628]  }
0x3a3: {  	s2 =	smulhi.u32 $0x92492493, s4;
	s0 =	sadd.s32 s3, s0;
	s3 =	sld [smem:$0x62B]  }
0x3a4: {  	[smem:$0x6BE] =	sst s0  }
0x3a5: {  	s0 =	ssub.s32 s2, s4;
	s4 =	sld [smem:$0x62A]  }
0x3a6: {  	s1 =	smulhi.u32 $0x92492493, s31;
	s0 =	sadd.s32 s3, s0;
	s3 =	sld [smem:$0x62D]  }
0x3a7: {  	[smem:$0x6BC] =	sst s0  }
0x3a8: {  	s0 =	ssub.s32 s1, s31;
	s31 =	sld [smem:$0x62C]  }
0x3a9: {  	s2 =	smulhi.u32 $0x92492493, s4;
	s0 =	sadd.s32 s3, s0;
	s3 =	sld [smem:$0x62F]  }
0x3aa: {  	[smem:$0x6B9] =	sst s0  }
0x3ab: {  	s0 =	ssub.s32 s2, s4;
	s4 =	sld [smem:$0x62E]  }
0x3ac: {  	s1 =	smulhi.u32 $0x92492493, s31;
	s0 =	sadd.s32 s3, s0;
	s3 =	sld [smem:$0x631]  }
0x3ad: {  	[smem:$0x6BF] =	sst s0  }
0x3ae: {  	s0 =	ssub.s32 s1, s31;
	s31 =	sld [smem:$0x630]  }
0x3af: {  	s2 =	smulhi.u32 $0x92492493, s4;
	s0 =	sadd.s32 s3, s0;
	s3 =	sld [smem:$0x633]  }
0x3b0: {  	[smem:$0x6C1] =	sst s0  }
0x3b1: {  	s0 =	ssub.s32 s2, s4;
	s4 =	sld [smem:$0x632]  }
0x3b2: {  	s1 =	smulhi.u32 $0x92492493, s31;
	s0 =	sadd.s32 s3, s0;
	s3 =	sld [smem:$0x635]  }
0x3b3: {  	[smem:$0x6B6] =	sst s0  }
0x3b4: {  	s0 =	ssub.s32 s1, s31;
	s31 =	sld [smem:$0x634]  }
0x3b5: {  	s2 =	smulhi.u32 $0x92492493, s4;
	s0 =	sadd.s32 s3, s0;
	s3 =	sld [smem:$0x637]  }
0x3b6: {  	[smem:$0x6B3] =	sst s0  }
0x3b7: {  	s0 =	ssub.s32 s2, s4;
	s4 =	sld [smem:$0x636]  }
0x3b8: {  	s1 =	smulhi.u32 $0x92492493, s31;
	s0 =	sadd.s32 s3, s0;
	s3 =	sld [smem:$0x639]  }
0x3b9: {  	[smem:$0x6B8] =	sst s0  }
0x3ba: {  	s0 =	ssub.s32 s1, s31;
	s31 =	sld [smem:$0x638]  }
0x3bb: {  	s2 =	smulhi.u32 $0x92492493, s4;
	s0 =	sadd.s32 s3, s0;
	s3 =	sld [smem:$0x63B]  }
0x3bc: {  	[smem:$0x6BA] =	sst s0  }
0x3bd: {  	s0 =	ssub.s32 s2, s4;
	s4 =	sld [smem:$0x63A]  }
0x3be: {  	s1 =	smulhi.u32 $0x92492493, s31;
	s0 =	sadd.s32 s3, s0;
	s3 =	sld [smem:$0x63D]  }
0x3bf: {  	[smem:$0x6BD] =	sst s0  }
0x3c0: {  	s0 =	ssub.s32 s1, s31;
	s31 =	sld [smem:$0x63C]  }
0x3c1: {  	s2 =	smulhi.u32 $0x92492493, s4;
	s0 =	sadd.s32 s3, s0;
	s3 =	sld [smem:$0x63F]  }
0x3c2: {  	[smem:$0x6C0] =	sst s0  }
0x3c3: {  	s0 =	ssub.s32 s2, s4;
	s4 =	sld [smem:$0x63E]  }
0x3c4: {  	s1 =	smulhi.u32 $0x92492493, s31;
	s0 =	sadd.s32 s3, s0;
	s3 =	sld [smem:$0x641]  }
0x3c5: {  	[smem:$0x6C2] =	sst s0  }
0x3c6: {  	s0 =	ssub.s32 s1, s31;
	s31 =	sld [smem:$0x640]  }
0x3c7: {  	s2 =	smulhi.u32 $0x92492493, s4;
	s0 =	sadd.s32 s3, s0;
	s3 =	sld [smem:$0x643]  }
0x3c8: {  	[smem:$0x6C5] =	sst s0  }
0x3c9: {  	s0 =	ssub.s32 s2, s4;
	s4 =	sld [smem:$0x642]  }
0x3ca: {  	s1 =	smulhi.u32 $0x92492493, s31;
	s0 =	sadd.s32 s3, s0;
	s3 =	sld [smem:$0x645]  }
0x3cb: {  	[smem:$0x6C6] =	sst s0  }
0x3cc: {  	s0 =	ssub.s32 s1, s31;
	s31 =	sld [smem:$0x644]  }
0x3cd: {  	s2 =	smulhi.u32 $0x92492493, s4;
	s0 =	sadd.s32 s3, s0;
	s3 =	sld [smem:$0x647]  }
0x3ce: {  	[smem:$0x6C4] =	sst s0  }
0x3cf: {  	s0 =	ssub.s32 s2, s4;
	s4 =	sld [smem:$0x646]  }
0x3d0: {  	s1 =	smulhi.u32 $0x92492493, s31;
	s0 =	sadd.s32 s3, s0;
	s3 =	sld [smem:$0x649]  }
0x3d1: {  	[smem:$0x6C8] =	sst s0  }
0x3d2: {  	s0 =	ssub.s32 s1, s31;
	s31 =	sld [smem:$0x648]  }
0x3d3: {  	s2 =	smulhi.u32 $0x92492493, s4;
	s0 =	sadd.s32 s3, s0;
	s3 =	sld [smem:$0x64B]  }
0x3d4: {  	[smem:$0x6CB] =	sst s0  }
0x3d5: {  	s0 =	ssub.s32 s2, s4;
	s4 =	sld [smem:$0x64A]  }
0x3d6: {  	s1 =	smulhi.u32 $0x92492493, s31;
	s0 =	sadd.s32 s3, s0;
	s3 =	sld [smem:$0x64D]  }
0x3d7: {  	[smem:$0x6CC] =	sst s0  }
0x3d8: {  	s0 =	ssub.s32 s1, s31;
	s31 =	sld [smem:$0x64C]  }
0x3d9: {  	s2 =	smulhi.u32 $0x92492493, s4;
	s0 =	sadd.s32 s3, s0;
	s3 =	sld [smem:$0x64F]  }
0x3da: {  	[smem:$0x6C9] =	sst s0  }
0x3db: {  	s0 =	ssub.s32 s2, s4;
	s4 =	sld [smem:$0x64E]  }
0x3dc: {  	s1 =	smulhi.u32 $0x92492493, s31;
	s0 =	sadd.s32 s3, s0;
	s3 =	sld [smem:$0x651]  }
0x3dd: {  	[smem:$0x6CE] =	sst s0  }
0x3de: {  	s0 =	ssub.s32 s1, s31;
	s31 =	sld [smem:$0x650]  }
0x3df: {  	s2 =	smulhi.u32 $0x92492493, s4;
	s0 =	sadd.s32 s3, s0;
	s3 =	sld [smem:$0x653]  }
0x3e0: {  	[smem:$0x6D0] =	sst s0  }
0x3e1: {  	s0 =	ssub.s32 s2, s4;
	s4 =	sld [smem:$0x652]  }
0x3e2: {  	s1 =	smulhi.u32 $0x92492493, s31;
	s0 =	sadd.s32 s3, s0;
	s3 =	sld [smem:$0x655]  }
0x3e3: {  	[smem:$0x6C7] =	sst s0  }
0x3e4: {  	s0 =	ssub.s32 s1, s31;
	s31 =	sld [smem:$0x654]  }
0x3e5: {  	s2 =	smulhi.u32 $0x92492493, s4;
	s0 =	sadd.s32 s3, s0;
	s3 =	sld [smem:$0x657]  }
0x3e6: {  	[smem:$0x6C3] =	sst s0  }
0x3e7: {  	s0 =	ssub.s32 s2, s4;
	s4 =	sld [smem:$0x656]  }
0x3e8: {  	s1 =	smulhi.u32 $0x92492493, s31;
	s0 =	sadd.s32 s3, s0;
	s3 =	sld [smem:$0x659]  }
0x3e9: {  	[smem:$0x6CA] =	sst s0  }
0x3ea: {  	s0 =	ssub.s32 s1, s31;
	s31 =	sld [smem:$0x658]  }
0x3eb: {  	s2 =	smulhi.u32 $0x92492493, s4;
	s0 =	sadd.s32 s3, s0;
	s3 =	sld [smem:$0x65B]  }
0x3ec: {  	[smem:$0x6CD] =	sst s0  }
0x3ed: {  	s0 =	ssub.s32 s2, s4;
	s4 =	sld [smem:$0x65A]  }
0x3ee: {  	s1 =	smulhi.u32 $0x92492493, s31;
	s0 =	sadd.s32 s3, s0;
	s3 =	sld [smem:$0x65D]  }
0x3ef: {  	[smem:$0x6CF] =	sst s0  }
0x3f0: {  	s0 =	ssub.s32 s1, s31;
	s31 =	sld [smem:$0x65C]  }
0x3f1: {  	s2 =	smulhi.u32 $0x92492493, s4;
	s0 =	sadd.s32 s3, s0;
	s3 =	sld [smem:$0x65F]  }
0x3f2: {  	[smem:$0x6D1] =	sst s0  }
0x3f3: {  	s0 =	ssub.s32 s2, s4;
	s4 =	sld [smem:$0x65E]  }
0x3f4: {  	s1 =	smulhi.u32 $0x92492493, s31;
	s0 =	sadd.s32 s3, s0;
	s3 =	sld [smem:$0x661]  }
0x3f5: {  	[smem:$0x6D3] =	sst s0  }
0x3f6: {  	s0 =	ssub.s32 s1, s31;
	s31 =	sld [smem:$0x660]  }
0x3f7: {  	s2 =	smulhi.u32 $0x92492493, s4;
	s0 =	sadd.s32 s3, s0;
	s3 =	sld [smem:$0x663]  }
0x3f8: {  	[smem:$0x6D5] =	sst s0  }
0x3f9: {  	s0 =	ssub.s32 s2, s4;
	s4 =	sld [smem:$0x662]  }
0x3fa: {  	s1 =	smulhi.u32 $0x92492493, s31;
	s0 =	sadd.s32 s3, s0;
	s3 =	sld [smem:$0x665]  }
0x3fb: {  	[smem:$0x6D6] =	sst s0  }
0x3fc: {  	s0 =	ssub.s32 s1, s31;
	s31 =	sld [smem:$0x664]  }
0x3fd: {  	s2 =	smulhi.u32 $0x92492493, s4;
	s0 =	sadd.s32 s3, s0;
	s3 =	sld [smem:$0x667]  }
0x3fe: {  	[smem:$0x6D4] =	sst s0  }
0x3ff: {  	s0 =	ssub.s32 s2, s4;
	s4 =	sld [smem:$0x666]  }
0x400: {  	s1 =	smulhi.u32 $0x92492493, s31;
	s0 =	sadd.s32 s3, s0;
	s3 =	sld [smem:$0x669]  }
0x401: {  	[smem:$0x6DA] =	sst s0  }
0x402: {  	s0 =	ssub.s32 s1, s31;
	s31 =	sld [smem:$0x668]  }
0x403: {  	s2 =	smulhi.u32 $0x92492493, s4;
	s0 =	sadd.s32 s3, s0;
	s3 =	sld [smem:$0x66B]  }
0x404: {  	[smem:$0x6DF] =	sst s0  }
0x405: {  	s0 =	ssub.s32 s2, s4;
	s4 =	sld [smem:$0x66A]  }
0x406: {  	s1 =	smulhi.u32 $0x92492493, s31;
	s0 =	sadd.s32 s3, s0;
	s3 =	sld [smem:$0x66D]  }
0x407: {  	[smem:$0x6DB] =	sst s0  }
0x408: {  	s0 =	ssub.s32 s1, s31;
	s31 =	sld [smem:$0x66C]  }
0x409: {  	s2 =	smulhi.u32 $0x92492493, s4;
	s0 =	sadd.s32 s3, s0;
	s3 =	sld [smem:$0x66F]  }
0x40a: {  	[smem:$0x6D8] =	sst s0  }
0x40b: {  	s0 =	ssub.s32 s2, s4;
	s4 =	sld [smem:$0x66E]  }
0x40c: {  	s1 =	smulhi.u32 $0x92492493, s31;
	s0 =	sadd.s32 s3, s0;
	s3 =	sld [smem:$0x671]  }
0x40d: {  	[smem:$0x6DD] =	sst s0  }
0x40e: {  	s0 =	ssub.s32 s1, s31;
	s31 =	sld [smem:$0x670]  }
0x40f: {  	s2 =	smulhi.u32 $0x92492493, s4;
	s0 =	sadd.s32 s3, s0;
	s3 =	sld [smem:$0x673]  }
0x410: {  	[smem:$0x6E0] =	sst s0  }
0x411: {  	s0 =	ssub.s32 s2, s4;
	s4 =	sld [smem:$0x672]  }
0x412: {  	s1 =	smulhi.u32 $0x92492493, s31;
	s0 =	sadd.s32 s3, s0;
	s3 =	sld [smem:$0x675]  }
0x413: {  	[smem:$0x6D7] =	sst s0  }
0x414: {  	s0 =	ssub.s32 s1, s31;
	s31 =	sld [smem:$0x674]  }
0x415: {  	s2 =	smulhi.u32 $0x92492493, s4;
	s0 =	sadd.s32 s3, s0;
	s3 =	sld [smem:$0x677]  }
0x416: {  	[smem:$0x6D2] =	sst s0  }
0x417: {  	s0 =	ssub.s32 s2, s4;
	s4 =	sld [smem:$0x676]  }
0x418: {  	s1 =	smulhi.u32 $0x92492493, s31;
	s0 =	sadd.s32 s3, s0;
	s3 =	sld [smem:$0x679]  }
0x419: {  	[smem:$0x6D9] =	sst s0  }
0x41a: {  	s0 =	ssub.s32 s1, s31;
	s31 =	sld [smem:$0x678]  }
0x41b: {  	s2 =	smulhi.u32 $0x92492493, s4;
	s0 =	sadd.s32 s3, s0;
	s3 =	sld [smem:$0x67B]  }
0x41c: {  	[smem:$0x6DC] =	sst s0  }
0x41d: {  	s0 =	ssub.s32 s2, s4;
	s4 =	sld [smem:$0x67A]  }
0x41e: {  	s1 =	smulhi.u32 $0x92492493, s31;
	s0 =	sadd.s32 s3, s0;
	s3 =	sld [smem:$0x67D]  }
0x41f: {  	[smem:$0x6DE] =	sst s0  }
0x420: {  	s0 =	ssub.s32 s1, s31;
	s31 =	sld [smem:$0x67C]  }
0x421: {  	s2 =	smulhi.u32 $0x92492493, s4;
	s0 =	sadd.s32 s3, s0;
	s3 =	sld [smem:$0x67F]  }
0x422: {  	[smem:$0x6E1] =	sst s0  }
0x423: {  	s0 =	ssub.s32 s2, s4;
	s4 =	sld [smem:$0x67E]  }
0x424: {  	s1 =	smulhi.u32 $0x92492493, s31;
	s0 =	sadd.s32 s3, s0;
	s3 =	sld [smem:$0x681]  }
0x425: {  	[smem:$0x6E2] =	sst s0  }
0x426: {  	s2 =	smulhi.u32 $0x92492493, s4;
	s0 =	ssub.s32 s1, s31;
	s31 =	sld [smem:$0x680]  }
0x427: {  	_ = 	snop  }
0x428: {  	s0 =	sadd.s32 s3, s0;
	s3 =	ssub.s32 s2, s4;
	s4 =	sld [smem:$0x682]  }
0x429: {  	s1 =	smulhi.u32 $0x92492493, s31  }
0x42a: {  	[smem:$0x6E4] =	sst s0  }
0x42b: {  	s0 =	sadd.s32 s4, s3;
	s4 =	ssub.s32 s1, s31;
	s31 =	sld [smem:$0x683]  }
0x42c: {  	_ = 	snop  }
0x42d: {  	[smem:$0x6E6] =	sst s0  }
0x42e: {  	s2 =	smulhi.u32 $0x92492493, s30;
	s0 =	sadd.s32 s31, s4;
	s31 =	sld [smem:$0x684]  }
0x42f: {  	s1 =	smulhi.u32 $0x92492493, s29  }
0x430: {  	s4 =	ssub.s32 s2, s30;
	s30 =	smulhi.u32 $0x92492493, s28;
	[smem:$0x6E5] =	sst s0  }
0x431: {  	s0 =	sadd.s32 s31, s4;
	s4 =	sld [smem:$0x685]  }
0x432: {  	s3 =	ssub.s32 s1, s29;
	s29 =	ssub.s32 s30, s28;
	s28 =	sld [smem:$0x687]  }
0x433: {  	s1 =	smulhi.u32 $0x92492493, s26;
	s31 =	sld [smem:$0x686]  }
0x434: {  	[smem:$0x6E8] =	sst s0;
	s0 =	sadd.s32 s4, s3  }
0x435: {  	s4 =	ssub.s32 s1, s26;
	[smem:$0x6EB] =	sst s0  }
0x436: {  	s26 =	smulhi.u32 $0x92492493, s24;
	s0 =	sadd.s32 s31, s29;
	s31 =	sld [smem:$0x688]  }
0x437: {  	[smem:$0x6EC] =	sst s0  }
0x438: {  	s30 =	smulhi.u32 $0x92492493, s25;
	s3 =	ssub.s32 s26, s24;
	s24 =	sld [smem:$0x689]  }
0x439: {  	s0 =	sadd.s32 s28, s4;
	s28 =	sld [smem:$0x68A]  }
0x43a: {  	s29 =	ssub.s32 s30, s25;
	s4 =	smulhi.u32 $0x92492493, s21;
	[smem:$0x6E9] =	sst s0  }
0x43b: {  	s30 =	smulhi.u32 $0x92492493, s22;
	s0 =	sadd.s32 s31, s29;
	s31 =	sld [smem:$0x68B]  }
0x43c: {  	s26 =	smulhi.u32 $0x92492493, s20;
	s29 =	ssub.s32 s4, s21;
	s21 =	sld [smem:$0x68C]  }
0x43d: {  	s25 =	ssub.s32 s30, s22;
	[smem:$0x6EE] =	sst s0;
	s0 =	sadd.s32 s24, s3  }
0x43e: {  	s4 =	ssub.s32 s26, s20;
	s20 =	smulhi.u32 $0x92492493, s6;
	[smem:$0x6F0] =	sst s0  }
0x43f: {  	s0 =	sadd.s32 s28, s25;
	s25 =	sld [smem:$0x68D]  }
0x440: {  	s26 =	ssub.s32 s20, s6;
	s6 =	sld [smem:$0x68E]  }
0x441: {  	[smem:$0x6E7] =	sst s0  }
0x442: {  	s30 =	smulhi.u32 $0x92492493, s8;
	s0 =	sadd.s32 s31, s29;
	s29 =	sld [smem:$0x68F]  }
0x443: {  	s28 =	smulhi.u32 $0x92492493, s12;
	[smem:$0x6E3] =	sst s0  }
0x444: {  	s0 =	sadd.s32 s21, s4;
	s4 =	sld [smem:$0x690]  }
0x445: {  	s22 =	ssub.s32 s30, s8;
	s8 =	ssub.s32 s28, s12;
	s12 =	sld [smem:$0x691]  }
0x446: {  	s21 =	sld [smem:$0x692]  }
0x447: {  	s24 =	smulhi.u32 $0x92492493, s9;
	[smem:$0x6EA] =	sst s0  }
0x448: {  	s0 =	sadd.s32 s25, s22;
	s25 =	sld [smem:$0x693]  }
0x449: {  	s20 =	smulhi.u32 $0x92492493, s5;
	s30 =	ssub.s32 s24, s9;
	[smem:$0x6ED] =	sst s0  }
0x44a: {  	s28 =	smulhi.u32 $0x92492493, s10;
	s0 =	sadd.s32 s29, s26;
	s29 =	sld [smem:$0x694]  }
0x44b: {  	s31 =	smulhi.u32 $0x92492493, s14;
	s26 =	ssub.s32 s20, s5;
	s20 =	sld [smem:$0x699]  }
0x44c: {  	s9 =	smulhi.u32 $0x92492493, s18;
	s5 =	ssub.s32 s28, s10;
	s28 =	sld [smem:$0x69B]  }
0x44d: {  	s14 =	ssub.s32 s31, s14;
	s31 =	smulhi.u32 $0x92492493, s11;
	[smem:$0x6EF] =	sst s0  }
0x44e: {  	s24 =	smulhi.u32 $0x92492493, s7;
	s0 =	sadd.s32 s4, s30;
	s4 =	sld [smem:$0x695]  }
0x44f: {  	s22 =	ssub.s32 s9, s18;
	s9 =	ssub.s32 s31, s11;
	s11 =	sld [smem:$0x697]  }
0x450: {  	s30 =	ssub.s32 s24, s7;
	s24 =	sld [smem:$0x69A]  }
0x451: {  	s10 =	smulhi.u32 $0x92492493, s15;
	[smem:$0x6F1] =	sst s0  }
0x452: {  	s0 =	sadd.s32 s12, s8;
	s8 =	sld [smem:$0x696]  }
0x453: {  	(v2sf) =	vpush v7, $0x6;
	s15 =	ssub.s32 s10, s15;
	s10 =	sld [smem:$0x69F]  }
0x454: {  	s7 =	smulhi.u32 $0x92492493, s13;
	[smem:$0x6F2] =	sst s0  }
0x455: {  	s0 =	sadd.s32 s21, s14;
	s14 =	sld [smem:$0x698]  }
0x456: {  	s18 =	smulhi.u32 $0x92492493, s17;
	s12 =	ssub.s32 s7, s13;
	s7 =	sld [smem:$0x69D]  }
0x457: {  	[smem:$0x6F3] =	sst s0  }
0x458: {  	s0 =	sadd.s32 s25, s22;
	s25 =	ssub.s32 s18, s17;
	s17 =	sld [smem:$0x6A3]  }
0x459: {  	s13 =	smulhi.u32 $0x92492493, s16;
	s18 =	sld [smem:$0x6A4]  }
0x45a: {  	[smem:$0x6F5] =	sst s0  }
0x45b: {  	s0 =	sadd.s32 s29, s26;
	s21 =	ssub.s32 s13, s16;
	s13 =	sld [smem:$0x6A1]  }
0x45c: {  	s22 =	smulhi.u32 $0x92492493, s19;
	[smem:$0x6F4] =	sst s0  }
0x45d: {  	s0 =	sadd.s32 s4, s30;
	s30 =	sld [smem:$0x69C]  }
0x45e: {  	s29 =	ssub.s32 s22, s19;
	s22 =	sld [smem:$0x6A6]  }
0x45f: {  	v9 =	vmov s7;
	s7 =	sld [smem:$0x6AD]  }
0x460: {  	[smem:$0x6F8] =	sst s0  }
0x461: {  	s26 =	smulhi.u32 $0x92492493, s23;
	s0 =	sadd.s32 s8, s5;
	s8 =	sld [smem:$0x69E]  }
0x462: {  	s16 =	spop (v2sf);
	s5 =	sld [smem:$0x6AC]  }
0x463: {  	s19 =	smulhi.u32 $0x92492493, s16;
	[smem:$0x6FD] =	sst s0  }
0x464: {  	s0 =	sadd.s32 s11, s9;
	s9 =	ssub.s32 s26, s23;
	s23 =	sld [smem:$0x6A7]  }
0x465: {  	s4 =	ssub.s32 s19, s16;
	s19 =	sld [smem:$0x6B4]  }
0x466: {  	[smem:$0x6F9] =	sst s0  }
0x467: {  	s0 =	sadd.s32 s14, s12;
	s12 =	sld [smem:$0x6A0]  }
0x468: {  	s14 =	sld [smem:$0x6A2]  }
0x469: {  	v11 =	vmov s22;
	s22 =	sld [smem:$0x6B5]  }
0x46a: {  	[smem:$0x6F6] =	sst s0  }
0x46b: {  	s0 =	sadd.s32 s20, s15;
	s20 =	sshra.s32 s16, $0x1F;
	s16 =	sld [smem:$0x6B2]  }
0x46c: {  	[smem:$0x6FB] =	sst s0  }
0x46d: {  	s31 =	smulhi.u32 $0x92492493, s30;
	s0 =	sadd.s32 s24, s21;
	s21 =	sld [smem:$0x6A5]  }
0x46e: {  	s24 =	sld [smem:$0x6A8]  }
0x46f: {  	v9 =	vnsel vm3, $0x0, v9;
	s1 =	ssub.s32 s31, s30;
	s30 =	sld [smem:$0x6AA]  }
0x470: {  	(v2sf) =	vpush v7, $0x7;
	v9 =	vsel vm0, s18, v9;
	s31 =	sld [smem:$0x6AB]  }
0x471: {  	v9 =	vsel vm1, s23, v9;
	s23 =	sld [smem:$0x6B6]  }
0x472: {  	s11 =	smulhi.u32 $0x92492493, s10;
	[smem:$0x6FE] =	sst s0  }
0x473: {  	s0 =	sadd.s32 s28, s25;
	s28 =	sadd.s32 s8, s29;
	s29 =	sld [smem:$0x6A9]  }
0x474: {  	s8 =	sld [smem:$0x6AE]  }
0x475: {  	v8 =	vld [tilespmem:s6+$0x460];
	s25 =	ssub.s32 s11, s10;
	s11 =	sld [smem:$0x6AF]  }
0x476: {  	v10 =	vmov s12;
	s12 =	sld [smem:$0x6B0]  }
0x477: {  	v14 =	vmov s22;
	s22 =	sld [smem:$0x6C3]  }
0x478: {  	[smem:$0x6F7] =	sst s0  }
0x479: {  	s26 =	smul.u32 $0x92492493, s20;
	s0 =	sadd.s32 s13, s9;
	s13 =	sld [smem:$0x6B1]  }
0x47a: {  	(v2sf) =	vpush v8, $0xD;
	v10 =	vsel vm0, s17, v10;
	s17 =	sld [smem:$0x6B3]  }
0x47b: {  	(v2sf) =	vpush v8, $0xC;
	s9 =	sadd.s32 s26, s4;
	[smem:$0x6FA] =	sst s0  }
0x47c: {  	[smem:$0x6FF] =	sst s9  }
0x47d: {  	(v2sf) =	vpush v8, $0xE;
	s15 =	smulhi.u32 $0x92492493, s14;
	s1 =	sadd.s32 s24, s1;
	s24 =	sld [smem:$0x6B7]  }
0x47e: {  	s31 =	sadd.s32 s31, s25;
	s25 =	sld [smem:$0x6B8]  }
0x47f: {  	s10 =	spop (v2sf);
	s0 =	ssub.s32 s15, s14;
	s9 =	sld [smem:$0x6B9]  }
0x480: {  	s14 =	smulhi.u32 $0x92492493, s10;
	s15 =	sshra.s32 s10, $0x1F;
	[smem:$0x6FC] =	sst s1  }
0x481: {  	(v2sf) =	vpush v8, $0xF;
	s2 =	smul.u32 $0x92492493, s15;
	s15 =	sld [smem:$0x6BD]  }
0x482: {  	(v2sf) =	vpush v8, $0x9;
	v11 =	vsel vm0, s29, v11;
	s29 =	sadd.s32 s8, s0;
	s0 =	ssub.s32 s14, s10;
	s10 =	sld [smem:$0x6BA]  }
0x483: {  	(v2sf) =	vpush v8, $0x8;
	s14 =	sld [smem:$0x6BC]  }
0x484: {  	v9 =	vsel vm2, s30, v9;
	v12 =	vsel vm1, s5, v11;
	v13 =	vmov s17;
	s17 =	sld [smem:$0x6BE]  }
0x485: {  	v10 =	vsel vm1, s21, v10;
	v9 =	vsel vm4, s7, v9;
	v12 =	vsel vm2, s12, v12;
	s12 =	sld [smem:$0x6BB]  }
0x486: {  	v11 =	vsel vm2, s11, v10;
	v10 =	vsel vm5, s13, v9;
	s0 =	sadd.s32 s2, s0;
	v15 =	vmov s9;
	s9 =	sld [smem:$0x6C4]  }
0x487: {  	(v2sf) =	vpush v8, $0xA;
	v10 =	vsel vm6, s16, v10;
	[smem:$0x700] =	sst s0  }
0x488: {  	v13 =	vnsel vm3, $0x0, v13;
	v10 =	vsel vm7, s19, v10;
	s19 =	sld [smem:$0x6C0]  }
0x489: {  	(v2sf) =	vpush v8, $0xB;
	v13 =	vsel vm0, s23, v13;
	s3 =	spop (v2sf);
	v15 =	vsel vm0, s14, v15;
	s14 =	sld [smem:$0x6C5]  }
0x48a: {  	(v2sf) =	vpush v8, $0x1;
	v13 =	vsel vm1, s25, v13;
	s18 =	sshra.s32 s3, $0x1F;
	s5 =	spop (v2sf);
	s26 =	smulhi.u32 $0x92492493, s3  }
0x48b: {  	v14 =	vsel vm0, s24, v14;
	v13 =	vsel vm2, s10, v13;
	s20 =	smul.u32 $0x92492493, s18;
	s18 =	sld [smem:$0x6BF]  }
0x48c: {  	v14 =	vsel vm1, s12, v14;
	s7 =	spop (v2sf);
	v16 =	vsel vm4, s15, v13;
	s15 =	sld [smem:$0x6C6]  }
0x48d: {  	(v2sf) =	vpush v8, $0x0;
	s21 =	sshra.s32 s5, $0x1F;
	v13 =	vsel vm2, s17, v14;
	s23 =	smulhi.u32 $0x92492493, s5;
	s17 =	sld [smem:$0x6C8]  }
0x48e: {  	(v2sf) =	vpush v8, $0x2;
	s2 =	smul.u32 $0x92492493, s21;
	s3 =	ssub.s32 s26, s3;
	s21 =	sld [smem:$0x6C2]  }
0x48f: {  	s30 =	sshra.s32 s7, $0x1F;
	s25 =	sadd.s32 s20, s3;
	s20 =	sld [smem:$0x6C1]  }
0x490: {  	(v2sf) =	vpush v8, $0x3;
	s0 =	spop (v2sf);
	s1 =	ssub.s32 s23, s5;
	s23 =	sld [smem:$0x6CC]  }
0x491: {  	s8 =	smul.u32 $0x92492493, s30;
	s5 =	sld [smem:$0x6CD]  }
0x492: {  	s13 =	spop (v2sf);
	s11 =	sshra.s32 s0, $0x1F;
	v14 =	vsel vm1, s18, v15;
	s18 =	sld [smem:$0x6C9]  }
0x493: {  	v17 =	vmov s9;
	s30 =	smul.u32 $0x92492493, s11;
	s16 =	sshra.s32 s13, $0x1F;
	v15 =	vsel vm5, s19, v16;
	s19 =	sld [smem:$0x6CA]  }
0x494: {  	v17 =	vsel vm0, s15, v17;
	s12 =	smul.u32 $0x92492493, s16;
	s16 =	sld [smem:$0x6C7]  }
0x495: {  	v9 =	vld [tilespmem:s6+$0x470];
	s6 =	spop (v2sf);
	v17 =	vsel vm1, s17, v17;
	s17 =	sld [smem:$0x6CE]  }
0x496: {  	s10 =	spop (v2sf);
	v16 =	vsel vm2, s20, v14;
	v14 =	vsel vm6, s21, v15;
	v15 =	vmov s22;
	s22 =	sld [smem:$0x6CB]  }
0x497: {  	s20 =	smulhi.u32 $0x92492493, s7;
	v18 =	vmov s18;
	s18 =	sld [smem:$0x6CF]  }
0x498: {  	s24 =	spop (v2sf);
	s11 =	sshra.s32 s10, $0x1F;
	v15 =	vnsel vm3, $0x0, v15;
	v14 =	vsel vm7, s14, v14;
	s14 =	sld [smem:$0x6D4]  }
0x499: {  	s3 =	spop (v2sf);
	v15 =	vsel vm0, s16, v15;
	s7 =	ssub.s32 s20, s7;
	s20 =	sld [smem:$0x6D1]  }
0x49a: {  	s15 =	smul.u32 $0x92492493, s11;
	s21 =	sshra.s32 s3, $0x1F;
	v19 =	vsel vm1, s19, v15;
	s19 =	sld [smem:$0x6D0]  }
0x49b: {  	s9 =	smul.u32 $0x92492493, s21;
	s21 =	sld [smem:$0x6D2]  }
0x49c: {  	s11 =	spop (v2sf);
	v15 =	vsel vm2, s22, v17;
	s22 =	sadd.s32 s2, s1;
	s2 =	sld [smem:$0x6D3]  }
0x49d: {  	v17 =	vsel vm0, s23, v18;
	s16 =	sshra.s32 s11, $0x1F;
	s1 =	sld [smem:$0x6D8];
	v18 =	vsel vm2, s5, v19;
	s5 =	spop (v2sf)  }
0x49e: {  	v20 =	vmov s14;
	s14 =	sld [smem:$0x6D9];
	v18 =	vsel vm4, s18, v18;
	s18 =	smul.u32 $0x92492493, s16  }
0x49f: {  	s23 =	sshra.s32 s5, $0x1F;
	s4 =	spop (v2sf);
	v18 =	vsel vm5, s20, v18;
	s20 =	sld [smem:$0x6D6]  }
0x4a0: {  	v19 =	vmov s21;
	s21 =	sadd.s32 s8, s7;
	s7 =	smul.u32 $0x92492493, s23;
	s23 =	sld [smem:$0x6D7]  }
0x4a1: {  	(v2sf) =	vpush v8, $0x4;
	v17 =	vsel vm1, s17, v17;
	s16 =	smulhi.u32 $0x92492493, s0;
	s17 =	sshra.s32 s4, $0x1F;
	v21 =	vmov s1;
	s1 =	sld [smem:$0x6DB]  }
0x4a2: {  	(v2sf) =	vpush v8, $0x5;
	s8 =	smul.u32 $0x92492493, s17;
	s17 =	sld [smem:$0x6DA]  }
0x4a3: {  	(v2sf) =	vpush v8, $0x6;
	v17 =	vsel vm2, s19, v17;
	s19 =	sld [smem:$0x6D5]  }
0x4a4: {  	v19 =	vnsel vm3, $0x0, v19;
	s16 =	ssub.s32 s16, s0;
	v20 =	vsel vm0, s20, v20;
	v21 =	vsel vm0, s1, v21;
	s1 =	sld [smem:$0x6DF]  }
0x4a5: {  	(v2sf) =	vpush v8, $0x7;
	v19 =	vsel vm0, s23, v19;
	v20 =	vsel vm1, s17, v20;
	s17 =	sadd.s32 s30, s16;
	s16 =	sld [smem:$0x6DD]  }
0x4a6: {  	(v2sf) =	vpush v9, $0xD;
	v19 =	vsel vm1, s14, v19;
	s14 =	sld [smem:$0x6DC]  }
0x4a7: {  	v18 =	vsel vm6, s2, v18;
	s30 =	sld [smem:$0x6DE]  }
0x4a8: {  	v18 =	vsel vm7, s19, v18;
	s19 =	smulhi.u32 $0x92492493, s13;
	v21 =	vsel vm1, s16, v21;
	s16 =	sld [smem:$0x6E0]  }
0x4a9: {  	v19 =	vsel vm2, s14, v19  }
0x4aa: {  	s13 =	ssub.s32 s19, s13;
	v22 =	vsel vm4, s30, v19;
	v19 =	vsel vm2, s1, v20;
	s1 =	sld [smem:$0x6E1]  }
0x4ab: {  	v21 =	vsel vm2, s16, v21;
	s16 =	sadd.s32 s12, s13;
	s13 =	sld [smem:$0x6E2];
	_ =	sdelay $0x1  }
0x4ac: {  	v43 =	vsel vm5, s1, v22  }
0x4ad: {  	v20 =	vsel vm6, s13, v43;
	s13 =	sld [smem:$0x6E3];
	_ =	sdelay $0x1  }
0x4ae: {  	s26 =	sshra.s32 s6, $0x1F;
	s2 =	spop (v2sf)  }
0x4af: {  	s26 =	smul.u32 $0x92492493, s26;
	s23 =	sshra.s32 s2, $0x1F;
	v44 =	vmov s13;
	s13 =	sld [smem:$0x6E4]  }
0x4b0: {  	s20 =	spop (v2sf);
	s14 =	smul.u32 $0x92492493, s23  }
0x4b1: {  	s23 =	spop (v2sf);
	s30 =	smulhi.u32 $0x92492493, s6  }
0x4b2: {  	s19 =	spop (v2sf);
	v20 =	vsel vm7, s13, v20;
	s13 =	sld [smem:$0x6E5]  }
0x4b3: {  	s12 =	smulhi.u32 $0x92492493, s10;
	s1 =	spop (v2sf)  }
0x4b4: {  	s6 =	ssub.s32 s30, s6;
	s30 =	smulhi.u32 $0x92492493, s3;
	s0 =	sshra.s32 s1, $0x1F  }
0x4b5: {  	v23 =	vmov s13;
	s13 =	sadd.s32 s26, s6;
	s6 =	ssub.s32 s12, s10;
	s26 =	sld [smem:$0x6E6]  }
0x4b6: {  	(v2sf) =	vpush v9, $0xC;
	s10 =	smul.u32 $0x92492493, s0;
	s0 =	ssub.s32 s30, s3;
	s30 =	sld [smem:$0x6E9]  }
0x4b7: {  	v26 =	vmov s28;
	s28 =	sld [smem:$0x6F5]  }
0x4b8: {  	v23 =	vsel vm0, s26, v23;
	s26 =	sld [smem:$0x6E8]  }
0x4b9: {  	v24 =	vmov s30;
	s30 =	sld [smem:$0x6EC]  }
0x4ba: {  	s12 =	sld [smem:$0x6E7]  }
0x4bb: {  	(v2sf) =	vpush v9, $0xE;
	v23 =	vsel vm1, s26, v23;
	s26 =	sld [smem:$0x6EB]  }
0x4bc: {  	v22 =	vnsel vm3, $0x0, v44;
	v46 =	vsel vm0, s30, v24;
	s30 =	sld [smem:$0x6EE]  }
0x4bd: {  	s3 =	smulhi.u32 $0x92492493, s11;
	v22 =	vsel vm0, s12, v22;
	s12 =	sadd.s32 s15, s6;
	s15 =	sld [smem:$0x6EA]  }
0x4be: {  	(v2sf) =	vpush v9, $0xF;
	s6 =	sadd.s32 s9, s0;
	s0 =	smulhi.u32 $0x92492493, s5;
	v45 =	vsel vm2, s26, v23;
	s26 =	sld [smem:$0x6ED]  }
0x4bf: {  	s3 =	ssub.s32 s3, s11;
	v23 =	vsel vm1, s30, v46;
	s30 =	sld [smem:$0x6EF]  }
0x4c0: {  	s11 =	smulhi.u32 $0x92492493, s4;
	s0 =	ssub.s32 s0, s5;
	s5 =	sld [smem:$0x6F1];
	v25 =	vsel vm1, s15, v22  }
0x4c1: {  	s18 =	sadd.s32 s18, s3;
	s3 =	sadd.s32 s7, s0;
	s7 =	sld [smem:$0x6F2];
	v47 =	vsel vm2, s26, v25  }
0x4c2: {  	(v2sf) =	vpush v9, $0x9;
	s26 =	ssub.s32 s11, s4;
	v25 =	vsel vm4, s30, v47;
	s30 =	sld [smem:$0x6F0]  }
0x4c3: {  	s0 =	sadd.s32 s8, s26;
	s26 =	sld [smem:$0x6F4]  }
0x4c4: {  	(v2sf) =	vpush v9, $0x8;
	s11 =	sld [smem:$0x6F3]  }
0x4c5: {  	(v2sf) =	vpush v9, $0xA;
	s9 =	spop (v2sf);
	v49 =	vsel vm5, s5, v25  }
0x4c6: {  	s15 =	sshra.s32 s9, $0x1F;
	v48 =	vsel vm2, s30, v23;
	s30 =	smulhi.u32 $0x92492493, s2;
	v23 =	vsel vm6, s7, v49;
	v51 =	vmov s26;
	s26 =	sld [smem:$0x6F7]  }
0x4c7: {  	v31 =	vcombine.low v12, v11;
	s15 =	smul.u32 $0x92492493, s15;
	v50 =	vsel vm7, s11, v23;
	v23 =	vsel vm0, s28, v51;
	s28 =	sld [smem:$0x6F8]  }
0x4c8: {  	s5 =	smulhi.u32 $0x92492493, s1;
	s2 =	ssub.s32 s30, s2;
	s30 =	sld [smem:$0x6F6]  }
0x4c9: {  	v10 =	vperm.xlane v10, v1;
	v60 =	vperm.xlane v31, v0;
	(v2sf) =	vpush v9, $0xB;
	s4 =	smulhi.u32 $0x92492493, s9;
	s11 =	sld [smem:$0x6FA]  }
0x4ca: {  	v26 =	vnsel vm3, $0x0, v26;
	s7 =	spop (v2sf);
	s1 =	ssub.s32 s5, s1;
	v23 =	vsel vm1, s28, v23;
	s28 =	sld [smem:$0x6FC]  }
0x4cb: {  	v10 =	vsel vm8, v10, v60;
	(v2sf) =	vpush v9, $0x1;
	s5 =	sadd.s32 s10, s1;
	s1 =	smulhi.u32 $0x92492493, s24;
	v27 =	vmov s30;
	s30 =	sld [smem:$0x6F9]  }
0x4cc: {  	v10 =	vadd.s32 v3, v10;
	v26 =	vsel vm0, s26, v26;
	s2 =	sadd.s32 s14, s2;
	s14 =	ssub.s32 s4, s9;
	s26 =	sld [smem:$0x6FB]  }
0x4cd: {  	v54 =	vmov s22;
	(v2sf) =	vpush v9, $0x0;
	s10 =	spop (v2sf);
	v26 =	vsel vm1, s11, v26;
	s9 =	sadd.s32 s15, s14;
	s14 =	sld [smem:$0x6FE]  }
0x4ce: {  	v55 =	vmov s18;
	s4 =	smulhi.u32 $0x92492493, s7;
	v29 =	vsel vm2, s28, v26;
	v27 =	vsel vm0, s30, v27;
	s30 =	sld [smem:$0x6FD]  }
0x4cf: {  	(v2sf) =	vpush v9, $0x2;
	s8 =	sshra.s32 s7, $0x1F;
	s15 =	smulhi.u32 $0x92492493, s10;
	v53 =	vsel vm4, s31, v29;
	v27 =	vsel vm1, s26, v27  }
0x4d0: {  	s8 =	smul.u32 $0x92492493, s8;
	s4 =	ssub.s32 s4, s7;
	v29 =	vnsel vm3, $0x0, v55;
	s26 =	sshra.s32 s10, $0x1F;
	v28 =	vsel vm2, s14, v27;
	v27 =	vsel vm0, s25, v54  }
0x4d1: {  	s7 =	ssub.s32 s15, s10;
	s28 =	smul.u32 $0x92492493, s26;
	v52 =	vsel vm2, s30, v23;
	v23 =	vsel vm5, s29, v53;
	s29 =	spop (v2sf);
	(v2sf) =	vpush v9, $0x3  }
0x4d2: {  	v13 =	vcombine.low v16, v13;
	v29 =	vsel vm0, s6, v29;
	s30 =	sld [smem:$0x6FF];
	v30 =	vsel vm1, s21, v27;
	s31 =	smulhi.u32 $0x92492493, s29;
	s18 =	sshra.s32 s29, $0x1F  }
0x4d3: {  	v29 =	vsel vm1, s3, v29;
	s25 =	spop (v2sf);
	(v2sf) =	vpush v9, $0x4;
	v57 =	vsel vm2, s17, v30;
	s17 =	sshra.s32 s24, $0x1F;
	s22 =	smul.u32 $0x92492493, s18  }
0x4d4: {  	v63 =	vshrl.u32 v10, $0x1F;
	v10 =	vshrl.u32 v10, $0x2;
	v12 =	vsel vm2, s0, v29;
	s7 =	sadd.s32 s28, s7;
	s0 =	smul.u32 $0x92492493, s17  }
0x4d5: {  	v14 =	vperm.xlane v14, v1;
	v13 =	vperm.xlane v13, v0;
	s15 =	spop (v2sf);
	(v2sf) =	vpush v9, $0x5;
	s28 =	ssub.s32 s31, s29;
	s29 =	smulhi.u32 $0x92492493, s25  }
0x4d6: {  	v10 =	vadd.s32 v63, v10;
	s26 =	sld [smem:$0x700];
	v23 =	vsel vm6, s30, v23;
	s30 =	sshra.s32 s25, $0x1F;
	s18 =	smulhi.u32 $0x92492493, s15  }
0x4d7: {  	v13 =	vsel vm8, v14, v13;
	v58 =	vmov s13;
	(v2sf) =	vpush v9, $0x6;
	s31 =	sadd.s32 s22, s28;
	s13 =	smul.u32 $0x92492493, s30;
	s22 =	sshra.s32 s15, $0x1F  }
0x4d8: {  	v10 =	vmul.u32 $0x7, v10;
	v13 =	vadd.s32 v2, v13;
	v14 =	vcombine.low v17, v15;
	s10 =	ssub.s32 s29, s25;
	s25 =	spop (v2sf);
	s6 =	smul.u32 $0x92492493, s22  }
0x4d9: {  	v59 =	vmov s9;
	s4 =	sadd.s32 s8, s4;
	v56 =	vsel vm7, s26, v23;
	(v2sf) =	vpush v9, $0x7;
	s26 =	smulhi.u32 $0x92492493, s25;
	s28 =	sshra.s32 s25, $0x1F  }
0x4da: {  	v14 =	vperm.xlane v14, v0;
	v29 =	vsel vm0, s5, v59;
	v30 =	vsel vm0, s16, v58;
	s21 =	sadd.s32 s13, s10;
	s29 =	spop (v2sf);
	s5 =	smul.u32 $0x92492493, s28  }
0x4db: {  	v17 =	vperm.xlane v18, v1;
	v11 =	vsel vm1, s12, v30;
	s8 =	ssub.s32 s18, s15;
	v61 =	vmov s21;
	s11 =	smulhi.u32 $0x92492493, s29;
	s12 =	sshra.s32 s29, $0x1F  }
0x4dc: {  	v18 =	vshrl.u32 v13, $0x1F;
	v29 =	vsel vm1, s4, v29;
	s30 =	sadd.s32 s6, s8;
	v31 =	vsel vm0, s31, v61;
	s31 =	spop (v2sf);
	s4 =	smul.u32 $0x92492493, s12  }
0x4dd: {  	v13 =	vshrl.u32 v13, $0x2;
	v12 =	vsel vm4, s2, v12;
	v16 =	vsel vm2, s7, v29;
	s2 =	ssub.s32 s26, s25;
	s7 =	smulhi.u32 $0x92492493, s31;
	s8 =	sshra.s32 s31, $0x1F  }
0x4de: {  	v3 =	vsub.s32 v3, v10;
	v10 =	vadd.s32 v18, v13;
	v62 =	vsel vm1, s30, v31;
	s2 =	sadd.s32 s5, s2;
	s13 =	spop (v2sf);
	s9 =	smul.u32 $0x92492493, s8  }
0x4df: {  	v13 =	vsel vm8, v17, v14;
	v14 =	vcombine.low v21, v19;
	v29 =	vsel vm2, s2, v62;
	s2 =	ssub.s32 s11, s29;
	s14 =	smulhi.u32 $0x92492493, s13;
	s15 =	sshra.s32 s13, $0x1F  }
0x4e0: {  	v10 =	vmul.u32 $0x7, v10;
	s3 =	ssub.s32 s7, s31;
	s6 =	smul.u32 $0x92492493, s15;
	s16 =	spop (v2sf)  }
0x4e1: {  	v13 =	vadd.s32 v4, v13;
	v14 =	vperm.xlane v14, v0;
	v18 =	vperm.xlane v20, v1;
	s3 =	sadd.s32 s9, s3;
	s18 =	smulhi.u32 $0x92492493, s16;
	s21 =	sshra.s32 s16, $0x1F  }
0x4e2: {  	v17 =	vshrl.u32 v13, $0x1F;
	v13 =	vshrl.u32 v13, $0x2;
	s2 =	sadd.s32 s4, s2;
	v15 =	vmov s3;
	s22 =	spop (v2sf);
	s5 =	smul.u32 $0x92492493, s21  }
0x4e3: {  	v10 =	vsub.s32 v2, v10;
	v14 =	vsel vm8, v18, v14;
	s17 =	ssub.s32 s14, s13;
	v15 =	vnsel vm3, $0x0, v15;
	s26 =	smulhi.u32 $0x92492493, s22;
	s28 =	sshra.s32 s22, $0x1F  }
0x4e4: {  	v2 =	vadd.s32 v17, v13;
	v14 =	vadd.s32 v5, v14;
	v15 =	vsel vm0, s2, v15;
	s2 =	sadd.s32 s6, s17;
	s29 =	spop (v2sf);
	s4 =	smul.u32 $0x92492493, s28  }
0x4e5: {  	v2 =	vmul.u32 $0x7, v2;
	v18 =	vshrl.u32 v14, $0x1F;
	s25 =	ssub.s32 s18, s16;
	s31 =	smulhi.u32 $0x92492493, s29;
	s7 =	sshra.s32 s29, $0x1F  }
0x4e6: {  	v14 =	vshrl.u32 v14, $0x2;
	v13 =	vcombine.low v48, v45;
	v15 =	vsel vm1, s2, v15;
	s8 =	spop (v2sf);
	s2 =	sadd.s32 s5, s25;
	s6 =	smul.u32 $0x92492493, s7  }
0x4e7: {  	v19 =	vsub.s32 v4, v2;
	v2 =	vadd.s32 v18, v14;
	s30 =	ssub.s32 s26, s22;
	s10 =	smulhi.u32 $0x92492493, s8;
	s11 =	sshra.s32 s8, $0x1F  }
0x4e8: {  	v17 =	vperm.xlane v50, v1;
	v13 =	vperm.xlane v13, v0;
	s12 =	spop (v2sf);
	v15 =	vsel vm2, s2, v15;
	s2 =	sadd.s32 s4, s30;
	s5 =	smul.u32 $0x92492493, s11  }
0x4e9: {  	v2 =	vmul.u32 $0x7, v2;
	s9 =	ssub.s32 s31, s29;
	s14 =	smulhi.u32 $0x92492493, s12;
	s15 =	sshra.s32 s12, $0x1F  }
0x4ea: {  	v4 =	vsel vm8, v17, v13;
	v15 =	vsel vm4, s2, v15;
	s2 =	sadd.s32 s6, s9;
	s13 =	ssub.s32 s10, s8;
	s4 =	smul.u32 $0x92492493, s15  }
0x4eb: {  	v17 =	vsub.s32 v5, v2;
	v13 =	vcombine.low v28, v52;
	s21 =	smulhi.u32 $0x92492493, s23;
	v15 =	vsel vm5, s2, v15;
	s2 =	sadd.s32 s5, s13;
	s3 =	ssub.s32 s14, s12  }
0x4ec: {  	v4 =	vadd.s32 v6, v4;
	s17 =	sshra.s32 s20, $0x1F;
	s16 =	smulhi.u32 $0x92492493, s20;
	v14 =	vsel vm6, s2, v15;
	s3 =	sadd.s32 s4, s3;
	v15 =	vcombine.low v29, v16  }
0x4ed: {  	s1 =	ssub.s32 s1, s24;
	v13 =	vperm.xlane v13, v0;
	s18 =	smul.u32 $0x92492493, s17;
	v16 =	vshrl.u32 v4, $0x1F;
	v14 =	vsel vm7, s3, v14  }
0x4ee: {  	s0 =	sadd.s32 s0, s1;
	s22 =	sshra.s32 s23, $0x1F;
	s26 =	smulhi.u32 $0x92492493, s19;
	v4 =	vshrl.u32 v4, $0x2;
	v15 =	vperm.xlane v15, v0;
	v14 =	vperm.xlane v14, v1  }
0x4ef: {  	v11 =	vsel vm2, s0, v11;
	s28 =	sshra.s32 s19, $0x1F;
	s25 =	smul.u32 $0x92492493, s22;
	s2 =	ssub.s32 s16, s20;
	v4 =	vadd.s32 v16, v4;
	v16 =	vperm.xlane v56, v1  }
0x4f0: {  	v11 =	vcombine.low v11, v57;
	s1 =	smul.u32 $0x92492493, s28;
	s29 =	ssub.s32 s21, s23;
	s24 =	sadd.s32 s18, s2;
	v2 =	vmul.u32 $0x7, v4;
	v4 =	vsel vm8, v14, v15  }
0x4f1: {  	s0 =	ssub.s32 s26, s19;
	s2 =	sadd.s32 s25, s29;
	v12 =	vsel vm5, s24, v12;
	v5 =	vsel vm8, v16, v13;
	v4 =	vadd.s32 v9, v4  }
0x4f2: {  	s30 =	simm.s32 $0xC880;
	s0 =	sadd.s32 s1, s0;
	v12 =	vsel vm6, s2, v12;
	v13 =	vshrl.u32 v4, $0x1F;
	v4 =	vshrl.u32 v4, $0x2  }
0x4f3: {  	v11 =	vperm.xlane v11, v0;
	v18 =	vld [tilespmem:s30+$0x0];
	v12 =	vsel vm7, s0, v12;
	v4 =	vadd.s32 v13, v4  }
0x4f4: {  	v5 =	vadd.s32 v7, v5;
	v12 =	vperm.xlane v12, v1;
	v13 =	vld [tilespmem:s30+$0xFFFFFF80];
	v4 =	vmul.u32 $0x7, v4  }
0x4f5: {  	v14 =	vsub.s32 v6, v2;
	v2 =	vshrl.u32 v5, $0x1F;
	v5 =	vshrl.u32 v5, $0x2  }
0x4f6: {  	s0 =	simm.s32 $0x1;
	v2 =	vadd.s32 v2, v5;
	v5 =	vsel vm8, v12, v11;
	v4 =	vsub.s32 v9, v4  }
0x4f7: {  	s0 =	simm.s32 @!p0 $0x0;
	v5 =	vadd.s32 v8, v5;
	v9 =	vmul.u32 $0x7, v2;
	v2 =	vand.u32 $0xF, v4  }
0x4f8: {  	v3 =	vand.u32 $0xF, v3;
	s0 =	sshll.u32 s0, $0xE;
	v6 =	vshrl.u32 v5, $0x1F;
	v11 =	vperm.xlane v18, v2  }
0x4f9: {  	s0 =	sor.u32 $0x108F0, s0;
	v5 =	vshrl.u32 v5, $0x2;
	v4 =	vand.u32 $0xF, v10;
	v10 =	vperm.xlane v13, v3  }
0x4fa: {  	s4 =	rddreg [dreg:$0x12];
	v6 =	vadd.s32 v6, v5;
	v5 =	vand.u32 $0xF, v19;
	v12 =	vperm.xlane v13, v4;
	[tilespmem:s0+$0x0] =	vst v11  }
0x4fb: {  	v15 =	vperm.xlane v13, v5;
	v9 =	vsub.s32 v7, v9;
	[tilespmem:s0+$0xFFFFFF10] =	vst v10  }
0x4fc: {  	v11 =	vmul.u32 $0x7, v6;
	v6 =	vand.u32 $0xF, v17;
	[tilespmem:s0+$0xFFFFFF20] =	vst v12;
	v17 =	vperm.xlane v13, v2  }
0x4fd: {  	v7 =	vand.u32 $0xF, v14;
	[tilespmem:s0+$0xFFFFFF30] =	vst v15;
	v14 =	vperm.xlane v13, v6;
	v15 =	vperm.xlane v18, v6  }
0x4fe: {  	v10 =	vsub.s32 v8, v11;
	v8 =	vand.u32 $0xF, v9;
	v11 =	vperm.xlane v13, v7;
	[tilespmem:s0+$0xFFFFFF80] =	vst v17  }
0x4ff: {  	v9 =	vand.u32 $0xF, v10;
	v10 =	vperm.xlane v18, v3;
	v12 =	vperm.xlane v13, v8;
	[tilespmem:s0+$0xFFFFFF40] =	vst v14  }
0x500: {  	v14 =	vperm.xlane v18, v7;
	v16 =	vperm.xlane v13, v9;
	[tilespmem:s0+$0xFFFFFF50] =	vst v11  }
0x501: {  	s31 =	sshll.u32 s4, $0xD;
	v13 =	vperm.xlane v18, v4;
	v11 =	vperm.xlane v18, v5;
	[tilespmem:s0+$0xFFFFFF60] =	vst v12  }
0x502: {  	s3 =	simm.s32 $0xC980;
	s1 =	sadd.s32 $0xE800, s31;
	s2 =	simm.s32 $0x0;
	v12 =	vperm.xlane v18, v9;
	[tilespmem:s0+$0xFFFFFF70] =	vst v16;
	v16 =	vperm.xlane v18, v8  }
.LBB2_7:
0x503: {  	v17 =	vld [tilespmem:s3+$0x0];
	s2 =	sadd.s32 $0x2, s2;
	[tilespmem:s0+$0xFFFFFF90] =	vst v10  }
0x504: {  	v18 =	vld [tilespmem:s3+$0xFFFFFF80];
	p1 =	slt.u32 s2, $0x3E;
	[tilespmem:s0+$0xFFFFFFA0] =	vst v13  }
0x505: {  	[tilespmem:s0+$0xFFFFFFB0] =	vst v11  }
0x506: {  	[tilespmem:s0+$0xFFFFFFC0] =	vst v15  }
0x507: {  	[tilespmem:s0+$0xFFFFFFD0] =	vst v14  }
0x508: {  	v10 =	vperm.xlane v17, v3;
	v11 =	vperm.xlane v17, v2;
	[tilespmem:s0+$0xFFFFFFE0] =	vst v16  }
0x509: {  	v13 =	vperm.xlane v18, v3;
	v14 =	vperm.xlane v18, v4;
	[tilespmem:s0+$0xFFFFFFF0] =	vst v12;
	s0 =	sadd.s32 $0x100, s0  }
0x50a: {  	v12 =	vperm.xlane v18, v5;
	v15 =	vperm.xlane v18, v6;
	[tilespmem:s0+$0x0] =	vst v11  }
0x50b: {  	v16 =	vperm.xlane v18, v7;
	v19 =	vperm.xlane v18, v8;
	[tilespmem:s0+$0xFFFFFF10] =	vst v13  }
0x50c: {  	v20 =	vperm.xlane v18, v9;
	v18 =	vperm.xlane v18, v2;
	[tilespmem:s0+$0xFFFFFF20] =	vst v14  }
0x50d: {  	v11 =	vperm.xlane v17, v5;
	v13 =	vperm.xlane v17, v4;
	[tilespmem:s0+$0xFFFFFF30] =	vst v12  }
.Ltmp2:
0x50e: {  	v14 =	vperm.xlane v17, v7;
	[tilespmem:s0+$0xFFFFFF40] =	vst v15;
	v15 =	vperm.xlane v17, v6;
	(pc) =	sbr.rel @p1 .LBB2_7-.Ltmp2, $4  }
0x50f: {  	v12 =	vperm.xlane v17, v9;
	[tilespmem:s0+$0xFFFFFF50] =	vst v16;
	v16 =	vperm.xlane v17, v8  }
0x510: {  	[tilespmem:s0+$0xFFFFFF60] =	vst v19  }
0x511: {  	[tilespmem:s0+$0xFFFFFF70] =	vst v20  }
0x512: {  	s3 =	sadd.s32 $0x100, s3;
	[tilespmem:s0+$0xFFFFFF80] =	vst v18  }
0x513: {  	[tilespmem:s0+$0xFFFFFF90] =	vst v10  }
0x514: {  	[tilespmem:s0+$0xFFFFFFA0] =	vst v13  }
0x515: {  	[tilespmem:s0+$0xFFFFFFB0] =	vst v11  }
0x516: {  	[tilespmem:s0+$0xFFFFFFC0] =	vst v15  }
0x517: {  	[tilespmem:s0+$0xFFFFFFD0] =	vst v14  }
0x518: {  	[tilespmem:s0+$0xFFFFFFE0] =	vst v16  }
0x519: {  	s5 =	rddreg [dreg:$0xd]  }
0x51a: {  	s2 =	sshll.u32 s5, $0x11;
	s5 =	sadd.s32 $0x1, s5  }
0x51b: {  	p1 =	sne.s32 s5, $0xC8  }
.Ltmp3:
0x51c: {  	_ = 	snop;
	(pc) =	sbr.rel @p1 .LBB2_6-.Ltmp3, $4  }
0x51d: {  	[tilespmem:s0+$0xFFFFFFF0] =	vst v12  }
0x51e: {  	s29 =	sadd.s32 $0x1, s4;
	s30 =	simm.s32 $0x20000;
	s3 =	rddreg [dreg:$0x7]  }
0x51f: {  	s31 =	simm.s32 $0x400;
	p0 =	por !p0, !p0;
	s2 =	sadd.s32 s2, s3  }
0x520: {  	[hbm4b:s2+s31] =	stream.strided.scatter [tilespmem:s1], [sflag:s29], $0x2000, s30, s31, $0x38;
	[tilespmem:$0x16800] =	vst v63  }
0x521: {  	s0 =	simm.s32 $0x2  }
0x522: {  	_ =	swait.ge [sflag:s0], $0x2000  }
0x523: {  	[sflag:s0] =	ssyncset.done $0x0  }
0x524: {  	s29 =	simm.s32 $0x4;
	[sflag:s0] =	ssyncadd.s32 $0xFFFFE000  }
0x525: {  	s5 =	simm.s32 $0x0;
	_ =	swait.ge [sflag:s29], $0x2000  }
0x526: {  	s1 =	simm.s32 $0x800;
	s2 =	simm.s32 $0x20000;
	[sflag:s29] =	ssyncset.done $0x0  }
0x527: {  	s31 =	simm.s32 $0x5;
	s30 =	rddreg [dreg:$0x8];
	[sflag:s29] =	ssyncadd.s32 $0xFFFFE000  }
0x528: {  	[tilespmem:s5], [sflag:$0x5] =	stream.strided.gather [hbm4b:s30+s1], $0xC800, s2, s1, $0x38;
	[tilespmem:$0x16800] =	vst v63  }
0x529: {  	_ =	swait.ge [sflag:s31], $0xC800  }
0x52a: {  	[sflag:s31] =	ssyncset.done $0x0  }
0x52b: {  	p0 =	por $0x0, $0x0;
	[sflag:s31] =	ssyncadd.s32 $0xFFFF3800  }
.LBB2_10:
0x52c: {  	s0 =	sshll.u32 s5, $0x1  }
0x52d: {  	p1 =	slt.u32 s5, $0x2;
	s0 =	sand.u32 $0x2, s0  }
0x52e: {  	[dreg:$0x10] =	wrdreg s0;
	s0 =	sadd.s32 @!p1 $0x1, s0  }
0x52f: {  	s1 =	sshll.u32 s5, $0x8;
	s2 =	sshll.u32 s5, $0x7;
	_ =	swait.ge @!p1 [sflag:s0], $0x2000  }
0x530: {  	s1 =	sand.u32 $0xF800, s1;
	s2 =	sand.u32 $0x380, s2;
	[sflag:s0] =	ssyncset.done @!p1 $0x0  }
0x531: {  	s2 =	sor.u32 s2, s1;
	[sflag:s0] =	ssyncadd.s32 @!p1 $0xFFFFE000  }
0x532: {  	v3 =	vld [tilespmem:s2+$0x0];
	_ =	sdelay $0x4  }
0x533: {  	(v2sf) =	vpush v3, $0xD;
	_ =	sdelay $0x1  }
0x534: {  	(v2sf) =	vpush v3, $0xC  }
0x535: {  	(v2sf) =	vpush v3, $0xE;
	_ =	sdelay $0x1  }
0x536: {  	(v2sf) =	vpush v3, $0xF;
	_ =	sdelay $0x1  }
0x537: {  	(v2sf) =	vpush v3, $0x9;
	_ =	sdelay $0x1  }
0x538: {  	(v2sf) =	vpush v3, $0x8;
	_ =	sdelay $0x1  }
0x539: {  	(v2sf) =	vpush v3, $0xA;
	_ =	sdelay $0x1  }
0x53a: {  	(v2sf) =	vpush v3, $0xB;
	_ =	sdelay $0x1  }
0x53b: {  	(v2sf) =	vpush v3, $0x1;
	s23 =	spop (v2sf)  }
0x53c: {  	[dreg:$0xc] =	wrdreg s5;
	s0 =	sshra.s32 s23, $0x1F  }
0x53d: {  	(v2sf) =	vpush v3, $0x0;
	s24 =	spop (v2sf);
	s0 =	smul.u32 $0x92492493, s0  }
0x53e: {  	[smem:$0x591] =	sst s2;
	s25 =	sshra.s32 s24, $0x1F;
	s31 =	spop (v2sf)  }
0x53f: {  	(v2sf) =	vpush v3, $0x2;
	[dreg:$0x16] =	wrdreg s0;
	s0 =	smul.u32 $0x92492493, s25  }
0x540: {  	[smem:$0x507] =	sst s23;
	s26 =	sshra.s32 s31, $0x1F;
	s28 =	spop (v2sf)  }
0x541: {  	(v2sf) =	vpush v3, $0x3;
	[dreg:$0x1a] =	wrdreg s0;
	s0 =	smul.u32 $0x92492493, s26  }
0x542: {  	[smem:$0x508] =	sst s24;
	s29 =	sshra.s32 s28, $0x1F;
	s30 =	spop (v2sf)  }
0x543: {  	(v2sf) =	vpush v3, $0x4;
	[dreg:$0x1e] =	wrdreg s0;
	s0 =	smul.u32 $0x92492493, s29  }
0x544: {  	[smem:$0x509] =	sst s28;
	s1 =	sshra.s32 s30, $0x1F;
	s3 =	spop (v2sf)  }
0x545: {  	(v2sf) =	vpush v3, $0x5;
	[smem:$0x50C] =	sst s0;
	s0 =	smul.u32 $0x92492493, s1  }
0x546: {  	v2 =	vld [tilespmem:s2+$0x10];
	[smem:$0x50A] =	sst s30;
	s4 =	sshra.s32 s3, $0x1F;
	s5 =	spop (v2sf)  }
0x547: {  	(v2sf) =	vpush v3, $0x6;
	[smem:$0x50E] =	sst s0;
	s0 =	smul.u32 $0x92492493, s4  }
0x548: {  	[smem:$0x50B] =	sst s3;
	s6 =	sshra.s32 s5, $0x1F;
	s7 =	spop (v2sf)  }
0x549: {  	(v2sf) =	vpush v3, $0x7;
	[smem:$0x510] =	sst s0;
	s0 =	smul.u32 $0x92492493, s6  }
0x54a: {  	[smem:$0x50D] =	sst s5;
	s8 =	sshra.s32 s7, $0x1F;
	s9 =	spop (v2sf)  }
0x54b: {  	(v2sf) =	vpush v2, $0xD;
	[smem:$0x512] =	sst s0;
	s0 =	smul.u32 $0x92492493, s8  }
0x54c: {  	[smem:$0x50F] =	sst s7;
	s10 =	sshra.s32 s9, $0x1F;
	s11 =	spop (v2sf)  }
0x54d: {  	(v2sf) =	vpush v2, $0xC;
	[smem:$0x514] =	sst s0;
	s0 =	smul.u32 $0x92492493, s10  }
0x54e: {  	[smem:$0x511] =	sst s9;
	s12 =	sshra.s32 s11, $0x1F;
	s13 =	spop (v2sf)  }
0x54f: {  	(v2sf) =	vpush v2, $0xE;
	[smem:$0x516] =	sst s0;
	s0 =	smul.u32 $0x92492493, s12  }
0x550: {  	[smem:$0x513] =	sst s11;
	s14 =	sshra.s32 s13, $0x1F;
	s15 =	spop (v2sf)  }
0x551: {  	(v2sf) =	vpush v2, $0xF;
	[smem:$0x518] =	sst s0;
	s0 =	smul.u32 $0x92492493, s14  }
0x552: {  	[smem:$0x515] =	sst s13;
	s16 =	sshra.s32 s15, $0x1F;
	s17 =	spop (v2sf)  }
0x553: {  	(v2sf) =	vpush v2, $0x9;
	[smem:$0x51A] =	sst s0;
	s0 =	smul.u32 $0x92492493, s16  }
0x554: {  	[smem:$0x517] =	sst s15;
	s18 =	sshra.s32 s17, $0x1F;
	s19 =	spop (v2sf)  }
0x555: {  	(v2sf) =	vpush v2, $0x8;
	[smem:$0x51C] =	sst s0;
	s0 =	smul.u32 $0x92492493, s18  }
0x556: {  	[smem:$0x519] =	sst s17;
	s20 =	sshra.s32 s19, $0x1F;
	s21 =	spop (v2sf)  }
0x557: {  	(v2sf) =	vpush v2, $0xA;
	[smem:$0x51E] =	sst s0;
	s0 =	smul.u32 $0x92492493, s20  }
0x558: {  	[smem:$0x51B] =	sst s19;
	s22 =	sshra.s32 s21, $0x1F;
	s23 =	spop (v2sf)  }
0x559: {  	(v2sf) =	vpush v2, $0xB;
	[smem:$0x520] =	sst s0;
	s0 =	smul.u32 $0x92492493, s22  }
0x55a: {  	[smem:$0x51D] =	sst s21;
	s24 =	sshra.s32 s23, $0x1F;
	s25 =	spop (v2sf)  }
0x55b: {  	(v2sf) =	vpush v2, $0x1;
	[smem:$0x522] =	sst s0;
	s0 =	smul.u32 $0x92492493, s24  }
0x55c: {  	[smem:$0x51F] =	sst s23;
	s26 =	sshra.s32 s25, $0x1F;
	s28 =	spop (v2sf)  }
0x55d: {  	(v2sf) =	vpush v2, $0x0;
	[smem:$0x524] =	sst s0;
	s0 =	smul.u32 $0x92492493, s26  }
0x55e: {  	[smem:$0x521] =	sst s25;
	s29 =	sshra.s32 s28, $0x1F;
	s30 =	spop (v2sf)  }
0x55f: {  	(v2sf) =	vpush v2, $0x2;
	[smem:$0x526] =	sst s0;
	s0 =	smul.u32 $0x92492493, s29  }
0x560: {  	[smem:$0x523] =	sst s28;
	s1 =	sshra.s32 s30, $0x1F;
	s3 =	spop (v2sf)  }
0x561: {  	(v2sf) =	vpush v2, $0x3;
	[smem:$0x528] =	sst s0;
	s0 =	smul.u32 $0x92492493, s1  }
0x562: {  	[smem:$0x525] =	sst s30;
	s4 =	sshra.s32 s3, $0x1F;
	s5 =	spop (v2sf)  }
0x563: {  	(v2sf) =	vpush v2, $0x4;
	[smem:$0x52A] =	sst s0;
	s0 =	smul.u32 $0x92492493, s4  }
0x564: {  	[smem:$0x527] =	sst s3;
	s6 =	sshra.s32 s5, $0x1F;
	s7 =	spop (v2sf)  }
0x565: {  	(v2sf) =	vpush v2, $0x5;
	[smem:$0x52C] =	sst s0;
	s0 =	smul.u32 $0x92492493, s6  }
0x566: {  	v4 =	vld [tilespmem:s2+$0x20];
	[smem:$0x529] =	sst s5;
	s8 =	sshra.s32 s7, $0x1F;
	s9 =	spop (v2sf)  }
0x567: {  	(v2sf) =	vpush v2, $0x6;
	[smem:$0x52E] =	sst s0;
	s0 =	smul.u32 $0x92492493, s8  }
0x568: {  	[smem:$0x52B] =	sst s7;
	s10 =	sshra.s32 s9, $0x1F;
	s11 =	spop (v2sf)  }
0x569: {  	(v2sf) =	vpush v2, $0x7;
	[smem:$0x530] =	sst s0;
	s0 =	smul.u32 $0x92492493, s10  }
0x56a: {  	[smem:$0x52D] =	sst s9;
	s12 =	sshra.s32 s11, $0x1F;
	s13 =	spop (v2sf)  }
0x56b: {  	(v2sf) =	vpush v4, $0xD;
	[smem:$0x532] =	sst s0;
	s0 =	smul.u32 $0x92492493, s12  }
0x56c: {  	[smem:$0x52F] =	sst s11;
	s14 =	sshra.s32 s13, $0x1F;
	s15 =	spop (v2sf)  }
0x56d: {  	(v2sf) =	vpush v4, $0xC;
	[smem:$0x534] =	sst s0;
	s0 =	smul.u32 $0x92492493, s14  }
0x56e: {  	[smem:$0x531] =	sst s13;
	s16 =	sshra.s32 s15, $0x1F;
	s17 =	spop (v2sf)  }
0x56f: {  	(v2sf) =	vpush v4, $0xE;
	[smem:$0x536] =	sst s0;
	s0 =	smul.u32 $0x92492493, s16  }
0x570: {  	[smem:$0x533] =	sst s15;
	s18 =	sshra.s32 s17, $0x1F;
	s19 =	spop (v2sf)  }
0x571: {  	(v2sf) =	vpush v4, $0xF;
	[smem:$0x538] =	sst s0;
	s0 =	smul.u32 $0x92492493, s18  }
0x572: {  	[smem:$0x535] =	sst s17;
	s20 =	sshra.s32 s19, $0x1F;
	s21 =	spop (v2sf)  }
0x573: {  	(v2sf) =	vpush v4, $0x9;
	[smem:$0x53A] =	sst s0;
	s0 =	smul.u32 $0x92492493, s20  }
0x574: {  	[smem:$0x537] =	sst s19;
	s23 =	spop (v2sf);
	s22 =	sshra.s32 s21, $0x1F  }
0x575: {  	(v2sf) =	vpush v4, $0x8;
	[smem:$0x53C] =	sst s0;
	s0 =	smul.u32 $0x92492493, s22  }
0x576: {  	[smem:$0x539] =	sst s21;
	s25 =	spop (v2sf);
	s24 =	sshra.s32 s23, $0x1F  }
0x577: {  	(v2sf) =	vpush v4, $0xA;
	[smem:$0x53E] =	sst s0;
	s0 =	smul.u32 $0x92492493, s24  }
0x578: {  	[smem:$0x53B] =	sst s23;
	s28 =	spop (v2sf);
	s26 =	sshra.s32 s25, $0x1F  }
0x579: {  	(v2sf) =	vpush v4, $0xB;
	[smem:$0x540] =	sst s0;
	s0 =	smul.u32 $0x92492493, s26  }
0x57a: {  	[smem:$0x53D] =	sst s25;
	s30 =	spop (v2sf);
	s29 =	sshra.s32 s28, $0x1F  }
0x57b: {  	(v2sf) =	vpush v4, $0x1;
	[smem:$0x542] =	sst s0;
	s0 =	smul.u32 $0x92492493, s29  }
0x57c: {  	[smem:$0x53F] =	sst s28;
	s3 =	spop (v2sf);
	s1 =	sshra.s32 s30, $0x1F  }
0x57d: {  	(v2sf) =	vpush v4, $0x0;
	[smem:$0x544] =	sst s0;
	s0 =	smul.u32 $0x92492493, s1  }
0x57e: {  	[smem:$0x541] =	sst s30;
	s5 =	spop (v2sf);
	s4 =	sshra.s32 s3, $0x1F  }
0x57f: {  	(v2sf) =	vpush v4, $0x2;
	[smem:$0x546] =	sst s0;
	s0 =	smul.u32 $0x92492493, s4  }
0x580: {  	[smem:$0x543] =	sst s3;
	s7 =	spop (v2sf);
	s6 =	sshra.s32 s5, $0x1F  }
0x581: {  	(v2sf) =	vpush v4, $0x3;
	[smem:$0x548] =	sst s0;
	s0 =	smul.u32 $0x92492493, s6  }
0x582: {  	[smem:$0x545] =	sst s5;
	s9 =	spop (v2sf);
	s8 =	sshra.s32 s7, $0x1F  }
0x583: {  	(v2sf) =	vpush v4, $0x4;
	[smem:$0x54A] =	sst s0;
	s0 =	smul.u32 $0x92492493, s8  }
0x584: {  	[smem:$0x547] =	sst s7;
	s11 =	spop (v2sf);
	s10 =	sshra.s32 s9, $0x1F  }
0x585: {  	(v2sf) =	vpush v4, $0x5;
	[smem:$0x54C] =	sst s0;
	s0 =	smul.u32 $0x92492493, s10  }
0x586: {  	v5 =	vld [tilespmem:s2+$0x30];
	[smem:$0x549] =	sst s9;
	s13 =	spop (v2sf);
	s12 =	sshra.s32 s11, $0x1F  }
0x587: {  	(v2sf) =	vpush v4, $0x6;
	[smem:$0x54E] =	sst s0;
	s0 =	smul.u32 $0x92492493, s12  }
0x588: {  	[smem:$0x54B] =	sst s11;
	s15 =	spop (v2sf);
	s14 =	sshra.s32 s13, $0x1F  }
0x589: {  	(v2sf) =	vpush v4, $0x7;
	[smem:$0x550] =	sst s0;
	s0 =	smul.u32 $0x92492493, s14  }
0x58a: {  	[smem:$0x54D] =	sst s13;
	s17 =	spop (v2sf);
	s16 =	sshra.s32 s15, $0x1F  }
0x58b: {  	(v2sf) =	vpush v5, $0xD;
	[smem:$0x552] =	sst s0;
	s0 =	smul.u32 $0x92492493, s16  }
0x58c: {  	[smem:$0x54F] =	sst s15;
	s19 =	spop (v2sf);
	s18 =	sshra.s32 s17, $0x1F  }
0x58d: {  	(v2sf) =	vpush v5, $0xC;
	[smem:$0x554] =	sst s0;
	s0 =	smul.u32 $0x92492493, s18  }
0x58e: {  	[smem:$0x551] =	sst s17;
	s21 =	spop (v2sf);
	s20 =	sshra.s32 s19, $0x1F  }
0x58f: {  	(v2sf) =	vpush v5, $0xE;
	[smem:$0x556] =	sst s0;
	s0 =	smul.u32 $0x92492493, s20  }
0x590: {  	[smem:$0x553] =	sst s19;
	s23 =	spop (v2sf);
	s22 =	sshra.s32 s21, $0x1F  }
0x591: {  	(v2sf) =	vpush v5, $0xF;
	[smem:$0x558] =	sst s0;
	s0 =	smul.u32 $0x92492493, s22  }
0x592: {  	[smem:$0x555] =	sst s21;
	s25 =	spop (v2sf);
	s24 =	sshra.s32 s23, $0x1F  }
0x593: {  	(v2sf) =	vpush v5, $0x9;
	[smem:$0x55A] =	sst s0;
	s0 =	smul.u32 $0x92492493, s24  }
0x594: {  	[smem:$0x557] =	sst s23;
	s28 =	spop (v2sf);
	s26 =	sshra.s32 s25, $0x1F  }
0x595: {  	(v2sf) =	vpush v5, $0x8;
	[smem:$0x55C] =	sst s0;
	s0 =	smul.u32 $0x92492493, s26  }
0x596: {  	[smem:$0x559] =	sst s25;
	s30 =	spop (v2sf);
	s29 =	sshra.s32 s28, $0x1F  }
0x597: {  	(v2sf) =	vpush v5, $0xA;
	[smem:$0x55E] =	sst s0;
	s0 =	smul.u32 $0x92492493, s29  }
0x598: {  	[smem:$0x55B] =	sst s28;
	s3 =	spop (v2sf);
	s1 =	sshra.s32 s30, $0x1F  }
0x599: {  	(v2sf) =	vpush v5, $0xB;
	[smem:$0x560] =	sst s0;
	s0 =	smul.u32 $0x92492493, s1  }
0x59a: {  	[smem:$0x55D] =	sst s30;
	s5 =	spop (v2sf);
	s4 =	sshra.s32 s3, $0x1F  }
0x59b: {  	(v2sf) =	vpush v5, $0x1;
	[smem:$0x562] =	sst s0;
	s0 =	smul.u32 $0x92492493, s4  }
0x59c: {  	[smem:$0x55F] =	sst s3;
	s7 =	spop (v2sf);
	s6 =	sshra.s32 s5, $0x1F  }
0x59d: {  	(v2sf) =	vpush v5, $0x0;
	[smem:$0x564] =	sst s0;
	s0 =	smul.u32 $0x92492493, s6  }
0x59e: {  	[smem:$0x561] =	sst s5;
	s9 =	spop (v2sf);
	s8 =	sshra.s32 s7, $0x1F  }
0x59f: {  	(v2sf) =	vpush v5, $0x2;
	[smem:$0x566] =	sst s0;
	s0 =	smul.u32 $0x92492493, s8  }
0x5a0: {  	[smem:$0x563] =	sst s7;
	s11 =	spop (v2sf);
	s10 =	sshra.s32 s9, $0x1F  }
0x5a1: {  	(v2sf) =	vpush v5, $0x3;
	[smem:$0x568] =	sst s0;
	s0 =	smul.u32 $0x92492493, s10  }
0x5a2: {  	[smem:$0x565] =	sst s9;
	s13 =	spop (v2sf);
	s12 =	sshra.s32 s11, $0x1F  }
0x5a3: {  	(v2sf) =	vpush v5, $0x4;
	[smem:$0x56A] =	sst s0;
	s0 =	smul.u32 $0x92492493, s12  }
0x5a4: {  	[smem:$0x567] =	sst s11;
	s15 =	spop (v2sf);
	s14 =	sshra.s32 s13, $0x1F  }
0x5a5: {  	(v2sf) =	vpush v5, $0x5;
	[smem:$0x56C] =	sst s0;
	s0 =	smul.u32 $0x92492493, s14  }
0x5a6: {  	v6 =	vld [tilespmem:s2+$0x40];
	[smem:$0x569] =	sst s13;
	s17 =	spop (v2sf);
	s16 =	sshra.s32 s15, $0x1F  }
0x5a7: {  	(v2sf) =	vpush v5, $0x6;
	[smem:$0x56E] =	sst s0;
	s0 =	smul.u32 $0x92492493, s16  }
0x5a8: {  	[smem:$0x56B] =	sst s15;
	s19 =	spop (v2sf);
	s18 =	sshra.s32 s17, $0x1F  }
0x5a9: {  	(v2sf) =	vpush v5, $0x7;
	[smem:$0x570] =	sst s0;
	s0 =	smul.u32 $0x92492493, s18  }
0x5aa: {  	[smem:$0x56D] =	sst s17;
	s21 =	spop (v2sf);
	s20 =	sshra.s32 s19, $0x1F  }
0x5ab: {  	(v2sf) =	vpush v6, $0xD;
	[smem:$0x572] =	sst s0;
	s0 =	smul.u32 $0x92492493, s20  }
0x5ac: {  	[smem:$0x56F] =	sst s19;
	s23 =	spop (v2sf);
	s22 =	sshra.s32 s21, $0x1F  }
0x5ad: {  	(v2sf) =	vpush v6, $0xC;
	[smem:$0x574] =	sst s0;
	s0 =	smul.u32 $0x92492493, s22  }
0x5ae: {  	[smem:$0x571] =	sst s21;
	s25 =	spop (v2sf);
	s24 =	sshra.s32 s23, $0x1F  }
0x5af: {  	(v2sf) =	vpush v6, $0xE;
	[smem:$0x576] =	sst s0;
	s0 =	smul.u32 $0x92492493, s24  }
0x5b0: {  	[smem:$0x573] =	sst s23;
	s28 =	spop (v2sf);
	s26 =	sshra.s32 s25, $0x1F  }
0x5b1: {  	[smem:$0x578] =	sst s0;
	s0 =	smul.u32 $0x92492493, s26  }
0x5b2: {  	(v2sf) =	vpush v6, $0xF;
	[smem:$0x575] =	sst s25;
	s30 =	spop (v2sf);
	s29 =	sshra.s32 s28, $0x1F  }
0x5b3: {  	(v2sf) =	vpush v6, $0x9;
	[smem:$0x57A] =	sst s0;
	s0 =	smul.u32 $0x92492493, s29  }
0x5b4: {  	v7 =	vld [tilespmem:s2+$0x50];
	(v2sf) =	vpush v6, $0x8;
	[smem:$0x577] =	sst s28;
	s2 =	spop (v2sf);
	s1 =	sshra.s32 s30, $0x1F  }
0x5b5: {  	(v2sf) =	vpush v6, $0xA;
	[smem:$0x57C] =	sst s0;
	s0 =	smul.u32 $0x92492493, s1  }
0x5b6: {  	(v2sf) =	vpush v6, $0xB;
	[smem:$0x579] =	sst s30;
	s3 =	sshra.s32 s2, $0x1F;
	s4 =	spop (v2sf)  }
0x5b7: {  	(v2sf) =	vpush v6, $0x1;
	[smem:$0x57E] =	sst s0;
	s0 =	smul.u32 $0x92492493, s3  }
0x5b8: {  	(v2sf) =	vpush v6, $0x0;
	[smem:$0x57B] =	sst s2;
	s5 =	sshra.s32 s4, $0x1F;
	s6 =	spop (v2sf)  }
0x5b9: {  	(v2sf) =	vpush v6, $0x2;
	[smem:$0x580] =	sst s0;
	s0 =	smul.u32 $0x92492493, s5  }
0x5ba: {  	(v2sf) =	vpush v6, $0x3;
	[smem:$0x57D] =	sst s4;
	s7 =	sshra.s32 s6, $0x1F;
	s8 =	spop (v2sf)  }
0x5bb: {  	(v2sf) =	vpush v6, $0x4;
	[smem:$0x582] =	sst s0;
	s0 =	smul.u32 $0x92492493, s7  }
0x5bc: {  	(v2sf) =	vpush v6, $0x5;
	[smem:$0x57F] =	sst s6;
	s9 =	sshra.s32 s8, $0x1F;
	s10 =	spop (v2sf)  }
0x5bd: {  	(v2sf) =	vpush v6, $0x6;
	[smem:$0x584] =	sst s0;
	s0 =	smul.u32 $0x92492493, s9  }
0x5be: {  	(v2sf) =	vpush v6, $0x7;
	[smem:$0x581] =	sst s8;
	s11 =	sshra.s32 s10, $0x1F;
	s30 =	spop (v2sf)  }
0x5bf: {  	(v2sf) =	vpush v7, $0xD;
	[smem:$0x585] =	sst s0;
	s0 =	smul.u32 $0x92492493, s11  }
0x5c0: {  	(v2sf) =	vpush v7, $0xC;
	[smem:$0x583] =	sst s10;
	s12 =	sshra.s32 s30, $0x1F  }
0x5c1: {  	(v2sf) =	vpush v7, $0xE;
	[smem:$0x586] =	sst s0;
	s0 =	smul.u32 $0x92492493, s12  }
0x5c2: {  	s29 =	spop (v2sf)  }
0x5c3: {  	[smem:$0x587] =	sst s0;
	s13 =	sshra.s32 s29, $0x1F;
	s28 =	spop (v2sf)  }
0x5c4: {  	s0 =	smul.u32 $0x92492493, s13;
	s26 =	spop (v2sf)  }
0x5c5: {  	s14 =	sshra.s32 s28, $0x1F;
	s25 =	spop (v2sf)  }
0x5c6: {  	[smem:$0x588] =	sst s0;
	s0 =	smul.u32 $0x92492493, s14  }
0x5c7: {  	s24 =	spop (v2sf)  }
0x5c8: {  	s15 =	sshra.s32 s26, $0x1F;
	s22 =	spop (v2sf);
	[smem:$0x589] =	sst s0  }
0x5c9: {  	s0 =	smul.u32 $0x92492493, s15;
	s21 =	spop (v2sf)  }
0x5ca: {  	s16 =	sshra.s32 s25, $0x1F;
	s20 =	spop (v2sf)  }
0x5cb: {  	(v2sf) =	vpush v7, $0xF;
	[smem:$0x58A] =	sst s0;
	s0 =	smul.u32 $0x92492493, s16  }
0x5cc: {  	s8 =	spop (v2sf)  }
0x5cd: {  	(v2sf) =	vpush v7, $0x9;
	s17 =	sshra.s32 s24, $0x1F;
	s6 =	spop (v2sf);
	[smem:$0x58B] =	sst s0  }
0x5ce: {  	s0 =	smul.u32 $0x92492493, s17;
	s3 =	sshra.s32 s6, $0x1F;
	s9 =	spop (v2sf)  }
0x5cf: {  	(v2sf) =	vpush v7, $0x8;
	s18 =	sshra.s32 s22, $0x1F;
	s4 =	smul.u32 $0x92492493, s3;
	s12 =	spop (v2sf)  }
0x5d0: {  	(v2sf) =	vpush v7, $0xA;
	s3 =	sshra.s32 s9, $0x1F;
	[smem:$0x58C] =	sst s0;
	s0 =	smul.u32 $0x92492493, s18  }
0x5d1: {  	s5 =	smul.u32 $0x92492493, s3;
	s14 =	spop (v2sf)  }
0x5d2: {  	(v2sf) =	vpush v7, $0xB;
	s19 =	sshra.s32 s21, $0x1F;
	[smem:$0x592] =	sst s4;
	s18 =	spop (v2sf)  }
0x5d3: {  	(v2sf) =	vpush v7, $0x1;
	s4 =	sshra.s32 s12, $0x1F;
	[smem:$0x58D] =	sst s0;
	s0 =	smul.u32 $0x92492493, s19  }
0x5d4: {  	s10 =	sshra.s32 s14, $0x1F;
	[smem:$0x593] =	sst s5;
	s7 =	smul.u32 $0x92492493, s4  }
0x5d5: {  	(v2sf) =	vpush v7, $0x0;
	s23 =	sshra.s32 s20, $0x1F;
	s11 =	smul.u32 $0x92492493, s10;
	s5 =	spop (v2sf)  }
0x5d6: {  	(v2sf) =	vpush v7, $0x2;
	s10 =	sshra.s32 s5, $0x1F;
	[smem:$0x58E] =	sst s0;
	s0 =	smul.u32 $0x92492493, s23  }
0x5d7: {  	[smem:$0x594] =	sst s7;
	s7 =	sshra.s32 s18, $0x1F;
	s15 =	smul.u32 $0x92492493, s10  }
0x5d8: {  	(v2sf) =	vpush v7, $0x3;
	[smem:$0x595] =	sst s11;
	s13 =	smul.u32 $0x92492493, s7  }
0x5d9: {  	s7 =	spop (v2sf);
	[smem:$0x58F] =	sst s0  }
0x5da: {  	(v2sf) =	vpush v7, $0x4;
	s0 =	sshra.s32 s8, $0x1F;
	[smem:$0x597] =	sst s15;
	s10 =	spop (v2sf)  }
0x5db: {  	s11 =	sshra.s32 s7, $0x1F;
	s2 =	smul.u32 $0x92492493, s0;
	[smem:$0x596] =	sst s13  }
0x5dc: {  	(v2sf) =	vpush v7, $0x5;
	s16 =	smul.u32 $0x92492493, s11;
	s13 =	sshra.s32 s10, $0x1F;
	s11 =	spop (v2sf)  }
0x5dd: {  	s17 =	smul.u32 $0x92492493, s13;
	[smem:$0x590] =	sst s2  }
0x5de: {  	s15 =	sshra.s32 s11, $0x1F;
	s13 =	spop (v2sf);
	[smem:$0x598] =	sst s16  }
0x5df: {  	s19 =	smul.u32 $0x92492493, s15;
	s16 =	sshra.s32 s13, $0x1F;
	s15 =	spop (v2sf)  }
0x5e0: {  	[smem:$0x599] =	sst s17;
	s23 =	smul.u32 $0x92492493, s16  }
0x5e1: {  	s17 =	sshra.s32 s15, $0x1F;
	s16 =	spop (v2sf);
	[smem:$0x59A] =	sst s19  }
0x5e2: {  	s1 =	smul.u32 $0x92492493, s17;
	s19 =	sshra.s32 s16, $0x1F;
	s17 =	spop (v2sf)  }
0x5e3: {  	[smem:$0x59B] =	sst s23;
	s2 =	smul.u32 $0x92492493, s19  }
0x5e4: {  	s23 =	sshra.s32 s17, $0x1F;
	s19 =	spop (v2sf);
	[smem:$0x59C] =	sst s1  }
0x5e5: {  	s3 =	smul.u32 $0x92492493, s23;
	s4 =	sshra.s32 s19, $0x1F;
	s23 =	spop (v2sf)  }
0x5e6: {  	[smem:$0x59D] =	sst s2;
	s0 =	smul.u32 $0x92492493, s4  }
0x5e7: {  	s1 =	sshra.s32 s23, $0x1F;
	s2 =	spop (v2sf);
	[smem:$0x59E] =	sst s3  }
0x5e8: {  	[smem:$0x5A1] =	sst s0;
	s0 =	smul.u32 $0x92492493, s1  }
0x5e9: {  	[smem:$0x59F] =	sst s2;
	s3 =	sshra.s32 s2, $0x1F;
	s4 =	spop (v2sf)  }
0x5ea: {  	[smem:$0x5A4] =	sst s0;
	s0 =	smul.u32 $0x92492493, s3  }
0x5eb: {  	[smem:$0x5A2] =	sst s4;
	s2 =	sshra.s32 s4, $0x1F;
	s3 =	spop (v2sf)  }
0x5ec: {  	[smem:$0x5AB] =	sst s0;
	s0 =	smul.u32 $0x92492493, s2  }
0x5ed: {  	s1 =	sld [smem:$0x507];
	s4 =	sshra.s32 s3, $0x1F  }
0x5ee: {  	[smem:$0x5AE] =	sst s0;
	s0 =	smul.u32 $0x92492493, s4  }
0x5ef: {  	_ = 	snop  }
0x5f0: {  	s4 =	smulhi.u32 $0x92492493, s1;
	[smem:$0x5B1] =	sst s0  }
0x5f1: {  	s0 =	sld [smem:$0x508]  }
0x5f2: {  	s2 =	ssub.s32 s4, s1  }
0x5f3: {  	s1 =	smov.u32 s31;
	s4 =	smulhi.u32 $0x92492493, s31;
	s31 =	rddreg [dreg:$0x16]  }
0x5f4: {  	[smem:$0x5A5] =	sst s3;
	s2 =	sadd.s32 s31, s2;
	s3 =	smulhi.u32 $0x92492493, s0  }
0x5f5: {  	[smem:$0x5A6] =	sst s2  }
0x5f6: {  	s0 =	ssub.s32 s3, s0;
	s3 =	rddreg [dreg:$0x1a]  }
0x5f7: {  	s2 =	sld [smem:$0x509];
	s0 =	sadd.s32 s3, s0  }
0x5f8: {  	[smem:$0x5A3] =	sst s0  }
0x5f9: {  	s0 =	ssub.s32 s4, s1;
	s1 =	rddreg [dreg:$0x1e]  }
0x5fa: {  	s31 =	smulhi.u32 $0x92492493, s2;
	s4 =	sld [smem:$0x50A];
	s0 =	sadd.s32 s1, s0  }
0x5fb: {  	[smem:$0x5A8] =	sst s0  }
0x5fc: {  	s0 =	ssub.s32 s31, s2;
	s2 =	sld [smem:$0x50C];
	_ =	sdelay $0x2  }
0x5fd: {  	s31 =	sld [smem:$0x50B];
	s3 =	smulhi.u32 $0x92492493, s4;
	s0 =	sadd.s32 s2, s0  }
0x5fe: {  	[smem:$0x5B2] =	sst s0  }
0x5ff: {  	s0 =	ssub.s32 s3, s4;
	s3 =	sld [smem:$0x50E];
	_ =	sdelay $0x1  }
0x600: {  	s4 =	sld [smem:$0x50D]  }
0x601: {  	s1 =	smulhi.u32 $0x92492493, s31;
	s0 =	sadd.s32 s3, s0;
	s3 =	sld [smem:$0x510]  }
0x602: {  	[smem:$0x5AC] =	sst s0  }
0x603: {  	s0 =	ssub.s32 s1, s31;
	s31 =	sld [smem:$0x50F]  }
0x604: {  	s2 =	smulhi.u32 $0x92492493, s4;
	s0 =	sadd.s32 s3, s0;
	s3 =	sld [smem:$0x512]  }
0x605: {  	[smem:$0x5A9] =	sst s0  }
0x606: {  	s0 =	ssub.s32 s2, s4;
	s4 =	sld [smem:$0x511]  }
0x607: {  	s1 =	smulhi.u32 $0x92492493, s31;
	s0 =	sadd.s32 s3, s0;
	s3 =	sld [smem:$0x514]  }
0x608: {  	[smem:$0x5AF] =	sst s0  }
0x609: {  	s0 =	ssub.s32 s1, s31;
	s31 =	sld [smem:$0x513]  }
0x60a: {  	s2 =	smulhi.u32 $0x92492493, s4;
	s0 =	sadd.s32 s3, s0;
	s3 =	sld [smem:$0x516]  }
0x60b: {  	[smem:$0x5B3] =	sst s0  }
0x60c: {  	s0 =	ssub.s32 s2, s4;
	s4 =	sld [smem:$0x515]  }
0x60d: {  	s1 =	smulhi.u32 $0x92492493, s31;
	s0 =	sadd.s32 s3, s0;
	s3 =	sld [smem:$0x518]  }
0x60e: {  	[smem:$0x5A7] =	sst s0  }
0x60f: {  	s0 =	ssub.s32 s1, s31;
	s31 =	sld [smem:$0x517]  }
0x610: {  	s2 =	smulhi.u32 $0x92492493, s4;
	s0 =	sadd.s32 s3, s0;
	s3 =	sld [smem:$0x51A]  }
0x611: {  	[smem:$0x5A0] =	sst s0  }
0x612: {  	s0 =	ssub.s32 s2, s4;
	s4 =	sld [smem:$0x519]  }
0x613: {  	s1 =	smulhi.u32 $0x92492493, s31;
	s0 =	sadd.s32 s3, s0;
	s3 =	sld [smem:$0x51C]  }
0x614: {  	[smem:$0x5AA] =	sst s0  }
0x615: {  	s0 =	ssub.s32 s1, s31;
	s31 =	sld [smem:$0x51B]  }
0x616: {  	s2 =	smulhi.u32 $0x92492493, s4;
	s0 =	sadd.s32 s3, s0;
	s3 =	sld [smem:$0x51E]  }
0x617: {  	[smem:$0x5AD] =	sst s0  }
0x618: {  	s0 =	ssub.s32 s2, s4;
	s4 =	sld [smem:$0x51D]  }
0x619: {  	s1 =	smulhi.u32 $0x92492493, s31;
	s0 =	sadd.s32 s3, s0;
	s3 =	sld [smem:$0x520]  }
0x61a: {  	[smem:$0x5B0] =	sst s0  }
0x61b: {  	s0 =	ssub.s32 s1, s31;
	s31 =	sld [smem:$0x51F]  }
0x61c: {  	s2 =	smulhi.u32 $0x92492493, s4;
	s0 =	sadd.s32 s3, s0;
	s3 =	sld [smem:$0x522]  }
0x61d: {  	[smem:$0x5B4] =	sst s0  }
0x61e: {  	s0 =	ssub.s32 s2, s4;
	s4 =	sld [smem:$0x521]  }
0x61f: {  	s1 =	smulhi.u32 $0x92492493, s31;
	s0 =	sadd.s32 s3, s0;
	s3 =	sld [smem:$0x524]  }
0x620: {  	[smem:$0x5B5] =	sst s0  }
0x621: {  	s0 =	ssub.s32 s1, s31;
	s31 =	sld [smem:$0x523]  }
0x622: {  	s2 =	smulhi.u32 $0x92492493, s4;
	s0 =	sadd.s32 s3, s0;
	s3 =	sld [smem:$0x526]  }
0x623: {  	[smem:$0x5B7] =	sst s0  }
0x624: {  	s0 =	ssub.s32 s2, s4;
	s4 =	sld [smem:$0x525]  }
0x625: {  	s1 =	smulhi.u32 $0x92492493, s31;
	s0 =	sadd.s32 s3, s0;
	s3 =	sld [smem:$0x528]  }
0x626: {  	[smem:$0x5BA] =	sst s0  }
0x627: {  	s0 =	ssub.s32 s1, s31;
	s31 =	sld [smem:$0x527]  }
0x628: {  	s2 =	smulhi.u32 $0x92492493, s4;
	s0 =	sadd.s32 s3, s0;
	s3 =	sld [smem:$0x52A]  }
0x629: {  	[smem:$0x5B8] =	sst s0  }
0x62a: {  	s0 =	ssub.s32 s2, s4;
	s4 =	sld [smem:$0x529]  }
0x62b: {  	s1 =	smulhi.u32 $0x92492493, s31;
	s0 =	sadd.s32 s3, s0;
	s3 =	sld [smem:$0x52C]  }
0x62c: {  	[smem:$0x5BE] =	sst s0  }
0x62d: {  	s0 =	ssub.s32 s1, s31;
	s31 =	sld [smem:$0x52B]  }
0x62e: {  	s2 =	smulhi.u32 $0x92492493, s4;
	s0 =	sadd.s32 s3, s0;
	s3 =	sld [smem:$0x52E]  }
0x62f: {  	[smem:$0x5C1] =	sst s0  }
0x630: {  	s0 =	ssub.s32 s2, s4;
	s4 =	sld [smem:$0x52D]  }
0x631: {  	s1 =	smulhi.u32 $0x92492493, s31;
	s0 =	sadd.s32 s3, s0;
	s3 =	sld [smem:$0x530]  }
0x632: {  	[smem:$0x5BF] =	sst s0  }
0x633: {  	s0 =	ssub.s32 s1, s31;
	s31 =	sld [smem:$0x52F]  }
0x634: {  	s2 =	smulhi.u32 $0x92492493, s4;
	s0 =	sadd.s32 s3, s0;
	s3 =	sld [smem:$0x532]  }
0x635: {  	[smem:$0x5BC] =	sst s0  }
0x636: {  	s0 =	ssub.s32 s2, s4;
	s4 =	sld [smem:$0x531]  }
0x637: {  	s1 =	smulhi.u32 $0x92492493, s31;
	s0 =	sadd.s32 s3, s0;
	s3 =	sld [smem:$0x534]  }
0x638: {  	[smem:$0x5C2] =	sst s0  }
0x639: {  	s0 =	ssub.s32 s1, s31;
	s31 =	sld [smem:$0x533]  }
0x63a: {  	s2 =	smulhi.u32 $0x92492493, s4;
	s0 =	sadd.s32 s3, s0;
	s3 =	sld [smem:$0x536]  }
0x63b: {  	[smem:$0x5C4] =	sst s0  }
0x63c: {  	s0 =	ssub.s32 s2, s4;
	s4 =	sld [smem:$0x535]  }
0x63d: {  	s1 =	smulhi.u32 $0x92492493, s31;
	s0 =	sadd.s32 s3, s0;
	s3 =	sld [smem:$0x538]  }
0x63e: {  	[smem:$0x5B9] =	sst s0  }
0x63f: {  	s0 =	ssub.s32 s1, s31;
	s31 =	sld [smem:$0x537]  }
0x640: {  	s2 =	smulhi.u32 $0x92492493, s4;
	s0 =	sadd.s32 s3, s0;
	s3 =	sld [smem:$0x53A]  }
0x641: {  	[smem:$0x5B6] =	sst s0  }
0x642: {  	s0 =	ssub.s32 s2, s4;
	s4 =	sld [smem:$0x539]  }
0x643: {  	s1 =	smulhi.u32 $0x92492493, s31;
	s0 =	sadd.s32 s3, s0;
	s3 =	sld [smem:$0x53C]  }
0x644: {  	[smem:$0x5BB] =	sst s0  }
0x645: {  	s0 =	ssub.s32 s1, s31;
	s31 =	sld [smem:$0x53B]  }
0x646: {  	s2 =	smulhi.u32 $0x92492493, s4;
	s0 =	sadd.s32 s3, s0;
	s3 =	sld [smem:$0x53E]  }
0x647: {  	[smem:$0x5BD] =	sst s0  }
0x648: {  	s0 =	ssub.s32 s2, s4;
	s4 =	sld [smem:$0x53D]  }
0x649: {  	s1 =	smulhi.u32 $0x92492493, s31;
	s0 =	sadd.s32 s3, s0;
	s3 =	sld [smem:$0x540]  }
0x64a: {  	[smem:$0x5C0] =	sst s0  }
0x64b: {  	s0 =	ssub.s32 s1, s31;
	s31 =	sld [smem:$0x53F]  }
0x64c: {  	s2 =	smulhi.u32 $0x92492493, s4;
	s0 =	sadd.s32 s3, s0;
	s3 =	sld [smem:$0x542]  }
0x64d: {  	[smem:$0x5C3] =	sst s0  }
0x64e: {  	s0 =	ssub.s32 s2, s4;
	s4 =	sld [smem:$0x541]  }
0x64f: {  	s1 =	smulhi.u32 $0x92492493, s31;
	s0 =	sadd.s32 s3, s0;
	s3 =	sld [smem:$0x544]  }
0x650: {  	[smem:$0x5C5] =	sst s0  }
0x651: {  	s0 =	ssub.s32 s1, s31;
	s31 =	sld [smem:$0x543]  }
0x652: {  	s2 =	smulhi.u32 $0x92492493, s4;
	s0 =	sadd.s32 s3, s0;
	s3 =	sld [smem:$0x546]  }
0x653: {  	[smem:$0x5C8] =	sst s0  }
0x654: {  	s0 =	ssub.s32 s2, s4;
	s4 =	sld [smem:$0x545]  }
0x655: {  	s1 =	smulhi.u32 $0x92492493, s31;
	s0 =	sadd.s32 s3, s0;
	s3 =	sld [smem:$0x548]  }
0x656: {  	[smem:$0x5C9] =	sst s0  }
0x657: {  	s0 =	ssub.s32 s1, s31;
	s31 =	sld [smem:$0x547]  }
0x658: {  	s2 =	smulhi.u32 $0x92492493, s4;
	s0 =	sadd.s32 s3, s0;
	s3 =	sld [smem:$0x54A]  }
0x659: {  	[smem:$0x5C7] =	sst s0  }
0x65a: {  	s0 =	ssub.s32 s2, s4;
	s4 =	sld [smem:$0x549]  }
0x65b: {  	s1 =	smulhi.u32 $0x92492493, s31;
	s0 =	sadd.s32 s3, s0;
	s3 =	sld [smem:$0x54C]  }
0x65c: {  	[smem:$0x5CB] =	sst s0  }
0x65d: {  	s0 =	ssub.s32 s1, s31;
	s31 =	sld [smem:$0x54B]  }
0x65e: {  	s2 =	smulhi.u32 $0x92492493, s4;
	s0 =	sadd.s32 s3, s0;
	s3 =	sld [smem:$0x54E]  }
0x65f: {  	[smem:$0x5CE] =	sst s0  }
0x660: {  	s0 =	ssub.s32 s2, s4;
	s4 =	sld [smem:$0x54D]  }
0x661: {  	s1 =	smulhi.u32 $0x92492493, s31;
	s0 =	sadd.s32 s3, s0;
	s3 =	sld [smem:$0x550]  }
0x662: {  	[smem:$0x5CF] =	sst s0  }
0x663: {  	s0 =	ssub.s32 s1, s31;
	s31 =	sld [smem:$0x54F]  }
0x664: {  	s2 =	smulhi.u32 $0x92492493, s4;
	s0 =	sadd.s32 s3, s0;
	s3 =	sld [smem:$0x552]  }
0x665: {  	[smem:$0x5CC] =	sst s0  }
0x666: {  	s0 =	ssub.s32 s2, s4;
	s4 =	sld [smem:$0x551]  }
0x667: {  	s1 =	smulhi.u32 $0x92492493, s31;
	s0 =	sadd.s32 s3, s0;
	s3 =	sld [smem:$0x554]  }
0x668: {  	[smem:$0x5D1] =	sst s0  }
0x669: {  	s0 =	ssub.s32 s1, s31;
	s31 =	sld [smem:$0x553]  }
0x66a: {  	s2 =	smulhi.u32 $0x92492493, s4;
	s0 =	sadd.s32 s3, s0;
	s3 =	sld [smem:$0x556]  }
0x66b: {  	[smem:$0x5D3] =	sst s0  }
0x66c: {  	s0 =	ssub.s32 s2, s4;
	s4 =	sld [smem:$0x555]  }
0x66d: {  	s1 =	smulhi.u32 $0x92492493, s31;
	s0 =	sadd.s32 s3, s0;
	s3 =	sld [smem:$0x558]  }
0x66e: {  	[smem:$0x5CA] =	sst s0  }
0x66f: {  	s0 =	ssub.s32 s1, s31;
	s31 =	sld [smem:$0x557]  }
0x670: {  	s2 =	smulhi.u32 $0x92492493, s4;
	s0 =	sadd.s32 s3, s0;
	s3 =	sld [smem:$0x55A]  }
0x671: {  	[smem:$0x5C6] =	sst s0  }
0x672: {  	s0 =	ssub.s32 s2, s4;
	s4 =	sld [smem:$0x559]  }
0x673: {  	s1 =	smulhi.u32 $0x92492493, s31;
	s0 =	sadd.s32 s3, s0;
	s3 =	sld [smem:$0x55C]  }
0x674: {  	[smem:$0x5CD] =	sst s0  }
0x675: {  	s0 =	ssub.s32 s1, s31;
	s31 =	sld [smem:$0x55B]  }
0x676: {  	s2 =	smulhi.u32 $0x92492493, s4;
	s0 =	sadd.s32 s3, s0;
	s3 =	sld [smem:$0x55E]  }
0x677: {  	[smem:$0x5D0] =	sst s0  }
0x678: {  	s0 =	ssub.s32 s2, s4;
	s4 =	sld [smem:$0x55D]  }
0x679: {  	s1 =	smulhi.u32 $0x92492493, s31;
	s0 =	sadd.s32 s3, s0;
	s3 =	sld [smem:$0x560]  }
0x67a: {  	[smem:$0x5D2] =	sst s0  }
0x67b: {  	s0 =	ssub.s32 s1, s31;
	s31 =	sld [smem:$0x55F]  }
0x67c: {  	s2 =	smulhi.u32 $0x92492493, s4;
	s0 =	sadd.s32 s3, s0;
	s3 =	sld [smem:$0x562]  }
0x67d: {  	[smem:$0x5D4] =	sst s0  }
0x67e: {  	s0 =	ssub.s32 s2, s4;
	s4 =	sld [smem:$0x561]  }
0x67f: {  	s1 =	smulhi.u32 $0x92492493, s31;
	s0 =	sadd.s32 s3, s0;
	s3 =	sld [smem:$0x564]  }
0x680: {  	[smem:$0x5D6] =	sst s0  }
0x681: {  	s0 =	ssub.s32 s1, s31;
	s31 =	sld [smem:$0x563]  }
0x682: {  	s2 =	smulhi.u32 $0x92492493, s4;
	s0 =	sadd.s32 s3, s0;
	s3 =	sld [smem:$0x566]  }
0x683: {  	[smem:$0x5D8] =	sst s0  }
0x684: {  	s0 =	ssub.s32 s2, s4;
	s4 =	sld [smem:$0x565]  }
0x685: {  	s1 =	smulhi.u32 $0x92492493, s31;
	s0 =	sadd.s32 s3, s0;
	s3 =	sld [smem:$0x568]  }
0x686: {  	[smem:$0x5D9] =	sst s0  }
0x687: {  	s0 =	ssub.s32 s1, s31;
	s31 =	sld [smem:$0x567]  }
0x688: {  	s2 =	smulhi.u32 $0x92492493, s4;
	s0 =	sadd.s32 s3, s0;
	s3 =	sld [smem:$0x56A]  }
0x689: {  	[smem:$0x5D7] =	sst s0  }
0x68a: {  	s0 =	ssub.s32 s2, s4;
	s4 =	sld [smem:$0x569]  }
0x68b: {  	s1 =	smulhi.u32 $0x92492493, s31;
	s0 =	sadd.s32 s3, s0;
	s3 =	sld [smem:$0x56C]  }
0x68c: {  	[smem:$0x5DD] =	sst s0  }
0x68d: {  	s0 =	ssub.s32 s1, s31;
	s31 =	sld [smem:$0x56B]  }
0x68e: {  	s2 =	smulhi.u32 $0x92492493, s4;
	s0 =	sadd.s32 s3, s0;
	s3 =	sld [smem:$0x56E]  }
0x68f: {  	[smem:$0x5E2] =	sst s0  }
0x690: {  	s0 =	ssub.s32 s2, s4;
	s4 =	sld [smem:$0x56D]  }
0x691: {  	s1 =	smulhi.u32 $0x92492493, s31;
	s0 =	sadd.s32 s3, s0;
	s3 =	sld [smem:$0x570]  }
0x692: {  	[smem:$0x5DE] =	sst s0  }
0x693: {  	s0 =	ssub.s32 s1, s31;
	s31 =	sld [smem:$0x56F]  }
0x694: {  	s2 =	smulhi.u32 $0x92492493, s4;
	s0 =	sadd.s32 s3, s0;
	s3 =	sld [smem:$0x572]  }
0x695: {  	[smem:$0x5DB] =	sst s0  }
0x696: {  	s0 =	ssub.s32 s2, s4;
	s4 =	sld [smem:$0x571]  }
0x697: {  	s1 =	smulhi.u32 $0x92492493, s31;
	s0 =	sadd.s32 s3, s0;
	s3 =	sld [smem:$0x574]  }
0x698: {  	[smem:$0x5E0] =	sst s0  }
0x699: {  	s0 =	ssub.s32 s1, s31;
	s31 =	sld [smem:$0x573]  }
0x69a: {  	s2 =	smulhi.u32 $0x92492493, s4;
	s0 =	sadd.s32 s3, s0;
	s3 =	sld [smem:$0x576]  }
0x69b: {  	[smem:$0x5E3] =	sst s0  }
0x69c: {  	s0 =	ssub.s32 s2, s4;
	s4 =	sld [smem:$0x575]  }
0x69d: {  	s1 =	smulhi.u32 $0x92492493, s31;
	s0 =	sadd.s32 s3, s0;
	s3 =	sld [smem:$0x578]  }
0x69e: {  	[smem:$0x5DA] =	sst s0  }
0x69f: {  	s0 =	ssub.s32 s1, s31;
	s31 =	sld [smem:$0x577]  }
0x6a0: {  	s2 =	smulhi.u32 $0x92492493, s4;
	s0 =	sadd.s32 s3, s0;
	s3 =	sld [smem:$0x57A]  }
0x6a1: {  	[smem:$0x5D5] =	sst s0  }
0x6a2: {  	s0 =	ssub.s32 s2, s4;
	s4 =	sld [smem:$0x579]  }
0x6a3: {  	s1 =	smulhi.u32 $0x92492493, s31;
	s0 =	sadd.s32 s3, s0;
	s3 =	sld [smem:$0x57C]  }
0x6a4: {  	[smem:$0x5DC] =	sst s0  }
0x6a5: {  	s0 =	ssub.s32 s1, s31;
	s31 =	sld [smem:$0x57B]  }
0x6a6: {  	s2 =	smulhi.u32 $0x92492493, s4;
	s0 =	sadd.s32 s3, s0;
	s3 =	sld [smem:$0x57E]  }
0x6a7: {  	[smem:$0x5DF] =	sst s0  }
0x6a8: {  	s0 =	ssub.s32 s2, s4;
	s4 =	sld [smem:$0x57D]  }
0x6a9: {  	s1 =	smulhi.u32 $0x92492493, s31;
	s0 =	sadd.s32 s3, s0;
	s3 =	sld [smem:$0x580]  }
0x6aa: {  	[smem:$0x5E1] =	sst s0  }
0x6ab: {  	s0 =	ssub.s32 s1, s31;
	s31 =	sld [smem:$0x57F]  }
0x6ac: {  	s2 =	smulhi.u32 $0x92492493, s4;
	s0 =	sadd.s32 s3, s0;
	s3 =	sld [smem:$0x582]  }
0x6ad: {  	[smem:$0x5E4] =	sst s0  }
0x6ae: {  	s0 =	ssub.s32 s2, s4;
	s4 =	sld [smem:$0x581]  }
0x6af: {  	s1 =	smulhi.u32 $0x92492493, s31;
	s0 =	sadd.s32 s3, s0;
	s3 =	sld [smem:$0x584]  }
0x6b0: {  	[smem:$0x5E5] =	sst s0  }
0x6b1: {  	s2 =	smulhi.u32 $0x92492493, s4;
	s0 =	ssub.s32 s1, s31;
	s31 =	sld [smem:$0x583]  }
0x6b2: {  	_ = 	snop  }
0x6b3: {  	s0 =	sadd.s32 s3, s0;
	s3 =	ssub.s32 s2, s4;
	s4 =	sld [smem:$0x585]  }
0x6b4: {  	s1 =	smulhi.u32 $0x92492493, s31  }
0x6b5: {  	[smem:$0x5E7] =	sst s0  }
0x6b6: {  	s0 =	sadd.s32 s4, s3;
	s4 =	ssub.s32 s1, s31;
	s31 =	sld [smem:$0x586]  }
0x6b7: {  	_ = 	snop  }
0x6b8: {  	[smem:$0x5E9] =	sst s0  }
0x6b9: {  	s2 =	smulhi.u32 $0x92492493, s30;
	s0 =	sadd.s32 s31, s4;
	s31 =	sld [smem:$0x587]  }
0x6ba: {  	s1 =	smulhi.u32 $0x92492493, s29  }
0x6bb: {  	s4 =	ssub.s32 s2, s30;
	s30 =	smulhi.u32 $0x92492493, s28;
	[smem:$0x5E8] =	sst s0  }
0x6bc: {  	s0 =	sadd.s32 s31, s4;
	s4 =	sld [smem:$0x588]  }
0x6bd: {  	s3 =	ssub.s32 s1, s29;
	s29 =	ssub.s32 s30, s28;
	s28 =	sld [smem:$0x58A]  }
0x6be: {  	s1 =	smulhi.u32 $0x92492493, s26;
	s31 =	sld [smem:$0x589]  }
0x6bf: {  	[smem:$0x5EB] =	sst s0;
	s0 =	sadd.s32 s4, s3  }
0x6c0: {  	s4 =	ssub.s32 s1, s26;
	[smem:$0x5EE] =	sst s0  }
0x6c1: {  	s26 =	smulhi.u32 $0x92492493, s24;
	s0 =	sadd.s32 s31, s29;
	s31 =	sld [smem:$0x58B]  }
0x6c2: {  	[smem:$0x5EF] =	sst s0  }
0x6c3: {  	s30 =	smulhi.u32 $0x92492493, s25;
	s3 =	ssub.s32 s26, s24;
	s24 =	sld [smem:$0x58C]  }
0x6c4: {  	s0 =	sadd.s32 s28, s4;
	s28 =	sld [smem:$0x58D]  }
0x6c5: {  	s29 =	ssub.s32 s30, s25;
	s4 =	smulhi.u32 $0x92492493, s21;
	[smem:$0x5EC] =	sst s0  }
0x6c6: {  	s30 =	smulhi.u32 $0x92492493, s22;
	s0 =	sadd.s32 s31, s29;
	s31 =	sld [smem:$0x58E]  }
0x6c7: {  	s26 =	smulhi.u32 $0x92492493, s20;
	s29 =	ssub.s32 s4, s21;
	s21 =	sld [smem:$0x58F]  }
0x6c8: {  	s25 =	ssub.s32 s30, s22;
	[smem:$0x5F1] =	sst s0;
	s0 =	sadd.s32 s24, s3  }
0x6c9: {  	s4 =	ssub.s32 s26, s20;
	s20 =	smulhi.u32 $0x92492493, s6;
	[smem:$0x5F3] =	sst s0  }
0x6ca: {  	s0 =	sadd.s32 s28, s25;
	s25 =	sld [smem:$0x590]  }
0x6cb: {  	s26 =	ssub.s32 s20, s6;
	s6 =	sld [smem:$0x591]  }
0x6cc: {  	[smem:$0x5EA] =	sst s0  }
0x6cd: {  	s30 =	smulhi.u32 $0x92492493, s8;
	s0 =	sadd.s32 s31, s29;
	s29 =	sld [smem:$0x592]  }
0x6ce: {  	s28 =	smulhi.u32 $0x92492493, s12;
	[smem:$0x5E6] =	sst s0  }
0x6cf: {  	s0 =	sadd.s32 s21, s4;
	s4 =	sld [smem:$0x593]  }
0x6d0: {  	s22 =	ssub.s32 s30, s8;
	s8 =	ssub.s32 s28, s12;
	s12 =	sld [smem:$0x594]  }
0x6d1: {  	s21 =	sld [smem:$0x595]  }
0x6d2: {  	s24 =	smulhi.u32 $0x92492493, s9;
	[smem:$0x5ED] =	sst s0  }
0x6d3: {  	s0 =	sadd.s32 s25, s22;
	s25 =	sld [smem:$0x596]  }
0x6d4: {  	s20 =	smulhi.u32 $0x92492493, s5;
	s30 =	ssub.s32 s24, s9;
	[smem:$0x5F0] =	sst s0  }
0x6d5: {  	s28 =	smulhi.u32 $0x92492493, s10;
	s0 =	sadd.s32 s29, s26;
	s29 =	sld [smem:$0x597]  }
0x6d6: {  	s31 =	smulhi.u32 $0x92492493, s14;
	s26 =	ssub.s32 s20, s5;
	s20 =	sld [smem:$0x59C]  }
0x6d7: {  	s9 =	smulhi.u32 $0x92492493, s18;
	s5 =	ssub.s32 s28, s10;
	s28 =	sld [smem:$0x59E]  }
0x6d8: {  	s14 =	ssub.s32 s31, s14;
	s31 =	smulhi.u32 $0x92492493, s11;
	[smem:$0x5F2] =	sst s0  }
0x6d9: {  	s24 =	smulhi.u32 $0x92492493, s7;
	s0 =	sadd.s32 s4, s30;
	s4 =	sld [smem:$0x598]  }
0x6da: {  	s22 =	ssub.s32 s9, s18;
	s9 =	ssub.s32 s31, s11;
	s11 =	sld [smem:$0x59A]  }
0x6db: {  	s30 =	ssub.s32 s24, s7;
	s24 =	sld [smem:$0x59D]  }
0x6dc: {  	s10 =	smulhi.u32 $0x92492493, s15;
	[smem:$0x5F4] =	sst s0  }
0x6dd: {  	s0 =	sadd.s32 s12, s8;
	s8 =	sld [smem:$0x599]  }
0x6de: {  	(v2sf) =	vpush v7, $0x6;
	s15 =	ssub.s32 s10, s15;
	s10 =	sld [smem:$0x5A2]  }
0x6df: {  	s7 =	smulhi.u32 $0x92492493, s13;
	[smem:$0x5F5] =	sst s0  }
0x6e0: {  	s0 =	sadd.s32 s21, s14;
	s14 =	sld [smem:$0x59B]  }
0x6e1: {  	s18 =	smulhi.u32 $0x92492493, s17;
	s12 =	ssub.s32 s7, s13;
	s7 =	sld [smem:$0x5A0]  }
0x6e2: {  	[smem:$0x5F6] =	sst s0  }
0x6e3: {  	s0 =	sadd.s32 s25, s22;
	s25 =	ssub.s32 s18, s17;
	s17 =	sld [smem:$0x5A6]  }
0x6e4: {  	s13 =	smulhi.u32 $0x92492493, s16;
	s18 =	sld [smem:$0x5A7]  }
0x6e5: {  	[smem:$0x5F8] =	sst s0  }
0x6e6: {  	s0 =	sadd.s32 s29, s26;
	s21 =	ssub.s32 s13, s16;
	s13 =	sld [smem:$0x5A4]  }
0x6e7: {  	s22 =	smulhi.u32 $0x92492493, s19;
	[smem:$0x5F7] =	sst s0  }
0x6e8: {  	s0 =	sadd.s32 s4, s30;
	s30 =	sld [smem:$0x59F]  }
0x6e9: {  	s29 =	ssub.s32 s22, s19;
	s22 =	sld [smem:$0x5A9]  }
0x6ea: {  	v9 =	vmov s7;
	s7 =	sld [smem:$0x5B0]  }
0x6eb: {  	[smem:$0x5FB] =	sst s0  }
0x6ec: {  	s26 =	smulhi.u32 $0x92492493, s23;
	s0 =	sadd.s32 s8, s5;
	s8 =	sld [smem:$0x5A1]  }
0x6ed: {  	s16 =	spop (v2sf);
	s5 =	sld [smem:$0x5AF]  }
0x6ee: {  	s19 =	smulhi.u32 $0x92492493, s16;
	[smem:$0x600] =	sst s0  }
0x6ef: {  	s0 =	sadd.s32 s11, s9;
	s9 =	ssub.s32 s26, s23;
	s23 =	sld [smem:$0x5AA]  }
0x6f0: {  	s4 =	ssub.s32 s19, s16;
	s19 =	sld [smem:$0x5B7]  }
0x6f1: {  	[smem:$0x5FC] =	sst s0  }
0x6f2: {  	s0 =	sadd.s32 s14, s12;
	s12 =	sld [smem:$0x5A3]  }
0x6f3: {  	s14 =	sld [smem:$0x5A5]  }
0x6f4: {  	v11 =	vmov s22;
	s22 =	sld [smem:$0x5B8]  }
0x6f5: {  	[smem:$0x5F9] =	sst s0  }
0x6f6: {  	s0 =	sadd.s32 s20, s15;
	s20 =	sshra.s32 s16, $0x1F;
	s16 =	sld [smem:$0x5B5]  }
0x6f7: {  	[smem:$0x5FE] =	sst s0  }
0x6f8: {  	s31 =	smulhi.u32 $0x92492493, s30;
	s0 =	sadd.s32 s24, s21;
	s21 =	sld [smem:$0x5A8]  }
0x6f9: {  	s24 =	sld [smem:$0x5AB]  }
0x6fa: {  	v9 =	vnsel vm3, $0x0, v9;
	s1 =	ssub.s32 s31, s30;
	s30 =	sld [smem:$0x5AD]  }
0x6fb: {  	(v2sf) =	vpush v7, $0x7;
	v9 =	vsel vm0, s18, v9;
	s31 =	sld [smem:$0x5AE]  }
0x6fc: {  	v9 =	vsel vm1, s23, v9;
	s23 =	sld [smem:$0x5B9]  }
0x6fd: {  	s11 =	smulhi.u32 $0x92492493, s10;
	[smem:$0x601] =	sst s0  }
0x6fe: {  	s0 =	sadd.s32 s28, s25;
	s28 =	sadd.s32 s8, s29;
	s29 =	sld [smem:$0x5AC]  }
0x6ff: {  	s8 =	sld [smem:$0x5B1]  }
0x700: {  	v8 =	vld [tilespmem:s6+$0x60];
	s25 =	ssub.s32 s11, s10;
	s11 =	sld [smem:$0x5B2]  }
0x701: {  	v10 =	vmov s12;
	s12 =	sld [smem:$0x5B3]  }
0x702: {  	v14 =	vmov s22;
	s22 =	sld [smem:$0x5C6]  }
0x703: {  	[smem:$0x5FA] =	sst s0  }
0x704: {  	s26 =	smul.u32 $0x92492493, s20;
	s0 =	sadd.s32 s13, s9;
	s13 =	sld [smem:$0x5B4]  }
0x705: {  	(v2sf) =	vpush v8, $0xD;
	v10 =	vsel vm0, s17, v10;
	s17 =	sld [smem:$0x5B6]  }
0x706: {  	(v2sf) =	vpush v8, $0xC;
	s9 =	sadd.s32 s26, s4;
	[smem:$0x5FD] =	sst s0  }
0x707: {  	[smem:$0x602] =	sst s9  }
0x708: {  	(v2sf) =	vpush v8, $0xE;
	s15 =	smulhi.u32 $0x92492493, s14;
	s1 =	sadd.s32 s24, s1;
	s24 =	sld [smem:$0x5BA]  }
0x709: {  	s31 =	sadd.s32 s31, s25;
	s25 =	sld [smem:$0x5BB]  }
0x70a: {  	s10 =	spop (v2sf);
	s0 =	ssub.s32 s15, s14;
	s9 =	sld [smem:$0x5BC]  }
0x70b: {  	s14 =	smulhi.u32 $0x92492493, s10;
	s15 =	sshra.s32 s10, $0x1F;
	[smem:$0x5FF] =	sst s1  }
0x70c: {  	(v2sf) =	vpush v8, $0xF;
	s2 =	smul.u32 $0x92492493, s15;
	s15 =	sld [smem:$0x5C0]  }
0x70d: {  	(v2sf) =	vpush v8, $0x9;
	v11 =	vsel vm0, s29, v11;
	s29 =	sadd.s32 s8, s0;
	s0 =	ssub.s32 s14, s10;
	s10 =	sld [smem:$0x5BD]  }
0x70e: {  	(v2sf) =	vpush v8, $0x8;
	s14 =	sld [smem:$0x5BF]  }
0x70f: {  	v9 =	vsel vm2, s30, v9;
	v12 =	vsel vm1, s5, v11;
	v13 =	vmov s17;
	s17 =	sld [smem:$0x5C1]  }
0x710: {  	v10 =	vsel vm1, s21, v10;
	v9 =	vsel vm4, s7, v9;
	v12 =	vsel vm2, s12, v12;
	s12 =	sld [smem:$0x5BE]  }
0x711: {  	v11 =	vsel vm2, s11, v10;
	v10 =	vsel vm5, s13, v9;
	s0 =	sadd.s32 s2, s0;
	v15 =	vmov s9;
	s9 =	sld [smem:$0x5C7]  }
0x712: {  	(v2sf) =	vpush v8, $0xA;
	v10 =	vsel vm6, s16, v10;
	[smem:$0x603] =	sst s0  }
0x713: {  	v13 =	vnsel vm3, $0x0, v13;
	v10 =	vsel vm7, s19, v10;
	s19 =	sld [smem:$0x5C3]  }
0x714: {  	(v2sf) =	vpush v8, $0xB;
	v13 =	vsel vm0, s23, v13;
	s3 =	spop (v2sf);
	v15 =	vsel vm0, s14, v15;
	s14 =	sld [smem:$0x5C8]  }
0x715: {  	(v2sf) =	vpush v8, $0x1;
	v13 =	vsel vm1, s25, v13;
	s18 =	sshra.s32 s3, $0x1F;
	s5 =	spop (v2sf);
	s26 =	smulhi.u32 $0x92492493, s3  }
0x716: {  	v14 =	vsel vm0, s24, v14;
	v13 =	vsel vm2, s10, v13;
	s20 =	smul.u32 $0x92492493, s18;
	s18 =	sld [smem:$0x5C2]  }
0x717: {  	v14 =	vsel vm1, s12, v14;
	s7 =	spop (v2sf);
	v16 =	vsel vm4, s15, v13;
	s15 =	sld [smem:$0x5C9]  }
0x718: {  	(v2sf) =	vpush v8, $0x0;
	s21 =	sshra.s32 s5, $0x1F;
	v13 =	vsel vm2, s17, v14;
	s23 =	smulhi.u32 $0x92492493, s5;
	s17 =	sld [smem:$0x5CB]  }
0x719: {  	(v2sf) =	vpush v8, $0x2;
	s2 =	smul.u32 $0x92492493, s21;
	s3 =	ssub.s32 s26, s3;
	s21 =	sld [smem:$0x5C5]  }
0x71a: {  	s30 =	sshra.s32 s7, $0x1F;
	s25 =	sadd.s32 s20, s3;
	s20 =	sld [smem:$0x5C4]  }
0x71b: {  	(v2sf) =	vpush v8, $0x3;
	s0 =	spop (v2sf);
	s1 =	ssub.s32 s23, s5;
	s23 =	sld [smem:$0x5CF]  }
0x71c: {  	s8 =	smul.u32 $0x92492493, s30;
	s5 =	sld [smem:$0x5D0]  }
0x71d: {  	s13 =	spop (v2sf);
	s11 =	sshra.s32 s0, $0x1F;
	v14 =	vsel vm1, s18, v15;
	s18 =	sld [smem:$0x5CC]  }
0x71e: {  	v17 =	vmov s9;
	s30 =	smul.u32 $0x92492493, s11;
	s16 =	sshra.s32 s13, $0x1F;
	v15 =	vsel vm5, s19, v16;
	s19 =	sld [smem:$0x5CD]  }
0x71f: {  	v17 =	vsel vm0, s15, v17;
	s12 =	smul.u32 $0x92492493, s16;
	s16 =	sld [smem:$0x5CA]  }
0x720: {  	v9 =	vld [tilespmem:s6+$0x70];
	s6 =	spop (v2sf);
	v17 =	vsel vm1, s17, v17;
	s17 =	sld [smem:$0x5D1]  }
0x721: {  	s10 =	spop (v2sf);
	v16 =	vsel vm2, s20, v14;
	v14 =	vsel vm6, s21, v15;
	v15 =	vmov s22;
	s22 =	sld [smem:$0x5CE]  }
0x722: {  	s20 =	smulhi.u32 $0x92492493, s7;
	v18 =	vmov s18;
	s18 =	sld [smem:$0x5D2]  }
0x723: {  	s24 =	spop (v2sf);
	s11 =	sshra.s32 s10, $0x1F;
	v15 =	vnsel vm3, $0x0, v15;
	v14 =	vsel vm7, s14, v14;
	s14 =	sld [smem:$0x5D7]  }
0x724: {  	s3 =	spop (v2sf);
	v15 =	vsel vm0, s16, v15;
	s7 =	ssub.s32 s20, s7;
	s20 =	sld [smem:$0x5D4]  }
0x725: {  	s15 =	smul.u32 $0x92492493, s11;
	s21 =	sshra.s32 s3, $0x1F;
	v19 =	vsel vm1, s19, v15;
	s19 =	sld [smem:$0x5D3]  }
0x726: {  	s9 =	smul.u32 $0x92492493, s21;
	s21 =	sld [smem:$0x5D5]  }
0x727: {  	s11 =	spop (v2sf);
	v15 =	vsel vm2, s22, v17;
	s22 =	sadd.s32 s2, s1;
	s2 =	sld [smem:$0x5D6]  }
0x728: {  	v17 =	vsel vm0, s23, v18;
	s16 =	sshra.s32 s11, $0x1F;
	s1 =	sld [smem:$0x5DB];
	v18 =	vsel vm2, s5, v19;
	s5 =	spop (v2sf)  }
0x729: {  	v20 =	vmov s14;
	s14 =	sld [smem:$0x5DC];
	v18 =	vsel vm4, s18, v18;
	s18 =	smul.u32 $0x92492493, s16  }
0x72a: {  	s23 =	sshra.s32 s5, $0x1F;
	s4 =	spop (v2sf);
	v18 =	vsel vm5, s20, v18;
	s20 =	sld [smem:$0x5D9]  }
0x72b: {  	v19 =	vmov s21;
	s21 =	sadd.s32 s8, s7;
	s7 =	smul.u32 $0x92492493, s23;
	s23 =	sld [smem:$0x5DA]  }
0x72c: {  	(v2sf) =	vpush v8, $0x4;
	v17 =	vsel vm1, s17, v17;
	s16 =	smulhi.u32 $0x92492493, s0;
	s17 =	sshra.s32 s4, $0x1F;
	v21 =	vmov s1;
	s1 =	sld [smem:$0x5DE]  }
0x72d: {  	(v2sf) =	vpush v8, $0x5;
	s8 =	smul.u32 $0x92492493, s17;
	s17 =	sld [smem:$0x5DD]  }
0x72e: {  	(v2sf) =	vpush v8, $0x6;
	v17 =	vsel vm2, s19, v17;
	s19 =	sld [smem:$0x5D8]  }
0x72f: {  	v19 =	vnsel vm3, $0x0, v19;
	s16 =	ssub.s32 s16, s0;
	v20 =	vsel vm0, s20, v20;
	v21 =	vsel vm0, s1, v21;
	s1 =	sld [smem:$0x5E2]  }
0x730: {  	(v2sf) =	vpush v8, $0x7;
	v19 =	vsel vm0, s23, v19;
	v20 =	vsel vm1, s17, v20;
	s17 =	sadd.s32 s30, s16;
	s16 =	sld [smem:$0x5E0]  }
0x731: {  	(v2sf) =	vpush v9, $0xD;
	v19 =	vsel vm1, s14, v19;
	s14 =	sld [smem:$0x5DF]  }
0x732: {  	v18 =	vsel vm6, s2, v18;
	s30 =	sld [smem:$0x5E1]  }
0x733: {  	v18 =	vsel vm7, s19, v18;
	s19 =	smulhi.u32 $0x92492493, s13;
	v21 =	vsel vm1, s16, v21;
	s16 =	sld [smem:$0x5E3]  }
0x734: {  	v19 =	vsel vm2, s14, v19  }
0x735: {  	s13 =	ssub.s32 s19, s13;
	v22 =	vsel vm4, s30, v19;
	v19 =	vsel vm2, s1, v20;
	s1 =	sld [smem:$0x5E4]  }
0x736: {  	v21 =	vsel vm2, s16, v21;
	s16 =	sadd.s32 s12, s13;
	s13 =	sld [smem:$0x5E5];
	_ =	sdelay $0x1  }
0x737: {  	v43 =	vsel vm5, s1, v22  }
0x738: {  	v20 =	vsel vm6, s13, v43;
	s13 =	sld [smem:$0x5E6];
	_ =	sdelay $0x1  }
0x739: {  	s26 =	sshra.s32 s6, $0x1F;
	s2 =	spop (v2sf)  }
0x73a: {  	s26 =	smul.u32 $0x92492493, s26;
	s23 =	sshra.s32 s2, $0x1F;
	v44 =	vmov s13;
	s13 =	sld [smem:$0x5E7]  }
0x73b: {  	s20 =	spop (v2sf);
	s14 =	smul.u32 $0x92492493, s23  }
0x73c: {  	s23 =	spop (v2sf);
	s30 =	smulhi.u32 $0x92492493, s6  }
0x73d: {  	s19 =	spop (v2sf);
	v20 =	vsel vm7, s13, v20;
	s13 =	sld [smem:$0x5E8]  }
0x73e: {  	s12 =	smulhi.u32 $0x92492493, s10;
	s1 =	spop (v2sf)  }
0x73f: {  	s6 =	ssub.s32 s30, s6;
	s30 =	smulhi.u32 $0x92492493, s3;
	s0 =	sshra.s32 s1, $0x1F  }
0x740: {  	v23 =	vmov s13;
	s13 =	sadd.s32 s26, s6;
	s6 =	ssub.s32 s12, s10;
	s26 =	sld [smem:$0x5E9]  }
0x741: {  	(v2sf) =	vpush v9, $0xC;
	s10 =	smul.u32 $0x92492493, s0;
	s0 =	ssub.s32 s30, s3;
	s30 =	sld [smem:$0x5EC]  }
0x742: {  	v26 =	vmov s28;
	s28 =	sld [smem:$0x5F8]  }
0x743: {  	v23 =	vsel vm0, s26, v23;
	s26 =	sld [smem:$0x5EB]  }
0x744: {  	v24 =	vmov s30;
	s30 =	sld [smem:$0x5EF]  }
0x745: {  	s12 =	sld [smem:$0x5EA]  }
0x746: {  	(v2sf) =	vpush v9, $0xE;
	v23 =	vsel vm1, s26, v23;
	s26 =	sld [smem:$0x5EE]  }
0x747: {  	v22 =	vnsel vm3, $0x0, v44;
	v46 =	vsel vm0, s30, v24;
	s30 =	sld [smem:$0x5F1]  }
0x748: {  	s3 =	smulhi.u32 $0x92492493, s11;
	v22 =	vsel vm0, s12, v22;
	s12 =	sadd.s32 s15, s6;
	s15 =	sld [smem:$0x5ED]  }
0x749: {  	(v2sf) =	vpush v9, $0xF;
	s6 =	sadd.s32 s9, s0;
	s0 =	smulhi.u32 $0x92492493, s5;
	v45 =	vsel vm2, s26, v23;
	s26 =	sld [smem:$0x5F0]  }
0x74a: {  	s3 =	ssub.s32 s3, s11;
	v23 =	vsel vm1, s30, v46;
	s30 =	sld [smem:$0x5F2]  }
0x74b: {  	s11 =	smulhi.u32 $0x92492493, s4;
	s0 =	ssub.s32 s0, s5;
	s5 =	sld [smem:$0x5F4];
	v25 =	vsel vm1, s15, v22  }
0x74c: {  	s18 =	sadd.s32 s18, s3;
	s3 =	sadd.s32 s7, s0;
	s7 =	sld [smem:$0x5F5];
	v47 =	vsel vm2, s26, v25  }
0x74d: {  	(v2sf) =	vpush v9, $0x9;
	s26 =	ssub.s32 s11, s4;
	v25 =	vsel vm4, s30, v47;
	s30 =	sld [smem:$0x5F3]  }
0x74e: {  	s0 =	sadd.s32 s8, s26;
	s26 =	sld [smem:$0x5F7]  }
0x74f: {  	(v2sf) =	vpush v9, $0x8;
	s11 =	sld [smem:$0x5F6]  }
0x750: {  	(v2sf) =	vpush v9, $0xA;
	s9 =	spop (v2sf);
	v49 =	vsel vm5, s5, v25  }
0x751: {  	s15 =	sshra.s32 s9, $0x1F;
	v48 =	vsel vm2, s30, v23;
	s30 =	smulhi.u32 $0x92492493, s2;
	v23 =	vsel vm6, s7, v49;
	v51 =	vmov s26;
	s26 =	sld [smem:$0x5FA]  }
0x752: {  	v31 =	vcombine.low v12, v11;
	s15 =	smul.u32 $0x92492493, s15;
	v50 =	vsel vm7, s11, v23;
	v23 =	vsel vm0, s28, v51;
	s28 =	sld [smem:$0x5FB]  }
0x753: {  	s5 =	smulhi.u32 $0x92492493, s1;
	s2 =	ssub.s32 s30, s2;
	s30 =	sld [smem:$0x5F9]  }
0x754: {  	v10 =	vperm.xlane v10, v1;
	v60 =	vperm.xlane v31, v0;
	(v2sf) =	vpush v9, $0xB;
	s4 =	smulhi.u32 $0x92492493, s9;
	s11 =	sld [smem:$0x5FD]  }
0x755: {  	v26 =	vnsel vm3, $0x0, v26;
	s7 =	spop (v2sf);
	s1 =	ssub.s32 s5, s1;
	v23 =	vsel vm1, s28, v23;
	s28 =	sld [smem:$0x5FF]  }
0x756: {  	v10 =	vsel vm8, v10, v60;
	(v2sf) =	vpush v9, $0x1;
	s5 =	sadd.s32 s10, s1;
	s1 =	smulhi.u32 $0x92492493, s24;
	v27 =	vmov s30;
	s30 =	sld [smem:$0x5FC]  }
0x757: {  	v10 =	vadd.s32 v3, v10;
	v26 =	vsel vm0, s26, v26;
	s2 =	sadd.s32 s14, s2;
	s14 =	ssub.s32 s4, s9;
	s26 =	sld [smem:$0x5FE]  }
0x758: {  	v54 =	vmov s22;
	(v2sf) =	vpush v9, $0x0;
	s10 =	spop (v2sf);
	v26 =	vsel vm1, s11, v26;
	s9 =	sadd.s32 s15, s14;
	s14 =	sld [smem:$0x601]  }
0x759: {  	v55 =	vmov s18;
	s4 =	smulhi.u32 $0x92492493, s7;
	v29 =	vsel vm2, s28, v26;
	v27 =	vsel vm0, s30, v27;
	s30 =	sld [smem:$0x600]  }
0x75a: {  	(v2sf) =	vpush v9, $0x2;
	s8 =	sshra.s32 s7, $0x1F;
	s15 =	smulhi.u32 $0x92492493, s10;
	v53 =	vsel vm4, s31, v29;
	v27 =	vsel vm1, s26, v27  }
0x75b: {  	s8 =	smul.u32 $0x92492493, s8;
	s4 =	ssub.s32 s4, s7;
	v29 =	vnsel vm3, $0x0, v55;
	s26 =	sshra.s32 s10, $0x1F;
	v28 =	vsel vm2, s14, v27;
	v27 =	vsel vm0, s25, v54  }
0x75c: {  	s7 =	ssub.s32 s15, s10;
	s28 =	smul.u32 $0x92492493, s26;
	v52 =	vsel vm2, s30, v23;
	v23 =	vsel vm5, s29, v53;
	s29 =	spop (v2sf);
	(v2sf) =	vpush v9, $0x3  }
0x75d: {  	v13 =	vcombine.low v16, v13;
	v29 =	vsel vm0, s6, v29;
	s30 =	sld [smem:$0x602];
	v30 =	vsel vm1, s21, v27;
	s31 =	smulhi.u32 $0x92492493, s29;
	s18 =	sshra.s32 s29, $0x1F  }
0x75e: {  	v29 =	vsel vm1, s3, v29;
	s25 =	spop (v2sf);
	(v2sf) =	vpush v9, $0x4;
	v57 =	vsel vm2, s17, v30;
	s17 =	sshra.s32 s24, $0x1F;
	s22 =	smul.u32 $0x92492493, s18  }
0x75f: {  	v63 =	vshrl.u32 v10, $0x1F;
	v10 =	vshrl.u32 v10, $0x2;
	v12 =	vsel vm2, s0, v29;
	s7 =	sadd.s32 s28, s7;
	s0 =	smul.u32 $0x92492493, s17  }
0x760: {  	v14 =	vperm.xlane v14, v1;
	v13 =	vperm.xlane v13, v0;
	s15 =	spop (v2sf);
	(v2sf) =	vpush v9, $0x5;
	s28 =	ssub.s32 s31, s29;
	s29 =	smulhi.u32 $0x92492493, s25  }
0x761: {  	v10 =	vadd.s32 v63, v10;
	s26 =	sld [smem:$0x603];
	v23 =	vsel vm6, s30, v23;
	s30 =	sshra.s32 s25, $0x1F;
	s18 =	smulhi.u32 $0x92492493, s15  }
0x762: {  	v13 =	vsel vm8, v14, v13;
	v58 =	vmov s13;
	(v2sf) =	vpush v9, $0x6;
	s31 =	sadd.s32 s22, s28;
	s13 =	smul.u32 $0x92492493, s30;
	s22 =	sshra.s32 s15, $0x1F  }
0x763: {  	v10 =	vmul.u32 $0x7, v10;
	v13 =	vadd.s32 v2, v13;
	v14 =	vcombine.low v17, v15;
	s10 =	ssub.s32 s29, s25;
	s25 =	spop (v2sf);
	s6 =	smul.u32 $0x92492493, s22  }
0x764: {  	v59 =	vmov s9;
	s4 =	sadd.s32 s8, s4;
	v56 =	vsel vm7, s26, v23;
	(v2sf) =	vpush v9, $0x7;
	s26 =	smulhi.u32 $0x92492493, s25;
	s28 =	sshra.s32 s25, $0x1F  }
0x765: {  	v14 =	vperm.xlane v14, v0;
	v29 =	vsel vm0, s5, v59;
	v30 =	vsel vm0, s16, v58;
	s21 =	sadd.s32 s13, s10;
	s29 =	spop (v2sf);
	s5 =	smul.u32 $0x92492493, s28  }
0x766: {  	v17 =	vperm.xlane v18, v1;
	v11 =	vsel vm1, s12, v30;
	s8 =	ssub.s32 s18, s15;
	v61 =	vmov s21;
	s11 =	smulhi.u32 $0x92492493, s29;
	s12 =	sshra.s32 s29, $0x1F  }
0x767: {  	v18 =	vshrl.u32 v13, $0x1F;
	v29 =	vsel vm1, s4, v29;
	s30 =	sadd.s32 s6, s8;
	v31 =	vsel vm0, s31, v61;
	s31 =	spop (v2sf);
	s4 =	smul.u32 $0x92492493, s12  }
0x768: {  	v13 =	vshrl.u32 v13, $0x2;
	v12 =	vsel vm4, s2, v12;
	v16 =	vsel vm2, s7, v29;
	s2 =	ssub.s32 s26, s25;
	s7 =	smulhi.u32 $0x92492493, s31;
	s8 =	sshra.s32 s31, $0x1F  }
0x769: {  	v3 =	vsub.s32 v3, v10;
	v10 =	vadd.s32 v18, v13;
	v62 =	vsel vm1, s30, v31;
	s2 =	sadd.s32 s5, s2;
	s13 =	spop (v2sf);
	s9 =	smul.u32 $0x92492493, s8  }
0x76a: {  	v13 =	vsel vm8, v17, v14;
	v14 =	vcombine.low v21, v19;
	v29 =	vsel vm2, s2, v62;
	s2 =	ssub.s32 s11, s29;
	s14 =	smulhi.u32 $0x92492493, s13;
	s15 =	sshra.s32 s13, $0x1F  }
0x76b: {  	v10 =	vmul.u32 $0x7, v10;
	s3 =	ssub.s32 s7, s31;
	s6 =	smul.u32 $0x92492493, s15;
	s16 =	spop (v2sf)  }
0x76c: {  	v13 =	vadd.s32 v4, v13;
	v14 =	vperm.xlane v14, v0;
	v18 =	vperm.xlane v20, v1;
	s3 =	sadd.s32 s9, s3;
	s18 =	smulhi.u32 $0x92492493, s16;
	s21 =	sshra.s32 s16, $0x1F  }
0x76d: {  	v17 =	vshrl.u32 v13, $0x1F;
	v13 =	vshrl.u32 v13, $0x2;
	s2 =	sadd.s32 s4, s2;
	v15 =	vmov s3;
	s22 =	spop (v2sf);
	s5 =	smul.u32 $0x92492493, s21  }
0x76e: {  	v10 =	vsub.s32 v2, v10;
	v14 =	vsel vm8, v18, v14;
	s17 =	ssub.s32 s14, s13;
	v15 =	vnsel vm3, $0x0, v15;
	s26 =	smulhi.u32 $0x92492493, s22;
	s28 =	sshra.s32 s22, $0x1F  }
0x76f: {  	v2 =	vadd.s32 v17, v13;
	v14 =	vadd.s32 v5, v14;
	v15 =	vsel vm0, s2, v15;
	s2 =	sadd.s32 s6, s17;
	s29 =	spop (v2sf);
	s4 =	smul.u32 $0x92492493, s28  }
0x770: {  	v2 =	vmul.u32 $0x7, v2;
	v18 =	vshrl.u32 v14, $0x1F;
	s25 =	ssub.s32 s18, s16;
	s31 =	smulhi.u32 $0x92492493, s29;
	s7 =	sshra.s32 s29, $0x1F  }
0x771: {  	v14 =	vshrl.u32 v14, $0x2;
	v13 =	vcombine.low v48, v45;
	v15 =	vsel vm1, s2, v15;
	s8 =	spop (v2sf);
	s2 =	sadd.s32 s5, s25;
	s6 =	smul.u32 $0x92492493, s7  }
0x772: {  	v19 =	vsub.s32 v4, v2;
	v2 =	vadd.s32 v18, v14;
	s30 =	ssub.s32 s26, s22;
	s10 =	smulhi.u32 $0x92492493, s8;
	s11 =	sshra.s32 s8, $0x1F  }
0x773: {  	v17 =	vperm.xlane v50, v1;
	v13 =	vperm.xlane v13, v0;
	s12 =	spop (v2sf);
	v15 =	vsel vm2, s2, v15;
	s2 =	sadd.s32 s4, s30;
	s5 =	smul.u32 $0x92492493, s11  }
0x774: {  	v2 =	vmul.u32 $0x7, v2;
	s9 =	ssub.s32 s31, s29;
	s14 =	smulhi.u32 $0x92492493, s12;
	s15 =	sshra.s32 s12, $0x1F  }
0x775: {  	v4 =	vsel vm8, v17, v13;
	v15 =	vsel vm4, s2, v15;
	s2 =	sadd.s32 s6, s9;
	s13 =	ssub.s32 s10, s8;
	s4 =	smul.u32 $0x92492493, s15  }
0x776: {  	v17 =	vsub.s32 v5, v2;
	v13 =	vcombine.low v28, v52;
	s21 =	smulhi.u32 $0x92492493, s23;
	v15 =	vsel vm5, s2, v15;
	s2 =	sadd.s32 s5, s13;
	s3 =	ssub.s32 s14, s12  }
0x777: {  	v4 =	vadd.s32 v6, v4;
	s17 =	sshra.s32 s20, $0x1F;
	s16 =	smulhi.u32 $0x92492493, s20;
	v14 =	vsel vm6, s2, v15;
	s3 =	sadd.s32 s4, s3;
	v15 =	vcombine.low v29, v16  }
0x778: {  	s1 =	ssub.s32 s1, s24;
	v13 =	vperm.xlane v13, v0;
	s18 =	smul.u32 $0x92492493, s17;
	v16 =	vshrl.u32 v4, $0x1F;
	v14 =	vsel vm7, s3, v14  }
0x779: {  	s0 =	sadd.s32 s0, s1;
	s22 =	sshra.s32 s23, $0x1F;
	s26 =	smulhi.u32 $0x92492493, s19;
	v4 =	vshrl.u32 v4, $0x2;
	v15 =	vperm.xlane v15, v0;
	v14 =	vperm.xlane v14, v1  }
0x77a: {  	v11 =	vsel vm2, s0, v11;
	s28 =	sshra.s32 s19, $0x1F;
	s25 =	smul.u32 $0x92492493, s22;
	s2 =	ssub.s32 s16, s20;
	v4 =	vadd.s32 v16, v4;
	v16 =	vperm.xlane v56, v1  }
0x77b: {  	v11 =	vcombine.low v11, v57;
	s1 =	smul.u32 $0x92492493, s28;
	s29 =	ssub.s32 s21, s23;
	s24 =	sadd.s32 s18, s2;
	v2 =	vmul.u32 $0x7, v4;
	v4 =	vsel vm8, v14, v15  }
0x77c: {  	s0 =	ssub.s32 s26, s19;
	s2 =	sadd.s32 s25, s29;
	v12 =	vsel vm5, s24, v12;
	v5 =	vsel vm8, v16, v13;
	v4 =	vadd.s32 v9, v4  }
0x77d: {  	s30 =	simm.s32 $0xC880;
	s0 =	sadd.s32 s1, s0;
	v12 =	vsel vm6, s2, v12;
	v13 =	vshrl.u32 v4, $0x1F;
	v4 =	vshrl.u32 v4, $0x2  }
0x77e: {  	v11 =	vperm.xlane v11, v0;
	v18 =	vld [tilespmem:s30+$0x0];
	v12 =	vsel vm7, s0, v12;
	v4 =	vadd.s32 v13, v4  }
0x77f: {  	v5 =	vadd.s32 v7, v5;
	v12 =	vperm.xlane v12, v1;
	v13 =	vld [tilespmem:s30+$0xFFFFFF80];
	v4 =	vmul.u32 $0x7, v4  }
0x780: {  	v14 =	vsub.s32 v6, v2;
	v2 =	vshrl.u32 v5, $0x1F;
	v5 =	vshrl.u32 v5, $0x2  }
0x781: {  	s0 =	simm.s32 $0x1;
	v2 =	vadd.s32 v2, v5;
	v5 =	vsel vm8, v12, v11;
	v4 =	vsub.s32 v9, v4  }
0x782: {  	s0 =	simm.s32 @!p0 $0x0;
	v5 =	vadd.s32 v8, v5;
	v9 =	vmul.u32 $0x7, v2;
	v2 =	vand.u32 $0xF, v4  }
0x783: {  	v3 =	vand.u32 $0xF, v3;
	s0 =	sshll.u32 s0, $0xE;
	v6 =	vshrl.u32 v5, $0x1F;
	v11 =	vperm.xlane v18, v2  }
0x784: {  	s0 =	sadd.s32 $0xE880, s0;
	v5 =	vshrl.u32 v5, $0x2;
	v4 =	vand.u32 $0xF, v10;
	v10 =	vperm.xlane v13, v3  }
0x785: {  	s4 =	rddreg [dreg:$0x10];
	v6 =	vadd.s32 v6, v5;
	v5 =	vand.u32 $0xF, v19;
	v12 =	vperm.xlane v13, v4;
	[tilespmem:s0+$0x70] =	vst v11  }
0x786: {  	v15 =	vperm.xlane v13, v5;
	v9 =	vsub.s32 v7, v9;
	[tilespmem:s0+$0xFFFFFF80] =	vst v10  }
0x787: {  	v19 =	vperm.xlane v13, v2;
	v11 =	vmul.u32 $0x7, v6;
	v6 =	vand.u32 $0xF, v17;
	[tilespmem:s0+$0xFFFFFF90] =	vst v12  }
0x788: {  	v7 =	vand.u32 $0xF, v14;
	[tilespmem:s0+$0xFFFFFFA0] =	vst v15;
	v12 =	vperm.xlane v18, v5;
	v14 =	vperm.xlane v13, v6  }
0x789: {  	[tilespmem:s0+$0xFFFFFFF0] =	vst v19;
	v10 =	vsub.s32 v8, v11;
	v8 =	vand.u32 $0xF, v9;
	v11 =	vperm.xlane v13, v7  }
0x78a: {  	v16 =	vperm.xlane v18, v6;
	v9 =	vand.u32 $0xF, v10;
	v15 =	vperm.xlane v13, v8;
	[tilespmem:s0+$0xFFFFFFB0] =	vst v14  }
0x78b: {  	v10 =	vperm.xlane v18, v3;
	v17 =	vperm.xlane v13, v9;
	[tilespmem:s0+$0xFFFFFFC0] =	vst v11  }
0x78c: {  	s31 =	sshll.u32 s4, $0xD;
	v14 =	vperm.xlane v18, v7;
	v13 =	vperm.xlane v18, v4;
	[tilespmem:s0+$0xFFFFFFD0] =	vst v15  }
0x78d: {  	s3 =	simm.s32 $0xC980;
	s1 =	sadd.s32 $0xE800, s31;
	s2 =	simm.s32 $0x0;
	v11 =	vperm.xlane v18, v9;
	v15 =	vperm.xlane v18, v8;
	[tilespmem:s0+$0xFFFFFFE0] =	vst v17  }
.LBB2_11:
0x78e: {  	v17 =	vld [tilespmem:s3+$0x0];
	s2 =	sadd.s32 $0x2, s2;
	[tilespmem:s0+$0x0] =	vst v10  }
0x78f: {  	v18 =	vld [tilespmem:s3+$0xFFFFFF80];
	p1 =	slt.u32 s2, $0x3E;
	[tilespmem:s0+$0x10] =	vst v13  }
0x790: {  	[tilespmem:s0+$0x20] =	vst v12  }
0x791: {  	[tilespmem:s0+$0x30] =	vst v16  }
0x792: {  	[tilespmem:s0+$0x40] =	vst v14  }
0x793: {  	v10 =	vperm.xlane v17, v3;
	v12 =	vperm.xlane v17, v2;
	[tilespmem:s0+$0x50] =	vst v15  }
0x794: {  	v13 =	vperm.xlane v18, v3;
	v14 =	vperm.xlane v18, v4;
	[tilespmem:s0+$0x60] =	vst v11;
	s0 =	sadd.s32 $0x100, s0  }
0x795: {  	v11 =	vperm.xlane v18, v5;
	v15 =	vperm.xlane v18, v6;
	[tilespmem:s0+$0x70] =	vst v12  }
0x796: {  	v19 =	vperm.xlane v18, v7;
	v20 =	vperm.xlane v18, v8;
	[tilespmem:s0+$0xFFFFFF80] =	vst v13  }
0x797: {  	v21 =	vperm.xlane v18, v9;
	v18 =	vperm.xlane v18, v2;
	[tilespmem:s0+$0xFFFFFF90] =	vst v14  }
0x798: {  	v12 =	vperm.xlane v17, v5;
	v13 =	vperm.xlane v17, v4;
	[tilespmem:s0+$0xFFFFFFA0] =	vst v11  }
.Ltmp4:
0x799: {  	v16 =	vperm.xlane v17, v6;
	v14 =	vperm.xlane v17, v7;
	[tilespmem:s0+$0xFFFFFFB0] =	vst v15;
	(pc) =	sbr.rel @p1 .LBB2_11-.Ltmp4, $4  }
0x79a: {  	v11 =	vperm.xlane v17, v9;
	v15 =	vperm.xlane v17, v8;
	[tilespmem:s0+$0xFFFFFFC0] =	vst v19  }
0x79b: {  	[tilespmem:s0+$0xFFFFFFD0] =	vst v20  }
0x79c: {  	[tilespmem:s0+$0xFFFFFFE0] =	vst v21  }
0x79d: {  	s3 =	sadd.s32 $0x100, s3;
	[tilespmem:s0+$0xFFFFFFF0] =	vst v18  }
0x79e: {  	[tilespmem:s0+$0x0] =	vst v10  }
0x79f: {  	[tilespmem:s0+$0x10] =	vst v13  }
0x7a0: {  	[tilespmem:s0+$0x20] =	vst v12  }
0x7a1: {  	[tilespmem:s0+$0x30] =	vst v16  }
0x7a2: {  	s5 =	rddreg [dreg:$0xc]  }
0x7a3: {  	s2 =	sshll.u32 s5, $0x14;
	s5 =	sadd.s32 $0x1, s5  }
0x7a4: {  	[tilespmem:s0+$0x40] =	vst v14;
	p1 =	sne.s32 s5, $0xC8  }
.Ltmp5:
0x7a5: {  	s3 =	rddreg [dreg:$0x4];
	(pc) =	sbr.rel @p1 .LBB2_10-.Ltmp5, $4  }
0x7a6: {  	s28 =	sadd.s32 $0x1, s4;
	s2 =	sor.u32 s3, s2  }
0x7a7: {  	s29 =	rddreg [dreg:$0x1];
	s30 =	simm.s32 $0x20000;
	[tilespmem:s0+$0x50] =	vst v15;
	s2 =	sshrl.u32 s2, $0x3  }
0x7a8: {  	s31 =	simm.s32 $0x400;
	p0 =	por !p0, !p0;
	[tilespmem:s0+$0x60] =	vst v11;
	s2 =	sadd.s32 s29, s2  }
0x7a9: {  	[hbm4b:s2+s31] =	stream.strided.scatter [tilespmem:s1], [sflag:s28], $0x2000, s30, s31, $0x38;
	[tilespmem:$0x16800] =	vst v63  }
0x7aa: {  	s0 =	simm.s32 $0x1  }
0x7ab: {  	_ =	swait.ge [sflag:s0], $0x2000  }
0x7ac: {  	[sflag:s0] =	ssyncset.done $0x0  }
0x7ad: {  	s31 =	simm.s32 $0x3;
	[sflag:s0] =	ssyncadd.s32 $0xFFFFE000  }
0x7ae: {  	_ =	swait.ge [sflag:s31], $0x2000  }
0x7af: {  	[sflag:s31] =	ssyncset.done $0x0  }
0x7b0: {  	s5 =	simm.s32 $0x0;
	p0 =	por $0x0, $0x0;
	[sflag:s31] =	ssyncadd.s32 $0xFFFFE000  }
.LBB2_14:
0x7b1: {  	s0 =	sshll.u32 s5, $0x1  }
0x7b2: {  	s0 =	sand.u32 $0x2, s0  }
0x7b3: {  	p1 =	slt.u32 s5, $0x2;
	s0 =	sor.u32 $0x1, s0  }
0x7b4: {  	[dreg:$0x13] =	wrdreg s0;
	s0 =	sadd.s32 @!p1 $0x1, s0  }
0x7b5: {  	s1 =	sshll.u32 s5, $0x8;
	s2 =	sshll.u32 s5, $0x7;
	_ =	swait.ge @!p1 [sflag:s0], $0x2000  }
0x7b6: {  	s1 =	sand.u32 $0xF800, s1;
	s2 =	sand.u32 $0x380, s2;
	[sflag:s0] =	ssyncset.done @!p1 $0x0  }
0x7b7: {  	s2 =	sor.u32 s2, s1;
	[sflag:s0] =	ssyncadd.s32 @!p1 $0xFFFFE000  }
0x7b8: {  	v3 =	vld [tilespmem:s2+$0x400];
	_ =	sdelay $0x4  }
0x7b9: {  	(v2sf) =	vpush v3, $0xD;
	_ =	sdelay $0x1  }
0x7ba: {  	(v2sf) =	vpush v3, $0xC  }
0x7bb: {  	(v2sf) =	vpush v3, $0xE;
	_ =	sdelay $0x1  }
0x7bc: {  	(v2sf) =	vpush v3, $0xF;
	_ =	sdelay $0x1  }
0x7bd: {  	(v2sf) =	vpush v3, $0x9;
	_ =	sdelay $0x1  }
0x7be: {  	(v2sf) =	vpush v3, $0x8;
	_ =	sdelay $0x1  }
0x7bf: {  	(v2sf) =	vpush v3, $0xA;
	_ =	sdelay $0x1  }
0x7c0: {  	(v2sf) =	vpush v3, $0xB;
	_ =	sdelay $0x1  }
0x7c1: {  	(v2sf) =	vpush v3, $0x1;
	s23 =	spop (v2sf)  }
0x7c2: {  	[dreg:$0xe] =	wrdreg s5;
	s0 =	sshra.s32 s23, $0x1F  }
0x7c3: {  	(v2sf) =	vpush v3, $0x0;
	s24 =	spop (v2sf);
	s0 =	smul.u32 $0x92492493, s0  }
0x7c4: {  	[smem:$0x494] =	sst s2;
	s25 =	sshra.s32 s24, $0x1F;
	s31 =	spop (v2sf)  }
0x7c5: {  	(v2sf) =	vpush v3, $0x2;
	[dreg:$0x17] =	wrdreg s0;
	s0 =	smul.u32 $0x92492493, s25  }
0x7c6: {  	[smem:$0x40A] =	sst s23;
	s26 =	sshra.s32 s31, $0x1F;
	s28 =	spop (v2sf)  }
0x7c7: {  	(v2sf) =	vpush v3, $0x3;
	[dreg:$0x1b] =	wrdreg s0;
	s0 =	smul.u32 $0x92492493, s26  }
0x7c8: {  	[smem:$0x40B] =	sst s24;
	s29 =	sshra.s32 s28, $0x1F;
	s30 =	spop (v2sf)  }
0x7c9: {  	(v2sf) =	vpush v3, $0x4;
	[dreg:$0x1f] =	wrdreg s0;
	s0 =	smul.u32 $0x92492493, s29  }
0x7ca: {  	[smem:$0x40C] =	sst s28;
	s1 =	sshra.s32 s30, $0x1F;
	s3 =	spop (v2sf)  }
0x7cb: {  	(v2sf) =	vpush v3, $0x5;
	[smem:$0x40F] =	sst s0;
	s0 =	smul.u32 $0x92492493, s1  }
0x7cc: {  	v2 =	vld [tilespmem:s2+$0x410];
	[smem:$0x40D] =	sst s30;
	s4 =	sshra.s32 s3, $0x1F;
	s5 =	spop (v2sf)  }
0x7cd: {  	(v2sf) =	vpush v3, $0x6;
	[smem:$0x411] =	sst s0;
	s0 =	smul.u32 $0x92492493, s4  }
0x7ce: {  	[smem:$0x40E] =	sst s3;
	s6 =	sshra.s32 s5, $0x1F;
	s7 =	spop (v2sf)  }
0x7cf: {  	(v2sf) =	vpush v3, $0x7;
	[smem:$0x413] =	sst s0;
	s0 =	smul.u32 $0x92492493, s6  }
0x7d0: {  	[smem:$0x410] =	sst s5;
	s8 =	sshra.s32 s7, $0x1F;
	s9 =	spop (v2sf)  }
0x7d1: {  	(v2sf) =	vpush v2, $0xD;
	[smem:$0x415] =	sst s0;
	s0 =	smul.u32 $0x92492493, s8  }
0x7d2: {  	[smem:$0x412] =	sst s7;
	s10 =	sshra.s32 s9, $0x1F;
	s11 =	spop (v2sf)  }
0x7d3: {  	(v2sf) =	vpush v2, $0xC;
	[smem:$0x417] =	sst s0;
	s0 =	smul.u32 $0x92492493, s10  }
0x7d4: {  	[smem:$0x414] =	sst s9;
	s12 =	sshra.s32 s11, $0x1F;
	s13 =	spop (v2sf)  }
0x7d5: {  	(v2sf) =	vpush v2, $0xE;
	[smem:$0x419] =	sst s0;
	s0 =	smul.u32 $0x92492493, s12  }
0x7d6: {  	[smem:$0x416] =	sst s11;
	s14 =	sshra.s32 s13, $0x1F;
	s15 =	spop (v2sf)  }
0x7d7: {  	(v2sf) =	vpush v2, $0xF;
	[smem:$0x41B] =	sst s0;
	s0 =	smul.u32 $0x92492493, s14  }
0x7d8: {  	[smem:$0x418] =	sst s13;
	s16 =	sshra.s32 s15, $0x1F;
	s17 =	spop (v2sf)  }
0x7d9: {  	(v2sf) =	vpush v2, $0x9;
	[smem:$0x41D] =	sst s0;
	s0 =	smul.u32 $0x92492493, s16  }
0x7da: {  	[smem:$0x41A] =	sst s15;
	s18 =	sshra.s32 s17, $0x1F;
	s19 =	spop (v2sf)  }
0x7db: {  	(v2sf) =	vpush v2, $0x8;
	[smem:$0x41F] =	sst s0;
	s0 =	smul.u32 $0x92492493, s18  }
0x7dc: {  	[smem:$0x41C] =	sst s17;
	s20 =	sshra.s32 s19, $0x1F;
	s21 =	spop (v2sf)  }
0x7dd: {  	(v2sf) =	vpush v2, $0xA;
	[smem:$0x421] =	sst s0;
	s0 =	smul.u32 $0x92492493, s20  }
0x7de: {  	[smem:$0x41E] =	sst s19;
	s22 =	sshra.s32 s21, $0x1F;
	s23 =	spop (v2sf)  }
0x7df: {  	(v2sf) =	vpush v2, $0xB;
	[smem:$0x423] =	sst s0;
	s0 =	smul.u32 $0x92492493, s22  }
0x7e0: {  	[smem:$0x420] =	sst s21;
	s24 =	sshra.s32 s23, $0x1F;
	s25 =	spop (v2sf)  }
0x7e1: {  	(v2sf) =	vpush v2, $0x1;
	[smem:$0x425] =	sst s0;
	s0 =	smul.u32 $0x92492493, s24  }
0x7e2: {  	[smem:$0x422] =	sst s23;
	s26 =	sshra.s32 s25, $0x1F;
	s28 =	spop (v2sf)  }
0x7e3: {  	(v2sf) =	vpush v2, $0x0;
	[smem:$0x427] =	sst s0;
	s0 =	smul.u32 $0x92492493, s26  }
0x7e4: {  	[smem:$0x424] =	sst s25;
	s29 =	sshra.s32 s28, $0x1F;
	s30 =	spop (v2sf)  }
0x7e5: {  	(v2sf) =	vpush v2, $0x2;
	[smem:$0x429] =	sst s0;
	s0 =	smul.u32 $0x92492493, s29  }
0x7e6: {  	[smem:$0x426] =	sst s28;
	s1 =	sshra.s32 s30, $0x1F;
	s3 =	spop (v2sf)  }
0x7e7: {  	(v2sf) =	vpush v2, $0x3;
	[smem:$0x42B] =	sst s0;
	s0 =	smul.u32 $0x92492493, s1  }
0x7e8: {  	[smem:$0x428] =	sst s30;
	s4 =	sshra.s32 s3, $0x1F;
	s5 =	spop (v2sf)  }
0x7e9: {  	(v2sf) =	vpush v2, $0x4;
	[smem:$0x42D] =	sst s0;
	s0 =	smul.u32 $0x92492493, s4  }
0x7ea: {  	[smem:$0x42A] =	sst s3;
	s6 =	sshra.s32 s5, $0x1F;
	s7 =	spop (v2sf)  }
0x7eb: {  	(v2sf) =	vpush v2, $0x5;
	[smem:$0x42F] =	sst s0;
	s0 =	smul.u32 $0x92492493, s6  }
0x7ec: {  	v4 =	vld [tilespmem:s2+$0x420];
	[smem:$0x42C] =	sst s5;
	s8 =	sshra.s32 s7, $0x1F;
	s9 =	spop (v2sf)  }
0x7ed: {  	(v2sf) =	vpush v2, $0x6;
	[smem:$0x431] =	sst s0;
	s0 =	smul.u32 $0x92492493, s8  }
0x7ee: {  	[smem:$0x42E] =	sst s7;
	s10 =	sshra.s32 s9, $0x1F;
	s11 =	spop (v2sf)  }
0x7ef: {  	(v2sf) =	vpush v2, $0x7;
	[smem:$0x433] =	sst s0;
	s0 =	smul.u32 $0x92492493, s10  }
0x7f0: {  	[smem:$0x430] =	sst s9;
	s12 =	sshra.s32 s11, $0x1F;
	s13 =	spop (v2sf)  }
0x7f1: {  	(v2sf) =	vpush v4, $0xD;
	[smem:$0x435] =	sst s0;
	s0 =	smul.u32 $0x92492493, s12  }
0x7f2: {  	[smem:$0x432] =	sst s11;
	s14 =	sshra.s32 s13, $0x1F;
	s15 =	spop (v2sf)  }
0x7f3: {  	(v2sf) =	vpush v4, $0xC;
	[smem:$0x437] =	sst s0;
	s0 =	smul.u32 $0x92492493, s14  }
0x7f4: {  	[smem:$0x434] =	sst s13;
	s16 =	sshra.s32 s15, $0x1F;
	s17 =	spop (v2sf)  }
0x7f5: {  	(v2sf) =	vpush v4, $0xE;
	[smem:$0x439] =	sst s0;
	s0 =	smul.u32 $0x92492493, s16  }
0x7f6: {  	[smem:$0x436] =	sst s15;
	s18 =	sshra.s32 s17, $0x1F;
	s19 =	spop (v2sf)  }
0x7f7: {  	(v2sf) =	vpush v4, $0xF;
	[smem:$0x43B] =	sst s0;
	s0 =	smul.u32 $0x92492493, s18  }
0x7f8: {  	[smem:$0x438] =	sst s17;
	s20 =	sshra.s32 s19, $0x1F;
	s21 =	spop (v2sf)  }
0x7f9: {  	(v2sf) =	vpush v4, $0x9;
	[smem:$0x43D] =	sst s0;
	s0 =	smul.u32 $0x92492493, s20  }
0x7fa: {  	[smem:$0x43A] =	sst s19;
	s23 =	spop (v2sf);
	s22 =	sshra.s32 s21, $0x1F  }
0x7fb: {  	(v2sf) =	vpush v4, $0x8;
	[smem:$0x43F] =	sst s0;
	s0 =	smul.u32 $0x92492493, s22  }
0x7fc: {  	[smem:$0x43C] =	sst s21;
	s25 =	spop (v2sf);
	s24 =	sshra.s32 s23, $0x1F  }
0x7fd: {  	(v2sf) =	vpush v4, $0xA;
	[smem:$0x441] =	sst s0;
	s0 =	smul.u32 $0x92492493, s24  }
0x7fe: {  	[smem:$0x43E] =	sst s23;
	s28 =	spop (v2sf);
	s26 =	sshra.s32 s25, $0x1F  }
0x7ff: {  	(v2sf) =	vpush v4, $0xB;
	[smem:$0x443] =	sst s0;
	s0 =	smul.u32 $0x92492493, s26  }
0x800: {  	[smem:$0x440] =	sst s25;
	s30 =	spop (v2sf);
	s29 =	sshra.s32 s28, $0x1F  }
0x801: {  	(v2sf) =	vpush v4, $0x1;
	[smem:$0x445] =	sst s0;
	s0 =	smul.u32 $0x92492493, s29  }
0x802: {  	[smem:$0x442] =	sst s28;
	s3 =	spop (v2sf);
	s1 =	sshra.s32 s30, $0x1F  }
0x803: {  	(v2sf) =	vpush v4, $0x0;
	[smem:$0x447] =	sst s0;
	s0 =	smul.u32 $0x92492493, s1  }
0x804: {  	[smem:$0x444] =	sst s30;
	s5 =	spop (v2sf);
	s4 =	sshra.s32 s3, $0x1F  }
0x805: {  	(v2sf) =	vpush v4, $0x2;
	[smem:$0x449] =	sst s0;
	s0 =	smul.u32 $0x92492493, s4  }
0x806: {  	[smem:$0x446] =	sst s3;
	s7 =	spop (v2sf);
	s6 =	sshra.s32 s5, $0x1F  }
0x807: {  	(v2sf) =	vpush v4, $0x3;
	[smem:$0x44B] =	sst s0;
	s0 =	smul.u32 $0x92492493, s6  }
0x808: {  	[smem:$0x448] =	sst s5;
	s9 =	spop (v2sf);
	s8 =	sshra.s32 s7, $0x1F  }
0x809: {  	(v2sf) =	vpush v4, $0x4;
	[smem:$0x44D] =	sst s0;
	s0 =	smul.u32 $0x92492493, s8  }
0x80a: {  	[smem:$0x44A] =	sst s7;
	s11 =	spop (v2sf);
	s10 =	sshra.s32 s9, $0x1F  }
0x80b: {  	(v2sf) =	vpush v4, $0x5;
	[smem:$0x44F] =	sst s0;
	s0 =	smul.u32 $0x92492493, s10  }
0x80c: {  	v5 =	vld [tilespmem:s2+$0x430];
	[smem:$0x44C] =	sst s9;
	s13 =	spop (v2sf);
	s12 =	sshra.s32 s11, $0x1F  }
0x80d: {  	(v2sf) =	vpush v4, $0x6;
	[smem:$0x451] =	sst s0;
	s0 =	smul.u32 $0x92492493, s12  }
0x80e: {  	[smem:$0x44E] =	sst s11;
	s15 =	spop (v2sf);
	s14 =	sshra.s32 s13, $0x1F  }
0x80f: {  	(v2sf) =	vpush v4, $0x7;
	[smem:$0x453] =	sst s0;
	s0 =	smul.u32 $0x92492493, s14  }
0x810: {  	[smem:$0x450] =	sst s13;
	s17 =	spop (v2sf);
	s16 =	sshra.s32 s15, $0x1F  }
0x811: {  	(v2sf) =	vpush v5, $0xD;
	[smem:$0x455] =	sst s0;
	s0 =	smul.u32 $0x92492493, s16  }
0x812: {  	[smem:$0x452] =	sst s15;
	s19 =	spop (v2sf);
	s18 =	sshra.s32 s17, $0x1F  }
0x813: {  	(v2sf) =	vpush v5, $0xC;
	[smem:$0x457] =	sst s0;
	s0 =	smul.u32 $0x92492493, s18  }
0x814: {  	[smem:$0x454] =	sst s17;
	s21 =	spop (v2sf);
	s20 =	sshra.s32 s19, $0x1F  }
0x815: {  	(v2sf) =	vpush v5, $0xE;
	[smem:$0x459] =	sst s0;
	s0 =	smul.u32 $0x92492493, s20  }
0x816: {  	[smem:$0x456] =	sst s19;
	s23 =	spop (v2sf);
	s22 =	sshra.s32 s21, $0x1F  }
0x817: {  	(v2sf) =	vpush v5, $0xF;
	[smem:$0x45B] =	sst s0;
	s0 =	smul.u32 $0x92492493, s22  }
0x818: {  	[smem:$0x458] =	sst s21;
	s25 =	spop (v2sf);
	s24 =	sshra.s32 s23, $0x1F  }
0x819: {  	(v2sf) =	vpush v5, $0x9;
	[smem:$0x45D] =	sst s0;
	s0 =	smul.u32 $0x92492493, s24  }
0x81a: {  	[smem:$0x45A] =	sst s23;
	s28 =	spop (v2sf);
	s26 =	sshra.s32 s25, $0x1F  }
0x81b: {  	(v2sf) =	vpush v5, $0x8;
	[smem:$0x45F] =	sst s0;
	s0 =	smul.u32 $0x92492493, s26  }
0x81c: {  	[smem:$0x45C] =	sst s25;
	s30 =	spop (v2sf);
	s29 =	sshra.s32 s28, $0x1F  }
0x81d: {  	(v2sf) =	vpush v5, $0xA;
	[smem:$0x461] =	sst s0;
	s0 =	smul.u32 $0x92492493, s29  }
0x81e: {  	[smem:$0x45E] =	sst s28;
	s3 =	spop (v2sf);
	s1 =	sshra.s32 s30, $0x1F  }
0x81f: {  	(v2sf) =	vpush v5, $0xB;
	[smem:$0x463] =	sst s0;
	s0 =	smul.u32 $0x92492493, s1  }
0x820: {  	[smem:$0x460] =	sst s30;
	s5 =	spop (v2sf);
	s4 =	sshra.s32 s3, $0x1F  }
0x821: {  	(v2sf) =	vpush v5, $0x1;
	[smem:$0x465] =	sst s0;
	s0 =	smul.u32 $0x92492493, s4  }
0x822: {  	[smem:$0x462] =	sst s3;
	s7 =	spop (v2sf);
	s6 =	sshra.s32 s5, $0x1F  }
0x823: {  	(v2sf) =	vpush v5, $0x0;
	[smem:$0x467] =	sst s0;
	s0 =	smul.u32 $0x92492493, s6  }
0x824: {  	[smem:$0x464] =	sst s5;
	s9 =	spop (v2sf);
	s8 =	sshra.s32 s7, $0x1F  }
0x825: {  	(v2sf) =	vpush v5, $0x2;
	[smem:$0x469] =	sst s0;
	s0 =	smul.u32 $0x92492493, s8  }
0x826: {  	[smem:$0x466] =	sst s7;
	s11 =	spop (v2sf);
	s10 =	sshra.s32 s9, $0x1F  }
0x827: {  	(v2sf) =	vpush v5, $0x3;
	[smem:$0x46B] =	sst s0;
	s0 =	smul.u32 $0x92492493, s10  }
0x828: {  	[smem:$0x468] =	sst s9;
	s13 =	spop (v2sf);
	s12 =	sshra.s32 s11, $0x1F  }
0x829: {  	(v2sf) =	vpush v5, $0x4;
	[smem:$0x46D] =	sst s0;
	s0 =	smul.u32 $0x92492493, s12  }
0x82a: {  	[smem:$0x46A] =	sst s11;
	s15 =	spop (v2sf);
	s14 =	sshra.s32 s13, $0x1F  }
0x82b: {  	(v2sf) =	vpush v5, $0x5;
	[smem:$0x46F] =	sst s0;
	s0 =	smul.u32 $0x92492493, s14  }
0x82c: {  	v6 =	vld [tilespmem:s2+$0x440];
	[smem:$0x46C] =	sst s13;
	s17 =	spop (v2sf);
	s16 =	sshra.s32 s15, $0x1F  }
0x82d: {  	(v2sf) =	vpush v5, $0x6;
	[smem:$0x471] =	sst s0;
	s0 =	smul.u32 $0x92492493, s16  }
0x82e: {  	[smem:$0x46E] =	sst s15;
	s19 =	spop (v2sf);
	s18 =	sshra.s32 s17, $0x1F  }
0x82f: {  	(v2sf) =	vpush v5, $0x7;
	[smem:$0x473] =	sst s0;
	s0 =	smul.u32 $0x92492493, s18  }
0x830: {  	[smem:$0x470] =	sst s17;
	s21 =	spop (v2sf);
	s20 =	sshra.s32 s19, $0x1F  }
0x831: {  	(v2sf) =	vpush v6, $0xD;
	[smem:$0x475] =	sst s0;
	s0 =	smul.u32 $0x92492493, s20  }
0x832: {  	[smem:$0x472] =	sst s19;
	s23 =	spop (v2sf);
	s22 =	sshra.s32 s21, $0x1F  }
0x833: {  	(v2sf) =	vpush v6, $0xC;
	[smem:$0x477] =	sst s0;
	s0 =	smul.u32 $0x92492493, s22  }
0x834: {  	[smem:$0x474] =	sst s21;
	s25 =	spop (v2sf);
	s24 =	sshra.s32 s23, $0x1F  }
0x835: {  	(v2sf) =	vpush v6, $0xE;
	[smem:$0x479] =	sst s0;
	s0 =	smul.u32 $0x92492493, s24  }
0x836: {  	[smem:$0x476] =	sst s23;
	s28 =	spop (v2sf);
	s26 =	sshra.s32 s25, $0x1F  }
0x837: {  	[smem:$0x47B] =	sst s0;
	s0 =	smul.u32 $0x92492493, s26  }
0x838: {  	(v2sf) =	vpush v6, $0xF;
	[smem:$0x478] =	sst s25;
	s30 =	spop (v2sf);
	s29 =	sshra.s32 s28, $0x1F  }
0x839: {  	(v2sf) =	vpush v6, $0x9;
	[smem:$0x47D] =	sst s0;
	s0 =	smul.u32 $0x92492493, s29  }
0x83a: {  	v7 =	vld [tilespmem:s2+$0x450];
	(v2sf) =	vpush v6, $0x8;
	[smem:$0x47A] =	sst s28;
	s2 =	spop (v2sf);
	s1 =	sshra.s32 s30, $0x1F  }
0x83b: {  	(v2sf) =	vpush v6, $0xA;
	[smem:$0x47F] =	sst s0;
	s0 =	smul.u32 $0x92492493, s1  }
0x83c: {  	(v2sf) =	vpush v6, $0xB;
	[smem:$0x47C] =	sst s30;
	s3 =	sshra.s32 s2, $0x1F;
	s4 =	spop (v2sf)  }
0x83d: {  	(v2sf) =	vpush v6, $0x1;
	[smem:$0x481] =	sst s0;
	s0 =	smul.u32 $0x92492493, s3  }
0x83e: {  	(v2sf) =	vpush v6, $0x0;
	[smem:$0x47E] =	sst s2;
	s5 =	sshra.s32 s4, $0x1F;
	s6 =	spop (v2sf)  }
0x83f: {  	(v2sf) =	vpush v6, $0x2;
	[smem:$0x483] =	sst s0;
	s0 =	smul.u32 $0x92492493, s5  }
0x840: {  	(v2sf) =	vpush v6, $0x3;
	[smem:$0x480] =	sst s4;
	s7 =	sshra.s32 s6, $0x1F;
	s8 =	spop (v2sf)  }
0x841: {  	(v2sf) =	vpush v6, $0x4;
	[smem:$0x485] =	sst s0;
	s0 =	smul.u32 $0x92492493, s7  }
0x842: {  	(v2sf) =	vpush v6, $0x5;
	[smem:$0x482] =	sst s6;
	s9 =	sshra.s32 s8, $0x1F;
	s10 =	spop (v2sf)  }
0x843: {  	(v2sf) =	vpush v6, $0x6;
	[smem:$0x487] =	sst s0;
	s0 =	smul.u32 $0x92492493, s9  }
0x844: {  	(v2sf) =	vpush v6, $0x7;
	[smem:$0x484] =	sst s8;
	s11 =	sshra.s32 s10, $0x1F;
	s30 =	spop (v2sf)  }
0x845: {  	(v2sf) =	vpush v7, $0xD;
	[smem:$0x488] =	sst s0;
	s0 =	smul.u32 $0x92492493, s11  }
0x846: {  	(v2sf) =	vpush v7, $0xC;
	[smem:$0x486] =	sst s10;
	s12 =	sshra.s32 s30, $0x1F  }
0x847: {  	(v2sf) =	vpush v7, $0xE;
	[smem:$0x489] =	sst s0;
	s0 =	smul.u32 $0x92492493, s12  }
0x848: {  	s29 =	spop (v2sf)  }
0x849: {  	[smem:$0x48A] =	sst s0;
	s13 =	sshra.s32 s29, $0x1F;
	s28 =	spop (v2sf)  }
0x84a: {  	s0 =	smul.u32 $0x92492493, s13;
	s26 =	spop (v2sf)  }
0x84b: {  	s14 =	sshra.s32 s28, $0x1F;
	s25 =	spop (v2sf)  }
0x84c: {  	[smem:$0x48B] =	sst s0;
	s0 =	smul.u32 $0x92492493, s14  }
0x84d: {  	s24 =	spop (v2sf)  }
0x84e: {  	s15 =	sshra.s32 s26, $0x1F;
	s22 =	spop (v2sf);
	[smem:$0x48C] =	sst s0  }
0x84f: {  	s0 =	smul.u32 $0x92492493, s15;
	s21 =	spop (v2sf)  }
0x850: {  	s16 =	sshra.s32 s25, $0x1F;
	s20 =	spop (v2sf)  }
0x851: {  	(v2sf) =	vpush v7, $0xF;
	[smem:$0x48D] =	sst s0;
	s0 =	smul.u32 $0x92492493, s16  }
0x852: {  	s8 =	spop (v2sf)  }
0x853: {  	(v2sf) =	vpush v7, $0x9;
	s17 =	sshra.s32 s24, $0x1F;
	s6 =	spop (v2sf);
	[smem:$0x48E] =	sst s0  }
0x854: {  	s0 =	smul.u32 $0x92492493, s17;
	s3 =	sshra.s32 s6, $0x1F;
	s9 =	spop (v2sf)  }
0x855: {  	(v2sf) =	vpush v7, $0x8;
	s18 =	sshra.s32 s22, $0x1F;
	s4 =	smul.u32 $0x92492493, s3;
	s12 =	spop (v2sf)  }
0x856: {  	(v2sf) =	vpush v7, $0xA;
	s3 =	sshra.s32 s9, $0x1F;
	[smem:$0x48F] =	sst s0;
	s0 =	smul.u32 $0x92492493, s18  }
0x857: {  	s5 =	smul.u32 $0x92492493, s3;
	s14 =	spop (v2sf)  }
0x858: {  	(v2sf) =	vpush v7, $0xB;
	s19 =	sshra.s32 s21, $0x1F;
	[smem:$0x495] =	sst s4;
	s18 =	spop (v2sf)  }
0x859: {  	(v2sf) =	vpush v7, $0x1;
	s4 =	sshra.s32 s12, $0x1F;
	[smem:$0x490] =	sst s0;
	s0 =	smul.u32 $0x92492493, s19  }
0x85a: {  	s10 =	sshra.s32 s14, $0x1F;
	[smem:$0x496] =	sst s5;
	s7 =	smul.u32 $0x92492493, s4  }
0x85b: {  	(v2sf) =	vpush v7, $0x0;
	s23 =	sshra.s32 s20, $0x1F;
	s11 =	smul.u32 $0x92492493, s10;
	s5 =	spop (v2sf)  }
0x85c: {  	(v2sf) =	vpush v7, $0x2;
	s10 =	sshra.s32 s5, $0x1F;
	[smem:$0x491] =	sst s0;
	s0 =	smul.u32 $0x92492493, s23  }
0x85d: {  	[smem:$0x497] =	sst s7;
	s7 =	sshra.s32 s18, $0x1F;
	s15 =	smul.u32 $0x92492493, s10  }
0x85e: {  	(v2sf) =	vpush v7, $0x3;
	[smem:$0x498] =	sst s11;
	s13 =	smul.u32 $0x92492493, s7  }
0x85f: {  	s7 =	spop (v2sf);
	[smem:$0x492] =	sst s0  }
0x860: {  	(v2sf) =	vpush v7, $0x4;
	s0 =	sshra.s32 s8, $0x1F;
	[smem:$0x49A] =	sst s15;
	s10 =	spop (v2sf)  }
0x861: {  	s11 =	sshra.s32 s7, $0x1F;
	s2 =	smul.u32 $0x92492493, s0;
	[smem:$0x499] =	sst s13  }
0x862: {  	(v2sf) =	vpush v7, $0x5;
	s16 =	smul.u32 $0x92492493, s11;
	s13 =	sshra.s32 s10, $0x1F;
	s11 =	spop (v2sf)  }
0x863: {  	s17 =	smul.u32 $0x92492493, s13;
	[smem:$0x493] =	sst s2  }
0x864: {  	s15 =	sshra.s32 s11, $0x1F;
	s13 =	spop (v2sf);
	[smem:$0x49B] =	sst s16  }
0x865: {  	s19 =	smul.u32 $0x92492493, s15;
	s16 =	sshra.s32 s13, $0x1F;
	s15 =	spop (v2sf)  }
0x866: {  	[smem:$0x49C] =	sst s17;
	s23 =	smul.u32 $0x92492493, s16  }
0x867: {  	s17 =	sshra.s32 s15, $0x1F;
	s16 =	spop (v2sf);
	[smem:$0x49D] =	sst s19  }
0x868: {  	s1 =	smul.u32 $0x92492493, s17;
	s19 =	sshra.s32 s16, $0x1F;
	s17 =	spop (v2sf)  }
0x869: {  	[smem:$0x49E] =	sst s23;
	s2 =	smul.u32 $0x92492493, s19  }
0x86a: {  	s23 =	sshra.s32 s17, $0x1F;
	s19 =	spop (v2sf);
	[smem:$0x49F] =	sst s1  }
0x86b: {  	s3 =	smul.u32 $0x92492493, s23;
	s4 =	sshra.s32 s19, $0x1F;
	s23 =	spop (v2sf)  }
0x86c: {  	[smem:$0x4A0] =	sst s2;
	s0 =	smul.u32 $0x92492493, s4  }
0x86d: {  	s1 =	sshra.s32 s23, $0x1F;
	s2 =	spop (v2sf);
	[smem:$0x4A1] =	sst s3  }
0x86e: {  	[smem:$0x4A4] =	sst s0;
	s0 =	smul.u32 $0x92492493, s1  }
0x86f: {  	[smem:$0x4A2] =	sst s2;
	s3 =	sshra.s32 s2, $0x1F;
	s4 =	spop (v2sf)  }
0x870: {  	[smem:$0x4A7] =	sst s0;
	s0 =	smul.u32 $0x92492493, s3  }
0x871: {  	[smem:$0x4A5] =	sst s4;
	s2 =	sshra.s32 s4, $0x1F;
	s3 =	spop (v2sf)  }
0x872: {  	[smem:$0x4AE] =	sst s0;
	s0 =	smul.u32 $0x92492493, s2  }
0x873: {  	s1 =	sld [smem:$0x40A];
	s4 =	sshra.s32 s3, $0x1F  }
0x874: {  	[smem:$0x4B1] =	sst s0;
	s0 =	smul.u32 $0x92492493, s4  }
0x875: {  	_ = 	snop  }
0x876: {  	s4 =	smulhi.u32 $0x92492493, s1;
	[smem:$0x4B4] =	sst s0  }
0x877: {  	s0 =	sld [smem:$0x40B]  }
0x878: {  	s2 =	ssub.s32 s4, s1  }
0x879: {  	s1 =	smov.u32 s31;
	s4 =	smulhi.u32 $0x92492493, s31;
	s31 =	rddreg [dreg:$0x17]  }
0x87a: {  	[smem:$0x4A8] =	sst s3;
	s2 =	sadd.s32 s31, s2;
	s3 =	smulhi.u32 $0x92492493, s0  }
0x87b: {  	[smem:$0x4A9] =	sst s2  }
0x87c: {  	s0 =	ssub.s32 s3, s0;
	s3 =	rddreg [dreg:$0x1b]  }
0x87d: {  	s2 =	sld [smem:$0x40C];
	s0 =	sadd.s32 s3, s0  }
0x87e: {  	[smem:$0x4A6] =	sst s0  }
0x87f: {  	s0 =	ssub.s32 s4, s1;
	s1 =	rddreg [dreg:$0x1f]  }
0x880: {  	s31 =	smulhi.u32 $0x92492493, s2;
	s4 =	sld [smem:$0x40D];
	s0 =	sadd.s32 s1, s0  }
0x881: {  	[smem:$0x4AB] =	sst s0  }
0x882: {  	s0 =	ssub.s32 s31, s2;
	s2 =	sld [smem:$0x40F];
	_ =	sdelay $0x2  }
0x883: {  	s31 =	sld [smem:$0x40E];
	s3 =	smulhi.u32 $0x92492493, s4;
	s0 =	sadd.s32 s2, s0  }
0x884: {  	[smem:$0x4B5] =	sst s0  }
0x885: {  	s0 =	ssub.s32 s3, s4;
	s3 =	sld [smem:$0x411];
	_ =	sdelay $0x1  }
0x886: {  	s4 =	sld [smem:$0x410]  }
0x887: {  	s1 =	smulhi.u32 $0x92492493, s31;
	s0 =	sadd.s32 s3, s0;
	s3 =	sld [smem:$0x413]  }
0x888: {  	[smem:$0x4AF] =	sst s0  }
0x889: {  	s0 =	ssub.s32 s1, s31;
	s31 =	sld [smem:$0x412]  }
0x88a: {  	s2 =	smulhi.u32 $0x92492493, s4;
	s0 =	sadd.s32 s3, s0;
	s3 =	sld [smem:$0x415]  }
0x88b: {  	[smem:$0x4AC] =	sst s0  }
0x88c: {  	s0 =	ssub.s32 s2, s4;
	s4 =	sld [smem:$0x414]  }
0x88d: {  	s1 =	smulhi.u32 $0x92492493, s31;
	s0 =	sadd.s32 s3, s0;
	s3 =	sld [smem:$0x417]  }
0x88e: {  	[smem:$0x4B2] =	sst s0  }
0x88f: {  	s0 =	ssub.s32 s1, s31;
	s31 =	sld [smem:$0x416]  }
0x890: {  	s2 =	smulhi.u32 $0x92492493, s4;
	s0 =	sadd.s32 s3, s0;
	s3 =	sld [smem:$0x419]  }
0x891: {  	[smem:$0x4B6] =	sst s0  }
0x892: {  	s0 =	ssub.s32 s2, s4;
	s4 =	sld [smem:$0x418]  }
0x893: {  	s1 =	smulhi.u32 $0x92492493, s31;
	s0 =	sadd.s32 s3, s0;
	s3 =	sld [smem:$0x41B]  }
0x894: {  	[smem:$0x4AA] =	sst s0  }
0x895: {  	s0 =	ssub.s32 s1, s31;
	s31 =	sld [smem:$0x41A]  }
0x896: {  	s2 =	smulhi.u32 $0x92492493, s4;
	s0 =	sadd.s32 s3, s0;
	s3 =	sld [smem:$0x41D]  }
0x897: {  	[smem:$0x4A3] =	sst s0  }
0x898: {  	s0 =	ssub.s32 s2, s4;
	s4 =	sld [smem:$0x41C]  }
0x899: {  	s1 =	smulhi.u32 $0x92492493, s31;
	s0 =	sadd.s32 s3, s0;
	s3 =	sld [smem:$0x41F]  }
0x89a: {  	[smem:$0x4AD] =	sst s0  }
0x89b: {  	s0 =	ssub.s32 s1, s31;
	s31 =	sld [smem:$0x41E]  }
0x89c: {  	s2 =	smulhi.u32 $0x92492493, s4;
	s0 =	sadd.s32 s3, s0;
	s3 =	sld [smem:$0x421]  }
0x89d: {  	[smem:$0x4B0] =	sst s0  }
0x89e: {  	s0 =	ssub.s32 s2, s4;
	s4 =	sld [smem:$0x420]  }
0x89f: {  	s1 =	smulhi.u32 $0x92492493, s31;
	s0 =	sadd.s32 s3, s0;
	s3 =	sld [smem:$0x423]  }
0x8a0: {  	[smem:$0x4B3] =	sst s0  }
0x8a1: {  	s0 =	ssub.s32 s1, s31;
	s31 =	sld [smem:$0x422]  }
0x8a2: {  	s2 =	smulhi.u32 $0x92492493, s4;
	s0 =	sadd.s32 s3, s0;
	s3 =	sld [smem:$0x425]  }
0x8a3: {  	[smem:$0x4B7] =	sst s0  }
0x8a4: {  	s0 =	ssub.s32 s2, s4;
	s4 =	sld [smem:$0x424]  }
0x8a5: {  	s1 =	smulhi.u32 $0x92492493, s31;
	s0 =	sadd.s32 s3, s0;
	s3 =	sld [smem:$0x427]  }
0x8a6: {  	[smem:$0x4B8] =	sst s0  }
0x8a7: {  	s0 =	ssub.s32 s1, s31;
	s31 =	sld [smem:$0x426]  }
0x8a8: {  	s2 =	smulhi.u32 $0x92492493, s4;
	s0 =	sadd.s32 s3, s0;
	s3 =	sld [smem:$0x429]  }
0x8a9: {  	[smem:$0x4BA] =	sst s0  }
0x8aa: {  	s0 =	ssub.s32 s2, s4;
	s4 =	sld [smem:$0x428]  }
0x8ab: {  	s1 =	smulhi.u32 $0x92492493, s31;
	s0 =	sadd.s32 s3, s0;
	s3 =	sld [smem:$0x42B]  }
0x8ac: {  	[smem:$0x4BD] =	sst s0  }
0x8ad: {  	s0 =	ssub.s32 s1, s31;
	s31 =	sld [smem:$0x42A]  }
0x8ae: {  	s2 =	smulhi.u32 $0x92492493, s4;
	s0 =	sadd.s32 s3, s0;
	s3 =	sld [smem:$0x42D]  }
0x8af: {  	[smem:$0x4BB] =	sst s0  }
0x8b0: {  	s0 =	ssub.s32 s2, s4;
	s4 =	sld [smem:$0x42C]  }
0x8b1: {  	s1 =	smulhi.u32 $0x92492493, s31;
	s0 =	sadd.s32 s3, s0;
	s3 =	sld [smem:$0x42F]  }
0x8b2: {  	[smem:$0x4C1] =	sst s0  }
0x8b3: {  	s0 =	ssub.s32 s1, s31;
	s31 =	sld [smem:$0x42E]  }
0x8b4: {  	s2 =	smulhi.u32 $0x92492493, s4;
	s0 =	sadd.s32 s3, s0;
	s3 =	sld [smem:$0x431]  }
0x8b5: {  	[smem:$0x4C4] =	sst s0  }
0x8b6: {  	s0 =	ssub.s32 s2, s4;
	s4 =	sld [smem:$0x430]  }
0x8b7: {  	s1 =	smulhi.u32 $0x92492493, s31;
	s0 =	sadd.s32 s3, s0;
	s3 =	sld [smem:$0x433]  }
0x8b8: {  	[smem:$0x4C2] =	sst s0  }
0x8b9: {  	s0 =	ssub.s32 s1, s31;
	s31 =	sld [smem:$0x432]  }
0x8ba: {  	s2 =	smulhi.u32 $0x92492493, s4;
	s0 =	sadd.s32 s3, s0;
	s3 =	sld [smem:$0x435]  }
0x8bb: {  	[smem:$0x4BF] =	sst s0  }
0x8bc: {  	s0 =	ssub.s32 s2, s4;
	s4 =	sld [smem:$0x434]  }
0x8bd: {  	s1 =	smulhi.u32 $0x92492493, s31;
	s0 =	sadd.s32 s3, s0;
	s3 =	sld [smem:$0x437]  }
0x8be: {  	[smem:$0x4C5] =	sst s0  }
0x8bf: {  	s0 =	ssub.s32 s1, s31;
	s31 =	sld [smem:$0x436]  }
0x8c0: {  	s2 =	smulhi.u32 $0x92492493, s4;
	s0 =	sadd.s32 s3, s0;
	s3 =	sld [smem:$0x439]  }
0x8c1: {  	[smem:$0x4C7] =	sst s0  }
0x8c2: {  	s0 =	ssub.s32 s2, s4;
	s4 =	sld [smem:$0x438]  }
0x8c3: {  	s1 =	smulhi.u32 $0x92492493, s31;
	s0 =	sadd.s32 s3, s0;
	s3 =	sld [smem:$0x43B]  }
0x8c4: {  	[smem:$0x4BC] =	sst s0  }
0x8c5: {  	s0 =	ssub.s32 s1, s31;
	s31 =	sld [smem:$0x43A]  }
0x8c6: {  	s2 =	smulhi.u32 $0x92492493, s4;
	s0 =	sadd.s32 s3, s0;
	s3 =	sld [smem:$0x43D]  }
0x8c7: {  	[smem:$0x4B9] =	sst s0  }
0x8c8: {  	s0 =	ssub.s32 s2, s4;
	s4 =	sld [smem:$0x43C]  }
0x8c9: {  	s1 =	smulhi.u32 $0x92492493, s31;
	s0 =	sadd.s32 s3, s0;
	s3 =	sld [smem:$0x43F]  }
0x8ca: {  	[smem:$0x4BE] =	sst s0  }
0x8cb: {  	s0 =	ssub.s32 s1, s31;
	s31 =	sld [smem:$0x43E]  }
0x8cc: {  	s2 =	smulhi.u32 $0x92492493, s4;
	s0 =	sadd.s32 s3, s0;
	s3 =	sld [smem:$0x441]  }
0x8cd: {  	[smem:$0x4C0] =	sst s0  }
0x8ce: {  	s0 =	ssub.s32 s2, s4;
	s4 =	sld [smem:$0x440]  }
0x8cf: {  	s1 =	smulhi.u32 $0x92492493, s31;
	s0 =	sadd.s32 s3, s0;
	s3 =	sld [smem:$0x443]  }
0x8d0: {  	[smem:$0x4C3] =	sst s0  }
0x8d1: {  	s0 =	ssub.s32 s1, s31;
	s31 =	sld [smem:$0x442]  }
0x8d2: {  	s2 =	smulhi.u32 $0x92492493, s4;
	s0 =	sadd.s32 s3, s0;
	s3 =	sld [smem:$0x445]  }
0x8d3: {  	[smem:$0x4C6] =	sst s0  }
0x8d4: {  	s0 =	ssub.s32 s2, s4;
	s4 =	sld [smem:$0x444]  }
0x8d5: {  	s1 =	smulhi.u32 $0x92492493, s31;
	s0 =	sadd.s32 s3, s0;
	s3 =	sld [smem:$0x447]  }
0x8d6: {  	[smem:$0x4C8] =	sst s0  }
0x8d7: {  	s0 =	ssub.s32 s1, s31;
	s31 =	sld [smem:$0x446]  }
0x8d8: {  	s2 =	smulhi.u32 $0x92492493, s4;
	s0 =	sadd.s32 s3, s0;
	s3 =	sld [smem:$0x449]  }
0x8d9: {  	[smem:$0x4CB] =	sst s0  }
0x8da: {  	s0 =	ssub.s32 s2, s4;
	s4 =	sld [smem:$0x448]  }
0x8db: {  	s1 =	smulhi.u32 $0x92492493, s31;
	s0 =	sadd.s32 s3, s0;
	s3 =	sld [smem:$0x44B]  }
0x8dc: {  	[smem:$0x4CC] =	sst s0  }
0x8dd: {  	s0 =	ssub.s32 s1, s31;
	s31 =	sld [smem:$0x44A]  }
0x8de: {  	s2 =	smulhi.u32 $0x92492493, s4;
	s0 =	sadd.s32 s3, s0;
	s3 =	sld [smem:$0x44D]  }
0x8df: {  	[smem:$0x4CA] =	sst s0  }
0x8e0: {  	s0 =	ssub.s32 s2, s4;
	s4 =	sld [smem:$0x44C]  }
0x8e1: {  	s1 =	smulhi.u32 $0x92492493, s31;
	s0 =	sadd.s32 s3, s0;
	s3 =	sld [smem:$0x44F]  }
0x8e2: {  	[smem:$0x4CE] =	sst s0  }
0x8e3: {  	s0 =	ssub.s32 s1, s31;
	s31 =	sld [smem:$0x44E]  }
0x8e4: {  	s2 =	smulhi.u32 $0x92492493, s4;
	s0 =	sadd.s32 s3, s0;
	s3 =	sld [smem:$0x451]  }
0x8e5: {  	[smem:$0x4D1] =	sst s0  }
0x8e6: {  	s0 =	ssub.s32 s2, s4;
	s4 =	sld [smem:$0x450]  }
0x8e7: {  	s1 =	smulhi.u32 $0x92492493, s31;
	s0 =	sadd.s32 s3, s0;
	s3 =	sld [smem:$0x453]  }
0x8e8: {  	[smem:$0x4D2] =	sst s0  }
0x8e9: {  	s0 =	ssub.s32 s1, s31;
	s31 =	sld [smem:$0x452]  }
0x8ea: {  	s2 =	smulhi.u32 $0x92492493, s4;
	s0 =	sadd.s32 s3, s0;
	s3 =	sld [smem:$0x455]  }
0x8eb: {  	[smem:$0x4CF] =	sst s0  }
0x8ec: {  	s0 =	ssub.s32 s2, s4;
	s4 =	sld [smem:$0x454]  }
0x8ed: {  	s1 =	smulhi.u32 $0x92492493, s31;
	s0 =	sadd.s32 s3, s0;
	s3 =	sld [smem:$0x457]  }
0x8ee: {  	[smem:$0x4D4] =	sst s0  }
0x8ef: {  	s0 =	ssub.s32 s1, s31;
	s31 =	sld [smem:$0x456]  }
0x8f0: {  	s2 =	smulhi.u32 $0x92492493, s4;
	s0 =	sadd.s32 s3, s0;
	s3 =	sld [smem:$0x459]  }
0x8f1: {  	[smem:$0x4D6] =	sst s0  }
0x8f2: {  	s0 =	ssub.s32 s2, s4;
	s4 =	sld [smem:$0x458]  }
0x8f3: {  	s1 =	smulhi.u32 $0x92492493, s31;
	s0 =	sadd.s32 s3, s0;
	s3 =	sld [smem:$0x45B]  }
0x8f4: {  	[smem:$0x4CD] =	sst s0  }
0x8f5: {  	s0 =	ssub.s32 s1, s31;
	s31 =	sld [smem:$0x45A]  }
0x8f6: {  	s2 =	smulhi.u32 $0x92492493, s4;
	s0 =	sadd.s32 s3, s0;
	s3 =	sld [smem:$0x45D]  }
0x8f7: {  	[smem:$0x4C9] =	sst s0  }
0x8f8: {  	s0 =	ssub.s32 s2, s4;
	s4 =	sld [smem:$0x45C]  }
0x8f9: {  	s1 =	smulhi.u32 $0x92492493, s31;
	s0 =	sadd.s32 s3, s0;
	s3 =	sld [smem:$0x45F]  }
0x8fa: {  	[smem:$0x4D0] =	sst s0  }
0x8fb: {  	s0 =	ssub.s32 s1, s31;
	s31 =	sld [smem:$0x45E]  }
0x8fc: {  	s2 =	smulhi.u32 $0x92492493, s4;
	s0 =	sadd.s32 s3, s0;
	s3 =	sld [smem:$0x461]  }
0x8fd: {  	[smem:$0x4D3] =	sst s0  }
0x8fe: {  	s0 =	ssub.s32 s2, s4;
	s4 =	sld [smem:$0x460]  }
0x8ff: {  	s1 =	smulhi.u32 $0x92492493, s31;
	s0 =	sadd.s32 s3, s0;
	s3 =	sld [smem:$0x463]  }
0x900: {  	[smem:$0x4D5] =	sst s0  }
0x901: {  	s0 =	ssub.s32 s1, s31;
	s31 =	sld [smem:$0x462]  }
0x902: {  	s2 =	smulhi.u32 $0x92492493, s4;
	s0 =	sadd.s32 s3, s0;
	s3 =	sld [smem:$0x465]  }
0x903: {  	[smem:$0x4D7] =	sst s0  }
0x904: {  	s0 =	ssub.s32 s2, s4;
	s4 =	sld [smem:$0x464]  }
0x905: {  	s1 =	smulhi.u32 $0x92492493, s31;
	s0 =	sadd.s32 s3, s0;
	s3 =	sld [smem:$0x467]  }
0x906: {  	[smem:$0x4D9] =	sst s0  }
0x907: {  	s0 =	ssub.s32 s1, s31;
	s31 =	sld [smem:$0x466]  }
0x908: {  	s2 =	smulhi.u32 $0x92492493, s4;
	s0 =	sadd.s32 s3, s0;
	s3 =	sld [smem:$0x469]  }
0x909: {  	[smem:$0x4DB] =	sst s0  }
0x90a: {  	s0 =	ssub.s32 s2, s4;
	s4 =	sld [smem:$0x468]  }
0x90b: {  	s1 =	smulhi.u32 $0x92492493, s31;
	s0 =	sadd.s32 s3, s0;
	s3 =	sld [smem:$0x46B]  }
0x90c: {  	[smem:$0x4DC] =	sst s0  }
0x90d: {  	s0 =	ssub.s32 s1, s31;
	s31 =	sld [smem:$0x46A]  }
0x90e: {  	s2 =	smulhi.u32 $0x92492493, s4;
	s0 =	sadd.s32 s3, s0;
	s3 =	sld [smem:$0x46D]  }
0x90f: {  	[smem:$0x4DA] =	sst s0  }
0x910: {  	s0 =	ssub.s32 s2, s4;
	s4 =	sld [smem:$0x46C]  }
0x911: {  	s1 =	smulhi.u32 $0x92492493, s31;
	s0 =	sadd.s32 s3, s0;
	s3 =	sld [smem:$0x46F]  }
0x912: {  	[smem:$0x4E0] =	sst s0  }
0x913: {  	s0 =	ssub.s32 s1, s31;
	s31 =	sld [smem:$0x46E]  }
0x914: {  	s2 =	smulhi.u32 $0x92492493, s4;
	s0 =	sadd.s32 s3, s0;
	s3 =	sld [smem:$0x471]  }
0x915: {  	[smem:$0x4E5] =	sst s0  }
0x916: {  	s0 =	ssub.s32 s2, s4;
	s4 =	sld [smem:$0x470]  }
0x917: {  	s1 =	smulhi.u32 $0x92492493, s31;
	s0 =	sadd.s32 s3, s0;
	s3 =	sld [smem:$0x473]  }
0x918: {  	[smem:$0x4E1] =	sst s0  }
0x919: {  	s0 =	ssub.s32 s1, s31;
	s31 =	sld [smem:$0x472]  }
0x91a: {  	s2 =	smulhi.u32 $0x92492493, s4;
	s0 =	sadd.s32 s3, s0;
	s3 =	sld [smem:$0x475]  }
0x91b: {  	[smem:$0x4DE] =	sst s0  }
0x91c: {  	s0 =	ssub.s32 s2, s4;
	s4 =	sld [smem:$0x474]  }
0x91d: {  	s1 =	smulhi.u32 $0x92492493, s31;
	s0 =	sadd.s32 s3, s0;
	s3 =	sld [smem:$0x477]  }
0x91e: {  	[smem:$0x4E3] =	sst s0  }
0x91f: {  	s0 =	ssub.s32 s1, s31;
	s31 =	sld [smem:$0x476]  }
0x920: {  	s2 =	smulhi.u32 $0x92492493, s4;
	s0 =	sadd.s32 s3, s0;
	s3 =	sld [smem:$0x479]  }
0x921: {  	[smem:$0x4E6] =	sst s0  }
0x922: {  	s0 =	ssub.s32 s2, s4;
	s4 =	sld [smem:$0x478]  }
0x923: {  	s1 =	smulhi.u32 $0x92492493, s31;
	s0 =	sadd.s32 s3, s0;
	s3 =	sld [smem:$0x47B]  }
0x924: {  	[smem:$0x4DD] =	sst s0  }
0x925: {  	s0 =	ssub.s32 s1, s31;
	s31 =	sld [smem:$0x47A]  }
0x926: {  	s2 =	smulhi.u32 $0x92492493, s4;
	s0 =	sadd.s32 s3, s0;
	s3 =	sld [smem:$0x47D]  }
0x927: {  	[smem:$0x4D8] =	sst s0  }
0x928: {  	s0 =	ssub.s32 s2, s4;
	s4 =	sld [smem:$0x47C]  }
0x929: {  	s1 =	smulhi.u32 $0x92492493, s31;
	s0 =	sadd.s32 s3, s0;
	s3 =	sld [smem:$0x47F]  }
0x92a: {  	[smem:$0x4DF] =	sst s0  }
0x92b: {  	s0 =	ssub.s32 s1, s31;
	s31 =	sld [smem:$0x47E]  }
0x92c: {  	s2 =	smulhi.u32 $0x92492493, s4;
	s0 =	sadd.s32 s3, s0;
	s3 =	sld [smem:$0x481]  }
0x92d: {  	[smem:$0x4E2] =	sst s0  }
0x92e: {  	s0 =	ssub.s32 s2, s4;
	s4 =	sld [smem:$0x480]  }
0x92f: {  	s1 =	smulhi.u32 $0x92492493, s31;
	s0 =	sadd.s32 s3, s0;
	s3 =	sld [smem:$0x483]  }
0x930: {  	[smem:$0x4E4] =	sst s0  }
0x931: {  	s0 =	ssub.s32 s1, s31;
	s31 =	sld [smem:$0x482]  }
0x932: {  	s2 =	smulhi.u32 $0x92492493, s4;
	s0 =	sadd.s32 s3, s0;
	s3 =	sld [smem:$0x485]  }
0x933: {  	[smem:$0x4E7] =	sst s0  }
0x934: {  	s0 =	ssub.s32 s2, s4;
	s4 =	sld [smem:$0x484]  }
0x935: {  	s1 =	smulhi.u32 $0x92492493, s31;
	s0 =	sadd.s32 s3, s0;
	s3 =	sld [smem:$0x487]  }
0x936: {  	[smem:$0x4E8] =	sst s0  }
0x937: {  	s2 =	smulhi.u32 $0x92492493, s4;
	s0 =	ssub.s32 s1, s31;
	s31 =	sld [smem:$0x486]  }
0x938: {  	_ = 	snop  }
0x939: {  	s0 =	sadd.s32 s3, s0;
	s3 =	ssub.s32 s2, s4;
	s4 =	sld [smem:$0x488]  }
0x93a: {  	s1 =	smulhi.u32 $0x92492493, s31  }
0x93b: {  	[smem:$0x4EA] =	sst s0  }
0x93c: {  	s0 =	sadd.s32 s4, s3;
	s4 =	ssub.s32 s1, s31;
	s31 =	sld [smem:$0x489]  }
0x93d: {  	_ = 	snop  }
0x93e: {  	[smem:$0x4EC] =	sst s0  }
0x93f: {  	s2 =	smulhi.u32 $0x92492493, s30;
	s0 =	sadd.s32 s31, s4;
	s31 =	sld [smem:$0x48A]  }
0x940: {  	s1 =	smulhi.u32 $0x92492493, s29  }
0x941: {  	s4 =	ssub.s32 s2, s30;
	s30 =	smulhi.u32 $0x92492493, s28;
	[smem:$0x4EB] =	sst s0  }
0x942: {  	s0 =	sadd.s32 s31, s4;
	s4 =	sld [smem:$0x48B]  }
0x943: {  	s3 =	ssub.s32 s1, s29;
	s29 =	ssub.s32 s30, s28;
	s28 =	sld [smem:$0x48D]  }
0x944: {  	s1 =	smulhi.u32 $0x92492493, s26;
	s31 =	sld [smem:$0x48C]  }
0x945: {  	[smem:$0x4EE] =	sst s0;
	s0 =	sadd.s32 s4, s3  }
0x946: {  	s4 =	ssub.s32 s1, s26;
	[smem:$0x4F1] =	sst s0  }
0x947: {  	s26 =	smulhi.u32 $0x92492493, s24;
	s0 =	sadd.s32 s31, s29;
	s31 =	sld [smem:$0x48E]  }
0x948: {  	[smem:$0x4F2] =	sst s0  }
0x949: {  	s30 =	smulhi.u32 $0x92492493, s25;
	s3 =	ssub.s32 s26, s24;
	s24 =	sld [smem:$0x48F]  }
0x94a: {  	s0 =	sadd.s32 s28, s4;
	s28 =	sld [smem:$0x490]  }
0x94b: {  	s29 =	ssub.s32 s30, s25;
	s4 =	smulhi.u32 $0x92492493, s21;
	[smem:$0x4EF] =	sst s0  }
0x94c: {  	s30 =	smulhi.u32 $0x92492493, s22;
	s0 =	sadd.s32 s31, s29;
	s31 =	sld [smem:$0x491]  }
0x94d: {  	s26 =	smulhi.u32 $0x92492493, s20;
	s29 =	ssub.s32 s4, s21;
	s21 =	sld [smem:$0x492]  }
0x94e: {  	s25 =	ssub.s32 s30, s22;
	[smem:$0x4F4] =	sst s0;
	s0 =	sadd.s32 s24, s3  }
0x94f: {  	s4 =	ssub.s32 s26, s20;
	s20 =	smulhi.u32 $0x92492493, s6;
	[smem:$0x4F6] =	sst s0  }
0x950: {  	s0 =	sadd.s32 s28, s25;
	s25 =	sld [smem:$0x493]  }
0x951: {  	s26 =	ssub.s32 s20, s6;
	s6 =	sld [smem:$0x494]  }
0x952: {  	[smem:$0x4ED] =	sst s0  }
0x953: {  	s30 =	smulhi.u32 $0x92492493, s8;
	s0 =	sadd.s32 s31, s29;
	s29 =	sld [smem:$0x495]  }
0x954: {  	s28 =	smulhi.u32 $0x92492493, s12;
	[smem:$0x4E9] =	sst s0  }
0x955: {  	s0 =	sadd.s32 s21, s4;
	s4 =	sld [smem:$0x496]  }
0x956: {  	s22 =	ssub.s32 s30, s8;
	s8 =	ssub.s32 s28, s12;
	s12 =	sld [smem:$0x497]  }
0x957: {  	s21 =	sld [smem:$0x498]  }
0x958: {  	s24 =	smulhi.u32 $0x92492493, s9;
	[smem:$0x4F0] =	sst s0  }
0x959: {  	s0 =	sadd.s32 s25, s22;
	s25 =	sld [smem:$0x499]  }
0x95a: {  	s20 =	smulhi.u32 $0x92492493, s5;
	s30 =	ssub.s32 s24, s9;
	[smem:$0x4F3] =	sst s0  }
0x95b: {  	s28 =	smulhi.u32 $0x92492493, s10;
	s0 =	sadd.s32 s29, s26;
	s29 =	sld [smem:$0x49A]  }
0x95c: {  	s31 =	smulhi.u32 $0x92492493, s14;
	s26 =	ssub.s32 s20, s5;
	s20 =	sld [smem:$0x49F]  }
0x95d: {  	s9 =	smulhi.u32 $0x92492493, s18;
	s5 =	ssub.s32 s28, s10;
	s28 =	sld [smem:$0x4A1]  }
0x95e: {  	s14 =	ssub.s32 s31, s14;
	s31 =	smulhi.u32 $0x92492493, s11;
	[smem:$0x4F5] =	sst s0  }
0x95f: {  	s24 =	smulhi.u32 $0x92492493, s7;
	s0 =	sadd.s32 s4, s30;
	s4 =	sld [smem:$0x49B]  }
0x960: {  	s22 =	ssub.s32 s9, s18;
	s9 =	ssub.s32 s31, s11;
	s11 =	sld [smem:$0x49D]  }
0x961: {  	s30 =	ssub.s32 s24, s7;
	s24 =	sld [smem:$0x4A0]  }
0x962: {  	s10 =	smulhi.u32 $0x92492493, s15;
	[smem:$0x4F7] =	sst s0  }
0x963: {  	s0 =	sadd.s32 s12, s8;
	s8 =	sld [smem:$0x49C]  }
0x964: {  	(v2sf) =	vpush v7, $0x6;
	s15 =	ssub.s32 s10, s15;
	s10 =	sld [smem:$0x4A5]  }
0x965: {  	s7 =	smulhi.u32 $0x92492493, s13;
	[smem:$0x4F8] =	sst s0  }
0x966: {  	s0 =	sadd.s32 s21, s14;
	s14 =	sld [smem:$0x49E]  }
0x967: {  	s18 =	smulhi.u32 $0x92492493, s17;
	s12 =	ssub.s32 s7, s13;
	s7 =	sld [smem:$0x4A3]  }
0x968: {  	[smem:$0x4F9] =	sst s0  }
0x969: {  	s0 =	sadd.s32 s25, s22;
	s25 =	ssub.s32 s18, s17;
	s17 =	sld [smem:$0x4A9]  }
0x96a: {  	s13 =	smulhi.u32 $0x92492493, s16;
	s18 =	sld [smem:$0x4AA]  }
0x96b: {  	[smem:$0x4FB] =	sst s0  }
0x96c: {  	s0 =	sadd.s32 s29, s26;
	s21 =	ssub.s32 s13, s16;
	s13 =	sld [smem:$0x4A7]  }
0x96d: {  	s22 =	smulhi.u32 $0x92492493, s19;
	[smem:$0x4FA] =	sst s0  }
0x96e: {  	s0 =	sadd.s32 s4, s30;
	s30 =	sld [smem:$0x4A2]  }
0x96f: {  	s29 =	ssub.s32 s22, s19;
	s22 =	sld [smem:$0x4AC]  }
0x970: {  	v9 =	vmov s7;
	s7 =	sld [smem:$0x4B3]  }
0x971: {  	[smem:$0x4FE] =	sst s0  }
0x972: {  	s26 =	smulhi.u32 $0x92492493, s23;
	s0 =	sadd.s32 s8, s5;
	s8 =	sld [smem:$0x4A4]  }
0x973: {  	s16 =	spop (v2sf);
	s5 =	sld [smem:$0x4B2]  }
0x974: {  	s19 =	smulhi.u32 $0x92492493, s16;
	[smem:$0x503] =	sst s0  }
0x975: {  	s0 =	sadd.s32 s11, s9;
	s9 =	ssub.s32 s26, s23;
	s23 =	sld [smem:$0x4AD]  }
0x976: {  	s4 =	ssub.s32 s19, s16;
	s19 =	sld [smem:$0x4BA]  }
0x977: {  	[smem:$0x4FF] =	sst s0  }
0x978: {  	s0 =	sadd.s32 s14, s12;
	s12 =	sld [smem:$0x4A6]  }
0x979: {  	s14 =	sld [smem:$0x4A8]  }
0x97a: {  	v11 =	vmov s22;
	s22 =	sld [smem:$0x4BB]  }
0x97b: {  	[smem:$0x4FC] =	sst s0  }
0x97c: {  	s0 =	sadd.s32 s20, s15;
	s20 =	sshra.s32 s16, $0x1F;
	s16 =	sld [smem:$0x4B8]  }
0x97d: {  	[smem:$0x501] =	sst s0  }
0x97e: {  	s31 =	smulhi.u32 $0x92492493, s30;
	s0 =	sadd.s32 s24, s21;
	s21 =	sld [smem:$0x4AB]  }
0x97f: {  	s24 =	sld [smem:$0x4AE]  }
0x980: {  	v9 =	vnsel vm3, $0x0, v9;
	s1 =	ssub.s32 s31, s30;
	s30 =	sld [smem:$0x4B0]  }
0x981: {  	(v2sf) =	vpush v7, $0x7;
	v9 =	vsel vm0, s18, v9;
	s31 =	sld [smem:$0x4B1]  }
0x982: {  	v9 =	vsel vm1, s23, v9;
	s23 =	sld [smem:$0x4BC]  }
0x983: {  	s11 =	smulhi.u32 $0x92492493, s10;
	[smem:$0x504] =	sst s0  }
0x984: {  	s0 =	sadd.s32 s28, s25;
	s28 =	sadd.s32 s8, s29;
	s29 =	sld [smem:$0x4AF]  }
0x985: {  	s8 =	sld [smem:$0x4B4]  }
0x986: {  	v8 =	vld [tilespmem:s6+$0x460];
	s25 =	ssub.s32 s11, s10;
	s11 =	sld [smem:$0x4B5]  }
0x987: {  	v10 =	vmov s12;
	s12 =	sld [smem:$0x4B6]  }
0x988: {  	v14 =	vmov s22;
	s22 =	sld [smem:$0x4C9]  }
0x989: {  	[smem:$0x4FD] =	sst s0  }
0x98a: {  	s26 =	smul.u32 $0x92492493, s20;
	s0 =	sadd.s32 s13, s9;
	s13 =	sld [smem:$0x4B7]  }
0x98b: {  	(v2sf) =	vpush v8, $0xD;
	v10 =	vsel vm0, s17, v10;
	s17 =	sld [smem:$0x4B9]  }
0x98c: {  	(v2sf) =	vpush v8, $0xC;
	s9 =	sadd.s32 s26, s4;
	[smem:$0x500] =	sst s0  }
0x98d: {  	[smem:$0x505] =	sst s9  }
0x98e: {  	(v2sf) =	vpush v8, $0xE;
	s15 =	smulhi.u32 $0x92492493, s14;
	s1 =	sadd.s32 s24, s1;
	s24 =	sld [smem:$0x4BD]  }
0x98f: {  	s31 =	sadd.s32 s31, s25;
	s25 =	sld [smem:$0x4BE]  }
0x990: {  	s10 =	spop (v2sf);
	s0 =	ssub.s32 s15, s14;
	s9 =	sld [smem:$0x4BF]  }
0x991: {  	s14 =	smulhi.u32 $0x92492493, s10;
	s15 =	sshra.s32 s10, $0x1F;
	[smem:$0x502] =	sst s1  }
0x992: {  	(v2sf) =	vpush v8, $0xF;
	s2 =	smul.u32 $0x92492493, s15;
	s15 =	sld [smem:$0x4C3]  }
0x993: {  	(v2sf) =	vpush v8, $0x9;
	v11 =	vsel vm0, s29, v11;
	s29 =	sadd.s32 s8, s0;
	s0 =	ssub.s32 s14, s10;
	s10 =	sld [smem:$0x4C0]  }
0x994: {  	(v2sf) =	vpush v8, $0x8;
	s14 =	sld [smem:$0x4C2]  }
0x995: {  	v9 =	vsel vm2, s30, v9;
	v12 =	vsel vm1, s5, v11;
	v13 =	vmov s17;
	s17 =	sld [smem:$0x4C4]  }
0x996: {  	v10 =	vsel vm1, s21, v10;
	v9 =	vsel vm4, s7, v9;
	v12 =	vsel vm2, s12, v12;
	s12 =	sld [smem:$0x4C1]  }
0x997: {  	v11 =	vsel vm2, s11, v10;
	v10 =	vsel vm5, s13, v9;
	s0 =	sadd.s32 s2, s0;
	v15 =	vmov s9;
	s9 =	sld [smem:$0x4CA]  }
0x998: {  	(v2sf) =	vpush v8, $0xA;
	v10 =	vsel vm6, s16, v10;
	[smem:$0x506] =	sst s0  }
0x999: {  	v13 =	vnsel vm3, $0x0, v13;
	v10 =	vsel vm7, s19, v10;
	s19 =	sld [smem:$0x4C6]  }
0x99a: {  	(v2sf) =	vpush v8, $0xB;
	v13 =	vsel vm0, s23, v13;
	s3 =	spop (v2sf);
	v15 =	vsel vm0, s14, v15;
	s14 =	sld [smem:$0x4CB]  }
0x99b: {  	(v2sf) =	vpush v8, $0x1;
	v13 =	vsel vm1, s25, v13;
	s18 =	sshra.s32 s3, $0x1F;
	s5 =	spop (v2sf);
	s26 =	smulhi.u32 $0x92492493, s3  }
0x99c: {  	v14 =	vsel vm0, s24, v14;
	v13 =	vsel vm2, s10, v13;
	s20 =	smul.u32 $0x92492493, s18;
	s18 =	sld [smem:$0x4C5]  }
0x99d: {  	v14 =	vsel vm1, s12, v14;
	s7 =	spop (v2sf);
	v16 =	vsel vm4, s15, v13;
	s15 =	sld [smem:$0x4CC]  }
0x99e: {  	(v2sf) =	vpush v8, $0x0;
	s21 =	sshra.s32 s5, $0x1F;
	v13 =	vsel vm2, s17, v14;
	s23 =	smulhi.u32 $0x92492493, s5;
	s17 =	sld [smem:$0x4CE]  }
0x99f: {  	(v2sf) =	vpush v8, $0x2;
	s2 =	smul.u32 $0x92492493, s21;
	s3 =	ssub.s32 s26, s3;
	s21 =	sld [smem:$0x4C8]  }
0x9a0: {  	s30 =	sshra.s32 s7, $0x1F;
	s25 =	sadd.s32 s20, s3;
	s20 =	sld [smem:$0x4C7]  }
0x9a1: {  	(v2sf) =	vpush v8, $0x3;
	s0 =	spop (v2sf);
	s1 =	ssub.s32 s23, s5;
	s23 =	sld [smem:$0x4D2]  }
0x9a2: {  	s8 =	smul.u32 $0x92492493, s30;
	s5 =	sld [smem:$0x4D3]  }
0x9a3: {  	s13 =	spop (v2sf);
	s11 =	sshra.s32 s0, $0x1F;
	v14 =	vsel vm1, s18, v15;
	s18 =	sld [smem:$0x4CF]  }
0x9a4: {  	v17 =	vmov s9;
	s30 =	smul.u32 $0x92492493, s11;
	s16 =	sshra.s32 s13, $0x1F;
	v15 =	vsel vm5, s19, v16;
	s19 =	sld [smem:$0x4D0]  }
0x9a5: {  	v17 =	vsel vm0, s15, v17;
	s12 =	smul.u32 $0x92492493, s16;
	s16 =	sld [smem:$0x4CD]  }
0x9a6: {  	v9 =	vld [tilespmem:s6+$0x470];
	s6 =	spop (v2sf);
	v17 =	vsel vm1, s17, v17;
	s17 =	sld [smem:$0x4D4]  }
0x9a7: {  	s10 =	spop (v2sf);
	v16 =	vsel vm2, s20, v14;
	v14 =	vsel vm6, s21, v15;
	v15 =	vmov s22;
	s22 =	sld [smem:$0x4D1]  }
0x9a8: {  	s20 =	smulhi.u32 $0x92492493, s7;
	v18 =	vmov s18;
	s18 =	sld [smem:$0x4D5]  }
0x9a9: {  	s24 =	spop (v2sf);
	s11 =	sshra.s32 s10, $0x1F;
	v15 =	vnsel vm3, $0x0, v15;
	v14 =	vsel vm7, s14, v14;
	s14 =	sld [smem:$0x4DA]  }
0x9aa: {  	s3 =	spop (v2sf);
	v15 =	vsel vm0, s16, v15;
	s7 =	ssub.s32 s20, s7;
	s20 =	sld [smem:$0x4D7]  }
0x9ab: {  	s15 =	smul.u32 $0x92492493, s11;
	s21 =	sshra.s32 s3, $0x1F;
	v19 =	vsel vm1, s19, v15;
	s19 =	sld [smem:$0x4D6]  }
0x9ac: {  	s9 =	smul.u32 $0x92492493, s21;
	s21 =	sld [smem:$0x4D8]  }
0x9ad: {  	s11 =	spop (v2sf);
	v15 =	vsel vm2, s22, v17;
	s22 =	sadd.s32 s2, s1;
	s2 =	sld [smem:$0x4D9]  }
0x9ae: {  	v17 =	vsel vm0, s23, v18;
	s16 =	sshra.s32 s11, $0x1F;
	s1 =	sld [smem:$0x4DE];
	v18 =	vsel vm2, s5, v19;
	s5 =	spop (v2sf)  }
0x9af: {  	v20 =	vmov s14;
	s14 =	sld [smem:$0x4DF];
	v18 =	vsel vm4, s18, v18;
	s18 =	smul.u32 $0x92492493, s16  }
0x9b0: {  	s23 =	sshra.s32 s5, $0x1F;
	s4 =	spop (v2sf);
	v18 =	vsel vm5, s20, v18;
	s20 =	sld [smem:$0x4DC]  }
0x9b1: {  	v19 =	vmov s21;
	s21 =	sadd.s32 s8, s7;
	s7 =	smul.u32 $0x92492493, s23;
	s23 =	sld [smem:$0x4DD]  }
0x9b2: {  	(v2sf) =	vpush v8, $0x4;
	v17 =	vsel vm1, s17, v17;
	s16 =	smulhi.u32 $0x92492493, s0;
	s17 =	sshra.s32 s4, $0x1F;
	v21 =	vmov s1;
	s1 =	sld [smem:$0x4E1]  }
0x9b3: {  	(v2sf) =	vpush v8, $0x5;
	s8 =	smul.u32 $0x92492493, s17;
	s17 =	sld [smem:$0x4E0]  }
0x9b4: {  	(v2sf) =	vpush v8, $0x6;
	v17 =	vsel vm2, s19, v17;
	s19 =	sld [smem:$0x4DB]  }
0x9b5: {  	v19 =	vnsel vm3, $0x0, v19;
	s16 =	ssub.s32 s16, s0;
	v20 =	vsel vm0, s20, v20;
	v21 =	vsel vm0, s1, v21;
	s1 =	sld [smem:$0x4E5]  }
0x9b6: {  	(v2sf) =	vpush v8, $0x7;
	v19 =	vsel vm0, s23, v19;
	v20 =	vsel vm1, s17, v20;
	s17 =	sadd.s32 s30, s16;
	s16 =	sld [smem:$0x4E3]  }
0x9b7: {  	(v2sf) =	vpush v9, $0xD;
	v19 =	vsel vm1, s14, v19;
	s14 =	sld [smem:$0x4E2]  }
0x9b8: {  	v18 =	vsel vm6, s2, v18;
	s30 =	sld [smem:$0x4E4]  }
0x9b9: {  	v18 =	vsel vm7, s19, v18;
	s19 =	smulhi.u32 $0x92492493, s13;
	v21 =	vsel vm1, s16, v21;
	s16 =	sld [smem:$0x4E6]  }
0x9ba: {  	v19 =	vsel vm2, s14, v19  }
0x9bb: {  	s13 =	ssub.s32 s19, s13;
	v22 =	vsel vm4, s30, v19;
	v19 =	vsel vm2, s1, v20;
	s1 =	sld [smem:$0x4E7]  }
0x9bc: {  	v21 =	vsel vm2, s16, v21;
	s16 =	sadd.s32 s12, s13;
	s13 =	sld [smem:$0x4E8];
	_ =	sdelay $0x1  }
0x9bd: {  	v43 =	vsel vm5, s1, v22  }
0x9be: {  	v20 =	vsel vm6, s13, v43;
	s13 =	sld [smem:$0x4E9];
	_ =	sdelay $0x1  }
0x9bf: {  	s26 =	sshra.s32 s6, $0x1F;
	s2 =	spop (v2sf)  }
0x9c0: {  	s26 =	smul.u32 $0x92492493, s26;
	s23 =	sshra.s32 s2, $0x1F;
	v44 =	vmov s13;
	s13 =	sld [smem:$0x4EA]  }
0x9c1: {  	s20 =	spop (v2sf);
	s14 =	smul.u32 $0x92492493, s23  }
0x9c2: {  	s23 =	spop (v2sf);
	s30 =	smulhi.u32 $0x92492493, s6  }
0x9c3: {  	s19 =	spop (v2sf);
	v20 =	vsel vm7, s13, v20;
	s13 =	sld [smem:$0x4EB]  }
0x9c4: {  	s12 =	smulhi.u32 $0x92492493, s10;
	s1 =	spop (v2sf)  }
0x9c5: {  	s6 =	ssub.s32 s30, s6;
	s30 =	smulhi.u32 $0x92492493, s3;
	s0 =	sshra.s32 s1, $0x1F  }
0x9c6: {  	v23 =	vmov s13;
	s13 =	sadd.s32 s26, s6;
	s6 =	ssub.s32 s12, s10;
	s26 =	sld [smem:$0x4EC]  }
0x9c7: {  	(v2sf) =	vpush v9, $0xC;
	s10 =	smul.u32 $0x92492493, s0;
	s0 =	ssub.s32 s30, s3;
	s30 =	sld [smem:$0x4EF]  }
0x9c8: {  	v26 =	vmov s28;
	s28 =	sld [smem:$0x4FB]  }
0x9c9: {  	v23 =	vsel vm0, s26, v23;
	s26 =	sld [smem:$0x4EE]  }
0x9ca: {  	v24 =	vmov s30;
	s30 =	sld [smem:$0x4F2]  }
0x9cb: {  	s12 =	sld [smem:$0x4ED]  }
0x9cc: {  	(v2sf) =	vpush v9, $0xE;
	v23 =	vsel vm1, s26, v23;
	s26 =	sld [smem:$0x4F1]  }
0x9cd: {  	v22 =	vnsel vm3, $0x0, v44;
	v46 =	vsel vm0, s30, v24;
	s30 =	sld [smem:$0x4F4]  }
0x9ce: {  	s3 =	smulhi.u32 $0x92492493, s11;
	v22 =	vsel vm0, s12, v22;
	s12 =	sadd.s32 s15, s6;
	s15 =	sld [smem:$0x4F0]  }
0x9cf: {  	(v2sf) =	vpush v9, $0xF;
	s6 =	sadd.s32 s9, s0;
	s0 =	smulhi.u32 $0x92492493, s5;
	v45 =	vsel vm2, s26, v23;
	s26 =	sld [smem:$0x4F3]  }
0x9d0: {  	s3 =	ssub.s32 s3, s11;
	v23 =	vsel vm1, s30, v46;
	s30 =	sld [smem:$0x4F5]  }
0x9d1: {  	s11 =	smulhi.u32 $0x92492493, s4;
	s0 =	ssub.s32 s0, s5;
	s5 =	sld [smem:$0x4F7];
	v25 =	vsel vm1, s15, v22  }
0x9d2: {  	s18 =	sadd.s32 s18, s3;
	s3 =	sadd.s32 s7, s0;
	s7 =	sld [smem:$0x4F8];
	v47 =	vsel vm2, s26, v25  }
0x9d3: {  	(v2sf) =	vpush v9, $0x9;
	s26 =	ssub.s32 s11, s4;
	v25 =	vsel vm4, s30, v47;
	s30 =	sld [smem:$0x4F6]  }
0x9d4: {  	s0 =	sadd.s32 s8, s26;
	s26 =	sld [smem:$0x4FA]  }
0x9d5: {  	(v2sf) =	vpush v9, $0x8;
	s11 =	sld [smem:$0x4F9]  }
0x9d6: {  	(v2sf) =	vpush v9, $0xA;
	s9 =	spop (v2sf);
	v49 =	vsel vm5, s5, v25  }
0x9d7: {  	s15 =	sshra.s32 s9, $0x1F;
	v48 =	vsel vm2, s30, v23;
	s30 =	smulhi.u32 $0x92492493, s2;
	v23 =	vsel vm6, s7, v49;
	v51 =	vmov s26;
	s26 =	sld [smem:$0x4FD]  }
0x9d8: {  	v31 =	vcombine.low v12, v11;
	s15 =	smul.u32 $0x92492493, s15;
	v50 =	vsel vm7, s11, v23;
	v23 =	vsel vm0, s28, v51;
	s28 =	sld [smem:$0x4FE]  }
0x9d9: {  	s5 =	smulhi.u32 $0x92492493, s1;
	s2 =	ssub.s32 s30, s2;
	s30 =	sld [smem:$0x4FC]  }
0x9da: {  	v10 =	vperm.xlane v10, v1;
	v60 =	vperm.xlane v31, v0;
	(v2sf) =	vpush v9, $0xB;
	s4 =	smulhi.u32 $0x92492493, s9;
	s11 =	sld [smem:$0x500]  }
0x9db: {  	v26 =	vnsel vm3, $0x0, v26;
	s7 =	spop (v2sf);
	s1 =	ssub.s32 s5, s1;
	v23 =	vsel vm1, s28, v23;
	s28 =	sld [smem:$0x502]  }
0x9dc: {  	v10 =	vsel vm8, v10, v60;
	(v2sf) =	vpush v9, $0x1;
	s5 =	sadd.s32 s10, s1;
	s1 =	smulhi.u32 $0x92492493, s24;
	v27 =	vmov s30;
	s30 =	sld [smem:$0x4FF]  }
0x9dd: {  	v10 =	vadd.s32 v3, v10;
	v26 =	vsel vm0, s26, v26;
	s2 =	sadd.s32 s14, s2;
	s14 =	ssub.s32 s4, s9;
	s26 =	sld [smem:$0x501]  }
0x9de: {  	v54 =	vmov s22;
	(v2sf) =	vpush v9, $0x0;
	s10 =	spop (v2sf);
	v26 =	vsel vm1, s11, v26;
	s9 =	sadd.s32 s15, s14;
	s14 =	sld [smem:$0x504]  }
0x9df: {  	v55 =	vmov s18;
	s4 =	smulhi.u32 $0x92492493, s7;
	v29 =	vsel vm2, s28, v26;
	v27 =	vsel vm0, s30, v27;
	s30 =	sld [smem:$0x503]  }
0x9e0: {  	(v2sf) =	vpush v9, $0x2;
	s8 =	sshra.s32 s7, $0x1F;
	s15 =	smulhi.u32 $0x92492493, s10;
	v53 =	vsel vm4, s31, v29;
	v27 =	vsel vm1, s26, v27  }
0x9e1: {  	s8 =	smul.u32 $0x92492493, s8;
	s4 =	ssub.s32 s4, s7;
	v29 =	vnsel vm3, $0x0, v55;
	s26 =	sshra.s32 s10, $0x1F;
	v28 =	vsel vm2, s14, v27;
	v27 =	vsel vm0, s25, v54  }
0x9e2: {  	s7 =	ssub.s32 s15, s10;
	s28 =	smul.u32 $0x92492493, s26;
	v52 =	vsel vm2, s30, v23;
	v23 =	vsel vm5, s29, v53;
	s29 =	spop (v2sf);
	(v2sf) =	vpush v9, $0x3  }
0x9e3: {  	v13 =	vcombine.low v16, v13;
	v29 =	vsel vm0, s6, v29;
	s30 =	sld [smem:$0x505];
	v30 =	vsel vm1, s21, v27;
	s31 =	smulhi.u32 $0x92492493, s29;
	s18 =	sshra.s32 s29, $0x1F  }
0x9e4: {  	v29 =	vsel vm1, s3, v29;
	s25 =	spop (v2sf);
	(v2sf) =	vpush v9, $0x4;
	v57 =	vsel vm2, s17, v30;
	s17 =	sshra.s32 s24, $0x1F;
	s22 =	smul.u32 $0x92492493, s18  }
0x9e5: {  	v63 =	vshrl.u32 v10, $0x1F;
	v10 =	vshrl.u32 v10, $0x2;
	v12 =	vsel vm2, s0, v29;
	s7 =	sadd.s32 s28, s7;
	s0 =	smul.u32 $0x92492493, s17  }
0x9e6: {  	v14 =	vperm.xlane v14, v1;
	v13 =	vperm.xlane v13, v0;
	s15 =	spop (v2sf);
	(v2sf) =	vpush v9, $0x5;
	s28 =	ssub.s32 s31, s29;
	s29 =	smulhi.u32 $0x92492493, s25  }
0x9e7: {  	v10 =	vadd.s32 v63, v10;
	s26 =	sld [smem:$0x506];
	v23 =	vsel vm6, s30, v23;
	s30 =	sshra.s32 s25, $0x1F;
	s18 =	smulhi.u32 $0x92492493, s15  }
0x9e8: {  	v13 =	vsel vm8, v14, v13;
	v58 =	vmov s13;
	(v2sf) =	vpush v9, $0x6;
	s31 =	sadd.s32 s22, s28;
	s13 =	smul.u32 $0x92492493, s30;
	s22 =	sshra.s32 s15, $0x1F  }
0x9e9: {  	v10 =	vmul.u32 $0x7, v10;
	v13 =	vadd.s32 v2, v13;
	v14 =	vcombine.low v17, v15;
	s10 =	ssub.s32 s29, s25;
	s25 =	spop (v2sf);
	s6 =	smul.u32 $0x92492493, s22  }
0x9ea: {  	v59 =	vmov s9;
	s4 =	sadd.s32 s8, s4;
	v56 =	vsel vm7, s26, v23;
	(v2sf) =	vpush v9, $0x7;
	s26 =	smulhi.u32 $0x92492493, s25;
	s28 =	sshra.s32 s25, $0x1F  }
0x9eb: {  	v14 =	vperm.xlane v14, v0;
	v29 =	vsel vm0, s5, v59;
	v30 =	vsel vm0, s16, v58;
	s21 =	sadd.s32 s13, s10;
	s29 =	spop (v2sf);
	s5 =	smul.u32 $0x92492493, s28  }
0x9ec: {  	v17 =	vperm.xlane v18, v1;
	v11 =	vsel vm1, s12, v30;
	s8 =	ssub.s32 s18, s15;
	v61 =	vmov s21;
	s11 =	smulhi.u32 $0x92492493, s29;
	s12 =	sshra.s32 s29, $0x1F  }
0x9ed: {  	v18 =	vshrl.u32 v13, $0x1F;
	v29 =	vsel vm1, s4, v29;
	s30 =	sadd.s32 s6, s8;
	v31 =	vsel vm0, s31, v61;
	s31 =	spop (v2sf);
	s4 =	smul.u32 $0x92492493, s12  }
0x9ee: {  	v13 =	vshrl.u32 v13, $0x2;
	v12 =	vsel vm4, s2, v12;
	v16 =	vsel vm2, s7, v29;
	s2 =	ssub.s32 s26, s25;
	s7 =	smulhi.u32 $0x92492493, s31;
	s8 =	sshra.s32 s31, $0x1F  }
0x9ef: {  	v3 =	vsub.s32 v3, v10;
	v10 =	vadd.s32 v18, v13;
	v62 =	vsel vm1, s30, v31;
	s2 =	sadd.s32 s5, s2;
	s13 =	spop (v2sf);
	s9 =	smul.u32 $0x92492493, s8  }
0x9f0: {  	v13 =	vsel vm8, v17, v14;
	v14 =	vcombine.low v21, v19;
	v29 =	vsel vm2, s2, v62;
	s2 =	ssub.s32 s11, s29;
	s14 =	smulhi.u32 $0x92492493, s13;
	s15 =	sshra.s32 s13, $0x1F  }
0x9f1: {  	v10 =	vmul.u32 $0x7, v10;
	s3 =	ssub.s32 s7, s31;
	s6 =	smul.u32 $0x92492493, s15;
	s16 =	spop (v2sf)  }
0x9f2: {  	v13 =	vadd.s32 v4, v13;
	v14 =	vperm.xlane v14, v0;
	v18 =	vperm.xlane v20, v1;
	s3 =	sadd.s32 s9, s3;
	s18 =	smulhi.u32 $0x92492493, s16;
	s21 =	sshra.s32 s16, $0x1F  }
0x9f3: {  	v17 =	vshrl.u32 v13, $0x1F;
	v13 =	vshrl.u32 v13, $0x2;
	s2 =	sadd.s32 s4, s2;
	v15 =	vmov s3;
	s22 =	spop (v2sf);
	s5 =	smul.u32 $0x92492493, s21  }
0x9f4: {  	v10 =	vsub.s32 v2, v10;
	v14 =	vsel vm8, v18, v14;
	s17 =	ssub.s32 s14, s13;
	v15 =	vnsel vm3, $0x0, v15;
	s26 =	smulhi.u32 $0x92492493, s22;
	s28 =	sshra.s32 s22, $0x1F  }
0x9f5: {  	v2 =	vadd.s32 v17, v13;
	v14 =	vadd.s32 v5, v14;
	v15 =	vsel vm0, s2, v15;
	s2 =	sadd.s32 s6, s17;
	s29 =	spop (v2sf);
	s4 =	smul.u32 $0x92492493, s28  }
0x9f6: {  	v2 =	vmul.u32 $0x7, v2;
	v18 =	vshrl.u32 v14, $0x1F;
	s25 =	ssub.s32 s18, s16;
	s31 =	smulhi.u32 $0x92492493, s29;
	s7 =	sshra.s32 s29, $0x1F  }
0x9f7: {  	v14 =	vshrl.u32 v14, $0x2;
	v13 =	vcombine.low v48, v45;
	v15 =	vsel vm1, s2, v15;
	s8 =	spop (v2sf);
	s2 =	sadd.s32 s5, s25;
	s6 =	smul.u32 $0x92492493, s7  }
0x9f8: {  	v19 =	vsub.s32 v4, v2;
	v2 =	vadd.s32 v18, v14;
	s30 =	ssub.s32 s26, s22;
	s10 =	smulhi.u32 $0x92492493, s8;
	s11 =	sshra.s32 s8, $0x1F  }
0x9f9: {  	v17 =	vperm.xlane v50, v1;
	v13 =	vperm.xlane v13, v0;
	s12 =	spop (v2sf);
	v15 =	vsel vm2, s2, v15;
	s2 =	sadd.s32 s4, s30;
	s5 =	smul.u32 $0x92492493, s11  }
0x9fa: {  	v2 =	vmul.u32 $0x7, v2;
	s9 =	ssub.s32 s31, s29;
	s14 =	smulhi.u32 $0x92492493, s12;
	s15 =	sshra.s32 s12, $0x1F  }
0x9fb: {  	v4 =	vsel vm8, v17, v13;
	v15 =	vsel vm4, s2, v15;
	s2 =	sadd.s32 s6, s9;
	s13 =	ssub.s32 s10, s8;
	s4 =	smul.u32 $0x92492493, s15  }
0x9fc: {  	v17 =	vsub.s32 v5, v2;
	v13 =	vcombine.low v28, v52;
	s21 =	smulhi.u32 $0x92492493, s23;
	v15 =	vsel vm5, s2, v15;
	s2 =	sadd.s32 s5, s13;
	s3 =	ssub.s32 s14, s12  }
0x9fd: {  	v4 =	vadd.s32 v6, v4;
	s17 =	sshra.s32 s20, $0x1F;
	s16 =	smulhi.u32 $0x92492493, s20;
	v14 =	vsel vm6, s2, v15;
	s3 =	sadd.s32 s4, s3;
	v15 =	vcombine.low v29, v16  }
0x9fe: {  	s1 =	ssub.s32 s1, s24;
	v13 =	vperm.xlane v13, v0;
	s18 =	smul.u32 $0x92492493, s17;
	v16 =	vshrl.u32 v4, $0x1F;
	v14 =	vsel vm7, s3, v14  }
0x9ff: {  	s0 =	sadd.s32 s0, s1;
	s22 =	sshra.s32 s23, $0x1F;
	s26 =	smulhi.u32 $0x92492493, s19;
	v4 =	vshrl.u32 v4, $0x2;
	v15 =	vperm.xlane v15, v0;
	v14 =	vperm.xlane v14, v1  }
0xa00: {  	v11 =	vsel vm2, s0, v11;
	s28 =	sshra.s32 s19, $0x1F;
	s25 =	smul.u32 $0x92492493, s22;
	s2 =	ssub.s32 s16, s20;
	v4 =	vadd.s32 v16, v4;
	v16 =	vperm.xlane v56, v1  }
0xa01: {  	v11 =	vcombine.low v11, v57;
	s1 =	smul.u32 $0x92492493, s28;
	s29 =	ssub.s32 s21, s23;
	s24 =	sadd.s32 s18, s2;
	v2 =	vmul.u32 $0x7, v4;
	v4 =	vsel vm8, v14, v15  }
0xa02: {  	s0 =	ssub.s32 s26, s19;
	s2 =	sadd.s32 s25, s29;
	v12 =	vsel vm5, s24, v12;
	v5 =	vsel vm8, v16, v13;
	v4 =	vadd.s32 v9, v4  }
0xa03: {  	s30 =	simm.s32 $0xC880;
	s0 =	sadd.s32 s1, s0;
	v12 =	vsel vm6, s2, v12;
	v13 =	vshrl.u32 v4, $0x1F;
	v4 =	vshrl.u32 v4, $0x2  }
0xa04: {  	v11 =	vperm.xlane v11, v0;
	v18 =	vld [tilespmem:s30+$0x0];
	v12 =	vsel vm7, s0, v12;
	v4 =	vadd.s32 v13, v4  }
0xa05: {  	v5 =	vadd.s32 v7, v5;
	v12 =	vperm.xlane v12, v1;
	v13 =	vld [tilespmem:s30+$0xFFFFFF80];
	v4 =	vmul.u32 $0x7, v4  }
0xa06: {  	v14 =	vsub.s32 v6, v2;
	v2 =	vshrl.u32 v5, $0x1F;
	v5 =	vshrl.u32 v5, $0x2  }
0xa07: {  	s0 =	simm.s32 $0x1;
	v2 =	vadd.s32 v2, v5;
	v5 =	vsel vm8, v12, v11;
	v4 =	vsub.s32 v9, v4  }
0xa08: {  	s0 =	simm.s32 @!p0 $0x0;
	v5 =	vadd.s32 v8, v5;
	v9 =	vmul.u32 $0x7, v2;
	v2 =	vand.u32 $0xF, v4  }
0xa09: {  	v3 =	vand.u32 $0xF, v3;
	s0 =	sshll.u32 s0, $0xE;
	v6 =	vshrl.u32 v5, $0x1F;
	v11 =	vperm.xlane v18, v2  }
0xa0a: {  	s0 =	sor.u32 $0x108F0, s0;
	v5 =	vshrl.u32 v5, $0x2;
	v4 =	vand.u32 $0xF, v10;
	v10 =	vperm.xlane v13, v3  }
0xa0b: {  	s4 =	rddreg [dreg:$0x13];
	v6 =	vadd.s32 v6, v5;
	v5 =	vand.u32 $0xF, v19;
	v12 =	vperm.xlane v13, v4;
	[tilespmem:s0+$0x0] =	vst v11  }
0xa0c: {  	v15 =	vperm.xlane v13, v5;
	v9 =	vsub.s32 v7, v9;
	[tilespmem:s0+$0xFFFFFF10] =	vst v10  }
0xa0d: {  	v11 =	vmul.u32 $0x7, v6;
	v6 =	vand.u32 $0xF, v17;
	[tilespmem:s0+$0xFFFFFF20] =	vst v12;
	v17 =	vperm.xlane v13, v2  }
0xa0e: {  	v7 =	vand.u32 $0xF, v14;
	[tilespmem:s0+$0xFFFFFF30] =	vst v15;
	v14 =	vperm.xlane v13, v6;
	v15 =	vperm.xlane v18, v6  }
0xa0f: {  	v10 =	vsub.s32 v8, v11;
	v8 =	vand.u32 $0xF, v9;
	v11 =	vperm.xlane v13, v7;
	[tilespmem:s0+$0xFFFFFF80] =	vst v17  }
0xa10: {  	v9 =	vand.u32 $0xF, v10;
	v10 =	vperm.xlane v18, v3;
	v12 =	vperm.xlane v13, v8;
	[tilespmem:s0+$0xFFFFFF40] =	vst v14  }
0xa11: {  	v14 =	vperm.xlane v18, v7;
	v16 =	vperm.xlane v13, v9;
	[tilespmem:s0+$0xFFFFFF50] =	vst v11  }
0xa12: {  	s31 =	sshll.u32 s4, $0xD;
	v13 =	vperm.xlane v18, v4;
	v11 =	vperm.xlane v18, v5;
	[tilespmem:s0+$0xFFFFFF60] =	vst v12  }
0xa13: {  	s3 =	simm.s32 $0xC980;
	s1 =	sadd.s32 $0xE800, s31;
	s2 =	simm.s32 $0x0;
	v12 =	vperm.xlane v18, v9;
	[tilespmem:s0+$0xFFFFFF70] =	vst v16;
	v16 =	vperm.xlane v18, v8  }
.LBB2_15:
0xa14: {  	v17 =	vld [tilespmem:s3+$0x0];
	s2 =	sadd.s32 $0x2, s2;
	[tilespmem:s0+$0xFFFFFF90] =	vst v10  }
0xa15: {  	v18 =	vld [tilespmem:s3+$0xFFFFFF80];
	p1 =	slt.u32 s2, $0x3E;
	[tilespmem:s0+$0xFFFFFFA0] =	vst v13  }
0xa16: {  	[tilespmem:s0+$0xFFFFFFB0] =	vst v11  }
0xa17: {  	[tilespmem:s0+$0xFFFFFFC0] =	vst v15  }
0xa18: {  	[tilespmem:s0+$0xFFFFFFD0] =	vst v14  }
0xa19: {  	v10 =	vperm.xlane v17, v3;
	v11 =	vperm.xlane v17, v2;
	[tilespmem:s0+$0xFFFFFFE0] =	vst v16  }
0xa1a: {  	v13 =	vperm.xlane v18, v3;
	v14 =	vperm.xlane v18, v4;
	[tilespmem:s0+$0xFFFFFFF0] =	vst v12;
	s0 =	sadd.s32 $0x100, s0  }
0xa1b: {  	v12 =	vperm.xlane v18, v5;
	v15 =	vperm.xlane v18, v6;
	[tilespmem:s0+$0x0] =	vst v11  }
0xa1c: {  	v16 =	vperm.xlane v18, v7;
	v19 =	vperm.xlane v18, v8;
	[tilespmem:s0+$0xFFFFFF10] =	vst v13  }
0xa1d: {  	v20 =	vperm.xlane v18, v9;
	v18 =	vperm.xlane v18, v2;
	[tilespmem:s0+$0xFFFFFF20] =	vst v14  }
0xa1e: {  	v11 =	vperm.xlane v17, v5;
	v13 =	vperm.xlane v17, v4;
	[tilespmem:s0+$0xFFFFFF30] =	vst v12  }
.Ltmp6:
0xa1f: {  	v14 =	vperm.xlane v17, v7;
	[tilespmem:s0+$0xFFFFFF40] =	vst v15;
	v15 =	vperm.xlane v17, v6;
	(pc) =	sbr.rel @p1 .LBB2_15-.Ltmp6, $4  }
0xa20: {  	v12 =	vperm.xlane v17, v9;
	[tilespmem:s0+$0xFFFFFF50] =	vst v16;
	v16 =	vperm.xlane v17, v8  }
0xa21: {  	[tilespmem:s0+$0xFFFFFF60] =	vst v19  }
0xa22: {  	[tilespmem:s0+$0xFFFFFF70] =	vst v20  }
0xa23: {  	s3 =	sadd.s32 $0x100, s3;
	[tilespmem:s0+$0xFFFFFF80] =	vst v18  }
0xa24: {  	[tilespmem:s0+$0xFFFFFF90] =	vst v10  }
0xa25: {  	[tilespmem:s0+$0xFFFFFFA0] =	vst v13  }
0xa26: {  	[tilespmem:s0+$0xFFFFFFB0] =	vst v11  }
0xa27: {  	[tilespmem:s0+$0xFFFFFFC0] =	vst v15  }
0xa28: {  	[tilespmem:s0+$0xFFFFFFD0] =	vst v14  }
0xa29: {  	[tilespmem:s0+$0xFFFFFFE0] =	vst v16  }
0xa2a: {  	s5 =	rddreg [dreg:$0xe]  }
0xa2b: {  	s2 =	sshll.u32 s5, $0x11;
	s5 =	sadd.s32 $0x1, s5  }
0xa2c: {  	p1 =	sne.s32 s5, $0xC8  }
.Ltmp7:
0xa2d: {  	_ = 	snop;
	(pc) =	sbr.rel @p1 .LBB2_14-.Ltmp7, $4  }
0xa2e: {  	[tilespmem:s0+$0xFFFFFFF0] =	vst v12  }
0xa2f: {  	s29 =	sadd.s32 $0x1, s4;
	s30 =	simm.s32 $0x20000;
	s3 =	rddreg [dreg:$0x9]  }
0xa30: {  	s31 =	simm.s32 $0x400;
	p0 =	por !p0, !p0;
	s2 =	sadd.s32 s2, s3  }
0xa31: {  	[hbm4b:s2+s31] =	stream.strided.scatter [tilespmem:s1], [sflag:s29], $0x2000, s30, s31, $0x38;
	[tilespmem:$0x16800] =	vst v63  }
0xa32: {  	s0 =	simm.s32 $0x2  }
0xa33: {  	_ =	swait.ge [sflag:s0], $0x2000  }
0xa34: {  	[sflag:s0] =	ssyncset.done $0x0  }
0xa35: {  	s1 =	simm.s32 $0x4;
	[sflag:s0] =	ssyncadd.s32 $0xFFFFE000  }
0xa36: {  	_ =	swait.ge [sflag:s1], $0x2000  }
0xa37: {  	s2 =	rddreg [dreg:$0xb]  }
0xa38: {  	s31 =	rddreg [dreg:$0xa];
	s2 =	sadd.s32 $0x1, s2  }
0xa39: {  	p0 =	sne.s32 s2, s31  }
.Ltmp8:
0xa3a: {  	_ = 	snop;
	(pc) =	sbr.rel @p0 .LBB2_1-.Ltmp8, $3  }
0xa3b: {  	_ =	sdelay $0x1  }
0xa3c: {  	[sflag:s1] =	ssyncset.done $0x0  }
0xa3d: {  	[sflag:s1] =	ssyncadd.s32 $0xFFFFE000  }
0xa3e: {  	_ =	sfence.sel $0x180000  }
0xa3f: {  	[bflag:$0x0] =	sbarrier.arrive $0xFFFF  }
0xa40: {  	_ =	strace $0x90000047  }
0xa41: {  	s0 =	stileid.u32;
	[bflag:$0x2] =	sbarrier.arrive $0xFFFF  }
0xa42: {  	p0 =	sne.s32 s0, $0x0;
	s0 =	rddreg [dreg:$0x2]  }
0xa43: {  	s0 =	sadd.s32 @!p0 $0x100000, s0  }
0xa44: {  	[sflag:s0] =	ssyncadd.tile.s32 @!p0 $0x1;
	_ =	shalt  }
.Lfunc_end2:
_tile_overlayer_lowered:
.L_overlay_start_2:
0xa45: {  	(tag) =	ssettag $0x2  }
0xa46: {  	s0 =	rddreg [dreg:$0x0];
	s2 =	stileid.u32  }
0xa47: {  	s1 =	rddreg [dreg:$0x1];
	p0 =	sne.s32 s2, $0x0  }
0xa48: {  	s3 =	rddreg [dreg:$0x2];
	[bflag:$0x3] =	sbarrier.arrive $0xFFFF;
	s2 =	simm.s32 @!p0 $0x1C05  }
0xa49: {  	[timem:s3], [sflag:s2] =	dma.local @!p0 [hbm:s0], s1  }
0xa4a: {  	s0 =	simm.s32 @!p0 $0x5  }
0xa4b: {  	_ =	swait.ge @!p0 [sflag:s0], s1  }
0xa4c: {  	s1 =	ssub.s32 @!p0 $0x0, s1;
	[sflag:s0] =	ssyncset.done @!p0 $0x0  }
0xa4d: {  	[sflag:s0] =	ssyncadd.s32 @!p0 s1  }
0xa4e: {  	[bflag:$0x3] =	sbarrier.arrive $0xFFFF  }
0xa4f: {  	_ =	shalt  }

</sc_bundles>
